<compile_context>
chip_gen: v7x
topology: tpu7x:2x2x1
jax: 0.10.2.dev20260603
libtpu: 0.0.44.dev20260713+nightly
codegen_flags: <defaults>
</compile_context>

<pallas_src>
import functools

import jax
import jax.numpy as jnp
from jax import lax
from jax.experimental import pallas as pl
from jax.experimental.pallas import tpu as pltpu
from jax.experimental.pallas import tpu_sc as plsc

NC = 156
NCP = 160
H = 512
W = 512
N = H * W
RS = 16
NSTRIP = H // RS
NPIX = RS * W

NW = 32
RPW = N // NW
CHUNK = 16


def _tc_body(xpad_ref, wf_ref, cc_ref, onescol_ref, idx_ref, adj_ref):
    ones = jnp.ones((1, NPIX), jnp.float32)

    def strip(i, carry):
        r0 = pl.multiple_of(i * RS, 8)
        xs = xpad_ref[:, pl.ds(r0, RS + 8), :]

        taps = []
        for dy in range(3):
            for dx in range(3):
                win = xs[:, dy:dy + RS, dx:dx + W]
                taps.append(win.reshape(2, NPIX))
        taps.append(ones)
        patches = jnp.concatenate(taps, axis=0)

        logits = jax.lax.dot_general(
            patches, wf_ref[...],
            (((0,), (0,)), ((), ())),
            preferred_element_type=jnp.float32)

        e = jnp.exp(logits)
        denom = jax.lax.dot_general(
            e, onescol_ref[...], (((1,), (0,)), ((), ())),
            preferred_element_type=jnp.float32)
        p = e * (1.0 / denom)

        ptp = jax.lax.dot_general(
            p, p, (((0,), (0,)), ((), ())),
            preferred_element_type=jnp.float32)

        maskf = jnp.where(p > 0.5, 1.0, 0.0).astype(jnp.float32)
        rowstats = jax.lax.dot_general(
            cc_ref[...], maskf, (((1,), (1,)), ((), ())),
            preferred_element_type=jnp.float32)
        idxf = rowstats[0:1, :] + (1.0 - rowstats[1:2, :]) * float(NC)
        idx_ref[pl.ds(i, 1), :, :] = idxf.astype(jnp.int32).reshape(1, 1, NPIX)

        adj, _ = carry
        return (adj + ptp, 0)

    adj0 = jnp.zeros((NC, NC), jnp.float32)
    adj, _ = lax.fori_loop(0, NSTRIP, strip, (adj0, 0))
    adj_ref[...] = adj


def _sc_body(idx_hbm, planes_hbm, part_hbm,
             idx_v, xs_v, ys_v, accx, accy, accc, red_v, sem):
    wid = lax.axis_index("s") * 2 + lax.axis_index("c")
    base = wid * RPW

    cp1 = pltpu.async_copy(idx_hbm.at[pl.ds(base, RPW)], idx_v, sem)
    cp2 = pltpu.async_copy(planes_hbm.at[0, pl.ds(base, RPW)], xs_v, sem)
    cp3 = pltpu.async_copy(planes_hbm.at[1, pl.ds(base, RPW)], ys_v, sem)

    zero16 = jnp.zeros((CHUNK,), jnp.float32)
    for r in range(CHUNK):
        for c in range(NCP // CHUNK):
            accx[pl.ds(r * NCP + c * CHUNK, CHUNK)] = zero16
            accy[pl.ds(r * NCP + c * CHUNK, CHUNK)] = zero16
            accc[pl.ds(r * NCP + c * CHUNK, CHUNK)] = zero16

    lane = lax.iota(jnp.int32, CHUNK)
    ones16 = jnp.ones((CHUNK,), jnp.float32)

    cp1.wait()
    cp2.wait()
    cp3.wait()

    GR = 4

    def body(g, carry):
        b = g * (GR * CHUNK)
        vs = [idx_v[pl.ds(b + k * CHUNK, CHUNK)] for k in range(GR)]
        vmin = vs[0]
        for k in range(1, GR):
            vmin = jnp.minimum(vmin, vs[k])

        @pl.when(jnp.any(vmin < NC))
        def _scatter():
            for k in range(GR):
                bk = b + k * CHUNK
                flat = lane * NCP + vs[k]
                plsc.addupdate_scatter(accx, [flat], xs_v[pl.ds(bk, CHUNK)])
                plsc.addupdate_scatter(accy, [flat], ys_v[pl.ds(bk, CHUNK)])
                plsc.addupdate_scatter(accc, [flat], ones16)

        return carry

    lax.fori_loop(0, RPW // (GR * CHUNK), body, 0)

    for c in range(NCP // CHUNK):
        sx = zero16
        sy = zero16
        sc_ = zero16
        for r in range(CHUNK):
            sx = sx + accx[pl.ds(r * NCP + c * CHUNK, CHUNK)]
            sy = sy + accy[pl.ds(r * NCP + c * CHUNK, CHUNK)]
            sc_ = sc_ + accc[pl.ds(r * NCP + c * CHUNK, CHUNK)]
        red_v[pl.ds(c * CHUNK, CHUNK)] = sx
        red_v[pl.ds(NCP + c * CHUNK, CHUNK)] = sy
        red_v[pl.ds(2 * NCP + c * CHUNK, CHUNK)] = sc_

    pltpu.sync_copy(red_v, part_hbm.at[wid])


@jax.jit
def kernel(inputs, W_, b):
    x = inputs.reshape(H, W, 2).transpose(2, 0, 1)
    xpad = jnp.pad(x, ((0, 0), (1, 7), (1, 1)))
    wf = jnp.concatenate([W_.reshape(18, NC), b.reshape(1, NC)], axis=0)
    cc = jnp.stack([jnp.arange(NC, dtype=jnp.float32),
                    jnp.ones((NC,), jnp.float32)], axis=0)
    onescol = jnp.ones((NC, 1), jnp.float32)

    idxmap, adj = pl.pallas_call(
        _tc_body,
        in_specs=[
            pl.BlockSpec((2, H + 8, W + 2), lambda: (0, 0, 0)),
            pl.BlockSpec((19, NC), lambda: (0, 0)),
            pl.BlockSpec((2, NC), lambda: (0, 0)),
            pl.BlockSpec((NC, 1), lambda: (0, 0)),
        ],
        out_specs=[
            pl.BlockSpec((NSTRIP, 1, NPIX), lambda: (0, 0, 0)),
            pl.BlockSpec((NC, NC), lambda: (0, 0)),
        ],
        out_shape=[
            jax.ShapeDtypeStruct((NSTRIP, 1, NPIX), jnp.int32),
            jax.ShapeDtypeStruct((NC, NC), jnp.float32),
        ],
    )(xpad, wf, cc, onescol)

    planes = x.reshape(2, N)
    mesh = plsc.VectorSubcoreMesh(core_axis_name="c", subcore_axis_name="s")
    sc_fn = functools.partial(
        pl.kernel, mesh=mesh,
        out_type=jax.ShapeDtypeStruct((NW, 3 * NCP), jnp.float32),
        scratch_types=[
            pltpu.VMEM((RPW,), jnp.int32),
            pltpu.VMEM((RPW,), jnp.float32),
            pltpu.VMEM((RPW,), jnp.float32),
            pltpu.VMEM((CHUNK * NCP,), jnp.float32),
            pltpu.VMEM((CHUNK * NCP,), jnp.float32),
            pltpu.VMEM((CHUNK * NCP,), jnp.float32),
            pltpu.VMEM((3 * NCP,), jnp.float32),
            pltpu.SemaphoreType.DMA,
        ],
        compiler_params=pltpu.CompilerParams(needs_layout_passes=False),
    )(_sc_body)
    part = sc_fn(idxmap.reshape(N), planes)

    total = jnp.sum(part, axis=0)
    sx = total[0:NC]
    sy = total[NCP:NCP + NC]
    cnt = total[2 * NCP:2 * NCP + NC]
    nodes = jnp.stack([sx / cnt, sy / cnt], axis=1)
    return (nodes, adj)

# --- scband reference (transcript-rebuilt; emitter-appended) ---
"""Pipeline reference for scband-assign-62766652064354 (READ-ONLY COPY).

The authoritative reference and input builder live on the scoring server;
editing this copy changes nothing except your own understanding.
"""

import jax, jax.numpy as jnp
import numpy as np

NUM_CLUSTERS = 156


def setup_inputs(seed: int = 0) -> dict:
    key = jax.random.key(seed)
    k1, k2 = jax.random.split(key)
    inputs = jax.random.normal(k1, (1, 512, 512, 2), dtype=jnp.float32)
    # Conv2D kernel, he_normal init: std = sqrt(2 / fan_in), fan_in = 3*3*2 = 18
    W = jax.random.normal(k2, (3, 3, 2, NUM_CLUSTERS), dtype=jnp.float32) * np.sqrt(2.0 / 18.0)
    b = jnp.full((NUM_CLUSTERS,), 0.01, dtype=jnp.float32)
    return {"inputs": inputs, "W": W, "b": b}


def reference(inputs, W, b):
    # Conv2D(156, (3,3), padding='same'), NHWC layout
    s = jax.lax.conv_general_dilated(
        inputs, W, window_strides=(1, 1), padding='SAME',
        dimension_numbers=('NHWC', 'HWIO', 'NHWC')) + b
    # reshape to [N, 156] and softmax over axis=1 (the 156 clusters)
    s = s.reshape(-1, NUM_CLUSTERS)
    s = jax.nn.softmax(s, axis=1)
    # hard assignment via threshold
    s_ass = jnp.where(s > 0.5, 1.0, 0.0).astype(jnp.float32)
    # coordinates: reshape input to [N, 2] (requires C == 2 so rows align)
    inp = inputs.reshape(-1, 2)
    # segment mean: for each cluster i, mean of inp rows with s_ass[:, i] == 1.
    # np.mean over an empty slice yields NaN; 0-count clusters give 0/0 = NaN here too,
    # matching the original numpy loop semantics.
    sums = s_ass.T @ inp                      # [156, 2] scatter-add / segment-sum
    counts = jnp.sum(s_ass, axis=0)           # [156]
    new_nodes = sums / counts[:, None]        # [156, 2]
    # new adjacency: s^T s  -> [156, 156]
    new_adj = (s.T @ s).reshape(NUM_CLUSTERS, NUM_CLUSTERS)
    return (new_nodes, new_adj)

if __name__ == "__main__":
    import jax
    _d = setup_inputs()
    print(jax.jit(kernel)(*tuple(_d.values())))

</pallas_src>

<mosaic_0001>
#map = affine_map<(d0, d1) -> (0)>
#map1 = affine_map<(d0, d1) -> (0, 0)>
module attributes {stable_mosaic.version = 14 : i64} {
  func.func @_sc_body(%arg0: i32, %arg1: i32, %arg2: memref<262144xi32, #tpu.memory_space<hbm>>, %arg3: memref<2x262144xf32, #tpu.memory_space<hbm>>, %arg4: memref<32x480xf32, #tpu.memory_space<hbm>>, %arg5: memref<8192xi32, #tpu.memory_space<vmem>>, %arg6: memref<8192xf32, #tpu.memory_space<vmem>>, %arg7: memref<8192xf32, #tpu.memory_space<vmem>>, %arg8: memref<2560xf32, #tpu.memory_space<vmem>>, %arg9: memref<2560xf32, #tpu.memory_space<vmem>>, %arg10: memref<2560xf32, #tpu.memory_space<vmem>>, %arg11: memref<480xf32, #tpu.memory_space<vmem>>, %arg12: memref<!tpu.dma_semaphore, #tpu.memory_space<semaphore_mem>>) attributes {dimension_semantics = [#tpu.dimension_semantics<core_parallel>, #tpu.dimension_semantics<subcore_parallel>], iteration_bounds = array<i64: 2, 16>, scalar_prefetch = 0 : i64, scratch_operands = 8 : i64, tpu.core_type = #tpu.core_type<sc_vector_subcore>, window_params = [{transform_indices = #map}, {transform_indices = #map1}, {transform_indices = #map1}]} {
    %mul3A = arith.constant 2 : i32
    %mul3A_0 = arith.muli %arg1, %mul3A : i32
    %add3A = arith.addi %mul3A_0, %arg0 : i32
    %mul3A_1 = arith.constant 8192 : i32
    %mul3A_2 = arith.muli %add3A, %mul3A_1 : i32
    %dma_start3A = tpu.memref_slice %arg2[%mul3A_2] : memref<262144xi32, #tpu.memory_space<hbm>> -> memref<8192xi32, #tpu.memory_space<hbm>>
    %dma_start3A_3 = tpu.memref_slice %arg2[%mul3A_2] : memref<262144xi32, #tpu.memory_space<hbm>> -> memref<8192xi32, #tpu.memory_space<hbm>>
    tpu.enqueue_dma source(%dma_start3A_3 : memref<8192xi32, #tpu.memory_space<hbm>>) target(%arg5 : memref<8192xi32, #tpu.memory_space<vmem>>) target_semaphore(%arg12 : memref<!tpu.dma_semaphore, #tpu.memory_space<semaphore_mem>>)
    %dma_start3A_4 = arith.constant 0 : i32
    %dma_start3A_5 = tpu.memref_slice %arg3[%dma_start3A_4, %mul3A_2] : memref<2x262144xf32, #tpu.memory_space<hbm>> -> memref<1x8192xf32, #tpu.memory_space<hbm>>
    %dma_start3A_6 = tpu.memref_squeeze %dma_start3A_5 : memref<1x8192xf32, #tpu.memory_space<hbm>> -> memref<8192xf32, #tpu.memory_space<hbm>>
    %dma_start3A_7 = tpu.memref_slice %arg3[%dma_start3A_4, %mul3A_2] : memref<2x262144xf32, #tpu.memory_space<hbm>> -> memref<1x8192xf32, #tpu.memory_space<hbm>>
    %dma_start3A_8 = tpu.memref_squeeze %dma_start3A_7 : memref<1x8192xf32, #tpu.memory_space<hbm>> -> memref<8192xf32, #tpu.memory_space<hbm>>
    tpu.enqueue_dma source(%dma_start3A_8 : memref<8192xf32, #tpu.memory_space<hbm>>) target(%arg6 : memref<8192xf32, #tpu.memory_space<vmem>>) target_semaphore(%arg12 : memref<!tpu.dma_semaphore, #tpu.memory_space<semaphore_mem>>)
    %dma_start3A_9 = arith.constant 1 : i32
    %dma_start3A_10 = tpu.memref_slice %arg3[%dma_start3A_9, %mul3A_2] : memref<2x262144xf32, #tpu.memory_space<hbm>> -> memref<1x8192xf32, #tpu.memory_space<hbm>>
    %dma_start3A_11 = tpu.memref_squeeze %dma_start3A_10 : memref<1x8192xf32, #tpu.memory_space<hbm>> -> memref<8192xf32, #tpu.memory_space<hbm>>
    %dma_start3A_12 = tpu.memref_slice %arg3[%dma_start3A_9, %mul3A_2] : memref<2x262144xf32, #tpu.memory_space<hbm>> -> memref<1x8192xf32, #tpu.memory_space<hbm>>
    %dma_start3A_13 = tpu.memref_squeeze %dma_start3A_12 : memref<1x8192xf32, #tpu.memory_space<hbm>> -> memref<8192xf32, #tpu.memory_space<hbm>>
    tpu.enqueue_dma source(%dma_start3A_13 : memref<8192xf32, #tpu.memory_space<hbm>>) target(%arg7 : memref<8192xf32, #tpu.memory_space<vmem>>) target_semaphore(%arg12 : memref<!tpu.dma_semaphore, #tpu.memory_space<semaphore_mem>>)
    %broadcast_in_dim3A = arith.constant 0.000000e+00 : f32
    %broadcast_in_dim3A_14 = vector.broadcast %broadcast_in_dim3A : f32 to vector<16xf32>
    %swap3A = arith.constant 0 : index
    %swap3A_15 = tpu.vector_load %arg8[%swap3A] {strides = array<i32>} : memref<2560xf32, #tpu.memory_space<vmem>>, vector<16xf32>,
    tpu.vector_store %arg8[%swap3A], %broadcast_in_dim3A_14 {strides = array<i32>} : memref<2560xf32, #tpu.memory_space<vmem>>, vector<16xf32>,
    %swap3A_16 = arith.constant 0 : index
    %swap3A_17 = tpu.vector_load %arg9[%swap3A_16] {strides = array<i32>} : memref<2560xf32, #tpu.memory_space<vmem>>, vector<16xf32>,
    tpu.vector_store %arg9[%swap3A_16], %broadcast_in_dim3A_14 {strides = array<i32>} : memref<2560xf32, #tpu.memory_space<vmem>>, vector<16xf32>,
    %swap3A_18 = arith.constant 0 : index
    %swap3A_19 = tpu.vector_load %arg10[%swap3A_18] {strides = array<i32>} : memref<2560xf32, #tpu.memory_space<vmem>>, vector<16xf32>,
    tpu.vector_store %arg10[%swap3A_18], %broadcast_in_dim3A_14 {strides = array<i32>} : memref<2560xf32, #tpu.memory_space<vmem>>, vector<16xf32>,
    %swap3A_20 = arith.constant 16 : index
    %swap3A_21 = tpu.vector_load %arg8[%swap3A_20] {strides = array<i32>} : memref<2560xf32, #tpu.memory_space<vmem>>, vector<16xf32>,
    tpu.vector_store %arg8[%swap3A_20], %broadcast_in_dim3A_14 {strides = array<i32>} : memref<2560xf32, #tpu.memory_space<vmem>>, vector<16xf32>,
    %swap3A_22 = arith.constant 16 : index
    %swap3A_23 = tpu.vector_load %arg9[%swap3A_22] {strides = array<i32>} : memref<2560xf32, #tpu.memory_space<vmem>>, vector<16xf32>,
    tpu.vector_store %arg9[%swap3A_22], %broadcast_in_dim3A_14 {strides = array<i32>} : memref<2560xf32, #tpu.memory_space<vmem>>, vector<16xf32>,
    %swap3A_24 = arith.constant 16 : index
    %swap3A_25 = tpu.vector_load %arg10[%swap3A_24] {strides = array<i32>} : memref<2560xf32, #tpu.memory_space<vmem>>, vector<16xf32>,
    tpu.vector_store %arg10[%swap3A_24], %broadcast_in_dim3A_14 {strides = array<i32>} : memref<2560xf32, #tpu.memory_space<vmem>>, vector<16xf32>,
    %swap3A_26 = arith.constant 32 : index
    %swap3A_27 = tpu.vector_load %arg8[%swap3A_26] {strides = array<i32>} : memref<2560xf32, #tpu.memory_space<vmem>>, vector<16xf32>,
    tpu.vector_store %arg8[%swap3A_26], %broadcast_in_dim3A_14 {strides = array<i32>} : memref<2560xf32, #tpu.memory_space<vmem>>, vector<16xf32>,
    %swap3A_28 = arith.constant 32 : index
    %swap3A_29 = tpu.vector_load %arg9[%swap3A_28] {strides = array<i32>} : memref<2560xf32, #tpu.memory_space<vmem>>, vector<16xf32>,
    tpu.vector_store %arg9[%swap3A_28], %broadcast_in_dim3A_14 {strides = array<i32>} : memref<2560xf32, #tpu.memory_space<vmem>>, vector<16xf32>,
    %swap3A_30 = arith.constant 32 : index
    %swap3A_31 = tpu.vector_load %arg10[%swap3A_30] {strides = array<i32>} : memref<2560xf32, #tpu.memory_space<vmem>>, vector<16xf32>,
    tpu.vector_store %arg10[%swap3A_30], %broadcast_in_dim3A_14 {strides = array<i32>} : memref<2560xf32, #tpu.memory_space<vmem>>, vector<16xf32>,
    %swap3A_32 = arith.constant 48 : index
    %swap3A_33 = tpu.vector_load %arg8[%swap3A_32] {strides = array<i32>} : memref<2560xf32, #tpu.memory_space<vmem>>, vector<16xf32>,
    tpu.vector_store %arg8[%swap3A_32], %broadcast_in_dim3A_14 {strides = array<i32>} : memref<2560xf32, #tpu.memory_space<vmem>>, vector<16xf32>,
    %swap3A_34 = arith.constant 48 : index
    %swap3A_35 = tpu.vector_load %arg9[%swap3A_34] {strides = array<i32>} : memref<2560xf32, #tpu.memory_space<vmem>>, vector<16xf32>,
    tpu.vector_store %arg9[%swap3A_34], %broadcast_in_dim3A_14 {strides = array<i32>} : memref<2560xf32, #tpu.memory_space<vmem>>, vector<16xf32>,
    %swap3A_36 = arith.constant 48 : index
    %swap3A_37 = tpu.vector_load %arg10[%swap3A_36] {strides = array<i32>} : memref<2560xf32, #tpu.memory_space<vmem>>, vector<16xf32>,
    tpu.vector_store %arg10[%swap3A_36], %broadcast_in_dim3A_14 {strides = array<i32>} : memref<2560xf32, #tpu.memory_space<vmem>>, vector<16xf32>,
    %swap3A_38 = arith.constant 64 : index
    %swap3A_39 = tpu.vector_load %arg8[%swap3A_38] {strides = array<i32>} : memref<2560xf32, #tpu.memory_space<vmem>>, vector<16xf32>,
    tpu.vector_store %arg8[%swap3A_38], %broadcast_in_dim3A_14 {strides = array<i32>} : memref<2560xf32, #tpu.memory_space<vmem>>, vector<16xf32>,
    %swap3A_40 = arith.constant 64 : index
    %swap3A_41 = tpu.vector_load %arg9[%swap3A_40] {strides = array<i32>} : memref<2560xf32, #tpu.memory_space<vmem>>, vector<16xf32>,
    tpu.vector_store %arg9[%swap3A_40], %broadcast_in_dim3A_14 {strides = array<i32>} : memref<2560xf32, #tpu.memory_space<vmem>>, vector<16xf32>,
    %swap3A_42 = arith.constant 64 : index
    %swap3A_43 = tpu.vector_load %arg10[%swap3A_42] {strides = array<i32>} : memref<2560xf32, #tpu.memory_space<vmem>>, vector<16xf32>,
    tpu.vector_store %arg10[%swap3A_42], %broadcast_in_dim3A_14 {strides = array<i32>} : memref<2560xf32, #tpu.memory_space<vmem>>, vector<16xf32>,
    %swap3A_44 = arith.constant 80 : index
    %swap3A_45 = tpu.vector_load %arg8[%swap3A_44] {strides = array<i32>} : memref<2560xf32, #tpu.memory_space<vmem>>, vector<16xf32>,
    tpu.vector_store %arg8[%swap3A_44], %broadcast_in_dim3A_14 {strides = array<i32>} : memref<2560xf32, #tpu.memory_space<vmem>>, vector<16xf32>,
    %swap3A_46 = arith.constant 80 : index
    %swap3A_47 = tpu.vector_load %arg9[%swap3A_46] {strides = array<i32>} : memref<2560xf32, #tpu.memory_space<vmem>>, vector<16xf32>,
    tpu.vector_store %arg9[%swap3A_46], %broadcast_in_dim3A_14 {strides = array<i32>} : memref<2560xf32, #tpu.memory_space<vmem>>, vector<16xf32>,
    %swap3A_48 = arith.constant 80 : index
    %swap3A_49 = tpu.vector_load %arg10[%swap3A_48] {strides = array<i32>} : memref<2560xf32, #tpu.memory_space<vmem>>, vector<16xf32>,
    tpu.vector_store %arg10[%swap3A_48], %broadcast_in_dim3A_14 {strides = array<i32>} : memref<2560xf32, #tpu.memory_space<vmem>>, vector<16xf32>,
    %swap3A_50 = arith.constant 96 : index
    %swap3A_51 = tpu.vector_load %arg8[%swap3A_50] {strides = array<i32>} : memref<2560xf32, #tpu.memory_space<vmem>>, vector<16xf32>,
    tpu.vector_store %arg8[%swap3A_50], %broadcast_in_dim3A_14 {strides = array<i32>} : memref<2560xf32, #tpu.memory_space<vmem>>, vector<16xf32>,
    %swap3A_52 = arith.constant 96 : index
    %swap3A_53 = tpu.vector_load %arg9[%swap3A_52] {strides = array<i32>} : memref<2560xf32, #tpu.memory_space<vmem>>, vector<16xf32>,
    tpu.vector_store %arg9[%swap3A_52], %broadcast_in_dim3A_14 {strides = array<i32>} : memref<2560xf32, #tpu.memory_space<vmem>>, vector<16xf32>,
    %swap3A_54 = arith.constant 96 : index
    %swap3A_55 = tpu.vector_load %arg10[%swap3A_54] {strides = array<i32>} : memref<2560xf32, #tpu.memory_space<vmem>>, vector<16xf32>,
    tpu.vector_store %arg10[%swap3A_54], %broadcast_in_dim3A_14 {strides = array<i32>} : memref<2560xf32, #tpu.memory_space<vmem>>, vector<16xf32>,
    %swap3A_56 = arith.constant 112 : index
    %swap3A_57 = tpu.vector_load %arg8[%swap3A_56] {strides = array<i32>} : memref<2560xf32, #tpu.memory_space<vmem>>, vector<16xf32>,
    tpu.vector_store %arg8[%swap3A_56], %broadcast_in_dim3A_14 {strides = array<i32>} : memref<2560xf32, #tpu.memory_space<vmem>>, vector<16xf32>,
    %swap3A_58 = arith.constant 112 : index
    %swap3A_59 = tpu.vector_load %arg9[%swap3A_58] {strides = array<i32>} : memref<2560xf32, #tpu.memory_space<vmem>>, vector<16xf32>,
    tpu.vector_store %arg9[%swap3A_58], %broadcast_in_dim3A_14 {strides = array<i32>} : memref<2560xf32, #tpu.memory_space<vmem>>, vector<16xf32>,
    %swap3A_60 = arith.constant 112 : index
    %swap3A_61 = tpu.vector_load %arg10[%swap3A_60] {strides = array<i32>} : memref<2560xf32, #tpu.memory_space<vmem>>, vector<16xf32>,
    tpu.vector_store %arg10[%swap3A_60], %broadcast_in_dim3A_14 {strides = array<i32>} : memref<2560xf32, #tpu.memory_space<vmem>>, vector<16xf32>,
    %swap3A_62 = arith.constant 128 : index
    %swap3A_63 = tpu.vector_load %arg8[%swap3A_62] {strides = array<i32>} : memref<2560xf32, #tpu.memory_space<vmem>>, vector<16xf32>,
    tpu.vector_store %arg8[%swap3A_62], %broadcast_in_dim3A_14 {strides = array<i32>} : memref<2560xf32, #tpu.memory_space<vmem>>, vector<16xf32>,
    %swap3A_64 = arith.constant 128 : index
    %swap3A_65 = tpu.vector_load %arg9[%swap3A_64] {strides = array<i32>} : memref<2560xf32, #tpu.memory_space<vmem>>, vector<16xf32>,
    tpu.vector_store %arg9[%swap3A_64], %broadcast_in_dim3A_14 {strides = array<i32>} : memref<2560xf32, #tpu.memory_space<vmem>>, vector<16xf32>,
    %swap3A_66 = arith.constant 128 : index
    %swap3A_67 = tpu.vector_load %arg10[%swap3A_66] {strides = array<i32>} : memref<2560xf32, #tpu.memory_space<vmem>>, vector<16xf32>,
    tpu.vector_store %arg10[%swap3A_66], %broadcast_in_dim3A_14 {strides = array<i32>} : memref<2560xf32, #tpu.memory_space<vmem>>, vector<16xf32>,
    %swap3A_68 = arith.constant 144 : index
    %swap3A_69 = tpu.vector_load %arg8[%swap3A_68] {strides = array<i32>} : memref<2560xf32, #tpu.memory_space<vmem>>, vector<16xf32>,
    tpu.vector_store %arg8[%swap3A_68], %broadcast_in_dim3A_14 {strides = array<i32>} : memref<2560xf32, #tpu.memory_space<vmem>>, vector<16xf32>,
    %swap3A_70 = arith.constant 144 : index
    %swap3A_71 = tpu.vector_load %arg9[%swap3A_70] {strides = array<i32>} : memref<2560xf32, #tpu.memory_space<vmem>>, vector<16xf32>,
    tpu.vector_store %arg9[%swap3A_70], %broadcast_in_dim3A_14 {strides = array<i32>} : memref<2560xf32, #tpu.memory_space<vmem>>, vector<16xf32>,
    %swap3A_72 = arith.constant 144 : index
    %swap3A_73 = tpu.vector_load %arg10[%swap3A_72] {strides = array<i32>} : memref<2560xf32, #tpu.memory_space<vmem>>, vector<16xf32>,
    tpu.vector_store %arg10[%swap3A_72], %broadcast_in_dim3A_14 {strides = array<i32>} : memref<2560xf32, #tpu.memory_space<vmem>>, vector<16xf32>,
    %swap3A_74 = arith.constant 160 : index
    %swap3A_75 = tpu.vector_load %arg8[%swap3A_74] {strides = array<i32>} : memref<2560xf32, #tpu.memory_space<vmem>>, vector<16xf32>,
    tpu.vector_store %arg8[%swap3A_74], %broadcast_in_dim3A_14 {strides = array<i32>} : memref<2560xf32, #tpu.memory_space<vmem>>, vector<16xf32>,
    %swap3A_76 = arith.constant 160 : index
    %swap3A_77 = tpu.vector_load %arg9[%swap3A_76] {strides = array<i32>} : memref<2560xf32, #tpu.memory_space<vmem>>, vector<16xf32>,
    tpu.vector_store %arg9[%swap3A_76], %broadcast_in_dim3A_14 {strides = array<i32>} : memref<2560xf32, #tpu.memory_space<vmem>>, vector<16xf32>,
    %swap3A_78 = arith.constant 160 : index
    %swap3A_79 = tpu.vector_load %arg10[%swap3A_78] {strides = array<i32>} : memref<2560xf32, #tpu.memory_space<vmem>>, vector<16xf32>,
    tpu.vector_store %arg10[%swap3A_78], %broadcast_in_dim3A_14 {strides = array<i32>} : memref<2560xf32, #tpu.memory_space<vmem>>, vector<16xf32>,
    %swap3A_80 = arith.constant 176 : index
    %swap3A_81 = tpu.vector_load %arg8[%swap3A_80] {strides = array<i32>} : memref<2560xf32, #tpu.memory_space<vmem>>, vector<16xf32>,
    tpu.vector_store %arg8[%swap3A_80], %broadcast_in_dim3A_14 {strides = array<i32>} : memref<2560xf32, #tpu.memory_space<vmem>>, vector<16xf32>,
    %swap3A_82 = arith.constant 176 : index
    %swap3A_83 = tpu.vector_load %arg9[%swap3A_82] {strides = array<i32>} : memref<2560xf32, #tpu.memory_space<vmem>>, vector<16xf32>,
    tpu.vector_store %arg9[%swap3A_82], %broadcast_in_dim3A_14 {strides = array<i32>} : memref<2560xf32, #tpu.memory_space<vmem>>, vector<16xf32>,
    %swap3A_84 = arith.constant 176 : index
    %swap3A_85 = tpu.vector_load %arg10[%swap3A_84] {strides = array<i32>} : memref<2560xf32, #tpu.memory_space<vmem>>, vector<16xf32>,
    tpu.vector_store %arg10[%swap3A_84], %broadcast_in_dim3A_14 {strides = array<i32>} : memref<2560xf32, #tpu.memory_space<vmem>>, vector<16xf32>,
    %swap3A_86 = arith.constant 192 : index
    %swap3A_87 = tpu.vector_load %arg8[%swap3A_86] {strides = array<i32>} : memref<2560xf32, #tpu.memory_space<vmem>>, vector<16xf32>,
    tpu.vector_store %arg8[%swap3A_86], %broadcast_in_dim3A_14 {strides = array<i32>} : memref<2560xf32, #tpu.memory_space<vmem>>, vector<16xf32>,
    %swap3A_88 = arith.constant 192 : index
    %swap3A_89 = tpu.vector_load %arg9[%swap3A_88] {strides = array<i32>} : memref<2560xf32, #tpu.memory_space<vmem>>, vector<16xf32>,
    tpu.vector_store %arg9[%swap3A_88], %broadcast_in_dim3A_14 {strides = array<i32>} : memref<2560xf32, #tpu.memory_space<vmem>>, vector<16xf32>,
    %swap3A_90 = arith.constant 192 : index
    %swap3A_91 = tpu.vector_load %arg10[%swap3A_90] {strides = array<i32>} : memref<2560xf32, #tpu.memory_space<vmem>>, vector<16xf32>,
    tpu.vector_store %arg10[%swap3A_90], %broadcast_in_dim3A_14 {strides = array<i32>} : memref<2560xf32, #tpu.memory_space<vmem>>, vector<16xf32>,
    %swap3A_92 = arith.constant 208 : index
    %swap3A_93 = tpu.vector_load %arg8[%swap3A_92] {strides = array<i32>} : memref<2560xf32, #tpu.memory_space<vmem>>, vector<16xf32>,
    tpu.vector_store %arg8[%swap3A_92], %broadcast_in_dim3A_14 {strides = array<i32>} : memref<2560xf32, #tpu.memory_space<vmem>>, vector<16xf32>,
    %swap3A_94 = arith.constant 208 : index
    %swap3A_95 = tpu.vector_load %arg9[%swap3A_94] {strides = array<i32>} : memref<2560xf32, #tpu.memory_space<vmem>>, vector<16xf32>,
    tpu.vector_store %arg9[%swap3A_94], %broadcast_in_dim3A_14 {strides = array<i32>} : memref<2560xf32, #tpu.memory_space<vmem>>, vector<16xf32>,
    %swap3A_96 = arith.constant 208 : index
    %swap3A_97 = tpu.vector_load %arg10[%swap3A_96] {strides = array<i32>} : memref<2560xf32, #tpu.memory_space<vmem>>, vector<16xf32>,
    tpu.vector_store %arg10[%swap3A_96], %broadcast_in_dim3A_14 {strides = array<i32>} : memref<2560xf32, #tpu.memory_space<vmem>>, vector<16xf32>,
    %swap3A_98 = arith.constant 224 : index
    %swap3A_99 = tpu.vector_load %arg8[%swap3A_98] {strides = array<i32>} : memref<2560xf32, #tpu.memory_space<vmem>>, vector<16xf32>,
    tpu.vector_store %arg8[%swap3A_98], %broadcast_in_dim3A_14 {strides = array<i32>} : memref<2560xf32, #tpu.memory_space<vmem>>, vector<16xf32>,
    %swap3A_100 = arith.constant 224 : index
    %swap3A_101 = tpu.vector_load %arg9[%swap3A_100] {strides = array<i32>} : memref<2560xf32, #tpu.memory_space<vmem>>, vector<16xf32>,
    tpu.vector_store %arg9[%swap3A_100], %broadcast_in_dim3A_14 {strides = array<i32>} : memref<2560xf32, #tpu.memory_space<vmem>>, vector<16xf32>,
    %swap3A_102 = arith.constant 224 : index
    %swap3A_103 = tpu.vector_load %arg10[%swap3A_102] {strides = array<i32>} : memref<2560xf32, #tpu.memory_space<vmem>>, vector<16xf32>,
    tpu.vector_store %arg10[%swap3A_102], %broadcast_in_dim3A_14 {strides = array<i32>} : memref<2560xf32, #tpu.memory_space<vmem>>, vector<16xf32>,
    %swap3A_104 = arith.constant 240 : index
    %swap3A_105 = tpu.vector_load %arg8[%swap3A_104] {strides = array<i32>} : memref<2560xf32, #tpu.memory_space<vmem>>, vector<16xf32>,
    tpu.vector_store %arg8[%swap3A_104], %broadcast_in_dim3A_14 {strides = array<i32>} : memref<2560xf32, #tpu.memory_space<vmem>>, vector<16xf32>,
    %swap3A_106 = arith.constant 240 : index
    %swap3A_107 = tpu.vector_load %arg9[%swap3A_106] {strides = array<i32>} : memref<2560xf32, #tpu.memory_space<vmem>>, vector<16xf32>,
    tpu.vector_store %arg9[%swap3A_106], %broadcast_in_dim3A_14 {strides = array<i32>} : memref<2560xf32, #tpu.memory_space<vmem>>, vector<16xf32>,
    %swap3A_108 = arith.constant 240 : index
    %swap3A_109 = tpu.vector_load %arg10[%swap3A_108] {strides = array<i32>} : memref<2560xf32, #tpu.memory_space<vmem>>, vector<16xf32>,
    tpu.vector_store %arg10[%swap3A_108], %broadcast_in_dim3A_14 {strides = array<i32>} : memref<2560xf32, #tpu.memory_space<vmem>>, vector<16xf32>,
    %swap3A_110 = arith.constant 256 : index
    %swap3A_111 = tpu.vector_load %arg8[%swap3A_110] {strides = array<i32>} : memref<2560xf32, #tpu.memory_space<vmem>>, vector<16xf32>,
    tpu.vector_store %arg8[%swap3A_110], %broadcast_in_dim3A_14 {strides = array<i32>} : memref<2560xf32, #tpu.memory_space<vmem>>, vector<16xf32>,
    %swap3A_112 = arith.constant 256 : index
    %swap3A_113 = tpu.vector_load %arg9[%swap3A_112] {strides = array<i32>} : memref<2560xf32, #tpu.memory_space<vmem>>, vector<16xf32>,
    tpu.vector_store %arg9[%swap3A_112], %broadcast_in_dim3A_14 {strides = array<i32>} : memref<2560xf32, #tpu.memory_space<vmem>>, vector<16xf32>,
    %swap3A_114 = arith.constant 256 : index
    %swap3A_115 = tpu.vector_load %arg10[%swap3A_114] {strides = array<i32>} : memref<2560xf32, #tpu.memory_space<vmem>>, vector<16xf32>,
    tpu.vector_store %arg10[%swap3A_114], %broadcast_in_dim3A_14 {strides = array<i32>} : memref<2560xf32, #tpu.memory_space<vmem>>, vector<16xf32>,
    %swap3A_116 = arith.constant 272 : index
    %swap3A_117 = tpu.vector_load %arg8[%swap3A_116] {strides = array<i32>} : memref<2560xf32, #tpu.memory_space<vmem>>, vector<16xf32>,
    tpu.vector_store %arg8[%swap3A_116], %broadcast_in_dim3A_14 {strides = array<i32>} : memref<2560xf32, #tpu.memory_space<vmem>>, vector<16xf32>,
    %swap3A_118 = arith.constant 272 : index
    %swap3A_119 = tpu.vector_load %arg9[%swap3A_118] {strides = array<i32>} : memref<2560xf32, #tpu.memory_space<vmem>>, vector<16xf32>,
    tpu.vector_store %arg9[%swap3A_118], %broadcast_in_dim3A_14 {strides = array<i32>} : memref<2560xf32, #tpu.memory_space<vmem>>, vector<16xf32>,
    %swap3A_120 = arith.constant 272 : index
    %swap3A_121 = tpu.vector_load %arg10[%swap3A_120] {strides = array<i32>} : memref<2560xf32, #tpu.memory_space<vmem>>, vector<16xf32>,
    tpu.vector_store %arg10[%swap3A_120], %broadcast_in_dim3A_14 {strides = array<i32>} : memref<2560xf32, #tpu.memory_space<vmem>>, vector<16xf32>,
    %swap3A_122 = arith.constant 288 : index
    %swap3A_123 = tpu.vector_load %arg8[%swap3A_122] {strides = array<i32>} : memref<2560xf32, #tpu.memory_space<vmem>>, vector<16xf32>,
    tpu.vector_store %arg8[%swap3A_122], %broadcast_in_dim3A_14 {strides = array<i32>} : memref<2560xf32, #tpu.memory_space<vmem>>, vector<16xf32>,
    %swap3A_124 = arith.constant 288 : index
    %swap3A_125 = tpu.vector_load %arg9[%swap3A_124] {strides = array<i32>} : memref<2560xf32, #tpu.memory_space<vmem>>, vector<16xf32>,
    tpu.vector_store %arg9[%swap3A_124], %broadcast_in_dim3A_14 {strides = array<i32>} : memref<2560xf32, #tpu.memory_space<vmem>>, vector<16xf32>,
    %swap3A_126 = arith.constant 288 : index
    %swap3A_127 = tpu.vector_load %arg10[%swap3A_126] {strides = array<i32>} : memref<2560xf32, #tpu.memory_space<vmem>>, vector<16xf32>,
    tpu.vector_store %arg10[%swap3A_126], %broadcast_in_dim3A_14 {strides = array<i32>} : memref<2560xf32, #tpu.memory_space<vmem>>, vector<16xf32>,
    %swap3A_128 = arith.constant 304 : index
    %swap3A_129 = tpu.vector_load %arg8[%swap3A_128] {strides = array<i32>} : memref<2560xf32, #tpu.memory_space<vmem>>, vector<16xf32>,
    tpu.vector_store %arg8[%swap3A_128], %broadcast_in_dim3A_14 {strides = array<i32>} : memref<2560xf32, #tpu.memory_space<vmem>>, vector<16xf32>,
    %swap3A_130 = arith.constant 304 : index
    %swap3A_131 = tpu.vector_load %arg9[%swap3A_130] {strides = array<i32>} : memref<2560xf32, #tpu.memory_space<vmem>>, vector<16xf32>,
    tpu.vector_store %arg9[%swap3A_130], %broadcast_in_dim3A_14 {strides = array<i32>} : memref<2560xf32, #tpu.memory_space<vmem>>, vector<16xf32>,
    %swap3A_132 = arith.constant 304 : index
    %swap3A_133 = tpu.vector_load %arg10[%swap3A_132] {strides = array<i32>} : memref<2560xf32, #tpu.memory_space<vmem>>, vector<16xf32>,
    tpu.vector_store %arg10[%swap3A_132], %broadcast_in_dim3A_14 {strides = array<i32>} : memref<2560xf32, #tpu.memory_space<vmem>>, vector<16xf32>,
    %swap3A_134 = arith.constant 320 : index
    %swap3A_135 = tpu.vector_load %arg8[%swap3A_134] {strides = array<i32>} : memref<2560xf32, #tpu.memory_space<vmem>>, vector<16xf32>,
    tpu.vector_store %arg8[%swap3A_134], %broadcast_in_dim3A_14 {strides = array<i32>} : memref<2560xf32, #tpu.memory_space<vmem>>, vector<16xf32>,
    %swap3A_136 = arith.constant 320 : index
    %swap3A_137 = tpu.vector_load %arg9[%swap3A_136] {strides = array<i32>} : memref<2560xf32, #tpu.memory_space<vmem>>, vector<16xf32>,
    tpu.vector_store %arg9[%swap3A_136], %broadcast_in_dim3A_14 {strides = array<i32>} : memref<2560xf32, #tpu.memory_space<vmem>>, vector<16xf32>,
    %swap3A_138 = arith.constant 320 : index
    %swap3A_139 = tpu.vector_load %arg10[%swap3A_138] {strides = array<i32>} : memref<2560xf32, #tpu.memory_space<vmem>>, vector<16xf32>,
    tpu.vector_store %arg10[%swap3A_138], %broadcast_in_dim3A_14 {strides = array<i32>} : memref<2560xf32, #tpu.memory_space<vmem>>, vector<16xf32>,
    %swap3A_140 = arith.constant 336 : index
    %swap3A_141 = tpu.vector_load %arg8[%swap3A_140] {strides = array<i32>} : memref<2560xf32, #tpu.memory_space<vmem>>, vector<16xf32>,
    tpu.vector_store %arg8[%swap3A_140], %broadcast_in_dim3A_14 {strides = array<i32>} : memref<2560xf32, #tpu.memory_space<vmem>>, vector<16xf32>,
    %swap3A_142 = arith.constant 336 : index
    %swap3A_143 = tpu.vector_load %arg9[%swap3A_142] {strides = array<i32>} : memref<2560xf32, #tpu.memory_space<vmem>>, vector<16xf32>,
    tpu.vector_store %arg9[%swap3A_142], %broadcast_in_dim3A_14 {strides = array<i32>} : memref<2560xf32, #tpu.memory_space<vmem>>, vector<16xf32>,
    %swap3A_144 = arith.constant 336 : index
    %swap3A_145 = tpu.vector_load %arg10[%swap3A_144] {strides = array<i32>} : memref<2560xf32, #tpu.memory_space<vmem>>, vector<16xf32>,
    tpu.vector_store %arg10[%swap3A_144], %broadcast_in_dim3A_14 {strides = array<i32>} : memref<2560xf32, #tpu.memory_space<vmem>>, vector<16xf32>,
    %swap3A_146 = arith.constant 352 : index
    %swap3A_147 = tpu.vector_load %arg8[%swap3A_146] {strides = array<i32>} : memref<2560xf32, #tpu.memory_space<vmem>>, vector<16xf32>,
    tpu.vector_store %arg8[%swap3A_146], %broadcast_in_dim3A_14 {strides = array<i32>} : memref<2560xf32, #tpu.memory_space<vmem>>, vector<16xf32>,
    %swap3A_148 = arith.constant 352 : index
    %swap3A_149 = tpu.vector_load %arg9[%swap3A_148] {strides = array<i32>} : memref<2560xf32, #tpu.memory_space<vmem>>, vector<16xf32>,
    tpu.vector_store %arg9[%swap3A_148], %broadcast_in_dim3A_14 {strides = array<i32>} : memref<2560xf32, #tpu.memory_space<vmem>>, vector<16xf32>,
    %swap3A_150 = arith.constant 352 : index
    %swap3A_151 = tpu.vector_load %arg10[%swap3A_150] {strides = array<i32>} : memref<2560xf32, #tpu.memory_space<vmem>>, vector<16xf32>,
    tpu.vector_store %arg10[%swap3A_150], %broadcast_in_dim3A_14 {strides = array<i32>} : memref<2560xf32, #tpu.memory_space<vmem>>, vector<16xf32>,
    %swap3A_152 = arith.constant 368 : index
    %swap3A_153 = tpu.vector_load %arg8[%swap3A_152] {strides = array<i32>} : memref<2560xf32, #tpu.memory_space<vmem>>, vector<16xf32>,
    tpu.vector_store %arg8[%swap3A_152], %broadcast_in_dim3A_14 {strides = array<i32>} : memref<2560xf32, #tpu.memory_space<vmem>>, vector<16xf32>,
    %swap3A_154 = arith.constant 368 : index
    %swap3A_155 = tpu.vector_load %arg9[%swap3A_154] {strides = array<i32>} : memref<2560xf32, #tpu.memory_space<vmem>>, vector<16xf32>,
    tpu.vector_store %arg9[%swap3A_154], %broadcast_in_dim3A_14 {strides = array<i32>} : memref<2560xf32, #tpu.memory_space<vmem>>, vector<16xf32>,
    %swap3A_156 = arith.constant 368 : index
    %swap3A_157 = tpu.vector_load %arg10[%swap3A_156] {strides = array<i32>} : memref<2560xf32, #tpu.memory_space<vmem>>, vector<16xf32>,
    tpu.vector_store %arg10[%swap3A_156], %broadcast_in_dim3A_14 {strides = array<i32>} : memref<2560xf32, #tpu.memory_space<vmem>>, vector<16xf32>,
    %swap3A_158 = arith.constant 384 : index
    %swap3A_159 = tpu.vector_load %arg8[%swap3A_158] {strides = array<i32>} : memref<2560xf32, #tpu.memory_space<vmem>>, vector<16xf32>,
    tpu.vector_store %arg8[%swap3A_158], %broadcast_in_dim3A_14 {strides = array<i32>} : memref<2560xf32, #tpu.memory_space<vmem>>, vector<16xf32>,
    %swap3A_160 = arith.constant 384 : index
    %swap3A_161 = tpu.vector_load %arg9[%swap3A_160] {strides = array<i32>} : memref<2560xf32, #tpu.memory_space<vmem>>, vector<16xf32>,
    tpu.vector_store %arg9[%swap3A_160], %broadcast_in_dim3A_14 {strides = array<i32>} : memref<2560xf32, #tpu.memory_space<vmem>>, vector<16xf32>,
    %swap3A_162 = arith.constant 384 : index
    %swap3A_163 = tpu.vector_load %arg10[%swap3A_162] {strides = array<i32>} : memref<2560xf32, #tpu.memory_space<vmem>>, vector<16xf32>,
    tpu.vector_store %arg10[%swap3A_162], %broadcast_in_dim3A_14 {strides = array<i32>} : memref<2560xf32, #tpu.memory_space<vmem>>, vector<16xf32>,
    %swap3A_164 = arith.constant 400 : index
    %swap3A_165 = tpu.vector_load %arg8[%swap3A_164] {strides = array<i32>} : memref<2560xf32, #tpu.memory_space<vmem>>, vector<16xf32>,
    tpu.vector_store %arg8[%swap3A_164], %broadcast_in_dim3A_14 {strides = array<i32>} : memref<2560xf32, #tpu.memory_space<vmem>>, vector<16xf32>,
    %swap3A_166 = arith.constant 400 : index
    %swap3A_167 = tpu.vector_load %arg9[%swap3A_166] {strides = array<i32>} : memref<2560xf32, #tpu.memory_space<vmem>>, vector<16xf32>,
    tpu.vector_store %arg9[%swap3A_166], %broadcast_in_dim3A_14 {strides = array<i32>} : memref<2560xf32, #tpu.memory_space<vmem>>, vector<16xf32>,
    %swap3A_168 = arith.constant 400 : index
    %swap3A_169 = tpu.vector_load %arg10[%swap3A_168] {strides = array<i32>} : memref<2560xf32, #tpu.memory_space<vmem>>, vector<16xf32>,
    tpu.vector_store %arg10[%swap3A_168], %broadcast_in_dim3A_14 {strides = array<i32>} : memref<2560xf32, #tpu.memory_space<vmem>>, vector<16xf32>,
    %swap3A_170 = arith.constant 416 : index
    %swap3A_171 = tpu.vector_load %arg8[%swap3A_170] {strides = array<i32>} : memref<2560xf32, #tpu.memory_space<vmem>>, vector<16xf32>,
    tpu.vector_store %arg8[%swap3A_170], %broadcast_in_dim3A_14 {strides = array<i32>} : memref<2560xf32, #tpu.memory_space<vmem>>, vector<16xf32>,
    %swap3A_172 = arith.constant 416 : index
    %swap3A_173 = tpu.vector_load %arg9[%swap3A_172] {strides = array<i32>} : memref<2560xf32, #tpu.memory_space<vmem>>, vector<16xf32>,
    tpu.vector_store %arg9[%swap3A_172], %broadcast_in_dim3A_14 {strides = array<i32>} : memref<2560xf32, #tpu.memory_space<vmem>>, vector<16xf32>,
    %swap3A_174 = arith.constant 416 : index
    %swap3A_175 = tpu.vector_load %arg10[%swap3A_174] {strides = array<i32>} : memref<2560xf32, #tpu.memory_space<vmem>>, vector<16xf32>,
    tpu.vector_store %arg10[%swap3A_174], %broadcast_in_dim3A_14 {strides = array<i32>} : memref<2560xf32, #tpu.memory_space<vmem>>, vector<16xf32>,
    %swap3A_176 = arith.constant 432 : index
    %swap3A_177 = tpu.vector_load %arg8[%swap3A_176] {strides = array<i32>} : memref<2560xf32, #tpu.memory_space<vmem>>, vector<16xf32>,
    tpu.vector_store %arg8[%swap3A_176], %broadcast_in_dim3A_14 {strides = array<i32>} : memref<2560xf32, #tpu.memory_space<vmem>>, vector<16xf32>,
    %swap3A_178 = arith.constant 432 : index
    %swap3A_179 = tpu.vector_load %arg9[%swap3A_178] {strides = array<i32>} : memref<2560xf32, #tpu.memory_space<vmem>>, vector<16xf32>,
    tpu.vector_store %arg9[%swap3A_178], %broadcast_in_dim3A_14 {strides = array<i32>} : memref<2560xf32, #tpu.memory_space<vmem>>, vector<16xf32>,
    %swap3A_180 = arith.constant 432 : index
    %swap3A_181 = tpu.vector_load %arg10[%swap3A_180] {strides = array<i32>} : memref<2560xf32, #tpu.memory_space<vmem>>, vector<16xf32>,
    tpu.vector_store %arg10[%swap3A_180], %broadcast_in_dim3A_14 {strides = array<i32>} : memref<2560xf32, #tpu.memory_space<vmem>>, vector<16xf32>,
    %swap3A_182 = arith.constant 448 : index
    %swap3A_183 = tpu.vector_load %arg8[%swap3A_182] {strides = array<i32>} : memref<2560xf32, #tpu.memory_space<vmem>>, vector<16xf32>,
    tpu.vector_store %arg8[%swap3A_182], %broadcast_in_dim3A_14 {strides = array<i32>} : memref<2560xf32, #tpu.memory_space<vmem>>, vector<16xf32>,
    %swap3A_184 = arith.constant 448 : index
    %swap3A_185 = tpu.vector_load %arg9[%swap3A_184] {strides = array<i32>} : memref<2560xf32, #tpu.memory_space<vmem>>, vector<16xf32>,
    tpu.vector_store %arg9[%swap3A_184], %broadcast_in_dim3A_14 {strides = array<i32>} : memref<2560xf32, #tpu.memory_space<vmem>>, vector<16xf32>,
    %swap3A_186 = arith.constant 448 : index
    %swap3A_187 = tpu.vector_load %arg10[%swap3A_186] {strides = array<i32>} : memref<2560xf32, #tpu.memory_space<vmem>>, vector<16xf32>,
    tpu.vector_store %arg10[%swap3A_186], %broadcast_in_dim3A_14 {strides = array<i32>} : memref<2560xf32, #tpu.memory_space<vmem>>, vector<16xf32>,
    %swap3A_188 = arith.constant 464 : index
    %swap3A_189 = tpu.vector_load %arg8[%swap3A_188] {strides = array<i32>} : memref<2560xf32, #tpu.memory_space<vmem>>, vector<16xf32>,
    tpu.vector_store %arg8[%swap3A_188], %broadcast_in_dim3A_14 {strides = array<i32>} : memref<2560xf32, #tpu.memory_space<vmem>>, vector<16xf32>,
    %swap3A_190 = arith.constant 464 : index
    %swap3A_191 = tpu.vector_load %arg9[%swap3A_190] {strides = array<i32>} : memref<2560xf32, #tpu.memory_space<vmem>>, vector<16xf32>,
    tpu.vector_store %arg9[%swap3A_190], %broadcast_in_dim3A_14 {strides = array<i32>} : memref<2560xf32, #tpu.memory_space<vmem>>, vector<16xf32>,
    %swap3A_192 = arith.constant 464 : index
    %swap3A_193 = tpu.vector_load %arg10[%swap3A_192] {strides = array<i32>} : memref<2560xf32, #tpu.memory_space<vmem>>, vector<16xf32>,
    tpu.vector_store %arg10[%swap3A_192], %broadcast_in_dim3A_14 {strides = array<i32>} : memref<2560xf32, #tpu.memory_space<vmem>>, vector<16xf32>,
    %swap3A_194 = arith.constant 480 : index
    %swap3A_195 = tpu.vector_load %arg8[%swap3A_194] {strides = array<i32>} : memref<2560xf32, #tpu.memory_space<vmem>>, vector<16xf32>,
    tpu.vector_store %arg8[%swap3A_194], %broadcast_in_dim3A_14 {strides = array<i32>} : memref<2560xf32, #tpu.memory_space<vmem>>, vector<16xf32>,
    %swap3A_196 = arith.constant 480 : index
    %swap3A_197 = tpu.vector_load %arg9[%swap3A_196] {strides = array<i32>} : memref<2560xf32, #tpu.memory_space<vmem>>, vector<16xf32>,
    tpu.vector_store %arg9[%swap3A_196], %broadcast_in_dim3A_14 {strides = array<i32>} : memref<2560xf32, #tpu.memory_space<vmem>>, vector<16xf32>,
    %swap3A_198 = arith.constant 480 : index
    %swap3A_199 = tpu.vector_load %arg10[%swap3A_198] {strides = array<i32>} : memref<2560xf32, #tpu.memory_space<vmem>>, vector<16xf32>,
    tpu.vector_store %arg10[%swap3A_198], %broadcast_in_dim3A_14 {strides = array<i32>} : memref<2560xf32, #tpu.memory_space<vmem>>, vector<16xf32>,
    %swap3A_200 = arith.constant 496 : index
    %swap3A_201 = tpu.vector_load %arg8[%swap3A_200] {strides = array<i32>} : memref<2560xf32, #tpu.memory_space<vmem>>, vector<16xf32>,
    tpu.vector_store %arg8[%swap3A_200], %broadcast_in_dim3A_14 {strides = array<i32>} : memref<2560xf32, #tpu.memory_space<vmem>>, vector<16xf32>,
    %swap3A_202 = arith.constant 496 : index
    %swap3A_203 = tpu.vector_load %arg9[%swap3A_202] {strides = array<i32>} : memref<2560xf32, #tpu.memory_space<vmem>>, vector<16xf32>,
    tpu.vector_store %arg9[%swap3A_202], %broadcast_in_dim3A_14 {strides = array<i32>} : memref<2560xf32, #tpu.memory_space<vmem>>, vector<16xf32>,
    %swap3A_204 = arith.constant 496 : index
    %swap3A_205 = tpu.vector_load %arg10[%swap3A_204] {strides = array<i32>} : memref<2560xf32, #tpu.memory_space<vmem>>, vector<16xf32>,
    tpu.vector_store %arg10[%swap3A_204], %broadcast_in_dim3A_14 {strides = array<i32>} : memref<2560xf32, #tpu.memory_space<vmem>>, vector<16xf32>,
    %swap3A_206 = arith.constant 512 : index
    %swap3A_207 = tpu.vector_load %arg8[%swap3A_206] {strides = array<i32>} : memref<2560xf32, #tpu.memory_space<vmem>>, vector<16xf32>,
    tpu.vector_store %arg8[%swap3A_206], %broadcast_in_dim3A_14 {strides = array<i32>} : memref<2560xf32, #tpu.memory_space<vmem>>, vector<16xf32>,
    %swap3A_208 = arith.constant 512 : index
    %swap3A_209 = tpu.vector_load %arg9[%swap3A_208] {strides = array<i32>} : memref<2560xf32, #tpu.memory_space<vmem>>, vector<16xf32>,
    tpu.vector_store %arg9[%swap3A_208], %broadcast_in_dim3A_14 {strides = array<i32>} : memref<2560xf32, #tpu.memory_space<vmem>>, vector<16xf32>,
    %swap3A_210 = arith.constant 512 : index
    %swap3A_211 = tpu.vector_load %arg10[%swap3A_210] {strides = array<i32>} : memref<2560xf32, #tpu.memory_space<vmem>>, vector<16xf32>,
    tpu.vector_store %arg10[%swap3A_210], %broadcast_in_dim3A_14 {strides = array<i32>} : memref<2560xf32, #tpu.memory_space<vmem>>, vector<16xf32>,
    %swap3A_212 = arith.constant 528 : index
    %swap3A_213 = tpu.vector_load %arg8[%swap3A_212] {strides = array<i32>} : memref<2560xf32, #tpu.memory_space<vmem>>, vector<16xf32>,
    tpu.vector_store %arg8[%swap3A_212], %broadcast_in_dim3A_14 {strides = array<i32>} : memref<2560xf32, #tpu.memory_space<vmem>>, vector<16xf32>,
    %swap3A_214 = arith.constant 528 : index
    %swap3A_215 = tpu.vector_load %arg9[%swap3A_214] {strides = array<i32>} : memref<2560xf32, #tpu.memory_space<vmem>>, vector<16xf32>,
    tpu.vector_store %arg9[%swap3A_214], %broadcast_in_dim3A_14 {strides = array<i32>} : memref<2560xf32, #tpu.memory_space<vmem>>, vector<16xf32>,
    %swap3A_216 = arith.constant 528 : index
    %swap3A_217 = tpu.vector_load %arg10[%swap3A_216] {strides = array<i32>} : memref<2560xf32, #tpu.memory_space<vmem>>, vector<16xf32>,
    tpu.vector_store %arg10[%swap3A_216], %broadcast_in_dim3A_14 {strides = array<i32>} : memref<2560xf32, #tpu.memory_space<vmem>>, vector<16xf32>,
    %swap3A_218 = arith.constant 544 : index
    %swap3A_219 = tpu.vector_load %arg8[%swap3A_218] {strides = array<i32>} : memref<2560xf32, #tpu.memory_space<vmem>>, vector<16xf32>,
    tpu.vector_store %arg8[%swap3A_218], %broadcast_in_dim3A_14 {strides = array<i32>} : memref<2560xf32, #tpu.memory_space<vmem>>, vector<16xf32>,
    %swap3A_220 = arith.constant 544 : index
    %swap3A_221 = tpu.vector_load %arg9[%swap3A_220] {strides = array<i32>} : memref<2560xf32, #tpu.memory_space<vmem>>, vector<16xf32>,
    tpu.vector_store %arg9[%swap3A_220], %broadcast_in_dim3A_14 {strides = array<i32>} : memref<2560xf32, #tpu.memory_space<vmem>>, vector<16xf32>,
    %swap3A_222 = arith.constant 544 : index
    %swap3A_223 = tpu.vector_load %arg10[%swap3A_222] {strides = array<i32>} : memref<2560xf32, #tpu.memory_space<vmem>>, vector<16xf32>,
    tpu.vector_store %arg10[%swap3A_222], %broadcast_in_dim3A_14 {strides = array<i32>} : memref<2560xf32, #tpu.memory_space<vmem>>, vector<16xf32>,
    %swap3A_224 = arith.constant 560 : index
    %swap3A_225 = tpu.vector_load %arg8[%swap3A_224] {strides = array<i32>} : memref<2560xf32, #tpu.memory_space<vmem>>, vector<16xf32>,
    tpu.vector_store %arg8[%swap3A_224], %broadcast_in_dim3A_14 {strides = array<i32>} : memref<2560xf32, #tpu.memory_space<vmem>>, vector<16xf32>,
    %swap3A_226 = arith.constant 560 : index
    %swap3A_227 = tpu.vector_load %arg9[%swap3A_226] {strides = array<i32>} : memref<2560xf32, #tpu.memory_space<vmem>>, vector<16xf32>,
    tpu.vector_store %arg9[%swap3A_226], %broadcast_in_dim3A_14 {strides = array<i32>} : memref<2560xf32, #tpu.memory_space<vmem>>, vector<16xf32>,
    %swap3A_228 = arith.constant 560 : index
    %swap3A_229 = tpu.vector_load %arg10[%swap3A_228] {strides = array<i32>} : memref<2560xf32, #tpu.memory_space<vmem>>, vector<16xf32>,
    tpu.vector_store %arg10[%swap3A_228], %broadcast_in_dim3A_14 {strides = array<i32>} : memref<2560xf32, #tpu.memory_space<vmem>>, vector<16xf32>,
    %swap3A_230 = arith.constant 576 : index
    %swap3A_231 = tpu.vector_load %arg8[%swap3A_230] {strides = array<i32>} : memref<2560xf32, #tpu.memory_space<vmem>>, vector<16xf32>,
    tpu.vector_store %arg8[%swap3A_230], %broadcast_in_dim3A_14 {strides = array<i32>} : memref<2560xf32, #tpu.memory_space<vmem>>, vector<16xf32>,
    %swap3A_232 = arith.constant 576 : index
    %swap3A_233 = tpu.vector_load %arg9[%swap3A_232] {strides = array<i32>} : memref<2560xf32, #tpu.memory_space<vmem>>, vector<16xf32>,
    tpu.vector_store %arg9[%swap3A_232], %broadcast_in_dim3A_14 {strides = array<i32>} : memref<2560xf32, #tpu.memory_space<vmem>>, vector<16xf32>,
    %swap3A_234 = arith.constant 576 : index
    %swap3A_235 = tpu.vector_load %arg10[%swap3A_234] {strides = array<i32>} : memref<2560xf32, #tpu.memory_space<vmem>>, vector<16xf32>,
    tpu.vector_store %arg10[%swap3A_234], %broadcast_in_dim3A_14 {strides = array<i32>} : memref<2560xf32, #tpu.memory_space<vmem>>, vector<16xf32>,
    %swap3A_236 = arith.constant 592 : index
    %swap3A_237 = tpu.vector_load %arg8[%swap3A_236] {strides = array<i32>} : memref<2560xf32, #tpu.memory_space<vmem>>, vector<16xf32>,
    tpu.vector_store %arg8[%swap3A_236], %broadcast_in_dim3A_14 {strides = array<i32>} : memref<2560xf32, #tpu.memory_space<vmem>>, vector<16xf32>,
    %swap3A_238 = arith.constant 592 : index
    %swap3A_239 = tpu.vector_load %arg9[%swap3A_238] {strides = array<i32>} : memref<2560xf32, #tpu.memory_space<vmem>>, vector<16xf32>,
    tpu.vector_store %arg9[%swap3A_238], %broadcast_in_dim3A_14 {strides = array<i32>} : memref<2560xf32, #tpu.memory_space<vmem>>, vector<16xf32>,
    %swap3A_240 = arith.constant 592 : index
    %swap3A_241 = tpu.vector_load %arg10[%swap3A_240] {strides = array<i32>} : memref<2560xf32, #tpu.memory_space<vmem>>, vector<16xf32>,
    tpu.vector_store %arg10[%swap3A_240], %broadcast_in_dim3A_14 {strides = array<i32>} : memref<2560xf32, #tpu.memory_space<vmem>>, vector<16xf32>,
    %swap3A_242 = arith.constant 608 : index
    %swap3A_243 = tpu.vector_load %arg8[%swap3A_242] {strides = array<i32>} : memref<2560xf32, #tpu.memory_space<vmem>>, vector<16xf32>,
    tpu.vector_store %arg8[%swap3A_242], %broadcast_in_dim3A_14 {strides = array<i32>} : memref<2560xf32, #tpu.memory_space<vmem>>, vector<16xf32>,
    %swap3A_244 = arith.constant 608 : index
    %swap3A_245 = tpu.vector_load %arg9[%swap3A_244] {strides = array<i32>} : memref<2560xf32, #tpu.memory_space<vmem>>, vector<16xf32>,
    tpu.vector_store %arg9[%swap3A_244], %broadcast_in_dim3A_14 {strides = array<i32>} : memref<2560xf32, #tpu.memory_space<vmem>>, vector<16xf32>,
    %swap3A_246 = arith.constant 608 : index
    %swap3A_247 = tpu.vector_load %arg10[%swap3A_246] {strides = array<i32>} : memref<2560xf32, #tpu.memory_space<vmem>>, vector<16xf32>,
    tpu.vector_store %arg10[%swap3A_246], %broadcast_in_dim3A_14 {strides = array<i32>} : memref<2560xf32, #tpu.memory_space<vmem>>, vector<16xf32>,
    %swap3A_248 = arith.constant 624 : index
    %swap3A_249 = tpu.vector_load %arg8[%swap3A_248] {strides = array<i32>} : memref<2560xf32, #tpu.memory_space<vmem>>, vector<16xf32>,
    tpu.vector_store %arg8[%swap3A_248], %broadcast_in_dim3A_14 {strides = array<i32>} : memref<2560xf32, #tpu.memory_space<vmem>>, vector<16xf32>,
    %swap3A_250 = arith.constant 624 : index
    %swap3A_251 = tpu.vector_load %arg9[%swap3A_250] {strides = array<i32>} : memref<2560xf32, #tpu.memory_space<vmem>>, vector<16xf32>,
    tpu.vector_store %arg9[%swap3A_250], %broadcast_in_dim3A_14 {strides = array<i32>} : memref<2560xf32, #tpu.memory_space<vmem>>, vector<16xf32>,
    %swap3A_252 = arith.constant 624 : index
    %swap3A_253 = tpu.vector_load %arg10[%swap3A_252] {strides = array<i32>} : memref<2560xf32, #tpu.memory_space<vmem>>, vector<16xf32>,
    tpu.vector_store %arg10[%swap3A_252], %broadcast_in_dim3A_14 {strides = array<i32>} : memref<2560xf32, #tpu.memory_space<vmem>>, vector<16xf32>,
    %swap3A_254 = arith.constant 640 : index
    %swap3A_255 = tpu.vector_load %arg8[%swap3A_254] {strides = array<i32>} : memref<2560xf32, #tpu.memory_space<vmem>>, vector<16xf32>,
    tpu.vector_store %arg8[%swap3A_254], %broadcast_in_dim3A_14 {strides = array<i32>} : memref<2560xf32, #tpu.memory_space<vmem>>, vector<16xf32>,
    %swap3A_256 = arith.constant 640 : index
    %swap3A_257 = tpu.vector_load %arg9[%swap3A_256] {strides = array<i32>} : memref<2560xf32, #tpu.memory_space<vmem>>, vector<16xf32>,
    tpu.vector_store %arg9[%swap3A_256], %broadcast_in_dim3A_14 {strides = array<i32>} : memref<2560xf32, #tpu.memory_space<vmem>>, vector<16xf32>,
    %swap3A_258 = arith.constant 640 : index
    %swap3A_259 = tpu.vector_load %arg10[%swap3A_258] {strides = array<i32>} : memref<2560xf32, #tpu.memory_space<vmem>>, vector<16xf32>,
    tpu.vector_store %arg10[%swap3A_258], %broadcast_in_dim3A_14 {strides = array<i32>} : memref<2560xf32, #tpu.memory_space<vmem>>, vector<16xf32>,
    %swap3A_260 = arith.constant 656 : index
    %swap3A_261 = tpu.vector_load %arg8[%swap3A_260] {strides = array<i32>} : memref<2560xf32, #tpu.memory_space<vmem>>, vector<16xf32>,
    tpu.vector_store %arg8[%swap3A_260], %broadcast_in_dim3A_14 {strides = array<i32>} : memref<2560xf32, #tpu.memory_space<vmem>>, vector<16xf32>,
    %swap3A_262 = arith.constant 656 : index
    %swap3A_263 = tpu.vector_load %arg9[%swap3A_262] {strides = array<i32>} : memref<2560xf32, #tpu.memory_space<vmem>>, vector<16xf32>,
    tpu.vector_store %arg9[%swap3A_262], %broadcast_in_dim3A_14 {strides = array<i32>} : memref<2560xf32, #tpu.memory_space<vmem>>, vector<16xf32>,
    %swap3A_264 = arith.constant 656 : index
    %swap3A_265 = tpu.vector_load %arg10[%swap3A_264] {strides = array<i32>} : memref<2560xf32, #tpu.memory_space<vmem>>, vector<16xf32>,
    tpu.vector_store %arg10[%swap3A_264], %broadcast_in_dim3A_14 {strides = array<i32>} : memref<2560xf32, #tpu.memory_space<vmem>>, vector<16xf32>,
    %swap3A_266 = arith.constant 672 : index
    %swap3A_267 = tpu.vector_load %arg8[%swap3A_266] {strides = array<i32>} : memref<2560xf32, #tpu.memory_space<vmem>>, vector<16xf32>,
    tpu.vector_store %arg8[%swap3A_266], %broadcast_in_dim3A_14 {strides = array<i32>} : memref<2560xf32, #tpu.memory_space<vmem>>, vector<16xf32>,
    %swap3A_268 = arith.constant 672 : index
    %swap3A_269 = tpu.vector_load %arg9[%swap3A_268] {strides = array<i32>} : memref<2560xf32, #tpu.memory_space<vmem>>, vector<16xf32>,
    tpu.vector_store %arg9[%swap3A_268], %broadcast_in_dim3A_14 {strides = array<i32>} : memref<2560xf32, #tpu.memory_space<vmem>>, vector<16xf32>,
    %swap3A_270 = arith.constant 672 : index
    %swap3A_271 = tpu.vector_load %arg10[%swap3A_270] {strides = array<i32>} : memref<2560xf32, #tpu.memory_space<vmem>>, vector<16xf32>,
    tpu.vector_store %arg10[%swap3A_270], %broadcast_in_dim3A_14 {strides = array<i32>} : memref<2560xf32, #tpu.memory_space<vmem>>, vector<16xf32>,
    %swap3A_272 = arith.constant 688 : index
    %swap3A_273 = tpu.vector_load %arg8[%swap3A_272] {strides = array<i32>} : memref<2560xf32, #tpu.memory_space<vmem>>, vector<16xf32>,
    tpu.vector_store %arg8[%swap3A_272], %broadcast_in_dim3A_14 {strides = array<i32>} : memref<2560xf32, #tpu.memory_space<vmem>>, vector<16xf32>,
    %swap3A_274 = arith.constant 688 : index
    %swap3A_275 = tpu.vector_load %arg9[%swap3A_274] {strides = array<i32>} : memref<2560xf32, #tpu.memory_space<vmem>>, vector<16xf32>,
    tpu.vector_store %arg9[%swap3A_274], %broadcast_in_dim3A_14 {strides = array<i32>} : memref<2560xf32, #tpu.memory_space<vmem>>, vector<16xf32>,
    %swap3A_276 = arith.constant 688 : index
    %swap3A_277 = tpu.vector_load %arg10[%swap3A_276] {strides = array<i32>} : memref<2560xf32, #tpu.memory_space<vmem>>, vector<16xf32>,
    tpu.vector_store %arg10[%swap3A_276], %broadcast_in_dim3A_14 {strides = array<i32>} : memref<2560xf32, #tpu.memory_space<vmem>>, vector<16xf32>,
    %swap3A_278 = arith.constant 704 : index
    %swap3A_279 = tpu.vector_load %arg8[%swap3A_278] {strides = array<i32>} : memref<2560xf32, #tpu.memory_space<vmem>>, vector<16xf32>,
    tpu.vector_store %arg8[%swap3A_278], %broadcast_in_dim3A_14 {strides = array<i32>} : memref<2560xf32, #tpu.memory_space<vmem>>, vector<16xf32>,
    %swap3A_280 = arith.constant 704 : index
    %swap3A_281 = tpu.vector_load %arg9[%swap3A_280] {strides = array<i32>} : memref<2560xf32, #tpu.memory_space<vmem>>, vector<16xf32>,
    tpu.vector_store %arg9[%swap3A_280], %broadcast_in_dim3A_14 {strides = array<i32>} : memref<2560xf32, #tpu.memory_space<vmem>>, vector<16xf32>,
    %swap3A_282 = arith.constant 704 : index
    %swap3A_283 = tpu.vector_load %arg10[%swap3A_282] {strides = array<i32>} : memref<2560xf32, #tpu.memory_space<vmem>>, vector<16xf32>,
    tpu.vector_store %arg10[%swap3A_282], %broadcast_in_dim3A_14 {strides = array<i32>} : memref<2560xf32, #tpu.memory_space<vmem>>, vector<16xf32>,
    %swap3A_284 = arith.constant 720 : index
    %swap3A_285 = tpu.vector_load %arg8[%swap3A_284] {strides = array<i32>} : memref<2560xf32, #tpu.memory_space<vmem>>, vector<16xf32>,
    tpu.vector_store %arg8[%swap3A_284], %broadcast_in_dim3A_14 {strides = array<i32>} : memref<2560xf32, #tpu.memory_space<vmem>>, vector<16xf32>,
    %swap3A_286 = arith.constant 720 : index
    %swap3A_287 = tpu.vector_load %arg9[%swap3A_286] {strides = array<i32>} : memref<2560xf32, #tpu.memory_space<vmem>>, vector<16xf32>,
    tpu.vector_store %arg9[%swap3A_286], %broadcast_in_dim3A_14 {strides = array<i32>} : memref<2560xf32, #tpu.memory_space<vmem>>, vector<16xf32>,
    %swap3A_288 = arith.constant 720 : index
    %swap3A_289 = tpu.vector_load %arg10[%swap3A_288] {strides = array<i32>} : memref<2560xf32, #tpu.memory_space<vmem>>, vector<16xf32>,
    tpu.vector_store %arg10[%swap3A_288], %broadcast_in_dim3A_14 {strides = array<i32>} : memref<2560xf32, #tpu.memory_space<vmem>>, vector<16xf32>,
    %swap3A_290 = arith.constant 736 : index
    %swap3A_291 = tpu.vector_load %arg8[%swap3A_290] {strides = array<i32>} : memref<2560xf32, #tpu.memory_space<vmem>>, vector<16xf32>,
    tpu.vector_store %arg8[%swap3A_290], %broadcast_in_dim3A_14 {strides = array<i32>} : memref<2560xf32, #tpu.memory_space<vmem>>, vector<16xf32>,
    %swap3A_292 = arith.constant 736 : index
    %swap3A_293 = tpu.vector_load %arg9[%swap3A_292] {strides = array<i32>} : memref<2560xf32, #tpu.memory_space<vmem>>, vector<16xf32>,
    tpu.vector_store %arg9[%swap3A_292], %broadcast_in_dim3A_14 {strides = array<i32>} : memref<2560xf32, #tpu.memory_space<vmem>>, vector<16xf32>,
    %swap3A_294 = arith.constant 736 : index
    %swap3A_295 = tpu.vector_load %arg10[%swap3A_294] {strides = array<i32>} : memref<2560xf32, #tpu.memory_space<vmem>>, vector<16xf32>,
    tpu.vector_store %arg10[%swap3A_294], %broadcast_in_dim3A_14 {strides = array<i32>} : memref<2560xf32, #tpu.memory_space<vmem>>, vector<16xf32>,
    %swap3A_296 = arith.constant 752 : index
    %swap3A_297 = tpu.vector_load %arg8[%swap3A_296] {strides = array<i32>} : memref<2560xf32, #tpu.memory_space<vmem>>, vector<16xf32>,
    tpu.vector_store %arg8[%swap3A_296], %broadcast_in_dim3A_14 {strides = array<i32>} : memref<2560xf32, #tpu.memory_space<vmem>>, vector<16xf32>,
    %swap3A_298 = arith.constant 752 : index
    %swap3A_299 = tpu.vector_load %arg9[%swap3A_298] {strides = array<i32>} : memref<2560xf32, #tpu.memory_space<vmem>>, vector<16xf32>,
    tpu.vector_store %arg9[%swap3A_298], %broadcast_in_dim3A_14 {strides = array<i32>} : memref<2560xf32, #tpu.memory_space<vmem>>, vector<16xf32>,
    %swap3A_300 = arith.constant 752 : index
    %swap3A_301 = tpu.vector_load %arg10[%swap3A_300] {strides = array<i32>} : memref<2560xf32, #tpu.memory_space<vmem>>, vector<16xf32>,
    tpu.vector_store %arg10[%swap3A_300], %broadcast_in_dim3A_14 {strides = array<i32>} : memref<2560xf32, #tpu.memory_space<vmem>>, vector<16xf32>,
    %swap3A_302 = arith.constant 768 : index
    %swap3A_303 = tpu.vector_load %arg8[%swap3A_302] {strides = array<i32>} : memref<2560xf32, #tpu.memory_space<vmem>>, vector<16xf32>,
    tpu.vector_store %arg8[%swap3A_302], %broadcast_in_dim3A_14 {strides = array<i32>} : memref<2560xf32, #tpu.memory_space<vmem>>, vector<16xf32>,
    %swap3A_304 = arith.constant 768 : index
    %swap3A_305 = tpu.vector_load %arg9[%swap3A_304] {strides = array<i32>} : memref<2560xf32, #tpu.memory_space<vmem>>, vector<16xf32>,
    tpu.vector_store %arg9[%swap3A_304], %broadcast_in_dim3A_14 {strides = array<i32>} : memref<2560xf32, #tpu.memory_space<vmem>>, vector<16xf32>,
    %swap3A_306 = arith.constant 768 : index
    %swap3A_307 = tpu.vector_load %arg10[%swap3A_306] {strides = array<i32>} : memref<2560xf32, #tpu.memory_space<vmem>>, vector<16xf32>,
    tpu.vector_store %arg10[%swap3A_306], %broadcast_in_dim3A_14 {strides = array<i32>} : memref<2560xf32, #tpu.memory_space<vmem>>, vector<16xf32>,
    %swap3A_308 = arith.constant 784 : index
    %swap3A_309 = tpu.vector_load %arg8[%swap3A_308] {strides = array<i32>} : memref<2560xf32, #tpu.memory_space<vmem>>, vector<16xf32>,
    tpu.vector_store %arg8[%swap3A_308], %broadcast_in_dim3A_14 {strides = array<i32>} : memref<2560xf32, #tpu.memory_space<vmem>>, vector<16xf32>,
    %swap3A_310 = arith.constant 784 : index
    %swap3A_311 = tpu.vector_load %arg9[%swap3A_310] {strides = array<i32>} : memref<2560xf32, #tpu.memory_space<vmem>>, vector<16xf32>,
    tpu.vector_store %arg9[%swap3A_310], %broadcast_in_dim3A_14 {strides = array<i32>} : memref<2560xf32, #tpu.memory_space<vmem>>, vector<16xf32>,
    %swap3A_312 = arith.constant 784 : index
    %swap3A_313 = tpu.vector_load %arg10[%swap3A_312] {strides = array<i32>} : memref<2560xf32, #tpu.memory_space<vmem>>, vector<16xf32>,
    tpu.vector_store %arg10[%swap3A_312], %broadcast_in_dim3A_14 {strides = array<i32>} : memref<2560xf32, #tpu.memory_space<vmem>>, vector<16xf32>,
    %swap3A_314 = arith.constant 800 : index
    %swap3A_315 = tpu.vector_load %arg8[%swap3A_314] {strides = array<i32>} : memref<2560xf32, #tpu.memory_space<vmem>>, vector<16xf32>,
    tpu.vector_store %arg8[%swap3A_314], %broadcast_in_dim3A_14 {strides = array<i32>} : memref<2560xf32, #tpu.memory_space<vmem>>, vector<16xf32>,
    %swap3A_316 = arith.constant 800 : index
    %swap3A_317 = tpu.vector_load %arg9[%swap3A_316] {strides = array<i32>} : memref<2560xf32, #tpu.memory_space<vmem>>, vector<16xf32>,
    tpu.vector_store %arg9[%swap3A_316], %broadcast_in_dim3A_14 {strides = array<i32>} : memref<2560xf32, #tpu.memory_space<vmem>>, vector<16xf32>,
    %swap3A_318 = arith.constant 800 : index
    %swap3A_319 = tpu.vector_load %arg10[%swap3A_318] {strides = array<i32>} : memref<2560xf32, #tpu.memory_space<vmem>>, vector<16xf32>,
    tpu.vector_store %arg10[%swap3A_318], %broadcast_in_dim3A_14 {strides = array<i32>} : memref<2560xf32, #tpu.memory_space<vmem>>, vector<16xf32>,
    %swap3A_320 = arith.constant 816 : index
    %swap3A_321 = tpu.vector_load %arg8[%swap3A_320] {strides = array<i32>} : memref<2560xf32, #tpu.memory_space<vmem>>, vector<16xf32>,
    tpu.vector_store %arg8[%swap3A_320], %broadcast_in_dim3A_14 {strides = array<i32>} : memref<2560xf32, #tpu.memory_space<vmem>>, vector<16xf32>,
    %swap3A_322 = arith.constant 816 : index
    %swap3A_323 = tpu.vector_load %arg9[%swap3A_322] {strides = array<i32>} : memref<2560xf32, #tpu.memory_space<vmem>>, vector<16xf32>,
    tpu.vector_store %arg9[%swap3A_322], %broadcast_in_dim3A_14 {strides = array<i32>} : memref<2560xf32, #tpu.memory_space<vmem>>, vector<16xf32>,
    %swap3A_324 = arith.constant 816 : index
    %swap3A_325 = tpu.vector_load %arg10[%swap3A_324] {strides = array<i32>} : memref<2560xf32, #tpu.memory_space<vmem>>, vector<16xf32>,
    tpu.vector_store %arg10[%swap3A_324], %broadcast_in_dim3A_14 {strides = array<i32>} : memref<2560xf32, #tpu.memory_space<vmem>>, vector<16xf32>,
    %swap3A_326 = arith.constant 832 : index
    %swap3A_327 = tpu.vector_load %arg8[%swap3A_326] {strides = array<i32>} : memref<2560xf32, #tpu.memory_space<vmem>>, vector<16xf32>,
    tpu.vector_store %arg8[%swap3A_326], %broadcast_in_dim3A_14 {strides = array<i32>} : memref<2560xf32, #tpu.memory_space<vmem>>, vector<16xf32>,
    %swap3A_328 = arith.constant 832 : index
    %swap3A_329 = tpu.vector_load %arg9[%swap3A_328] {strides = array<i32>} : memref<2560xf32, #tpu.memory_space<vmem>>, vector<16xf32>,
    tpu.vector_store %arg9[%swap3A_328], %broadcast_in_dim3A_14 {strides = array<i32>} : memref<2560xf32, #tpu.memory_space<vmem>>, vector<16xf32>,
    %swap3A_330 = arith.constant 832 : index
    %swap3A_331 = tpu.vector_load %arg10[%swap3A_330] {strides = array<i32>} : memref<2560xf32, #tpu.memory_space<vmem>>, vector<16xf32>,
    tpu.vector_store %arg10[%swap3A_330], %broadcast_in_dim3A_14 {strides = array<i32>} : memref<2560xf32, #tpu.memory_space<vmem>>, vector<16xf32>,
    %swap3A_332 = arith.constant 848 : index
    %swap3A_333 = tpu.vector_load %arg8[%swap3A_332] {strides = array<i32>} : memref<2560xf32, #tpu.memory_space<vmem>>, vector<16xf32>,
    tpu.vector_store %arg8[%swap3A_332], %broadcast_in_dim3A_14 {strides = array<i32>} : memref<2560xf32, #tpu.memory_space<vmem>>, vector<16xf32>,
    %swap3A_334 = arith.constant 848 : index
    %swap3A_335 = tpu.vector_load %arg9[%swap3A_334] {strides = array<i32>} : memref<2560xf32, #tpu.memory_space<vmem>>, vector<16xf32>,
    tpu.vector_store %arg9[%swap3A_334], %broadcast_in_dim3A_14 {strides = array<i32>} : memref<2560xf32, #tpu.memory_space<vmem>>, vector<16xf32>,
    %swap3A_336 = arith.constant 848 : index
    %swap3A_337 = tpu.vector_load %arg10[%swap3A_336] {strides = array<i32>} : memref<2560xf32, #tpu.memory_space<vmem>>, vector<16xf32>,
    tpu.vector_store %arg10[%swap3A_336], %broadcast_in_dim3A_14 {strides = array<i32>} : memref<2560xf32, #tpu.memory_space<vmem>>, vector<16xf32>,
    %swap3A_338 = arith.constant 864 : index
    %swap3A_339 = tpu.vector_load %arg8[%swap3A_338] {strides = array<i32>} : memref<2560xf32, #tpu.memory_space<vmem>>, vector<16xf32>,
    tpu.vector_store %arg8[%swap3A_338], %broadcast_in_dim3A_14 {strides = array<i32>} : memref<2560xf32, #tpu.memory_space<vmem>>, vector<16xf32>,
    %swap3A_340 = arith.constant 864 : index
    %swap3A_341 = tpu.vector_load %arg9[%swap3A_340] {strides = array<i32>} : memref<2560xf32, #tpu.memory_space<vmem>>, vector<16xf32>,
    tpu.vector_store %arg9[%swap3A_340], %broadcast_in_dim3A_14 {strides = array<i32>} : memref<2560xf32, #tpu.memory_space<vmem>>, vector<16xf32>,
    %swap3A_342 = arith.constant 864 : index
    %swap3A_343 = tpu.vector_load %arg10[%swap3A_342] {strides = array<i32>} : memref<2560xf32, #tpu.memory_space<vmem>>, vector<16xf32>,
    tpu.vector_store %arg10[%swap3A_342], %broadcast_in_dim3A_14 {strides = array<i32>} : memref<2560xf32, #tpu.memory_space<vmem>>, vector<16xf32>,
    %swap3A_344 = arith.constant 880 : index
    %swap3A_345 = tpu.vector_load %arg8[%swap3A_344] {strides = array<i32>} : memref<2560xf32, #tpu.memory_space<vmem>>, vector<16xf32>,
    tpu.vector_store %arg8[%swap3A_344], %broadcast_in_dim3A_14 {strides = array<i32>} : memref<2560xf32, #tpu.memory_space<vmem>>, vector<16xf32>,
    %swap3A_346 = arith.constant 880 : index
    %swap3A_347 = tpu.vector_load %arg9[%swap3A_346] {strides = array<i32>} : memref<2560xf32, #tpu.memory_space<vmem>>, vector<16xf32>,
    tpu.vector_store %arg9[%swap3A_346], %broadcast_in_dim3A_14 {strides = array<i32>} : memref<2560xf32, #tpu.memory_space<vmem>>, vector<16xf32>,
    %swap3A_348 = arith.constant 880 : index
    %swap3A_349 = tpu.vector_load %arg10[%swap3A_348] {strides = array<i32>} : memref<2560xf32, #tpu.memory_space<vmem>>, vector<16xf32>,
    tpu.vector_store %arg10[%swap3A_348], %broadcast_in_dim3A_14 {strides = array<i32>} : memref<2560xf32, #tpu.memory_space<vmem>>, vector<16xf32>,
    %swap3A_350 = arith.constant 896 : index
    %swap3A_351 = tpu.vector_load %arg8[%swap3A_350] {strides = array<i32>} : memref<2560xf32, #tpu.memory_space<vmem>>, vector<16xf32>,
    tpu.vector_store %arg8[%swap3A_350], %broadcast_in_dim3A_14 {strides = array<i32>} : memref<2560xf32, #tpu.memory_space<vmem>>, vector<16xf32>,
    %swap3A_352 = arith.constant 896 : index
    %swap3A_353 = tpu.vector_load %arg9[%swap3A_352] {strides = array<i32>} : memref<2560xf32, #tpu.memory_space<vmem>>, vector<16xf32>,
    tpu.vector_store %arg9[%swap3A_352], %broadcast_in_dim3A_14 {strides = array<i32>} : memref<2560xf32, #tpu.memory_space<vmem>>, vector<16xf32>,
    %swap3A_354 = arith.constant 896 : index
    %swap3A_355 = tpu.vector_load %arg10[%swap3A_354] {strides = array<i32>} : memref<2560xf32, #tpu.memory_space<vmem>>, vector<16xf32>,
    tpu.vector_store %arg10[%swap3A_354], %broadcast_in_dim3A_14 {strides = array<i32>} : memref<2560xf32, #tpu.memory_space<vmem>>, vector<16xf32>,
    %swap3A_356 = arith.constant 912 : index
    %swap3A_357 = tpu.vector_load %arg8[%swap3A_356] {strides = array<i32>} : memref<2560xf32, #tpu.memory_space<vmem>>, vector<16xf32>,
    tpu.vector_store %arg8[%swap3A_356], %broadcast_in_dim3A_14 {strides = array<i32>} : memref<2560xf32, #tpu.memory_space<vmem>>, vector<16xf32>,
    %swap3A_358 = arith.constant 912 : index
    %swap3A_359 = tpu.vector_load %arg9[%swap3A_358] {strides = array<i32>} : memref<2560xf32, #tpu.memory_space<vmem>>, vector<16xf32>,
    tpu.vector_store %arg9[%swap3A_358], %broadcast_in_dim3A_14 {strides = array<i32>} : memref<2560xf32, #tpu.memory_space<vmem>>, vector<16xf32>,
    %swap3A_360 = arith.constant 912 : index
    %swap3A_361 = tpu.vector_load %arg10[%swap3A_360] {strides = array<i32>} : memref<2560xf32, #tpu.memory_space<vmem>>, vector<16xf32>,
    tpu.vector_store %arg10[%swap3A_360], %broadcast_in_dim3A_14 {strides = array<i32>} : memref<2560xf32, #tpu.memory_space<vmem>>, vector<16xf32>,
    %swap3A_362 = arith.constant 928 : index
    %swap3A_363 = tpu.vector_load %arg8[%swap3A_362] {strides = array<i32>} : memref<2560xf32, #tpu.memory_space<vmem>>, vector<16xf32>,
    tpu.vector_store %arg8[%swap3A_362], %broadcast_in_dim3A_14 {strides = array<i32>} : memref<2560xf32, #tpu.memory_space<vmem>>, vector<16xf32>,
    %swap3A_364 = arith.constant 928 : index
    %swap3A_365 = tpu.vector_load %arg9[%swap3A_364] {strides = array<i32>} : memref<2560xf32, #tpu.memory_space<vmem>>, vector<16xf32>,
    tpu.vector_store %arg9[%swap3A_364], %broadcast_in_dim3A_14 {strides = array<i32>} : memref<2560xf32, #tpu.memory_space<vmem>>, vector<16xf32>,
    %swap3A_366 = arith.constant 928 : index
    %swap3A_367 = tpu.vector_load %arg10[%swap3A_366] {strides = array<i32>} : memref<2560xf32, #tpu.memory_space<vmem>>, vector<16xf32>,
    tpu.vector_store %arg10[%swap3A_366], %broadcast_in_dim3A_14 {strides = array<i32>} : memref<2560xf32, #tpu.memory_space<vmem>>, vector<16xf32>,
    %swap3A_368 = arith.constant 944 : index
    %swap3A_369 = tpu.vector_load %arg8[%swap3A_368] {strides = array<i32>} : memref<2560xf32, #tpu.memory_space<vmem>>, vector<16xf32>,
    tpu.vector_store %arg8[%swap3A_368], %broadcast_in_dim3A_14 {strides = array<i32>} : memref<2560xf32, #tpu.memory_space<vmem>>, vector<16xf32>,
    %swap3A_370 = arith.constant 944 : index
    %swap3A_371 = tpu.vector_load %arg9[%swap3A_370] {strides = array<i32>} : memref<2560xf32, #tpu.memory_space<vmem>>, vector<16xf32>,
    tpu.vector_store %arg9[%swap3A_370], %broadcast_in_dim3A_14 {strides = array<i32>} : memref<2560xf32, #tpu.memory_space<vmem>>, vector<16xf32>,
    %swap3A_372 = arith.constant 944 : index
    %swap3A_373 = tpu.vector_load %arg10[%swap3A_372] {strides = array<i32>} : memref<2560xf32, #tpu.memory_space<vmem>>, vector<16xf32>,
    tpu.vector_store %arg10[%swap3A_372], %broadcast_in_dim3A_14 {strides = array<i32>} : memref<2560xf32, #tpu.memory_space<vmem>>, vector<16xf32>,
    %swap3A_374 = arith.constant 960 : index
    %swap3A_375 = tpu.vector_load %arg8[%swap3A_374] {strides = array<i32>} : memref<2560xf32, #tpu.memory_space<vmem>>, vector<16xf32>,
    tpu.vector_store %arg8[%swap3A_374], %broadcast_in_dim3A_14 {strides = array<i32>} : memref<2560xf32, #tpu.memory_space<vmem>>, vector<16xf32>,
    %swap3A_376 = arith.constant 960 : index
    %swap3A_377 = tpu.vector_load %arg9[%swap3A_376] {strides = array<i32>} : memref<2560xf32, #tpu.memory_space<vmem>>, vector<16xf32>,
    tpu.vector_store %arg9[%swap3A_376], %broadcast_in_dim3A_14 {strides = array<i32>} : memref<2560xf32, #tpu.memory_space<vmem>>, vector<16xf32>,
    %swap3A_378 = arith.constant 960 : index
    %swap3A_379 = tpu.vector_load %arg10[%swap3A_378] {strides = array<i32>} : memref<2560xf32, #tpu.memory_space<vmem>>, vector<16xf32>,
    tpu.vector_store %arg10[%swap3A_378], %broadcast_in_dim3A_14 {strides = array<i32>} : memref<2560xf32, #tpu.memory_space<vmem>>, vector<16xf32>,
    %swap3A_380 = arith.constant 976 : index
    %swap3A_381 = tpu.vector_load %arg8[%swap3A_380] {strides = array<i32>} : memref<2560xf32, #tpu.memory_space<vmem>>, vector<16xf32>,
    tpu.vector_store %arg8[%swap3A_380], %broadcast_in_dim3A_14 {strides = array<i32>} : memref<2560xf32, #tpu.memory_space<vmem>>, vector<16xf32>,
    %swap3A_382 = arith.constant 976 : index
    %swap3A_383 = tpu.vector_load %arg9[%swap3A_382] {strides = array<i32>} : memref<2560xf32, #tpu.memory_space<vmem>>, vector<16xf32>,
    tpu.vector_store %arg9[%swap3A_382], %broadcast_in_dim3A_14 {strides = array<i32>} : memref<2560xf32, #tpu.memory_space<vmem>>, vector<16xf32>,
    %swap3A_384 = arith.constant 976 : index
    %swap3A_385 = tpu.vector_load %arg10[%swap3A_384] {strides = array<i32>} : memref<2560xf32, #tpu.memory_space<vmem>>, vector<16xf32>,
    tpu.vector_store %arg10[%swap3A_384], %broadcast_in_dim3A_14 {strides = array<i32>} : memref<2560xf32, #tpu.memory_space<vmem>>, vector<16xf32>,
    %swap3A_386 = arith.constant 992 : index
    %swap3A_387 = tpu.vector_load %arg8[%swap3A_386] {strides = array<i32>} : memref<2560xf32, #tpu.memory_space<vmem>>, vector<16xf32>,
    tpu.vector_store %arg8[%swap3A_386], %broadcast_in_dim3A_14 {strides = array<i32>} : memref<2560xf32, #tpu.memory_space<vmem>>, vector<16xf32>,
    %swap3A_388 = arith.constant 992 : index
    %swap3A_389 = tpu.vector_load %arg9[%swap3A_388] {strides = array<i32>} : memref<2560xf32, #tpu.memory_space<vmem>>, vector<16xf32>,
    tpu.vector_store %arg9[%swap3A_388], %broadcast_in_dim3A_14 {strides = array<i32>} : memref<2560xf32, #tpu.memory_space<vmem>>, vector<16xf32>,
    %swap3A_390 = arith.constant 992 : index
    %swap3A_391 = tpu.vector_load %arg10[%swap3A_390] {strides = array<i32>} : memref<2560xf32, #tpu.memory_space<vmem>>, vector<16xf32>,
    tpu.vector_store %arg10[%swap3A_390], %broadcast_in_dim3A_14 {strides = array<i32>} : memref<2560xf32, #tpu.memory_space<vmem>>, vector<16xf32>,
    %swap3A_392 = arith.constant 1008 : index
    %swap3A_393 = tpu.vector_load %arg8[%swap3A_392] {strides = array<i32>} : memref<2560xf32, #tpu.memory_space<vmem>>, vector<16xf32>,
    tpu.vector_store %arg8[%swap3A_392], %broadcast_in_dim3A_14 {strides = array<i32>} : memref<2560xf32, #tpu.memory_space<vmem>>, vector<16xf32>,
    %swap3A_394 = arith.constant 1008 : index
    %swap3A_395 = tpu.vector_load %arg9[%swap3A_394] {strides = array<i32>} : memref<2560xf32, #tpu.memory_space<vmem>>, vector<16xf32>,
    tpu.vector_store %arg9[%swap3A_394], %broadcast_in_dim3A_14 {strides = array<i32>} : memref<2560xf32, #tpu.memory_space<vmem>>, vector<16xf32>,
    %swap3A_396 = arith.constant 1008 : index
    %swap3A_397 = tpu.vector_load %arg10[%swap3A_396] {strides = array<i32>} : memref<2560xf32, #tpu.memory_space<vmem>>, vector<16xf32>,
    tpu.vector_store %arg10[%swap3A_396], %broadcast_in_dim3A_14 {strides = array<i32>} : memref<2560xf32, #tpu.memory_space<vmem>>, vector<16xf32>,
    %swap3A_398 = arith.constant 1024 : index
    %swap3A_399 = tpu.vector_load %arg8[%swap3A_398] {strides = array<i32>} : memref<2560xf32, #tpu.memory_space<vmem>>, vector<16xf32>,
    tpu.vector_store %arg8[%swap3A_398], %broadcast_in_dim3A_14 {strides = array<i32>} : memref<2560xf32, #tpu.memory_space<vmem>>, vector<16xf32>,
    %swap3A_400 = arith.constant 1024 : index
    %swap3A_401 = tpu.vector_load %arg9[%swap3A_400] {strides = array<i32>} : memref<2560xf32, #tpu.memory_space<vmem>>, vector<16xf32>,
    tpu.vector_store %arg9[%swap3A_400], %broadcast_in_dim3A_14 {strides = array<i32>} : memref<2560xf32, #tpu.memory_space<vmem>>, vector<16xf32>,
    %swap3A_402 = arith.constant 1024 : index
    %swap3A_403 = tpu.vector_load %arg10[%swap3A_402] {strides = array<i32>} : memref<2560xf32, #tpu.memory_space<vmem>>, vector<16xf32>,
    tpu.vector_store %arg10[%swap3A_402], %broadcast_in_dim3A_14 {strides = array<i32>} : memref<2560xf32, #tpu.memory_space<vmem>>, vector<16xf32>,
    %swap3A_404 = arith.constant 1040 : index
    %swap3A_405 = tpu.vector_load %arg8[%swap3A_404] {strides = array<i32>} : memref<2560xf32, #tpu.memory_space<vmem>>, vector<16xf32>,
    tpu.vector_store %arg8[%swap3A_404], %broadcast_in_dim3A_14 {strides = array<i32>} : memref<2560xf32, #tpu.memory_space<vmem>>, vector<16xf32>,
    %swap3A_406 = arith.constant 1040 : index
    %swap3A_407 = tpu.vector_load %arg9[%swap3A_406] {strides = array<i32>} : memref<2560xf32, #tpu.memory_space<vmem>>, vector<16xf32>,
    tpu.vector_store %arg9[%swap3A_406], %broadcast_in_dim3A_14 {strides = array<i32>} : memref<2560xf32, #tpu.memory_space<vmem>>, vector<16xf32>,
    %swap3A_408 = arith.constant 1040 : index
    %swap3A_409 = tpu.vector_load %arg10[%swap3A_408] {strides = array<i32>} : memref<2560xf32, #tpu.memory_space<vmem>>, vector<16xf32>,
    tpu.vector_store %arg10[%swap3A_408], %broadcast_in_dim3A_14 {strides = array<i32>} : memref<2560xf32, #tpu.memory_space<vmem>>, vector<16xf32>,
    %swap3A_410 = arith.constant 1056 : index
    %swap3A_411 = tpu.vector_load %arg8[%swap3A_410] {strides = array<i32>} : memref<2560xf32, #tpu.memory_space<vmem>>, vector<16xf32>,
    tpu.vector_store %arg8[%swap3A_410], %broadcast_in_dim3A_14 {strides = array<i32>} : memref<2560xf32, #tpu.memory_space<vmem>>, vector<16xf32>,
    %swap3A_412 = arith.constant 1056 : index
    %swap3A_413 = tpu.vector_load %arg9[%swap3A_412] {strides = array<i32>} : memref<2560xf32, #tpu.memory_space<vmem>>, vector<16xf32>,
    tpu.vector_store %arg9[%swap3A_412], %broadcast_in_dim3A_14 {strides = array<i32>} : memref<2560xf32, #tpu.memory_space<vmem>>, vector<16xf32>,
    %swap3A_414 = arith.constant 1056 : index
    %swap3A_415 = tpu.vector_load %arg10[%swap3A_414] {strides = array<i32>} : memref<2560xf32, #tpu.memory_space<vmem>>, vector<16xf32>,
    tpu.vector_store %arg10[%swap3A_414], %broadcast_in_dim3A_14 {strides = array<i32>} : memref<2560xf32, #tpu.memory_space<vmem>>, vector<16xf32>,
    %swap3A_416 = arith.constant 1072 : index
    %swap3A_417 = tpu.vector_load %arg8[%swap3A_416] {strides = array<i32>} : memref<2560xf32, #tpu.memory_space<vmem>>, vector<16xf32>,
    tpu.vector_store %arg8[%swap3A_416], %broadcast_in_dim3A_14 {strides = array<i32>} : memref<2560xf32, #tpu.memory_space<vmem>>, vector<16xf32>,
    %swap3A_418 = arith.constant 1072 : index
    %swap3A_419 = tpu.vector_load %arg9[%swap3A_418] {strides = array<i32>} : memref<2560xf32, #tpu.memory_space<vmem>>, vector<16xf32>,
    tpu.vector_store %arg9[%swap3A_418], %broadcast_in_dim3A_14 {strides = array<i32>} : memref<2560xf32, #tpu.memory_space<vmem>>, vector<16xf32>,
    %swap3A_420 = arith.constant 1072 : index
    %swap3A_421 = tpu.vector_load %arg10[%swap3A_420] {strides = array<i32>} : memref<2560xf32, #tpu.memory_space<vmem>>, vector<16xf32>,
    tpu.vector_store %arg10[%swap3A_420], %broadcast_in_dim3A_14 {strides = array<i32>} : memref<2560xf32, #tpu.memory_space<vmem>>, vector<16xf32>,
    %swap3A_422 = arith.constant 1088 : index
    %swap3A_423 = tpu.vector_load %arg8[%swap3A_422] {strides = array<i32>} : memref<2560xf32, #tpu.memory_space<vmem>>, vector<16xf32>,
    tpu.vector_store %arg8[%swap3A_422], %broadcast_in_dim3A_14 {strides = array<i32>} : memref<2560xf32, #tpu.memory_space<vmem>>, vector<16xf32>,
    %swap3A_424 = arith.constant 1088 : index
    %swap3A_425 = tpu.vector_load %arg9[%swap3A_424] {strides = array<i32>} : memref<2560xf32, #tpu.memory_space<vmem>>, vector<16xf32>,
    tpu.vector_store %arg9[%swap3A_424], %broadcast_in_dim3A_14 {strides = array<i32>} : memref<2560xf32, #tpu.memory_space<vmem>>, vector<16xf32>,
    %swap3A_426 = arith.constant 1088 : index
    %swap3A_427 = tpu.vector_load %arg10[%swap3A_426] {strides = array<i32>} : memref<2560xf32, #tpu.memory_space<vmem>>, vector<16xf32>,
    tpu.vector_store %arg10[%swap3A_426], %broadcast_in_dim3A_14 {strides = array<i32>} : memref<2560xf32, #tpu.memory_space<vmem>>, vector<16xf32>,
    %swap3A_428 = arith.constant 1104 : index
    %swap3A_429 = tpu.vector_load %arg8[%swap3A_428] {strides = array<i32>} : memref<2560xf32, #tpu.memory_space<vmem>>, vector<16xf32>,
    tpu.vector_store %arg8[%swap3A_428], %broadcast_in_dim3A_14 {strides = array<i32>} : memref<2560xf32, #tpu.memory_space<vmem>>, vector<16xf32>,
    %swap3A_430 = arith.constant 1104 : index
    %swap3A_431 = tpu.vector_load %arg9[%swap3A_430] {strides = array<i32>} : memref<2560xf32, #tpu.memory_space<vmem>>, vector<16xf32>,
    tpu.vector_store %arg9[%swap3A_430], %broadcast_in_dim3A_14 {strides = array<i32>} : memref<2560xf32, #tpu.memory_space<vmem>>, vector<16xf32>,
    %swap3A_432 = arith.constant 1104 : index
    %swap3A_433 = tpu.vector_load %arg10[%swap3A_432] {strides = array<i32>} : memref<2560xf32, #tpu.memory_space<vmem>>, vector<16xf32>,
    tpu.vector_store %arg10[%swap3A_432], %broadcast_in_dim3A_14 {strides = array<i32>} : memref<2560xf32, #tpu.memory_space<vmem>>, vector<16xf32>,
    %swap3A_434 = arith.constant 1120 : index
    %swap3A_435 = tpu.vector_load %arg8[%swap3A_434] {strides = array<i32>} : memref<2560xf32, #tpu.memory_space<vmem>>, vector<16xf32>,
    tpu.vector_store %arg8[%swap3A_434], %broadcast_in_dim3A_14 {strides = array<i32>} : memref<2560xf32, #tpu.memory_space<vmem>>, vector<16xf32>,
    %swap3A_436 = arith.constant 1120 : index
    %swap3A_437 = tpu.vector_load %arg9[%swap3A_436] {strides = array<i32>} : memref<2560xf32, #tpu.memory_space<vmem>>, vector<16xf32>,
    tpu.vector_store %arg9[%swap3A_436], %broadcast_in_dim3A_14 {strides = array<i32>} : memref<2560xf32, #tpu.memory_space<vmem>>, vector<16xf32>,
    %swap3A_438 = arith.constant 1120 : index
    %swap3A_439 = tpu.vector_load %arg10[%swap3A_438] {strides = array<i32>} : memref<2560xf32, #tpu.memory_space<vmem>>, vector<16xf32>,
    tpu.vector_store %arg10[%swap3A_438], %broadcast_in_dim3A_14 {strides = array<i32>} : memref<2560xf32, #tpu.memory_space<vmem>>, vector<16xf32>,
    %swap3A_440 = arith.constant 1136 : index
    %swap3A_441 = tpu.vector_load %arg8[%swap3A_440] {strides = array<i32>} : memref<2560xf32, #tpu.memory_space<vmem>>, vector<16xf32>,
    tpu.vector_store %arg8[%swap3A_440], %broadcast_in_dim3A_14 {strides = array<i32>} : memref<2560xf32, #tpu.memory_space<vmem>>, vector<16xf32>,
    %swap3A_442 = arith.constant 1136 : index
    %swap3A_443 = tpu.vector_load %arg9[%swap3A_442] {strides = array<i32>} : memref<2560xf32, #tpu.memory_space<vmem>>, vector<16xf32>,
    tpu.vector_store %arg9[%swap3A_442], %broadcast_in_dim3A_14 {strides = array<i32>} : memref<2560xf32, #tpu.memory_space<vmem>>, vector<16xf32>,
    %swap3A_444 = arith.constant 1136 : index
    %swap3A_445 = tpu.vector_load %arg10[%swap3A_444] {strides = array<i32>} : memref<2560xf32, #tpu.memory_space<vmem>>, vector<16xf32>,
    tpu.vector_store %arg10[%swap3A_444], %broadcast_in_dim3A_14 {strides = array<i32>} : memref<2560xf32, #tpu.memory_space<vmem>>, vector<16xf32>,
    %swap3A_446 = arith.constant 1152 : index
    %swap3A_447 = tpu.vector_load %arg8[%swap3A_446] {strides = array<i32>} : memref<2560xf32, #tpu.memory_space<vmem>>, vector<16xf32>,
    tpu.vector_store %arg8[%swap3A_446], %broadcast_in_dim3A_14 {strides = array<i32>} : memref<2560xf32, #tpu.memory_space<vmem>>, vector<16xf32>,
    %swap3A_448 = arith.constant 1152 : index
    %swap3A_449 = tpu.vector_load %arg9[%swap3A_448] {strides = array<i32>} : memref<2560xf32, #tpu.memory_space<vmem>>, vector<16xf32>,
    tpu.vector_store %arg9[%swap3A_448], %broadcast_in_dim3A_14 {strides = array<i32>} : memref<2560xf32, #tpu.memory_space<vmem>>, vector<16xf32>,
    %swap3A_450 = arith.constant 1152 : index
    %swap3A_451 = tpu.vector_load %arg10[%swap3A_450] {strides = array<i32>} : memref<2560xf32, #tpu.memory_space<vmem>>, vector<16xf32>,
    tpu.vector_store %arg10[%swap3A_450], %broadcast_in_dim3A_14 {strides = array<i32>} : memref<2560xf32, #tpu.memory_space<vmem>>, vector<16xf32>,
    %swap3A_452 = arith.constant 1168 : index
    %swap3A_453 = tpu.vector_load %arg8[%swap3A_452] {strides = array<i32>} : memref<2560xf32, #tpu.memory_space<vmem>>, vector<16xf32>,
    tpu.vector_store %arg8[%swap3A_452], %broadcast_in_dim3A_14 {strides = array<i32>} : memref<2560xf32, #tpu.memory_space<vmem>>, vector<16xf32>,
    %swap3A_454 = arith.constant 1168 : index
    %swap3A_455 = tpu.vector_load %arg9[%swap3A_454] {strides = array<i32>} : memref<2560xf32, #tpu.memory_space<vmem>>, vector<16xf32>,
    tpu.vector_store %arg9[%swap3A_454], %broadcast_in_dim3A_14 {strides = array<i32>} : memref<2560xf32, #tpu.memory_space<vmem>>, vector<16xf32>,
    %swap3A_456 = arith.constant 1168 : index
    %swap3A_457 = tpu.vector_load %arg10[%swap3A_456] {strides = array<i32>} : memref<2560xf32, #tpu.memory_space<vmem>>, vector<16xf32>,
    tpu.vector_store %arg10[%swap3A_456], %broadcast_in_dim3A_14 {strides = array<i32>} : memref<2560xf32, #tpu.memory_space<vmem>>, vector<16xf32>,
    %swap3A_458 = arith.constant 1184 : index
    %swap3A_459 = tpu.vector_load %arg8[%swap3A_458] {strides = array<i32>} : memref<2560xf32, #tpu.memory_space<vmem>>, vector<16xf32>,
    tpu.vector_store %arg8[%swap3A_458], %broadcast_in_dim3A_14 {strides = array<i32>} : memref<2560xf32, #tpu.memory_space<vmem>>, vector<16xf32>,
    %swap3A_460 = arith.constant 1184 : index
    %swap3A_461 = tpu.vector_load %arg9[%swap3A_460] {strides = array<i32>} : memref<2560xf32, #tpu.memory_space<vmem>>, vector<16xf32>,
    tpu.vector_store %arg9[%swap3A_460], %broadcast_in_dim3A_14 {strides = array<i32>} : memref<2560xf32, #tpu.memory_space<vmem>>, vector<16xf32>,
    %swap3A_462 = arith.constant 1184 : index
    %swap3A_463 = tpu.vector_load %arg10[%swap3A_462] {strides = array<i32>} : memref<2560xf32, #tpu.memory_space<vmem>>, vector<16xf32>,
    tpu.vector_store %arg10[%swap3A_462], %broadcast_in_dim3A_14 {strides = array<i32>} : memref<2560xf32, #tpu.memory_space<vmem>>, vector<16xf32>,
    %swap3A_464 = arith.constant 1200 : index
    %swap3A_465 = tpu.vector_load %arg8[%swap3A_464] {strides = array<i32>} : memref<2560xf32, #tpu.memory_space<vmem>>, vector<16xf32>,
    tpu.vector_store %arg8[%swap3A_464], %broadcast_in_dim3A_14 {strides = array<i32>} : memref<2560xf32, #tpu.memory_space<vmem>>, vector<16xf32>,
    %swap3A_466 = arith.constant 1200 : index
    %swap3A_467 = tpu.vector_load %arg9[%swap3A_466] {strides = array<i32>} : memref<2560xf32, #tpu.memory_space<vmem>>, vector<16xf32>,
    tpu.vector_store %arg9[%swap3A_466], %broadcast_in_dim3A_14 {strides = array<i32>} : memref<2560xf32, #tpu.memory_space<vmem>>, vector<16xf32>,
    %swap3A_468 = arith.constant 1200 : index
    %swap3A_469 = tpu.vector_load %arg10[%swap3A_468] {strides = array<i32>} : memref<2560xf32, #tpu.memory_space<vmem>>, vector<16xf32>,
    tpu.vector_store %arg10[%swap3A_468], %broadcast_in_dim3A_14 {strides = array<i32>} : memref<2560xf32, #tpu.memory_space<vmem>>, vector<16xf32>,
    %swap3A_470 = arith.constant 1216 : index
    %swap3A_471 = tpu.vector_load %arg8[%swap3A_470] {strides = array<i32>} : memref<2560xf32, #tpu.memory_space<vmem>>, vector<16xf32>,
    tpu.vector_store %arg8[%swap3A_470], %broadcast_in_dim3A_14 {strides = array<i32>} : memref<2560xf32, #tpu.memory_space<vmem>>, vector<16xf32>,
    %swap3A_472 = arith.constant 1216 : index
    %swap3A_473 = tpu.vector_load %arg9[%swap3A_472] {strides = array<i32>} : memref<2560xf32, #tpu.memory_space<vmem>>, vector<16xf32>,
    tpu.vector_store %arg9[%swap3A_472], %broadcast_in_dim3A_14 {strides = array<i32>} : memref<2560xf32, #tpu.memory_space<vmem>>, vector<16xf32>,
    %swap3A_474 = arith.constant 1216 : index
    %swap3A_475 = tpu.vector_load %arg10[%swap3A_474] {strides = array<i32>} : memref<2560xf32, #tpu.memory_space<vmem>>, vector<16xf32>,
    tpu.vector_store %arg10[%swap3A_474], %broadcast_in_dim3A_14 {strides = array<i32>} : memref<2560xf32, #tpu.memory_space<vmem>>, vector<16xf32>,
    %swap3A_476 = arith.constant 1232 : index
    %swap3A_477 = tpu.vector_load %arg8[%swap3A_476] {strides = array<i32>} : memref<2560xf32, #tpu.memory_space<vmem>>, vector<16xf32>,
    tpu.vector_store %arg8[%swap3A_476], %broadcast_in_dim3A_14 {strides = array<i32>} : memref<2560xf32, #tpu.memory_space<vmem>>, vector<16xf32>,
    %swap3A_478 = arith.constant 1232 : index
    %swap3A_479 = tpu.vector_load %arg9[%swap3A_478] {strides = array<i32>} : memref<2560xf32, #tpu.memory_space<vmem>>, vector<16xf32>,
    tpu.vector_store %arg9[%swap3A_478], %broadcast_in_dim3A_14 {strides = array<i32>} : memref<2560xf32, #tpu.memory_space<vmem>>, vector<16xf32>,
    %swap3A_480 = arith.constant 1232 : index
    %swap3A_481 = tpu.vector_load %arg10[%swap3A_480] {strides = array<i32>} : memref<2560xf32, #tpu.memory_space<vmem>>, vector<16xf32>,
    tpu.vector_store %arg10[%swap3A_480], %broadcast_in_dim3A_14 {strides = array<i32>} : memref<2560xf32, #tpu.memory_space<vmem>>, vector<16xf32>,
    %swap3A_482 = arith.constant 1248 : index
    %swap3A_483 = tpu.vector_load %arg8[%swap3A_482] {strides = array<i32>} : memref<2560xf32, #tpu.memory_space<vmem>>, vector<16xf32>,
    tpu.vector_store %arg8[%swap3A_482], %broadcast_in_dim3A_14 {strides = array<i32>} : memref<2560xf32, #tpu.memory_space<vmem>>, vector<16xf32>,
    %swap3A_484 = arith.constant 1248 : index
    %swap3A_485 = tpu.vector_load %arg9[%swap3A_484] {strides = array<i32>} : memref<2560xf32, #tpu.memory_space<vmem>>, vector<16xf32>,
    tpu.vector_store %arg9[%swap3A_484], %broadcast_in_dim3A_14 {strides = array<i32>} : memref<2560xf32, #tpu.memory_space<vmem>>, vector<16xf32>,
    %swap3A_486 = arith.constant 1248 : index
    %swap3A_487 = tpu.vector_load %arg10[%swap3A_486] {strides = array<i32>} : memref<2560xf32, #tpu.memory_space<vmem>>, vector<16xf32>,
    tpu.vector_store %arg10[%swap3A_486], %broadcast_in_dim3A_14 {strides = array<i32>} : memref<2560xf32, #tpu.memory_space<vmem>>, vector<16xf32>,
    %swap3A_488 = arith.constant 1264 : index
    %swap3A_489 = tpu.vector_load %arg8[%swap3A_488] {strides = array<i32>} : memref<2560xf32, #tpu.memory_space<vmem>>, vector<16xf32>,
    tpu.vector_store %arg8[%swap3A_488], %broadcast_in_dim3A_14 {strides = array<i32>} : memref<2560xf32, #tpu.memory_space<vmem>>, vector<16xf32>,
    %swap3A_490 = arith.constant 1264 : index
    %swap3A_491 = tpu.vector_load %arg9[%swap3A_490] {strides = array<i32>} : memref<2560xf32, #tpu.memory_space<vmem>>, vector<16xf32>,
    tpu.vector_store %arg9[%swap3A_490], %broadcast_in_dim3A_14 {strides = array<i32>} : memref<2560xf32, #tpu.memory_space<vmem>>, vector<16xf32>,
    %swap3A_492 = arith.constant 1264 : index
    %swap3A_493 = tpu.vector_load %arg10[%swap3A_492] {strides = array<i32>} : memref<2560xf32, #tpu.memory_space<vmem>>, vector<16xf32>,
    tpu.vector_store %arg10[%swap3A_492], %broadcast_in_dim3A_14 {strides = array<i32>} : memref<2560xf32, #tpu.memory_space<vmem>>, vector<16xf32>,
    %swap3A_494 = arith.constant 1280 : index
    %swap3A_495 = tpu.vector_load %arg8[%swap3A_494] {strides = array<i32>} : memref<2560xf32, #tpu.memory_space<vmem>>, vector<16xf32>,
    tpu.vector_store %arg8[%swap3A_494], %broadcast_in_dim3A_14 {strides = array<i32>} : memref<2560xf32, #tpu.memory_space<vmem>>, vector<16xf32>,
    %swap3A_496 = arith.constant 1280 : index
    %swap3A_497 = tpu.vector_load %arg9[%swap3A_496] {strides = array<i32>} : memref<2560xf32, #tpu.memory_space<vmem>>, vector<16xf32>,
    tpu.vector_store %arg9[%swap3A_496], %broadcast_in_dim3A_14 {strides = array<i32>} : memref<2560xf32, #tpu.memory_space<vmem>>, vector<16xf32>,
    %swap3A_498 = arith.constant 1280 : index
    %swap3A_499 = tpu.vector_load %arg10[%swap3A_498] {strides = array<i32>} : memref<2560xf32, #tpu.memory_space<vmem>>, vector<16xf32>,
    tpu.vector_store %arg10[%swap3A_498], %broadcast_in_dim3A_14 {strides = array<i32>} : memref<2560xf32, #tpu.memory_space<vmem>>, vector<16xf32>,
    %swap3A_500 = arith.constant 1296 : index
    %swap3A_501 = tpu.vector_load %arg8[%swap3A_500] {strides = array<i32>} : memref<2560xf32, #tpu.memory_space<vmem>>, vector<16xf32>,
    tpu.vector_store %arg8[%swap3A_500], %broadcast_in_dim3A_14 {strides = array<i32>} : memref<2560xf32, #tpu.memory_space<vmem>>, vector<16xf32>,
    %swap3A_502 = arith.constant 1296 : index
    %swap3A_503 = tpu.vector_load %arg9[%swap3A_502] {strides = array<i32>} : memref<2560xf32, #tpu.memory_space<vmem>>, vector<16xf32>,
    tpu.vector_store %arg9[%swap3A_502], %broadcast_in_dim3A_14 {strides = array<i32>} : memref<2560xf32, #tpu.memory_space<vmem>>, vector<16xf32>,
    %swap3A_504 = arith.constant 1296 : index
    %swap3A_505 = tpu.vector_load %arg10[%swap3A_504] {strides = array<i32>} : memref<2560xf32, #tpu.memory_space<vmem>>, vector<16xf32>,
    tpu.vector_store %arg10[%swap3A_504], %broadcast_in_dim3A_14 {strides = array<i32>} : memref<2560xf32, #tpu.memory_space<vmem>>, vector<16xf32>,
    %swap3A_506 = arith.constant 1312 : index
    %swap3A_507 = tpu.vector_load %arg8[%swap3A_506] {strides = array<i32>} : memref<2560xf32, #tpu.memory_space<vmem>>, vector<16xf32>,
    tpu.vector_store %arg8[%swap3A_506], %broadcast_in_dim3A_14 {strides = array<i32>} : memref<2560xf32, #tpu.memory_space<vmem>>, vector<16xf32>,
    %swap3A_508 = arith.constant 1312 : index
    %swap3A_509 = tpu.vector_load %arg9[%swap3A_508] {strides = array<i32>} : memref<2560xf32, #tpu.memory_space<vmem>>, vector<16xf32>,
    tpu.vector_store %arg9[%swap3A_508], %broadcast_in_dim3A_14 {strides = array<i32>} : memref<2560xf32, #tpu.memory_space<vmem>>, vector<16xf32>,
    %swap3A_510 = arith.constant 1312 : index
    %swap3A_511 = tpu.vector_load %arg10[%swap3A_510] {strides = array<i32>} : memref<2560xf32, #tpu.memory_space<vmem>>, vector<16xf32>,
    tpu.vector_store %arg10[%swap3A_510], %broadcast_in_dim3A_14 {strides = array<i32>} : memref<2560xf32, #tpu.memory_space<vmem>>, vector<16xf32>,
    %swap3A_512 = arith.constant 1328 : index
    %swap3A_513 = tpu.vector_load %arg8[%swap3A_512] {strides = array<i32>} : memref<2560xf32, #tpu.memory_space<vmem>>, vector<16xf32>,
    tpu.vector_store %arg8[%swap3A_512], %broadcast_in_dim3A_14 {strides = array<i32>} : memref<2560xf32, #tpu.memory_space<vmem>>, vector<16xf32>,
    %swap3A_514 = arith.constant 1328 : index
    %swap3A_515 = tpu.vector_load %arg9[%swap3A_514] {strides = array<i32>} : memref<2560xf32, #tpu.memory_space<vmem>>, vector<16xf32>,
    tpu.vector_store %arg9[%swap3A_514], %broadcast_in_dim3A_14 {strides = array<i32>} : memref<2560xf32, #tpu.memory_space<vmem>>, vector<16xf32>,
    %swap3A_516 = arith.constant 1328 : index
    %swap3A_517 = tpu.vector_load %arg10[%swap3A_516] {strides = array<i32>} : memref<2560xf32, #tpu.memory_space<vmem>>, vector<16xf32>,
    tpu.vector_store %arg10[%swap3A_516], %broadcast_in_dim3A_14 {strides = array<i32>} : memref<2560xf32, #tpu.memory_space<vmem>>, vector<16xf32>,
    %swap3A_518 = arith.constant 1344 : index
    %swap3A_519 = tpu.vector_load %arg8[%swap3A_518] {strides = array<i32>} : memref<2560xf32, #tpu.memory_space<vmem>>, vector<16xf32>,
    tpu.vector_store %arg8[%swap3A_518], %broadcast_in_dim3A_14 {strides = array<i32>} : memref<2560xf32, #tpu.memory_space<vmem>>, vector<16xf32>,
    %swap3A_520 = arith.constant 1344 : index
    %swap3A_521 = tpu.vector_load %arg9[%swap3A_520] {strides = array<i32>} : memref<2560xf32, #tpu.memory_space<vmem>>, vector<16xf32>,
    tpu.vector_store %arg9[%swap3A_520], %broadcast_in_dim3A_14 {strides = array<i32>} : memref<2560xf32, #tpu.memory_space<vmem>>, vector<16xf32>,
    %swap3A_522 = arith.constant 1344 : index
    %swap3A_523 = tpu.vector_load %arg10[%swap3A_522] {strides = array<i32>} : memref<2560xf32, #tpu.memory_space<vmem>>, vector<16xf32>,
    tpu.vector_store %arg10[%swap3A_522], %broadcast_in_dim3A_14 {strides = array<i32>} : memref<2560xf32, #tpu.memory_space<vmem>>, vector<16xf32>,
    %swap3A_524 = arith.constant 1360 : index
    %swap3A_525 = tpu.vector_load %arg8[%swap3A_524] {strides = array<i32>} : memref<2560xf32, #tpu.memory_space<vmem>>, vector<16xf32>,
    tpu.vector_store %arg8[%swap3A_524], %broadcast_in_dim3A_14 {strides = array<i32>} : memref<2560xf32, #tpu.memory_space<vmem>>, vector<16xf32>,
    %swap3A_526 = arith.constant 1360 : index
    %swap3A_527 = tpu.vector_load %arg9[%swap3A_526] {strides = array<i32>} : memref<2560xf32, #tpu.memory_space<vmem>>, vector<16xf32>,
    tpu.vector_store %arg9[%swap3A_526], %broadcast_in_dim3A_14 {strides = array<i32>} : memref<2560xf32, #tpu.memory_space<vmem>>, vector<16xf32>,
    %swap3A_528 = arith.constant 1360 : index
    %swap3A_529 = tpu.vector_load %arg10[%swap3A_528] {strides = array<i32>} : memref<2560xf32, #tpu.memory_space<vmem>>, vector<16xf32>,
    tpu.vector_store %arg10[%swap3A_528], %broadcast_in_dim3A_14 {strides = array<i32>} : memref<2560xf32, #tpu.memory_space<vmem>>, vector<16xf32>,
    %swap3A_530 = arith.constant 1376 : index
    %swap3A_531 = tpu.vector_load %arg8[%swap3A_530] {strides = array<i32>} : memref<2560xf32, #tpu.memory_space<vmem>>, vector<16xf32>,
    tpu.vector_store %arg8[%swap3A_530], %broadcast_in_dim3A_14 {strides = array<i32>} : memref<2560xf32, #tpu.memory_space<vmem>>, vector<16xf32>,
    %swap3A_532 = arith.constant 1376 : index
    %swap3A_533 = tpu.vector_load %arg9[%swap3A_532] {strides = array<i32>} : memref<2560xf32, #tpu.memory_space<vmem>>, vector<16xf32>,
    tpu.vector_store %arg9[%swap3A_532], %broadcast_in_dim3A_14 {strides = array<i32>} : memref<2560xf32, #tpu.memory_space<vmem>>, vector<16xf32>,
    %swap3A_534 = arith.constant 1376 : index
    %swap3A_535 = tpu.vector_load %arg10[%swap3A_534] {strides = array<i32>} : memref<2560xf32, #tpu.memory_space<vmem>>, vector<16xf32>,
    tpu.vector_store %arg10[%swap3A_534], %broadcast_in_dim3A_14 {strides = array<i32>} : memref<2560xf32, #tpu.memory_space<vmem>>, vector<16xf32>,
    %swap3A_536 = arith.constant 1392 : index
    %swap3A_537 = tpu.vector_load %arg8[%swap3A_536] {strides = array<i32>} : memref<2560xf32, #tpu.memory_space<vmem>>, vector<16xf32>,
    tpu.vector_store %arg8[%swap3A_536], %broadcast_in_dim3A_14 {strides = array<i32>} : memref<2560xf32, #tpu.memory_space<vmem>>, vector<16xf32>,
    %swap3A_538 = arith.constant 1392 : index
    %swap3A_539 = tpu.vector_load %arg9[%swap3A_538] {strides = array<i32>} : memref<2560xf32, #tpu.memory_space<vmem>>, vector<16xf32>,
    tpu.vector_store %arg9[%swap3A_538], %broadcast_in_dim3A_14 {strides = array<i32>} : memref<2560xf32, #tpu.memory_space<vmem>>, vector<16xf32>,
    %swap3A_540 = arith.constant 1392 : index
    %swap3A_541 = tpu.vector_load %arg10[%swap3A_540] {strides = array<i32>} : memref<2560xf32, #tpu.memory_space<vmem>>, vector<16xf32>,
    tpu.vector_store %arg10[%swap3A_540], %broadcast_in_dim3A_14 {strides = array<i32>} : memref<2560xf32, #tpu.memory_space<vmem>>, vector<16xf32>,
    %swap3A_542 = arith.constant 1408 : index
    %swap3A_543 = tpu.vector_load %arg8[%swap3A_542] {strides = array<i32>} : memref<2560xf32, #tpu.memory_space<vmem>>, vector<16xf32>,
    tpu.vector_store %arg8[%swap3A_542], %broadcast_in_dim3A_14 {strides = array<i32>} : memref<2560xf32, #tpu.memory_space<vmem>>, vector<16xf32>,
    %swap3A_544 = arith.constant 1408 : index
    %swap3A_545 = tpu.vector_load %arg9[%swap3A_544] {strides = array<i32>} : memref<2560xf32, #tpu.memory_space<vmem>>, vector<16xf32>,
    tpu.vector_store %arg9[%swap3A_544], %broadcast_in_dim3A_14 {strides = array<i32>} : memref<2560xf32, #tpu.memory_space<vmem>>, vector<16xf32>,
    %swap3A_546 = arith.constant 1408 : index
    %swap3A_547 = tpu.vector_load %arg10[%swap3A_546] {strides = array<i32>} : memref<2560xf32, #tpu.memory_space<vmem>>, vector<16xf32>,
    tpu.vector_store %arg10[%swap3A_546], %broadcast_in_dim3A_14 {strides = array<i32>} : memref<2560xf32, #tpu.memory_space<vmem>>, vector<16xf32>,
    %swap3A_548 = arith.constant 1424 : index
    %swap3A_549 = tpu.vector_load %arg8[%swap3A_548] {strides = array<i32>} : memref<2560xf32, #tpu.memory_space<vmem>>, vector<16xf32>,
    tpu.vector_store %arg8[%swap3A_548], %broadcast_in_dim3A_14 {strides = array<i32>} : memref<2560xf32, #tpu.memory_space<vmem>>, vector<16xf32>,
    %swap3A_550 = arith.constant 1424 : index
    %swap3A_551 = tpu.vector_load %arg9[%swap3A_550] {strides = array<i32>} : memref<2560xf32, #tpu.memory_space<vmem>>, vector<16xf32>,
    tpu.vector_store %arg9[%swap3A_550], %broadcast_in_dim3A_14 {strides = array<i32>} : memref<2560xf32, #tpu.memory_space<vmem>>, vector<16xf32>,
    %swap3A_552 = arith.constant 1424 : index
    %swap3A_553 = tpu.vector_load %arg10[%swap3A_552] {strides = array<i32>} : memref<2560xf32, #tpu.memory_space<vmem>>, vector<16xf32>,
    tpu.vector_store %arg10[%swap3A_552], %broadcast_in_dim3A_14 {strides = array<i32>} : memref<2560xf32, #tpu.memory_space<vmem>>, vector<16xf32>,
    %swap3A_554 = arith.constant 1440 : index
    %swap3A_555 = tpu.vector_load %arg8[%swap3A_554] {strides = array<i32>} : memref<2560xf32, #tpu.memory_space<vmem>>, vector<16xf32>,
    tpu.vector_store %arg8[%swap3A_554], %broadcast_in_dim3A_14 {strides = array<i32>} : memref<2560xf32, #tpu.memory_space<vmem>>, vector<16xf32>,
    %swap3A_556 = arith.constant 1440 : index
    %swap3A_557 = tpu.vector_load %arg9[%swap3A_556] {strides = array<i32>} : memref<2560xf32, #tpu.memory_space<vmem>>, vector<16xf32>,
    tpu.vector_store %arg9[%swap3A_556], %broadcast_in_dim3A_14 {strides = array<i32>} : memref<2560xf32, #tpu.memory_space<vmem>>, vector<16xf32>,
    %swap3A_558 = arith.constant 1440 : index
    %swap3A_559 = tpu.vector_load %arg10[%swap3A_558] {strides = array<i32>} : memref<2560xf32, #tpu.memory_space<vmem>>, vector<16xf32>,
    tpu.vector_store %arg10[%swap3A_558], %broadcast_in_dim3A_14 {strides = array<i32>} : memref<2560xf32, #tpu.memory_space<vmem>>, vector<16xf32>,
    %swap3A_560 = arith.constant 1456 : index
    %swap3A_561 = tpu.vector_load %arg8[%swap3A_560] {strides = array<i32>} : memref<2560xf32, #tpu.memory_space<vmem>>, vector<16xf32>,
    tpu.vector_store %arg8[%swap3A_560], %broadcast_in_dim3A_14 {strides = array<i32>} : memref<2560xf32, #tpu.memory_space<vmem>>, vector<16xf32>,
    %swap3A_562 = arith.constant 1456 : index
    %swap3A_563 = tpu.vector_load %arg9[%swap3A_562] {strides = array<i32>} : memref<2560xf32, #tpu.memory_space<vmem>>, vector<16xf32>,
    tpu.vector_store %arg9[%swap3A_562], %broadcast_in_dim3A_14 {strides = array<i32>} : memref<2560xf32, #tpu.memory_space<vmem>>, vector<16xf32>,
    %swap3A_564 = arith.constant 1456 : index
    %swap3A_565 = tpu.vector_load %arg10[%swap3A_564] {strides = array<i32>} : memref<2560xf32, #tpu.memory_space<vmem>>, vector<16xf32>,
    tpu.vector_store %arg10[%swap3A_564], %broadcast_in_dim3A_14 {strides = array<i32>} : memref<2560xf32, #tpu.memory_space<vmem>>, vector<16xf32>,
    %swap3A_566 = arith.constant 1472 : index
    %swap3A_567 = tpu.vector_load %arg8[%swap3A_566] {strides = array<i32>} : memref<2560xf32, #tpu.memory_space<vmem>>, vector<16xf32>,
    tpu.vector_store %arg8[%swap3A_566], %broadcast_in_dim3A_14 {strides = array<i32>} : memref<2560xf32, #tpu.memory_space<vmem>>, vector<16xf32>,
    %swap3A_568 = arith.constant 1472 : index
    %swap3A_569 = tpu.vector_load %arg9[%swap3A_568] {strides = array<i32>} : memref<2560xf32, #tpu.memory_space<vmem>>, vector<16xf32>,
    tpu.vector_store %arg9[%swap3A_568], %broadcast_in_dim3A_14 {strides = array<i32>} : memref<2560xf32, #tpu.memory_space<vmem>>, vector<16xf32>,
    %swap3A_570 = arith.constant 1472 : index
    %swap3A_571 = tpu.vector_load %arg10[%swap3A_570] {strides = array<i32>} : memref<2560xf32, #tpu.memory_space<vmem>>, vector<16xf32>,
    tpu.vector_store %arg10[%swap3A_570], %broadcast_in_dim3A_14 {strides = array<i32>} : memref<2560xf32, #tpu.memory_space<vmem>>, vector<16xf32>,
    %swap3A_572 = arith.constant 1488 : index
    %swap3A_573 = tpu.vector_load %arg8[%swap3A_572] {strides = array<i32>} : memref<2560xf32, #tpu.memory_space<vmem>>, vector<16xf32>,
    tpu.vector_store %arg8[%swap3A_572], %broadcast_in_dim3A_14 {strides = array<i32>} : memref<2560xf32, #tpu.memory_space<vmem>>, vector<16xf32>,
    %swap3A_574 = arith.constant 1488 : index
    %swap3A_575 = tpu.vector_load %arg9[%swap3A_574] {strides = array<i32>} : memref<2560xf32, #tpu.memory_space<vmem>>, vector<16xf32>,
    tpu.vector_store %arg9[%swap3A_574], %broadcast_in_dim3A_14 {strides = array<i32>} : memref<2560xf32, #tpu.memory_space<vmem>>, vector<16xf32>,
    %swap3A_576 = arith.constant 1488 : index
    %swap3A_577 = tpu.vector_load %arg10[%swap3A_576] {strides = array<i32>} : memref<2560xf32, #tpu.memory_space<vmem>>, vector<16xf32>,
    tpu.vector_store %arg10[%swap3A_576], %broadcast_in_dim3A_14 {strides = array<i32>} : memref<2560xf32, #tpu.memory_space<vmem>>, vector<16xf32>,
    %swap3A_578 = arith.constant 1504 : index
    %swap3A_579 = tpu.vector_load %arg8[%swap3A_578] {strides = array<i32>} : memref<2560xf32, #tpu.memory_space<vmem>>, vector<16xf32>,
    tpu.vector_store %arg8[%swap3A_578], %broadcast_in_dim3A_14 {strides = array<i32>} : memref<2560xf32, #tpu.memory_space<vmem>>, vector<16xf32>,
    %swap3A_580 = arith.constant 1504 : index
    %swap3A_581 = tpu.vector_load %arg9[%swap3A_580] {strides = array<i32>} : memref<2560xf32, #tpu.memory_space<vmem>>, vector<16xf32>,
    tpu.vector_store %arg9[%swap3A_580], %broadcast_in_dim3A_14 {strides = array<i32>} : memref<2560xf32, #tpu.memory_space<vmem>>, vector<16xf32>,
    %swap3A_582 = arith.constant 1504 : index
    %swap3A_583 = tpu.vector_load %arg10[%swap3A_582] {strides = array<i32>} : memref<2560xf32, #tpu.memory_space<vmem>>, vector<16xf32>,
    tpu.vector_store %arg10[%swap3A_582], %broadcast_in_dim3A_14 {strides = array<i32>} : memref<2560xf32, #tpu.memory_space<vmem>>, vector<16xf32>,
    %swap3A_584 = arith.constant 1520 : index
    %swap3A_585 = tpu.vector_load %arg8[%swap3A_584] {strides = array<i32>} : memref<2560xf32, #tpu.memory_space<vmem>>, vector<16xf32>,
    tpu.vector_store %arg8[%swap3A_584], %broadcast_in_dim3A_14 {strides = array<i32>} : memref<2560xf32, #tpu.memory_space<vmem>>, vector<16xf32>,
    %swap3A_586 = arith.constant 1520 : index
    %swap3A_587 = tpu.vector_load %arg9[%swap3A_586] {strides = array<i32>} : memref<2560xf32, #tpu.memory_space<vmem>>, vector<16xf32>,
    tpu.vector_store %arg9[%swap3A_586], %broadcast_in_dim3A_14 {strides = array<i32>} : memref<2560xf32, #tpu.memory_space<vmem>>, vector<16xf32>,
    %swap3A_588 = arith.constant 1520 : index
    %swap3A_589 = tpu.vector_load %arg10[%swap3A_588] {strides = array<i32>} : memref<2560xf32, #tpu.memory_space<vmem>>, vector<16xf32>,
    tpu.vector_store %arg10[%swap3A_588], %broadcast_in_dim3A_14 {strides = array<i32>} : memref<2560xf32, #tpu.memory_space<vmem>>, vector<16xf32>,
    %swap3A_590 = arith.constant 1536 : index
    %swap3A_591 = tpu.vector_load %arg8[%swap3A_590] {strides = array<i32>} : memref<2560xf32, #tpu.memory_space<vmem>>, vector<16xf32>,
    tpu.vector_store %arg8[%swap3A_590], %broadcast_in_dim3A_14 {strides = array<i32>} : memref<2560xf32, #tpu.memory_space<vmem>>, vector<16xf32>,
    %swap3A_592 = arith.constant 1536 : index
    %swap3A_593 = tpu.vector_load %arg9[%swap3A_592] {strides = array<i32>} : memref<2560xf32, #tpu.memory_space<vmem>>, vector<16xf32>,
    tpu.vector_store %arg9[%swap3A_592], %broadcast_in_dim3A_14 {strides = array<i32>} : memref<2560xf32, #tpu.memory_space<vmem>>, vector<16xf32>,
    %swap3A_594 = arith.constant 1536 : index
    %swap3A_595 = tpu.vector_load %arg10[%swap3A_594] {strides = array<i32>} : memref<2560xf32, #tpu.memory_space<vmem>>, vector<16xf32>,
    tpu.vector_store %arg10[%swap3A_594], %broadcast_in_dim3A_14 {strides = array<i32>} : memref<2560xf32, #tpu.memory_space<vmem>>, vector<16xf32>,
    %swap3A_596 = arith.constant 1552 : index
    %swap3A_597 = tpu.vector_load %arg8[%swap3A_596] {strides = array<i32>} : memref<2560xf32, #tpu.memory_space<vmem>>, vector<16xf32>,
    tpu.vector_store %arg8[%swap3A_596], %broadcast_in_dim3A_14 {strides = array<i32>} : memref<2560xf32, #tpu.memory_space<vmem>>, vector<16xf32>,
    %swap3A_598 = arith.constant 1552 : index
    %swap3A_599 = tpu.vector_load %arg9[%swap3A_598] {strides = array<i32>} : memref<2560xf32, #tpu.memory_space<vmem>>, vector<16xf32>,
    tpu.vector_store %arg9[%swap3A_598], %broadcast_in_dim3A_14 {strides = array<i32>} : memref<2560xf32, #tpu.memory_space<vmem>>, vector<16xf32>,
    %swap3A_600 = arith.constant 1552 : index
    %swap3A_601 = tpu.vector_load %arg10[%swap3A_600] {strides = array<i32>} : memref<2560xf32, #tpu.memory_space<vmem>>, vector<16xf32>,
    tpu.vector_store %arg10[%swap3A_600], %broadcast_in_dim3A_14 {strides = array<i32>} : memref<2560xf32, #tpu.memory_space<vmem>>, vector<16xf32>,
    %swap3A_602 = arith.constant 1568 : index
    %swap3A_603 = tpu.vector_load %arg8[%swap3A_602] {strides = array<i32>} : memref<2560xf32, #tpu.memory_space<vmem>>, vector<16xf32>,
    tpu.vector_store %arg8[%swap3A_602], %broadcast_in_dim3A_14 {strides = array<i32>} : memref<2560xf32, #tpu.memory_space<vmem>>, vector<16xf32>,
    %swap3A_604 = arith.constant 1568 : index
    %swap3A_605 = tpu.vector_load %arg9[%swap3A_604] {strides = array<i32>} : memref<2560xf32, #tpu.memory_space<vmem>>, vector<16xf32>,
    tpu.vector_store %arg9[%swap3A_604], %broadcast_in_dim3A_14 {strides = array<i32>} : memref<2560xf32, #tpu.memory_space<vmem>>, vector<16xf32>,
    %swap3A_606 = arith.constant 1568 : index
    %swap3A_607 = tpu.vector_load %arg10[%swap3A_606] {strides = array<i32>} : memref<2560xf32, #tpu.memory_space<vmem>>, vector<16xf32>,
    tpu.vector_store %arg10[%swap3A_606], %broadcast_in_dim3A_14 {strides = array<i32>} : memref<2560xf32, #tpu.memory_space<vmem>>, vector<16xf32>,
    %swap3A_608 = arith.constant 1584 : index
    %swap3A_609 = tpu.vector_load %arg8[%swap3A_608] {strides = array<i32>} : memref<2560xf32, #tpu.memory_space<vmem>>, vector<16xf32>,
    tpu.vector_store %arg8[%swap3A_608], %broadcast_in_dim3A_14 {strides = array<i32>} : memref<2560xf32, #tpu.memory_space<vmem>>, vector<16xf32>,
    %swap3A_610 = arith.constant 1584 : index
    %swap3A_611 = tpu.vector_load %arg9[%swap3A_610] {strides = array<i32>} : memref<2560xf32, #tpu.memory_space<vmem>>, vector<16xf32>,
    tpu.vector_store %arg9[%swap3A_610], %broadcast_in_dim3A_14 {strides = array<i32>} : memref<2560xf32, #tpu.memory_space<vmem>>, vector<16xf32>,
    %swap3A_612 = arith.constant 1584 : index
    %swap3A_613 = tpu.vector_load %arg10[%swap3A_612] {strides = array<i32>} : memref<2560xf32, #tpu.memory_space<vmem>>, vector<16xf32>,
    tpu.vector_store %arg10[%swap3A_612], %broadcast_in_dim3A_14 {strides = array<i32>} : memref<2560xf32, #tpu.memory_space<vmem>>, vector<16xf32>,
    %swap3A_614 = arith.constant 1600 : index
    %swap3A_615 = tpu.vector_load %arg8[%swap3A_614] {strides = array<i32>} : memref<2560xf32, #tpu.memory_space<vmem>>, vector<16xf32>,
    tpu.vector_store %arg8[%swap3A_614], %broadcast_in_dim3A_14 {strides = array<i32>} : memref<2560xf32, #tpu.memory_space<vmem>>, vector<16xf32>,
    %swap3A_616 = arith.constant 1600 : index
    %swap3A_617 = tpu.vector_load %arg9[%swap3A_616] {strides = array<i32>} : memref<2560xf32, #tpu.memory_space<vmem>>, vector<16xf32>,
    tpu.vector_store %arg9[%swap3A_616], %broadcast_in_dim3A_14 {strides = array<i32>} : memref<2560xf32, #tpu.memory_space<vmem>>, vector<16xf32>,
    %swap3A_618 = arith.constant 1600 : index
    %swap3A_619 = tpu.vector_load %arg10[%swap3A_618] {strides = array<i32>} : memref<2560xf32, #tpu.memory_space<vmem>>, vector<16xf32>,
    tpu.vector_store %arg10[%swap3A_618], %broadcast_in_dim3A_14 {strides = array<i32>} : memref<2560xf32, #tpu.memory_space<vmem>>, vector<16xf32>,
    %swap3A_620 = arith.constant 1616 : index
    %swap3A_621 = tpu.vector_load %arg8[%swap3A_620] {strides = array<i32>} : memref<2560xf32, #tpu.memory_space<vmem>>, vector<16xf32>,
    tpu.vector_store %arg8[%swap3A_620], %broadcast_in_dim3A_14 {strides = array<i32>} : memref<2560xf32, #tpu.memory_space<vmem>>, vector<16xf32>,
    %swap3A_622 = arith.constant 1616 : index
    %swap3A_623 = tpu.vector_load %arg9[%swap3A_622] {strides = array<i32>} : memref<2560xf32, #tpu.memory_space<vmem>>, vector<16xf32>,
    tpu.vector_store %arg9[%swap3A_622], %broadcast_in_dim3A_14 {strides = array<i32>} : memref<2560xf32, #tpu.memory_space<vmem>>, vector<16xf32>,
    %swap3A_624 = arith.constant 1616 : index
    %swap3A_625 = tpu.vector_load %arg10[%swap3A_624] {strides = array<i32>} : memref<2560xf32, #tpu.memory_space<vmem>>, vector<16xf32>,
    tpu.vector_store %arg10[%swap3A_624], %broadcast_in_dim3A_14 {strides = array<i32>} : memref<2560xf32, #tpu.memory_space<vmem>>, vector<16xf32>,
    %swap3A_626 = arith.constant 1632 : index
    %swap3A_627 = tpu.vector_load %arg8[%swap3A_626] {strides = array<i32>} : memref<2560xf32, #tpu.memory_space<vmem>>, vector<16xf32>,
    tpu.vector_store %arg8[%swap3A_626], %broadcast_in_dim3A_14 {strides = array<i32>} : memref<2560xf32, #tpu.memory_space<vmem>>, vector<16xf32>,
    %swap3A_628 = arith.constant 1632 : index
    %swap3A_629 = tpu.vector_load %arg9[%swap3A_628] {strides = array<i32>} : memref<2560xf32, #tpu.memory_space<vmem>>, vector<16xf32>,
    tpu.vector_store %arg9[%swap3A_628], %broadcast_in_dim3A_14 {strides = array<i32>} : memref<2560xf32, #tpu.memory_space<vmem>>, vector<16xf32>,
    %swap3A_630 = arith.constant 1632 : index
    %swap3A_631 = tpu.vector_load %arg10[%swap3A_630] {strides = array<i32>} : memref<2560xf32, #tpu.memory_space<vmem>>, vector<16xf32>,
    tpu.vector_store %arg10[%swap3A_630], %broadcast_in_dim3A_14 {strides = array<i32>} : memref<2560xf32, #tpu.memory_space<vmem>>, vector<16xf32>,
    %swap3A_632 = arith.constant 1648 : index
    %swap3A_633 = tpu.vector_load %arg8[%swap3A_632] {strides = array<i32>} : memref<2560xf32, #tpu.memory_space<vmem>>, vector<16xf32>,
    tpu.vector_store %arg8[%swap3A_632], %broadcast_in_dim3A_14 {strides = array<i32>} : memref<2560xf32, #tpu.memory_space<vmem>>, vector<16xf32>,
    %swap3A_634 = arith.constant 1648 : index
    %swap3A_635 = tpu.vector_load %arg9[%swap3A_634] {strides = array<i32>} : memref<2560xf32, #tpu.memory_space<vmem>>, vector<16xf32>,
    tpu.vector_store %arg9[%swap3A_634], %broadcast_in_dim3A_14 {strides = array<i32>} : memref<2560xf32, #tpu.memory_space<vmem>>, vector<16xf32>,
    %swap3A_636 = arith.constant 1648 : index
    %swap3A_637 = tpu.vector_load %arg10[%swap3A_636] {strides = array<i32>} : memref<2560xf32, #tpu.memory_space<vmem>>, vector<16xf32>,
    tpu.vector_store %arg10[%swap3A_636], %broadcast_in_dim3A_14 {strides = array<i32>} : memref<2560xf32, #tpu.memory_space<vmem>>, vector<16xf32>,
    %swap3A_638 = arith.constant 1664 : index
    %swap3A_639 = tpu.vector_load %arg8[%swap3A_638] {strides = array<i32>} : memref<2560xf32, #tpu.memory_space<vmem>>, vector<16xf32>,
    tpu.vector_store %arg8[%swap3A_638], %broadcast_in_dim3A_14 {strides = array<i32>} : memref<2560xf32, #tpu.memory_space<vmem>>, vector<16xf32>,
    %swap3A_640 = arith.constant 1664 : index
    %swap3A_641 = tpu.vector_load %arg9[%swap3A_640] {strides = array<i32>} : memref<2560xf32, #tpu.memory_space<vmem>>, vector<16xf32>,
    tpu.vector_store %arg9[%swap3A_640], %broadcast_in_dim3A_14 {strides = array<i32>} : memref<2560xf32, #tpu.memory_space<vmem>>, vector<16xf32>,
    %swap3A_642 = arith.constant 1664 : index
    %swap3A_643 = tpu.vector_load %arg10[%swap3A_642] {strides = array<i32>} : memref<2560xf32, #tpu.memory_space<vmem>>, vector<16xf32>,
    tpu.vector_store %arg10[%swap3A_642], %broadcast_in_dim3A_14 {strides = array<i32>} : memref<2560xf32, #tpu.memory_space<vmem>>, vector<16xf32>,
    %swap3A_644 = arith.constant 1680 : index
    %swap3A_645 = tpu.vector_load %arg8[%swap3A_644] {strides = array<i32>} : memref<2560xf32, #tpu.memory_space<vmem>>, vector<16xf32>,
    tpu.vector_store %arg8[%swap3A_644], %broadcast_in_dim3A_14 {strides = array<i32>} : memref<2560xf32, #tpu.memory_space<vmem>>, vector<16xf32>,
    %swap3A_646 = arith.constant 1680 : index
    %swap3A_647 = tpu.vector_load %arg9[%swap3A_646] {strides = array<i32>} : memref<2560xf32, #tpu.memory_space<vmem>>, vector<16xf32>,
    tpu.vector_store %arg9[%swap3A_646], %broadcast_in_dim3A_14 {strides = array<i32>} : memref<2560xf32, #tpu.memory_space<vmem>>, vector<16xf32>,
    %swap3A_648 = arith.constant 1680 : index
    %swap3A_649 = tpu.vector_load %arg10[%swap3A_648] {strides = array<i32>} : memref<2560xf32, #tpu.memory_space<vmem>>, vector<16xf32>,
    tpu.vector_store %arg10[%swap3A_648], %broadcast_in_dim3A_14 {strides = array<i32>} : memref<2560xf32, #tpu.memory_space<vmem>>, vector<16xf32>,
    %swap3A_650 = arith.constant 1696 : index
    %swap3A_651 = tpu.vector_load %arg8[%swap3A_650] {strides = array<i32>} : memref<2560xf32, #tpu.memory_space<vmem>>, vector<16xf32>,
    tpu.vector_store %arg8[%swap3A_650], %broadcast_in_dim3A_14 {strides = array<i32>} : memref<2560xf32, #tpu.memory_space<vmem>>, vector<16xf32>,
    %swap3A_652 = arith.constant 1696 : index
    %swap3A_653 = tpu.vector_load %arg9[%swap3A_652] {strides = array<i32>} : memref<2560xf32, #tpu.memory_space<vmem>>, vector<16xf32>,
    tpu.vector_store %arg9[%swap3A_652], %broadcast_in_dim3A_14 {strides = array<i32>} : memref<2560xf32, #tpu.memory_space<vmem>>, vector<16xf32>,
    %swap3A_654 = arith.constant 1696 : index
    %swap3A_655 = tpu.vector_load %arg10[%swap3A_654] {strides = array<i32>} : memref<2560xf32, #tpu.memory_space<vmem>>, vector<16xf32>,
    tpu.vector_store %arg10[%swap3A_654], %broadcast_in_dim3A_14 {strides = array<i32>} : memref<2560xf32, #tpu.memory_space<vmem>>, vector<16xf32>,
    %swap3A_656 = arith.constant 1712 : index
    %swap3A_657 = tpu.vector_load %arg8[%swap3A_656] {strides = array<i32>} : memref<2560xf32, #tpu.memory_space<vmem>>, vector<16xf32>,
    tpu.vector_store %arg8[%swap3A_656], %broadcast_in_dim3A_14 {strides = array<i32>} : memref<2560xf32, #tpu.memory_space<vmem>>, vector<16xf32>,
    %swap3A_658 = arith.constant 1712 : index
    %swap3A_659 = tpu.vector_load %arg9[%swap3A_658] {strides = array<i32>} : memref<2560xf32, #tpu.memory_space<vmem>>, vector<16xf32>,
    tpu.vector_store %arg9[%swap3A_658], %broadcast_in_dim3A_14 {strides = array<i32>} : memref<2560xf32, #tpu.memory_space<vmem>>, vector<16xf32>,
    %swap3A_660 = arith.constant 1712 : index
    %swap3A_661 = tpu.vector_load %arg10[%swap3A_660] {strides = array<i32>} : memref<2560xf32, #tpu.memory_space<vmem>>, vector<16xf32>,
    tpu.vector_store %arg10[%swap3A_660], %broadcast_in_dim3A_14 {strides = array<i32>} : memref<2560xf32, #tpu.memory_space<vmem>>, vector<16xf32>,
    %swap3A_662 = arith.constant 1728 : index
    %swap3A_663 = tpu.vector_load %arg8[%swap3A_662] {strides = array<i32>} : memref<2560xf32, #tpu.memory_space<vmem>>, vector<16xf32>,
    tpu.vector_store %arg8[%swap3A_662], %broadcast_in_dim3A_14 {strides = array<i32>} : memref<2560xf32, #tpu.memory_space<vmem>>, vector<16xf32>,
    %swap3A_664 = arith.constant 1728 : index
    %swap3A_665 = tpu.vector_load %arg9[%swap3A_664] {strides = array<i32>} : memref<2560xf32, #tpu.memory_space<vmem>>, vector<16xf32>,
    tpu.vector_store %arg9[%swap3A_664], %broadcast_in_dim3A_14 {strides = array<i32>} : memref<2560xf32, #tpu.memory_space<vmem>>, vector<16xf32>,
    %swap3A_666 = arith.constant 1728 : index
    %swap3A_667 = tpu.vector_load %arg10[%swap3A_666] {strides = array<i32>} : memref<2560xf32, #tpu.memory_space<vmem>>, vector<16xf32>,
    tpu.vector_store %arg10[%swap3A_666], %broadcast_in_dim3A_14 {strides = array<i32>} : memref<2560xf32, #tpu.memory_space<vmem>>, vector<16xf32>,
    %swap3A_668 = arith.constant 1744 : index
    %swap3A_669 = tpu.vector_load %arg8[%swap3A_668] {strides = array<i32>} : memref<2560xf32, #tpu.memory_space<vmem>>, vector<16xf32>,
    tpu.vector_store %arg8[%swap3A_668], %broadcast_in_dim3A_14 {strides = array<i32>} : memref<2560xf32, #tpu.memory_space<vmem>>, vector<16xf32>,
    %swap3A_670 = arith.constant 1744 : index
    %swap3A_671 = tpu.vector_load %arg9[%swap3A_670] {strides = array<i32>} : memref<2560xf32, #tpu.memory_space<vmem>>, vector<16xf32>,
    tpu.vector_store %arg9[%swap3A_670], %broadcast_in_dim3A_14 {strides = array<i32>} : memref<2560xf32, #tpu.memory_space<vmem>>, vector<16xf32>,
    %swap3A_672 = arith.constant 1744 : index
    %swap3A_673 = tpu.vector_load %arg10[%swap3A_672] {strides = array<i32>} : memref<2560xf32, #tpu.memory_space<vmem>>, vector<16xf32>,
    tpu.vector_store %arg10[%swap3A_672], %broadcast_in_dim3A_14 {strides = array<i32>} : memref<2560xf32, #tpu.memory_space<vmem>>, vector<16xf32>,
    %swap3A_674 = arith.constant 1760 : index
    %swap3A_675 = tpu.vector_load %arg8[%swap3A_674] {strides = array<i32>} : memref<2560xf32, #tpu.memory_space<vmem>>, vector<16xf32>,
    tpu.vector_store %arg8[%swap3A_674], %broadcast_in_dim3A_14 {strides = array<i32>} : memref<2560xf32, #tpu.memory_space<vmem>>, vector<16xf32>,
    %swap3A_676 = arith.constant 1760 : index
    %swap3A_677 = tpu.vector_load %arg9[%swap3A_676] {strides = array<i32>} : memref<2560xf32, #tpu.memory_space<vmem>>, vector<16xf32>,
    tpu.vector_store %arg9[%swap3A_676], %broadcast_in_dim3A_14 {strides = array<i32>} : memref<2560xf32, #tpu.memory_space<vmem>>, vector<16xf32>,
    %swap3A_678 = arith.constant 1760 : index
    %swap3A_679 = tpu.vector_load %arg10[%swap3A_678] {strides = array<i32>} : memref<2560xf32, #tpu.memory_space<vmem>>, vector<16xf32>,
    tpu.vector_store %arg10[%swap3A_678], %broadcast_in_dim3A_14 {strides = array<i32>} : memref<2560xf32, #tpu.memory_space<vmem>>, vector<16xf32>,
    %swap3A_680 = arith.constant 1776 : index
    %swap3A_681 = tpu.vector_load %arg8[%swap3A_680] {strides = array<i32>} : memref<2560xf32, #tpu.memory_space<vmem>>, vector<16xf32>,
    tpu.vector_store %arg8[%swap3A_680], %broadcast_in_dim3A_14 {strides = array<i32>} : memref<2560xf32, #tpu.memory_space<vmem>>, vector<16xf32>,
    %swap3A_682 = arith.constant 1776 : index
    %swap3A_683 = tpu.vector_load %arg9[%swap3A_682] {strides = array<i32>} : memref<2560xf32, #tpu.memory_space<vmem>>, vector<16xf32>,
    tpu.vector_store %arg9[%swap3A_682], %broadcast_in_dim3A_14 {strides = array<i32>} : memref<2560xf32, #tpu.memory_space<vmem>>, vector<16xf32>,
    %swap3A_684 = arith.constant 1776 : index
    %swap3A_685 = tpu.vector_load %arg10[%swap3A_684] {strides = array<i32>} : memref<2560xf32, #tpu.memory_space<vmem>>, vector<16xf32>,
    tpu.vector_store %arg10[%swap3A_684], %broadcast_in_dim3A_14 {strides = array<i32>} : memref<2560xf32, #tpu.memory_space<vmem>>, vector<16xf32>,
    %swap3A_686 = arith.constant 1792 : index
    %swap3A_687 = tpu.vector_load %arg8[%swap3A_686] {strides = array<i32>} : memref<2560xf32, #tpu.memory_space<vmem>>, vector<16xf32>,
    tpu.vector_store %arg8[%swap3A_686], %broadcast_in_dim3A_14 {strides = array<i32>} : memref<2560xf32, #tpu.memory_space<vmem>>, vector<16xf32>,
    %swap3A_688 = arith.constant 1792 : index
    %swap3A_689 = tpu.vector_load %arg9[%swap3A_688] {strides = array<i32>} : memref<2560xf32, #tpu.memory_space<vmem>>, vector<16xf32>,
    tpu.vector_store %arg9[%swap3A_688], %broadcast_in_dim3A_14 {strides = array<i32>} : memref<2560xf32, #tpu.memory_space<vmem>>, vector<16xf32>,
    %swap3A_690 = arith.constant 1792 : index
    %swap3A_691 = tpu.vector_load %arg10[%swap3A_690] {strides = array<i32>} : memref<2560xf32, #tpu.memory_space<vmem>>, vector<16xf32>,
    tpu.vector_store %arg10[%swap3A_690], %broadcast_in_dim3A_14 {strides = array<i32>} : memref<2560xf32, #tpu.memory_space<vmem>>, vector<16xf32>,
    %swap3A_692 = arith.constant 1808 : index
    %swap3A_693 = tpu.vector_load %arg8[%swap3A_692] {strides = array<i32>} : memref<2560xf32, #tpu.memory_space<vmem>>, vector<16xf32>,
    tpu.vector_store %arg8[%swap3A_692], %broadcast_in_dim3A_14 {strides = array<i32>} : memref<2560xf32, #tpu.memory_space<vmem>>, vector<16xf32>,
    %swap3A_694 = arith.constant 1808 : index
    %swap3A_695 = tpu.vector_load %arg9[%swap3A_694] {strides = array<i32>} : memref<2560xf32, #tpu.memory_space<vmem>>, vector<16xf32>,
    tpu.vector_store %arg9[%swap3A_694], %broadcast_in_dim3A_14 {strides = array<i32>} : memref<2560xf32, #tpu.memory_space<vmem>>, vector<16xf32>,
    %swap3A_696 = arith.constant 1808 : index
    %swap3A_697 = tpu.vector_load %arg10[%swap3A_696] {strides = array<i32>} : memref<2560xf32, #tpu.memory_space<vmem>>, vector<16xf32>,
    tpu.vector_store %arg10[%swap3A_696], %broadcast_in_dim3A_14 {strides = array<i32>} : memref<2560xf32, #tpu.memory_space<vmem>>, vector<16xf32>,
    %swap3A_698 = arith.constant 1824 : index
    %swap3A_699 = tpu.vector_load %arg8[%swap3A_698] {strides = array<i32>} : memref<2560xf32, #tpu.memory_space<vmem>>, vector<16xf32>,
    tpu.vector_store %arg8[%swap3A_698], %broadcast_in_dim3A_14 {strides = array<i32>} : memref<2560xf32, #tpu.memory_space<vmem>>, vector<16xf32>,
    %swap3A_700 = arith.constant 1824 : index
    %swap3A_701 = tpu.vector_load %arg9[%swap3A_700] {strides = array<i32>} : memref<2560xf32, #tpu.memory_space<vmem>>, vector<16xf32>,
    tpu.vector_store %arg9[%swap3A_700], %broadcast_in_dim3A_14 {strides = array<i32>} : memref<2560xf32, #tpu.memory_space<vmem>>, vector<16xf32>,
    %swap3A_702 = arith.constant 1824 : index
    %swap3A_703 = tpu.vector_load %arg10[%swap3A_702] {strides = array<i32>} : memref<2560xf32, #tpu.memory_space<vmem>>, vector<16xf32>,
    tpu.vector_store %arg10[%swap3A_702], %broadcast_in_dim3A_14 {strides = array<i32>} : memref<2560xf32, #tpu.memory_space<vmem>>, vector<16xf32>,
    %swap3A_704 = arith.constant 1840 : index
    %swap3A_705 = tpu.vector_load %arg8[%swap3A_704] {strides = array<i32>} : memref<2560xf32, #tpu.memory_space<vmem>>, vector<16xf32>,
    tpu.vector_store %arg8[%swap3A_704], %broadcast_in_dim3A_14 {strides = array<i32>} : memref<2560xf32, #tpu.memory_space<vmem>>, vector<16xf32>,
    %swap3A_706 = arith.constant 1840 : index
    %swap3A_707 = tpu.vector_load %arg9[%swap3A_706] {strides = array<i32>} : memref<2560xf32, #tpu.memory_space<vmem>>, vector<16xf32>,
    tpu.vector_store %arg9[%swap3A_706], %broadcast_in_dim3A_14 {strides = array<i32>} : memref<2560xf32, #tpu.memory_space<vmem>>, vector<16xf32>,
    %swap3A_708 = arith.constant 1840 : index
    %swap3A_709 = tpu.vector_load %arg10[%swap3A_708] {strides = array<i32>} : memref<2560xf32, #tpu.memory_space<vmem>>, vector<16xf32>,
    tpu.vector_store %arg10[%swap3A_708], %broadcast_in_dim3A_14 {strides = array<i32>} : memref<2560xf32, #tpu.memory_space<vmem>>, vector<16xf32>,
    %swap3A_710 = arith.constant 1856 : index
    %swap3A_711 = tpu.vector_load %arg8[%swap3A_710] {strides = array<i32>} : memref<2560xf32, #tpu.memory_space<vmem>>, vector<16xf32>,
    tpu.vector_store %arg8[%swap3A_710], %broadcast_in_dim3A_14 {strides = array<i32>} : memref<2560xf32, #tpu.memory_space<vmem>>, vector<16xf32>,
    %swap3A_712 = arith.constant 1856 : index
    %swap3A_713 = tpu.vector_load %arg9[%swap3A_712] {strides = array<i32>} : memref<2560xf32, #tpu.memory_space<vmem>>, vector<16xf32>,
    tpu.vector_store %arg9[%swap3A_712], %broadcast_in_dim3A_14 {strides = array<i32>} : memref<2560xf32, #tpu.memory_space<vmem>>, vector<16xf32>,
    %swap3A_714 = arith.constant 1856 : index
    %swap3A_715 = tpu.vector_load %arg10[%swap3A_714] {strides = array<i32>} : memref<2560xf32, #tpu.memory_space<vmem>>, vector<16xf32>,
    tpu.vector_store %arg10[%swap3A_714], %broadcast_in_dim3A_14 {strides = array<i32>} : memref<2560xf32, #tpu.memory_space<vmem>>, vector<16xf32>,
    %swap3A_716 = arith.constant 1872 : index
    %swap3A_717 = tpu.vector_load %arg8[%swap3A_716] {strides = array<i32>} : memref<2560xf32, #tpu.memory_space<vmem>>, vector<16xf32>,
    tpu.vector_store %arg8[%swap3A_716], %broadcast_in_dim3A_14 {strides = array<i32>} : memref<2560xf32, #tpu.memory_space<vmem>>, vector<16xf32>,
    %swap3A_718 = arith.constant 1872 : index
    %swap3A_719 = tpu.vector_load %arg9[%swap3A_718] {strides = array<i32>} : memref<2560xf32, #tpu.memory_space<vmem>>, vector<16xf32>,
    tpu.vector_store %arg9[%swap3A_718], %broadcast_in_dim3A_14 {strides = array<i32>} : memref<2560xf32, #tpu.memory_space<vmem>>, vector<16xf32>,
    %swap3A_720 = arith.constant 1872 : index
    %swap3A_721 = tpu.vector_load %arg10[%swap3A_720] {strides = array<i32>} : memref<2560xf32, #tpu.memory_space<vmem>>, vector<16xf32>,
    tpu.vector_store %arg10[%swap3A_720], %broadcast_in_dim3A_14 {strides = array<i32>} : memref<2560xf32, #tpu.memory_space<vmem>>, vector<16xf32>,
    %swap3A_722 = arith.constant 1888 : index
    %swap3A_723 = tpu.vector_load %arg8[%swap3A_722] {strides = array<i32>} : memref<2560xf32, #tpu.memory_space<vmem>>, vector<16xf32>,
    tpu.vector_store %arg8[%swap3A_722], %broadcast_in_dim3A_14 {strides = array<i32>} : memref<2560xf32, #tpu.memory_space<vmem>>, vector<16xf32>,
    %swap3A_724 = arith.constant 1888 : index
    %swap3A_725 = tpu.vector_load %arg9[%swap3A_724] {strides = array<i32>} : memref<2560xf32, #tpu.memory_space<vmem>>, vector<16xf32>,
    tpu.vector_store %arg9[%swap3A_724], %broadcast_in_dim3A_14 {strides = array<i32>} : memref<2560xf32, #tpu.memory_space<vmem>>, vector<16xf32>,
    %swap3A_726 = arith.constant 1888 : index
    %swap3A_727 = tpu.vector_load %arg10[%swap3A_726] {strides = array<i32>} : memref<2560xf32, #tpu.memory_space<vmem>>, vector<16xf32>,
    tpu.vector_store %arg10[%swap3A_726], %broadcast_in_dim3A_14 {strides = array<i32>} : memref<2560xf32, #tpu.memory_space<vmem>>, vector<16xf32>,
    %swap3A_728 = arith.constant 1904 : index
    %swap3A_729 = tpu.vector_load %arg8[%swap3A_728] {strides = array<i32>} : memref<2560xf32, #tpu.memory_space<vmem>>, vector<16xf32>,
    tpu.vector_store %arg8[%swap3A_728], %broadcast_in_dim3A_14 {strides = array<i32>} : memref<2560xf32, #tpu.memory_space<vmem>>, vector<16xf32>,
    %swap3A_730 = arith.constant 1904 : index
    %swap3A_731 = tpu.vector_load %arg9[%swap3A_730] {strides = array<i32>} : memref<2560xf32, #tpu.memory_space<vmem>>, vector<16xf32>,
    tpu.vector_store %arg9[%swap3A_730], %broadcast_in_dim3A_14 {strides = array<i32>} : memref<2560xf32, #tpu.memory_space<vmem>>, vector<16xf32>,
    %swap3A_732 = arith.constant 1904 : index
    %swap3A_733 = tpu.vector_load %arg10[%swap3A_732] {strides = array<i32>} : memref<2560xf32, #tpu.memory_space<vmem>>, vector<16xf32>,
    tpu.vector_store %arg10[%swap3A_732], %broadcast_in_dim3A_14 {strides = array<i32>} : memref<2560xf32, #tpu.memory_space<vmem>>, vector<16xf32>,
    %swap3A_734 = arith.constant 1920 : index
    %swap3A_735 = tpu.vector_load %arg8[%swap3A_734] {strides = array<i32>} : memref<2560xf32, #tpu.memory_space<vmem>>, vector<16xf32>,
    tpu.vector_store %arg8[%swap3A_734], %broadcast_in_dim3A_14 {strides = array<i32>} : memref<2560xf32, #tpu.memory_space<vmem>>, vector<16xf32>,
    %swap3A_736 = arith.constant 1920 : index
    %swap3A_737 = tpu.vector_load %arg9[%swap3A_736] {strides = array<i32>} : memref<2560xf32, #tpu.memory_space<vmem>>, vector<16xf32>,
    tpu.vector_store %arg9[%swap3A_736], %broadcast_in_dim3A_14 {strides = array<i32>} : memref<2560xf32, #tpu.memory_space<vmem>>, vector<16xf32>,
    %swap3A_738 = arith.constant 1920 : index
    %swap3A_739 = tpu.vector_load %arg10[%swap3A_738] {strides = array<i32>} : memref<2560xf32, #tpu.memory_space<vmem>>, vector<16xf32>,
    tpu.vector_store %arg10[%swap3A_738], %broadcast_in_dim3A_14 {strides = array<i32>} : memref<2560xf32, #tpu.memory_space<vmem>>, vector<16xf32>,
    %swap3A_740 = arith.constant 1936 : index
    %swap3A_741 = tpu.vector_load %arg8[%swap3A_740] {strides = array<i32>} : memref<2560xf32, #tpu.memory_space<vmem>>, vector<16xf32>,
    tpu.vector_store %arg8[%swap3A_740], %broadcast_in_dim3A_14 {strides = array<i32>} : memref<2560xf32, #tpu.memory_space<vmem>>, vector<16xf32>,
    %swap3A_742 = arith.constant 1936 : index
    %swap3A_743 = tpu.vector_load %arg9[%swap3A_742] {strides = array<i32>} : memref<2560xf32, #tpu.memory_space<vmem>>, vector<16xf32>,
    tpu.vector_store %arg9[%swap3A_742], %broadcast_in_dim3A_14 {strides = array<i32>} : memref<2560xf32, #tpu.memory_space<vmem>>, vector<16xf32>,
    %swap3A_744 = arith.constant 1936 : index
    %swap3A_745 = tpu.vector_load %arg10[%swap3A_744] {strides = array<i32>} : memref<2560xf32, #tpu.memory_space<vmem>>, vector<16xf32>,
    tpu.vector_store %arg10[%swap3A_744], %broadcast_in_dim3A_14 {strides = array<i32>} : memref<2560xf32, #tpu.memory_space<vmem>>, vector<16xf32>,
    %swap3A_746 = arith.constant 1952 : index
    %swap3A_747 = tpu.vector_load %arg8[%swap3A_746] {strides = array<i32>} : memref<2560xf32, #tpu.memory_space<vmem>>, vector<16xf32>,
    tpu.vector_store %arg8[%swap3A_746], %broadcast_in_dim3A_14 {strides = array<i32>} : memref<2560xf32, #tpu.memory_space<vmem>>, vector<16xf32>,
    %swap3A_748 = arith.constant 1952 : index
    %swap3A_749 = tpu.vector_load %arg9[%swap3A_748] {strides = array<i32>} : memref<2560xf32, #tpu.memory_space<vmem>>, vector<16xf32>,
    tpu.vector_store %arg9[%swap3A_748], %broadcast_in_dim3A_14 {strides = array<i32>} : memref<2560xf32, #tpu.memory_space<vmem>>, vector<16xf32>,
    %swap3A_750 = arith.constant 1952 : index
    %swap3A_751 = tpu.vector_load %arg10[%swap3A_750] {strides = array<i32>} : memref<2560xf32, #tpu.memory_space<vmem>>, vector<16xf32>,
    tpu.vector_store %arg10[%swap3A_750], %broadcast_in_dim3A_14 {strides = array<i32>} : memref<2560xf32, #tpu.memory_space<vmem>>, vector<16xf32>,
    %swap3A_752 = arith.constant 1968 : index
    %swap3A_753 = tpu.vector_load %arg8[%swap3A_752] {strides = array<i32>} : memref<2560xf32, #tpu.memory_space<vmem>>, vector<16xf32>,
    tpu.vector_store %arg8[%swap3A_752], %broadcast_in_dim3A_14 {strides = array<i32>} : memref<2560xf32, #tpu.memory_space<vmem>>, vector<16xf32>,
    %swap3A_754 = arith.constant 1968 : index
    %swap3A_755 = tpu.vector_load %arg9[%swap3A_754] {strides = array<i32>} : memref<2560xf32, #tpu.memory_space<vmem>>, vector<16xf32>,
    tpu.vector_store %arg9[%swap3A_754], %broadcast_in_dim3A_14 {strides = array<i32>} : memref<2560xf32, #tpu.memory_space<vmem>>, vector<16xf32>,
    %swap3A_756 = arith.constant 1968 : index
    %swap3A_757 = tpu.vector_load %arg10[%swap3A_756] {strides = array<i32>} : memref<2560xf32, #tpu.memory_space<vmem>>, vector<16xf32>,
    tpu.vector_store %arg10[%swap3A_756], %broadcast_in_dim3A_14 {strides = array<i32>} : memref<2560xf32, #tpu.memory_space<vmem>>, vector<16xf32>,
    %swap3A_758 = arith.constant 1984 : index
    %swap3A_759 = tpu.vector_load %arg8[%swap3A_758] {strides = array<i32>} : memref<2560xf32, #tpu.memory_space<vmem>>, vector<16xf32>,
    tpu.vector_store %arg8[%swap3A_758], %broadcast_in_dim3A_14 {strides = array<i32>} : memref<2560xf32, #tpu.memory_space<vmem>>, vector<16xf32>,
    %swap3A_760 = arith.constant 1984 : index
    %swap3A_761 = tpu.vector_load %arg9[%swap3A_760] {strides = array<i32>} : memref<2560xf32, #tpu.memory_space<vmem>>, vector<16xf32>,
    tpu.vector_store %arg9[%swap3A_760], %broadcast_in_dim3A_14 {strides = array<i32>} : memref<2560xf32, #tpu.memory_space<vmem>>, vector<16xf32>,
    %swap3A_762 = arith.constant 1984 : index
    %swap3A_763 = tpu.vector_load %arg10[%swap3A_762] {strides = array<i32>} : memref<2560xf32, #tpu.memory_space<vmem>>, vector<16xf32>,
    tpu.vector_store %arg10[%swap3A_762], %broadcast_in_dim3A_14 {strides = array<i32>} : memref<2560xf32, #tpu.memory_space<vmem>>, vector<16xf32>,
    %swap3A_764 = arith.constant 2000 : index
    %swap3A_765 = tpu.vector_load %arg8[%swap3A_764] {strides = array<i32>} : memref<2560xf32, #tpu.memory_space<vmem>>, vector<16xf32>,
    tpu.vector_store %arg8[%swap3A_764], %broadcast_in_dim3A_14 {strides = array<i32>} : memref<2560xf32, #tpu.memory_space<vmem>>, vector<16xf32>,
    %swap3A_766 = arith.constant 2000 : index
    %swap3A_767 = tpu.vector_load %arg9[%swap3A_766] {strides = array<i32>} : memref<2560xf32, #tpu.memory_space<vmem>>, vector<16xf32>,
    tpu.vector_store %arg9[%swap3A_766], %broadcast_in_dim3A_14 {strides = array<i32>} : memref<2560xf32, #tpu.memory_space<vmem>>, vector<16xf32>,
    %swap3A_768 = arith.constant 2000 : index
    %swap3A_769 = tpu.vector_load %arg10[%swap3A_768] {strides = array<i32>} : memref<2560xf32, #tpu.memory_space<vmem>>, vector<16xf32>,
    tpu.vector_store %arg10[%swap3A_768], %broadcast_in_dim3A_14 {strides = array<i32>} : memref<2560xf32, #tpu.memory_space<vmem>>, vector<16xf32>,
    %swap3A_770 = arith.constant 2016 : index
    %swap3A_771 = tpu.vector_load %arg8[%swap3A_770] {strides = array<i32>} : memref<2560xf32, #tpu.memory_space<vmem>>, vector<16xf32>,
    tpu.vector_store %arg8[%swap3A_770], %broadcast_in_dim3A_14 {strides = array<i32>} : memref<2560xf32, #tpu.memory_space<vmem>>, vector<16xf32>,
    %swap3A_772 = arith.constant 2016 : index
    %swap3A_773 = tpu.vector_load %arg9[%swap3A_772] {strides = array<i32>} : memref<2560xf32, #tpu.memory_space<vmem>>, vector<16xf32>,
    tpu.vector_store %arg9[%swap3A_772], %broadcast_in_dim3A_14 {strides = array<i32>} : memref<2560xf32, #tpu.memory_space<vmem>>, vector<16xf32>,
    %swap3A_774 = arith.constant 2016 : index
    %swap3A_775 = tpu.vector_load %arg10[%swap3A_774] {strides = array<i32>} : memref<2560xf32, #tpu.memory_space<vmem>>, vector<16xf32>,
    tpu.vector_store %arg10[%swap3A_774], %broadcast_in_dim3A_14 {strides = array<i32>} : memref<2560xf32, #tpu.memory_space<vmem>>, vector<16xf32>,
    %swap3A_776 = arith.constant 2032 : index
    %swap3A_777 = tpu.vector_load %arg8[%swap3A_776] {strides = array<i32>} : memref<2560xf32, #tpu.memory_space<vmem>>, vector<16xf32>,
    tpu.vector_store %arg8[%swap3A_776], %broadcast_in_dim3A_14 {strides = array<i32>} : memref<2560xf32, #tpu.memory_space<vmem>>, vector<16xf32>,
    %swap3A_778 = arith.constant 2032 : index
    %swap3A_779 = tpu.vector_load %arg9[%swap3A_778] {strides = array<i32>} : memref<2560xf32, #tpu.memory_space<vmem>>, vector<16xf32>,
    tpu.vector_store %arg9[%swap3A_778], %broadcast_in_dim3A_14 {strides = array<i32>} : memref<2560xf32, #tpu.memory_space<vmem>>, vector<16xf32>,
    %swap3A_780 = arith.constant 2032 : index
    %swap3A_781 = tpu.vector_load %arg10[%swap3A_780] {strides = array<i32>} : memref<2560xf32, #tpu.memory_space<vmem>>, vector<16xf32>,
    tpu.vector_store %arg10[%swap3A_780], %broadcast_in_dim3A_14 {strides = array<i32>} : memref<2560xf32, #tpu.memory_space<vmem>>, vector<16xf32>,
    %swap3A_782 = arith.constant 2048 : index
    %swap3A_783 = tpu.vector_load %arg8[%swap3A_782] {strides = array<i32>} : memref<2560xf32, #tpu.memory_space<vmem>>, vector<16xf32>,
    tpu.vector_store %arg8[%swap3A_782], %broadcast_in_dim3A_14 {strides = array<i32>} : memref<2560xf32, #tpu.memory_space<vmem>>, vector<16xf32>,
    %swap3A_784 = arith.constant 2048 : index
    %swap3A_785 = tpu.vector_load %arg9[%swap3A_784] {strides = array<i32>} : memref<2560xf32, #tpu.memory_space<vmem>>, vector<16xf32>,
    tpu.vector_store %arg9[%swap3A_784], %broadcast_in_dim3A_14 {strides = array<i32>} : memref<2560xf32, #tpu.memory_space<vmem>>, vector<16xf32>,
    %swap3A_786 = arith.constant 2048 : index
    %swap3A_787 = tpu.vector_load %arg10[%swap3A_786] {strides = array<i32>} : memref<2560xf32, #tpu.memory_space<vmem>>, vector<16xf32>,
    tpu.vector_store %arg10[%swap3A_786], %broadcast_in_dim3A_14 {strides = array<i32>} : memref<2560xf32, #tpu.memory_space<vmem>>, vector<16xf32>,
    %swap3A_788 = arith.constant 2064 : index
    %swap3A_789 = tpu.vector_load %arg8[%swap3A_788] {strides = array<i32>} : memref<2560xf32, #tpu.memory_space<vmem>>, vector<16xf32>,
    tpu.vector_store %arg8[%swap3A_788], %broadcast_in_dim3A_14 {strides = array<i32>} : memref<2560xf32, #tpu.memory_space<vmem>>, vector<16xf32>,
    %swap3A_790 = arith.constant 2064 : index
    %swap3A_791 = tpu.vector_load %arg9[%swap3A_790] {strides = array<i32>} : memref<2560xf32, #tpu.memory_space<vmem>>, vector<16xf32>,
    tpu.vector_store %arg9[%swap3A_790], %broadcast_in_dim3A_14 {strides = array<i32>} : memref<2560xf32, #tpu.memory_space<vmem>>, vector<16xf32>,
    %swap3A_792 = arith.constant 2064 : index
    %swap3A_793 = tpu.vector_load %arg10[%swap3A_792] {strides = array<i32>} : memref<2560xf32, #tpu.memory_space<vmem>>, vector<16xf32>,
    tpu.vector_store %arg10[%swap3A_792], %broadcast_in_dim3A_14 {strides = array<i32>} : memref<2560xf32, #tpu.memory_space<vmem>>, vector<16xf32>,
    %swap3A_794 = arith.constant 2080 : index
    %swap3A_795 = tpu.vector_load %arg8[%swap3A_794] {strides = array<i32>} : memref<2560xf32, #tpu.memory_space<vmem>>, vector<16xf32>,
    tpu.vector_store %arg8[%swap3A_794], %broadcast_in_dim3A_14 {strides = array<i32>} : memref<2560xf32, #tpu.memory_space<vmem>>, vector<16xf32>,
    %swap3A_796 = arith.constant 2080 : index
    %swap3A_797 = tpu.vector_load %arg9[%swap3A_796] {strides = array<i32>} : memref<2560xf32, #tpu.memory_space<vmem>>, vector<16xf32>,
    tpu.vector_store %arg9[%swap3A_796], %broadcast_in_dim3A_14 {strides = array<i32>} : memref<2560xf32, #tpu.memory_space<vmem>>, vector<16xf32>,
    %swap3A_798 = arith.constant 2080 : index
    %swap3A_799 = tpu.vector_load %arg10[%swap3A_798] {strides = array<i32>} : memref<2560xf32, #tpu.memory_space<vmem>>, vector<16xf32>,
    tpu.vector_store %arg10[%swap3A_798], %broadcast_in_dim3A_14 {strides = array<i32>} : memref<2560xf32, #tpu.memory_space<vmem>>, vector<16xf32>,
    %swap3A_800 = arith.constant 2096 : index
    %swap3A_801 = tpu.vector_load %arg8[%swap3A_800] {strides = array<i32>} : memref<2560xf32, #tpu.memory_space<vmem>>, vector<16xf32>,
    tpu.vector_store %arg8[%swap3A_800], %broadcast_in_dim3A_14 {strides = array<i32>} : memref<2560xf32, #tpu.memory_space<vmem>>, vector<16xf32>,
    %swap3A_802 = arith.constant 2096 : index
    %swap3A_803 = tpu.vector_load %arg9[%swap3A_802] {strides = array<i32>} : memref<2560xf32, #tpu.memory_space<vmem>>, vector<16xf32>,
    tpu.vector_store %arg9[%swap3A_802], %broadcast_in_dim3A_14 {strides = array<i32>} : memref<2560xf32, #tpu.memory_space<vmem>>, vector<16xf32>,
    %swap3A_804 = arith.constant 2096 : index
    %swap3A_805 = tpu.vector_load %arg10[%swap3A_804] {strides = array<i32>} : memref<2560xf32, #tpu.memory_space<vmem>>, vector<16xf32>,
    tpu.vector_store %arg10[%swap3A_804], %broadcast_in_dim3A_14 {strides = array<i32>} : memref<2560xf32, #tpu.memory_space<vmem>>, vector<16xf32>,
    %swap3A_806 = arith.constant 2112 : index
    %swap3A_807 = tpu.vector_load %arg8[%swap3A_806] {strides = array<i32>} : memref<2560xf32, #tpu.memory_space<vmem>>, vector<16xf32>,
    tpu.vector_store %arg8[%swap3A_806], %broadcast_in_dim3A_14 {strides = array<i32>} : memref<2560xf32, #tpu.memory_space<vmem>>, vector<16xf32>,
    %swap3A_808 = arith.constant 2112 : index
    %swap3A_809 = tpu.vector_load %arg9[%swap3A_808] {strides = array<i32>} : memref<2560xf32, #tpu.memory_space<vmem>>, vector<16xf32>,
    tpu.vector_store %arg9[%swap3A_808], %broadcast_in_dim3A_14 {strides = array<i32>} : memref<2560xf32, #tpu.memory_space<vmem>>, vector<16xf32>,
    %swap3A_810 = arith.constant 2112 : index
    %swap3A_811 = tpu.vector_load %arg10[%swap3A_810] {strides = array<i32>} : memref<2560xf32, #tpu.memory_space<vmem>>, vector<16xf32>,
    tpu.vector_store %arg10[%swap3A_810], %broadcast_in_dim3A_14 {strides = array<i32>} : memref<2560xf32, #tpu.memory_space<vmem>>, vector<16xf32>,
    %swap3A_812 = arith.constant 2128 : index
    %swap3A_813 = tpu.vector_load %arg8[%swap3A_812] {strides = array<i32>} : memref<2560xf32, #tpu.memory_space<vmem>>, vector<16xf32>,
    tpu.vector_store %arg8[%swap3A_812], %broadcast_in_dim3A_14 {strides = array<i32>} : memref<2560xf32, #tpu.memory_space<vmem>>, vector<16xf32>,
    %swap3A_814 = arith.constant 2128 : index
    %swap3A_815 = tpu.vector_load %arg9[%swap3A_814] {strides = array<i32>} : memref<2560xf32, #tpu.memory_space<vmem>>, vector<16xf32>,
    tpu.vector_store %arg9[%swap3A_814], %broadcast_in_dim3A_14 {strides = array<i32>} : memref<2560xf32, #tpu.memory_space<vmem>>, vector<16xf32>,
    %swap3A_816 = arith.constant 2128 : index
    %swap3A_817 = tpu.vector_load %arg10[%swap3A_816] {strides = array<i32>} : memref<2560xf32, #tpu.memory_space<vmem>>, vector<16xf32>,
    tpu.vector_store %arg10[%swap3A_816], %broadcast_in_dim3A_14 {strides = array<i32>} : memref<2560xf32, #tpu.memory_space<vmem>>, vector<16xf32>,
    %swap3A_818 = arith.constant 2144 : index
    %swap3A_819 = tpu.vector_load %arg8[%swap3A_818] {strides = array<i32>} : memref<2560xf32, #tpu.memory_space<vmem>>, vector<16xf32>,
    tpu.vector_store %arg8[%swap3A_818], %broadcast_in_dim3A_14 {strides = array<i32>} : memref<2560xf32, #tpu.memory_space<vmem>>, vector<16xf32>,
    %swap3A_820 = arith.constant 2144 : index
    %swap3A_821 = tpu.vector_load %arg9[%swap3A_820] {strides = array<i32>} : memref<2560xf32, #tpu.memory_space<vmem>>, vector<16xf32>,
    tpu.vector_store %arg9[%swap3A_820], %broadcast_in_dim3A_14 {strides = array<i32>} : memref<2560xf32, #tpu.memory_space<vmem>>, vector<16xf32>,
    %swap3A_822 = arith.constant 2144 : index
    %swap3A_823 = tpu.vector_load %arg10[%swap3A_822] {strides = array<i32>} : memref<2560xf32, #tpu.memory_space<vmem>>, vector<16xf32>,
    tpu.vector_store %arg10[%swap3A_822], %broadcast_in_dim3A_14 {strides = array<i32>} : memref<2560xf32, #tpu.memory_space<vmem>>, vector<16xf32>,
    %swap3A_824 = arith.constant 2160 : index
    %swap3A_825 = tpu.vector_load %arg8[%swap3A_824] {strides = array<i32>} : memref<2560xf32, #tpu.memory_space<vmem>>, vector<16xf32>,
    tpu.vector_store %arg8[%swap3A_824], %broadcast_in_dim3A_14 {strides = array<i32>} : memref<2560xf32, #tpu.memory_space<vmem>>, vector<16xf32>,
    %swap3A_826 = arith.constant 2160 : index
    %swap3A_827 = tpu.vector_load %arg9[%swap3A_826] {strides = array<i32>} : memref<2560xf32, #tpu.memory_space<vmem>>, vector<16xf32>,
    tpu.vector_store %arg9[%swap3A_826], %broadcast_in_dim3A_14 {strides = array<i32>} : memref<2560xf32, #tpu.memory_space<vmem>>, vector<16xf32>,
    %swap3A_828 = arith.constant 2160 : index
    %swap3A_829 = tpu.vector_load %arg10[%swap3A_828] {strides = array<i32>} : memref<2560xf32, #tpu.memory_space<vmem>>, vector<16xf32>,
    tpu.vector_store %arg10[%swap3A_828], %broadcast_in_dim3A_14 {strides = array<i32>} : memref<2560xf32, #tpu.memory_space<vmem>>, vector<16xf32>,
    %swap3A_830 = arith.constant 2176 : index
    %swap3A_831 = tpu.vector_load %arg8[%swap3A_830] {strides = array<i32>} : memref<2560xf32, #tpu.memory_space<vmem>>, vector<16xf32>,
    tpu.vector_store %arg8[%swap3A_830], %broadcast_in_dim3A_14 {strides = array<i32>} : memref<2560xf32, #tpu.memory_space<vmem>>, vector<16xf32>,
    %swap3A_832 = arith.constant 2176 : index
    %swap3A_833 = tpu.vector_load %arg9[%swap3A_832] {strides = array<i32>} : memref<2560xf32, #tpu.memory_space<vmem>>, vector<16xf32>,
    tpu.vector_store %arg9[%swap3A_832], %broadcast_in_dim3A_14 {strides = array<i32>} : memref<2560xf32, #tpu.memory_space<vmem>>, vector<16xf32>,
    %swap3A_834 = arith.constant 2176 : index
    %swap3A_835 = tpu.vector_load %arg10[%swap3A_834] {strides = array<i32>} : memref<2560xf32, #tpu.memory_space<vmem>>, vector<16xf32>,
    tpu.vector_store %arg10[%swap3A_834], %broadcast_in_dim3A_14 {strides = array<i32>} : memref<2560xf32, #tpu.memory_space<vmem>>, vector<16xf32>,
    %swap3A_836 = arith.constant 2192 : index
    %swap3A_837 = tpu.vector_load %arg8[%swap3A_836] {strides = array<i32>} : memref<2560xf32, #tpu.memory_space<vmem>>, vector<16xf32>,
    tpu.vector_store %arg8[%swap3A_836], %broadcast_in_dim3A_14 {strides = array<i32>} : memref<2560xf32, #tpu.memory_space<vmem>>, vector<16xf32>,
    %swap3A_838 = arith.constant 2192 : index
    %swap3A_839 = tpu.vector_load %arg9[%swap3A_838] {strides = array<i32>} : memref<2560xf32, #tpu.memory_space<vmem>>, vector<16xf32>,
    tpu.vector_store %arg9[%swap3A_838], %broadcast_in_dim3A_14 {strides = array<i32>} : memref<2560xf32, #tpu.memory_space<vmem>>, vector<16xf32>,
    %swap3A_840 = arith.constant 2192 : index
    %swap3A_841 = tpu.vector_load %arg10[%swap3A_840] {strides = array<i32>} : memref<2560xf32, #tpu.memory_space<vmem>>, vector<16xf32>,
    tpu.vector_store %arg10[%swap3A_840], %broadcast_in_dim3A_14 {strides = array<i32>} : memref<2560xf32, #tpu.memory_space<vmem>>, vector<16xf32>,
    %swap3A_842 = arith.constant 2208 : index
    %swap3A_843 = tpu.vector_load %arg8[%swap3A_842] {strides = array<i32>} : memref<2560xf32, #tpu.memory_space<vmem>>, vector<16xf32>,
    tpu.vector_store %arg8[%swap3A_842], %broadcast_in_dim3A_14 {strides = array<i32>} : memref<2560xf32, #tpu.memory_space<vmem>>, vector<16xf32>,
    %swap3A_844 = arith.constant 2208 : index
    %swap3A_845 = tpu.vector_load %arg9[%swap3A_844] {strides = array<i32>} : memref<2560xf32, #tpu.memory_space<vmem>>, vector<16xf32>,
    tpu.vector_store %arg9[%swap3A_844], %broadcast_in_dim3A_14 {strides = array<i32>} : memref<2560xf32, #tpu.memory_space<vmem>>, vector<16xf32>,
    %swap3A_846 = arith.constant 2208 : index
    %swap3A_847 = tpu.vector_load %arg10[%swap3A_846] {strides = array<i32>} : memref<2560xf32, #tpu.memory_space<vmem>>, vector<16xf32>,
    tpu.vector_store %arg10[%swap3A_846], %broadcast_in_dim3A_14 {strides = array<i32>} : memref<2560xf32, #tpu.memory_space<vmem>>, vector<16xf32>,
    %swap3A_848 = arith.constant 2224 : index
    %swap3A_849 = tpu.vector_load %arg8[%swap3A_848] {strides = array<i32>} : memref<2560xf32, #tpu.memory_space<vmem>>, vector<16xf32>,
    tpu.vector_store %arg8[%swap3A_848], %broadcast_in_dim3A_14 {strides = array<i32>} : memref<2560xf32, #tpu.memory_space<vmem>>, vector<16xf32>,
    %swap3A_850 = arith.constant 2224 : index
    %swap3A_851 = tpu.vector_load %arg9[%swap3A_850] {strides = array<i32>} : memref<2560xf32, #tpu.memory_space<vmem>>, vector<16xf32>,
    tpu.vector_store %arg9[%swap3A_850], %broadcast_in_dim3A_14 {strides = array<i32>} : memref<2560xf32, #tpu.memory_space<vmem>>, vector<16xf32>,
    %swap3A_852 = arith.constant 2224 : index
    %swap3A_853 = tpu.vector_load %arg10[%swap3A_852] {strides = array<i32>} : memref<2560xf32, #tpu.memory_space<vmem>>, vector<16xf32>,
    tpu.vector_store %arg10[%swap3A_852], %broadcast_in_dim3A_14 {strides = array<i32>} : memref<2560xf32, #tpu.memory_space<vmem>>, vector<16xf32>,
    %swap3A_854 = arith.constant 2240 : index
    %swap3A_855 = tpu.vector_load %arg8[%swap3A_854] {strides = array<i32>} : memref<2560xf32, #tpu.memory_space<vmem>>, vector<16xf32>,
    tpu.vector_store %arg8[%swap3A_854], %broadcast_in_dim3A_14 {strides = array<i32>} : memref<2560xf32, #tpu.memory_space<vmem>>, vector<16xf32>,
    %swap3A_856 = arith.constant 2240 : index
    %swap3A_857 = tpu.vector_load %arg9[%swap3A_856] {strides = array<i32>} : memref<2560xf32, #tpu.memory_space<vmem>>, vector<16xf32>,
    tpu.vector_store %arg9[%swap3A_856], %broadcast_in_dim3A_14 {strides = array<i32>} : memref<2560xf32, #tpu.memory_space<vmem>>, vector<16xf32>,
    %swap3A_858 = arith.constant 2240 : index
    %swap3A_859 = tpu.vector_load %arg10[%swap3A_858] {strides = array<i32>} : memref<2560xf32, #tpu.memory_space<vmem>>, vector<16xf32>,
    tpu.vector_store %arg10[%swap3A_858], %broadcast_in_dim3A_14 {strides = array<i32>} : memref<2560xf32, #tpu.memory_space<vmem>>, vector<16xf32>,
    %swap3A_860 = arith.constant 2256 : index
    %swap3A_861 = tpu.vector_load %arg8[%swap3A_860] {strides = array<i32>} : memref<2560xf32, #tpu.memory_space<vmem>>, vector<16xf32>,
    tpu.vector_store %arg8[%swap3A_860], %broadcast_in_dim3A_14 {strides = array<i32>} : memref<2560xf32, #tpu.memory_space<vmem>>, vector<16xf32>,
    %swap3A_862 = arith.constant 2256 : index
    %swap3A_863 = tpu.vector_load %arg9[%swap3A_862] {strides = array<i32>} : memref<2560xf32, #tpu.memory_space<vmem>>, vector<16xf32>,
    tpu.vector_store %arg9[%swap3A_862], %broadcast_in_dim3A_14 {strides = array<i32>} : memref<2560xf32, #tpu.memory_space<vmem>>, vector<16xf32>,
    %swap3A_864 = arith.constant 2256 : index
    %swap3A_865 = tpu.vector_load %arg10[%swap3A_864] {strides = array<i32>} : memref<2560xf32, #tpu.memory_space<vmem>>, vector<16xf32>,
    tpu.vector_store %arg10[%swap3A_864], %broadcast_in_dim3A_14 {strides = array<i32>} : memref<2560xf32, #tpu.memory_space<vmem>>, vector<16xf32>,
    %swap3A_866 = arith.constant 2272 : index
    %swap3A_867 = tpu.vector_load %arg8[%swap3A_866] {strides = array<i32>} : memref<2560xf32, #tpu.memory_space<vmem>>, vector<16xf32>,
    tpu.vector_store %arg8[%swap3A_866], %broadcast_in_dim3A_14 {strides = array<i32>} : memref<2560xf32, #tpu.memory_space<vmem>>, vector<16xf32>,
    %swap3A_868 = arith.constant 2272 : index
    %swap3A_869 = tpu.vector_load %arg9[%swap3A_868] {strides = array<i32>} : memref<2560xf32, #tpu.memory_space<vmem>>, vector<16xf32>,
    tpu.vector_store %arg9[%swap3A_868], %broadcast_in_dim3A_14 {strides = array<i32>} : memref<2560xf32, #tpu.memory_space<vmem>>, vector<16xf32>,
    %swap3A_870 = arith.constant 2272 : index
    %swap3A_871 = tpu.vector_load %arg10[%swap3A_870] {strides = array<i32>} : memref<2560xf32, #tpu.memory_space<vmem>>, vector<16xf32>,
    tpu.vector_store %arg10[%swap3A_870], %broadcast_in_dim3A_14 {strides = array<i32>} : memref<2560xf32, #tpu.memory_space<vmem>>, vector<16xf32>,
    %swap3A_872 = arith.constant 2288 : index
    %swap3A_873 = tpu.vector_load %arg8[%swap3A_872] {strides = array<i32>} : memref<2560xf32, #tpu.memory_space<vmem>>, vector<16xf32>,
    tpu.vector_store %arg8[%swap3A_872], %broadcast_in_dim3A_14 {strides = array<i32>} : memref<2560xf32, #tpu.memory_space<vmem>>, vector<16xf32>,
    %swap3A_874 = arith.constant 2288 : index
    %swap3A_875 = tpu.vector_load %arg9[%swap3A_874] {strides = array<i32>} : memref<2560xf32, #tpu.memory_space<vmem>>, vector<16xf32>,
    tpu.vector_store %arg9[%swap3A_874], %broadcast_in_dim3A_14 {strides = array<i32>} : memref<2560xf32, #tpu.memory_space<vmem>>, vector<16xf32>,
    %swap3A_876 = arith.constant 2288 : index
    %swap3A_877 = tpu.vector_load %arg10[%swap3A_876] {strides = array<i32>} : memref<2560xf32, #tpu.memory_space<vmem>>, vector<16xf32>,
    tpu.vector_store %arg10[%swap3A_876], %broadcast_in_dim3A_14 {strides = array<i32>} : memref<2560xf32, #tpu.memory_space<vmem>>, vector<16xf32>,
    %swap3A_878 = arith.constant 2304 : index
    %swap3A_879 = tpu.vector_load %arg8[%swap3A_878] {strides = array<i32>} : memref<2560xf32, #tpu.memory_space<vmem>>, vector<16xf32>,
    tpu.vector_store %arg8[%swap3A_878], %broadcast_in_dim3A_14 {strides = array<i32>} : memref<2560xf32, #tpu.memory_space<vmem>>, vector<16xf32>,
    %swap3A_880 = arith.constant 2304 : index
    %swap3A_881 = tpu.vector_load %arg9[%swap3A_880] {strides = array<i32>} : memref<2560xf32, #tpu.memory_space<vmem>>, vector<16xf32>,
    tpu.vector_store %arg9[%swap3A_880], %broadcast_in_dim3A_14 {strides = array<i32>} : memref<2560xf32, #tpu.memory_space<vmem>>, vector<16xf32>,
    %swap3A_882 = arith.constant 2304 : index
    %swap3A_883 = tpu.vector_load %arg10[%swap3A_882] {strides = array<i32>} : memref<2560xf32, #tpu.memory_space<vmem>>, vector<16xf32>,
    tpu.vector_store %arg10[%swap3A_882], %broadcast_in_dim3A_14 {strides = array<i32>} : memref<2560xf32, #tpu.memory_space<vmem>>, vector<16xf32>,
    %swap3A_884 = arith.constant 2320 : index
    %swap3A_885 = tpu.vector_load %arg8[%swap3A_884] {strides = array<i32>} : memref<2560xf32, #tpu.memory_space<vmem>>, vector<16xf32>,
    tpu.vector_store %arg8[%swap3A_884], %broadcast_in_dim3A_14 {strides = array<i32>} : memref<2560xf32, #tpu.memory_space<vmem>>, vector<16xf32>,
    %swap3A_886 = arith.constant 2320 : index
    %swap3A_887 = tpu.vector_load %arg9[%swap3A_886] {strides = array<i32>} : memref<2560xf32, #tpu.memory_space<vmem>>, vector<16xf32>,
    tpu.vector_store %arg9[%swap3A_886], %broadcast_in_dim3A_14 {strides = array<i32>} : memref<2560xf32, #tpu.memory_space<vmem>>, vector<16xf32>,
    %swap3A_888 = arith.constant 2320 : index
    %swap3A_889 = tpu.vector_load %arg10[%swap3A_888] {strides = array<i32>} : memref<2560xf32, #tpu.memory_space<vmem>>, vector<16xf32>,
    tpu.vector_store %arg10[%swap3A_888], %broadcast_in_dim3A_14 {strides = array<i32>} : memref<2560xf32, #tpu.memory_space<vmem>>, vector<16xf32>,
    %swap3A_890 = arith.constant 2336 : index
    %swap3A_891 = tpu.vector_load %arg8[%swap3A_890] {strides = array<i32>} : memref<2560xf32, #tpu.memory_space<vmem>>, vector<16xf32>,
    tpu.vector_store %arg8[%swap3A_890], %broadcast_in_dim3A_14 {strides = array<i32>} : memref<2560xf32, #tpu.memory_space<vmem>>, vector<16xf32>,
    %swap3A_892 = arith.constant 2336 : index
    %swap3A_893 = tpu.vector_load %arg9[%swap3A_892] {strides = array<i32>} : memref<2560xf32, #tpu.memory_space<vmem>>, vector<16xf32>,
    tpu.vector_store %arg9[%swap3A_892], %broadcast_in_dim3A_14 {strides = array<i32>} : memref<2560xf32, #tpu.memory_space<vmem>>, vector<16xf32>,
    %swap3A_894 = arith.constant 2336 : index
    %swap3A_895 = tpu.vector_load %arg10[%swap3A_894] {strides = array<i32>} : memref<2560xf32, #tpu.memory_space<vmem>>, vector<16xf32>,
    tpu.vector_store %arg10[%swap3A_894], %broadcast_in_dim3A_14 {strides = array<i32>} : memref<2560xf32, #tpu.memory_space<vmem>>, vector<16xf32>,
    %swap3A_896 = arith.constant 2352 : index
    %swap3A_897 = tpu.vector_load %arg8[%swap3A_896] {strides = array<i32>} : memref<2560xf32, #tpu.memory_space<vmem>>, vector<16xf32>,
    tpu.vector_store %arg8[%swap3A_896], %broadcast_in_dim3A_14 {strides = array<i32>} : memref<2560xf32, #tpu.memory_space<vmem>>, vector<16xf32>,
    %swap3A_898 = arith.constant 2352 : index
    %swap3A_899 = tpu.vector_load %arg9[%swap3A_898] {strides = array<i32>} : memref<2560xf32, #tpu.memory_space<vmem>>, vector<16xf32>,
    tpu.vector_store %arg9[%swap3A_898], %broadcast_in_dim3A_14 {strides = array<i32>} : memref<2560xf32, #tpu.memory_space<vmem>>, vector<16xf32>,
    %swap3A_900 = arith.constant 2352 : index
    %swap3A_901 = tpu.vector_load %arg10[%swap3A_900] {strides = array<i32>} : memref<2560xf32, #tpu.memory_space<vmem>>, vector<16xf32>,
    tpu.vector_store %arg10[%swap3A_900], %broadcast_in_dim3A_14 {strides = array<i32>} : memref<2560xf32, #tpu.memory_space<vmem>>, vector<16xf32>,
    %swap3A_902 = arith.constant 2368 : index
    %swap3A_903 = tpu.vector_load %arg8[%swap3A_902] {strides = array<i32>} : memref<2560xf32, #tpu.memory_space<vmem>>, vector<16xf32>,
    tpu.vector_store %arg8[%swap3A_902], %broadcast_in_dim3A_14 {strides = array<i32>} : memref<2560xf32, #tpu.memory_space<vmem>>, vector<16xf32>,
    %swap3A_904 = arith.constant 2368 : index
    %swap3A_905 = tpu.vector_load %arg9[%swap3A_904] {strides = array<i32>} : memref<2560xf32, #tpu.memory_space<vmem>>, vector<16xf32>,
    tpu.vector_store %arg9[%swap3A_904], %broadcast_in_dim3A_14 {strides = array<i32>} : memref<2560xf32, #tpu.memory_space<vmem>>, vector<16xf32>,
    %swap3A_906 = arith.constant 2368 : index
    %swap3A_907 = tpu.vector_load %arg10[%swap3A_906] {strides = array<i32>} : memref<2560xf32, #tpu.memory_space<vmem>>, vector<16xf32>,
    tpu.vector_store %arg10[%swap3A_906], %broadcast_in_dim3A_14 {strides = array<i32>} : memref<2560xf32, #tpu.memory_space<vmem>>, vector<16xf32>,
    %swap3A_908 = arith.constant 2384 : index
    %swap3A_909 = tpu.vector_load %arg8[%swap3A_908] {strides = array<i32>} : memref<2560xf32, #tpu.memory_space<vmem>>, vector<16xf32>,
    tpu.vector_store %arg8[%swap3A_908], %broadcast_in_dim3A_14 {strides = array<i32>} : memref<2560xf32, #tpu.memory_space<vmem>>, vector<16xf32>,
    %swap3A_910 = arith.constant 2384 : index
    %swap3A_911 = tpu.vector_load %arg9[%swap3A_910] {strides = array<i32>} : memref<2560xf32, #tpu.memory_space<vmem>>, vector<16xf32>,
    tpu.vector_store %arg9[%swap3A_910], %broadcast_in_dim3A_14 {strides = array<i32>} : memref<2560xf32, #tpu.memory_space<vmem>>, vector<16xf32>,
    %swap3A_912 = arith.constant 2384 : index
    %swap3A_913 = tpu.vector_load %arg10[%swap3A_912] {strides = array<i32>} : memref<2560xf32, #tpu.memory_space<vmem>>, vector<16xf32>,
    tpu.vector_store %arg10[%swap3A_912], %broadcast_in_dim3A_14 {strides = array<i32>} : memref<2560xf32, #tpu.memory_space<vmem>>, vector<16xf32>,
    %swap3A_914 = arith.constant 2400 : index
    %swap3A_915 = tpu.vector_load %arg8[%swap3A_914] {strides = array<i32>} : memref<2560xf32, #tpu.memory_space<vmem>>, vector<16xf32>,
    tpu.vector_store %arg8[%swap3A_914], %broadcast_in_dim3A_14 {strides = array<i32>} : memref<2560xf32, #tpu.memory_space<vmem>>, vector<16xf32>,
    %swap3A_916 = arith.constant 2400 : index
    %swap3A_917 = tpu.vector_load %arg9[%swap3A_916] {strides = array<i32>} : memref<2560xf32, #tpu.memory_space<vmem>>, vector<16xf32>,
    tpu.vector_store %arg9[%swap3A_916], %broadcast_in_dim3A_14 {strides = array<i32>} : memref<2560xf32, #tpu.memory_space<vmem>>, vector<16xf32>,
    %swap3A_918 = arith.constant 2400 : index
    %swap3A_919 = tpu.vector_load %arg10[%swap3A_918] {strides = array<i32>} : memref<2560xf32, #tpu.memory_space<vmem>>, vector<16xf32>,
    tpu.vector_store %arg10[%swap3A_918], %broadcast_in_dim3A_14 {strides = array<i32>} : memref<2560xf32, #tpu.memory_space<vmem>>, vector<16xf32>,
    %swap3A_920 = arith.constant 2416 : index
    %swap3A_921 = tpu.vector_load %arg8[%swap3A_920] {strides = array<i32>} : memref<2560xf32, #tpu.memory_space<vmem>>, vector<16xf32>,
    tpu.vector_store %arg8[%swap3A_920], %broadcast_in_dim3A_14 {strides = array<i32>} : memref<2560xf32, #tpu.memory_space<vmem>>, vector<16xf32>,
    %swap3A_922 = arith.constant 2416 : index
    %swap3A_923 = tpu.vector_load %arg9[%swap3A_922] {strides = array<i32>} : memref<2560xf32, #tpu.memory_space<vmem>>, vector<16xf32>,
    tpu.vector_store %arg9[%swap3A_922], %broadcast_in_dim3A_14 {strides = array<i32>} : memref<2560xf32, #tpu.memory_space<vmem>>, vector<16xf32>,
    %swap3A_924 = arith.constant 2416 : index
    %swap3A_925 = tpu.vector_load %arg10[%swap3A_924] {strides = array<i32>} : memref<2560xf32, #tpu.memory_space<vmem>>, vector<16xf32>,
    tpu.vector_store %arg10[%swap3A_924], %broadcast_in_dim3A_14 {strides = array<i32>} : memref<2560xf32, #tpu.memory_space<vmem>>, vector<16xf32>,
    %swap3A_926 = arith.constant 2432 : index
    %swap3A_927 = tpu.vector_load %arg8[%swap3A_926] {strides = array<i32>} : memref<2560xf32, #tpu.memory_space<vmem>>, vector<16xf32>,
    tpu.vector_store %arg8[%swap3A_926], %broadcast_in_dim3A_14 {strides = array<i32>} : memref<2560xf32, #tpu.memory_space<vmem>>, vector<16xf32>,
    %swap3A_928 = arith.constant 2432 : index
    %swap3A_929 = tpu.vector_load %arg9[%swap3A_928] {strides = array<i32>} : memref<2560xf32, #tpu.memory_space<vmem>>, vector<16xf32>,
    tpu.vector_store %arg9[%swap3A_928], %broadcast_in_dim3A_14 {strides = array<i32>} : memref<2560xf32, #tpu.memory_space<vmem>>, vector<16xf32>,
    %swap3A_930 = arith.constant 2432 : index
    %swap3A_931 = tpu.vector_load %arg10[%swap3A_930] {strides = array<i32>} : memref<2560xf32, #tpu.memory_space<vmem>>, vector<16xf32>,
    tpu.vector_store %arg10[%swap3A_930], %broadcast_in_dim3A_14 {strides = array<i32>} : memref<2560xf32, #tpu.memory_space<vmem>>, vector<16xf32>,
    %swap3A_932 = arith.constant 2448 : index
    %swap3A_933 = tpu.vector_load %arg8[%swap3A_932] {strides = array<i32>} : memref<2560xf32, #tpu.memory_space<vmem>>, vector<16xf32>,
    tpu.vector_store %arg8[%swap3A_932], %broadcast_in_dim3A_14 {strides = array<i32>} : memref<2560xf32, #tpu.memory_space<vmem>>, vector<16xf32>,
    %swap3A_934 = arith.constant 2448 : index
    %swap3A_935 = tpu.vector_load %arg9[%swap3A_934] {strides = array<i32>} : memref<2560xf32, #tpu.memory_space<vmem>>, vector<16xf32>,
    tpu.vector_store %arg9[%swap3A_934], %broadcast_in_dim3A_14 {strides = array<i32>} : memref<2560xf32, #tpu.memory_space<vmem>>, vector<16xf32>,
    %swap3A_936 = arith.constant 2448 : index
    %swap3A_937 = tpu.vector_load %arg10[%swap3A_936] {strides = array<i32>} : memref<2560xf32, #tpu.memory_space<vmem>>, vector<16xf32>,
    tpu.vector_store %arg10[%swap3A_936], %broadcast_in_dim3A_14 {strides = array<i32>} : memref<2560xf32, #tpu.memory_space<vmem>>, vector<16xf32>,
    %swap3A_938 = arith.constant 2464 : index
    %swap3A_939 = tpu.vector_load %arg8[%swap3A_938] {strides = array<i32>} : memref<2560xf32, #tpu.memory_space<vmem>>, vector<16xf32>,
    tpu.vector_store %arg8[%swap3A_938], %broadcast_in_dim3A_14 {strides = array<i32>} : memref<2560xf32, #tpu.memory_space<vmem>>, vector<16xf32>,
    %swap3A_940 = arith.constant 2464 : index
    %swap3A_941 = tpu.vector_load %arg9[%swap3A_940] {strides = array<i32>} : memref<2560xf32, #tpu.memory_space<vmem>>, vector<16xf32>,
    tpu.vector_store %arg9[%swap3A_940], %broadcast_in_dim3A_14 {strides = array<i32>} : memref<2560xf32, #tpu.memory_space<vmem>>, vector<16xf32>,
    %swap3A_942 = arith.constant 2464 : index
    %swap3A_943 = tpu.vector_load %arg10[%swap3A_942] {strides = array<i32>} : memref<2560xf32, #tpu.memory_space<vmem>>, vector<16xf32>,
    tpu.vector_store %arg10[%swap3A_942], %broadcast_in_dim3A_14 {strides = array<i32>} : memref<2560xf32, #tpu.memory_space<vmem>>, vector<16xf32>,
    %swap3A_944 = arith.constant 2480 : index
    %swap3A_945 = tpu.vector_load %arg8[%swap3A_944] {strides = array<i32>} : memref<2560xf32, #tpu.memory_space<vmem>>, vector<16xf32>,
    tpu.vector_store %arg8[%swap3A_944], %broadcast_in_dim3A_14 {strides = array<i32>} : memref<2560xf32, #tpu.memory_space<vmem>>, vector<16xf32>,
    %swap3A_946 = arith.constant 2480 : index
    %swap3A_947 = tpu.vector_load %arg9[%swap3A_946] {strides = array<i32>} : memref<2560xf32, #tpu.memory_space<vmem>>, vector<16xf32>,
    tpu.vector_store %arg9[%swap3A_946], %broadcast_in_dim3A_14 {strides = array<i32>} : memref<2560xf32, #tpu.memory_space<vmem>>, vector<16xf32>,
    %swap3A_948 = arith.constant 2480 : index
    %swap3A_949 = tpu.vector_load %arg10[%swap3A_948] {strides = array<i32>} : memref<2560xf32, #tpu.memory_space<vmem>>, vector<16xf32>,
    tpu.vector_store %arg10[%swap3A_948], %broadcast_in_dim3A_14 {strides = array<i32>} : memref<2560xf32, #tpu.memory_space<vmem>>, vector<16xf32>,
    %swap3A_950 = arith.constant 2496 : index
    %swap3A_951 = tpu.vector_load %arg8[%swap3A_950] {strides = array<i32>} : memref<2560xf32, #tpu.memory_space<vmem>>, vector<16xf32>,
    tpu.vector_store %arg8[%swap3A_950], %broadcast_in_dim3A_14 {strides = array<i32>} : memref<2560xf32, #tpu.memory_space<vmem>>, vector<16xf32>,
    %swap3A_952 = arith.constant 2496 : index
    %swap3A_953 = tpu.vector_load %arg9[%swap3A_952] {strides = array<i32>} : memref<2560xf32, #tpu.memory_space<vmem>>, vector<16xf32>,
    tpu.vector_store %arg9[%swap3A_952], %broadcast_in_dim3A_14 {strides = array<i32>} : memref<2560xf32, #tpu.memory_space<vmem>>, vector<16xf32>,
    %swap3A_954 = arith.constant 2496 : index
    %swap3A_955 = tpu.vector_load %arg10[%swap3A_954] {strides = array<i32>} : memref<2560xf32, #tpu.memory_space<vmem>>, vector<16xf32>,
    tpu.vector_store %arg10[%swap3A_954], %broadcast_in_dim3A_14 {strides = array<i32>} : memref<2560xf32, #tpu.memory_space<vmem>>, vector<16xf32>,
    %swap3A_956 = arith.constant 2512 : index
    %swap3A_957 = tpu.vector_load %arg8[%swap3A_956] {strides = array<i32>} : memref<2560xf32, #tpu.memory_space<vmem>>, vector<16xf32>,
    tpu.vector_store %arg8[%swap3A_956], %broadcast_in_dim3A_14 {strides = array<i32>} : memref<2560xf32, #tpu.memory_space<vmem>>, vector<16xf32>,
    %swap3A_958 = arith.constant 2512 : index
    %swap3A_959 = tpu.vector_load %arg9[%swap3A_958] {strides = array<i32>} : memref<2560xf32, #tpu.memory_space<vmem>>, vector<16xf32>,
    tpu.vector_store %arg9[%swap3A_958], %broadcast_in_dim3A_14 {strides = array<i32>} : memref<2560xf32, #tpu.memory_space<vmem>>, vector<16xf32>,
    %swap3A_960 = arith.constant 2512 : index
    %swap3A_961 = tpu.vector_load %arg10[%swap3A_960] {strides = array<i32>} : memref<2560xf32, #tpu.memory_space<vmem>>, vector<16xf32>,
    tpu.vector_store %arg10[%swap3A_960], %broadcast_in_dim3A_14 {strides = array<i32>} : memref<2560xf32, #tpu.memory_space<vmem>>, vector<16xf32>,
    %swap3A_962 = arith.constant 2528 : index
    %swap3A_963 = tpu.vector_load %arg8[%swap3A_962] {strides = array<i32>} : memref<2560xf32, #tpu.memory_space<vmem>>, vector<16xf32>,
    tpu.vector_store %arg8[%swap3A_962], %broadcast_in_dim3A_14 {strides = array<i32>} : memref<2560xf32, #tpu.memory_space<vmem>>, vector<16xf32>,
    %swap3A_964 = arith.constant 2528 : index
    %swap3A_965 = tpu.vector_load %arg9[%swap3A_964] {strides = array<i32>} : memref<2560xf32, #tpu.memory_space<vmem>>, vector<16xf32>,
    tpu.vector_store %arg9[%swap3A_964], %broadcast_in_dim3A_14 {strides = array<i32>} : memref<2560xf32, #tpu.memory_space<vmem>>, vector<16xf32>,
    %swap3A_966 = arith.constant 2528 : index
    %swap3A_967 = tpu.vector_load %arg10[%swap3A_966] {strides = array<i32>} : memref<2560xf32, #tpu.memory_space<vmem>>, vector<16xf32>,
    tpu.vector_store %arg10[%swap3A_966], %broadcast_in_dim3A_14 {strides = array<i32>} : memref<2560xf32, #tpu.memory_space<vmem>>, vector<16xf32>,
    %swap3A_968 = arith.constant 2544 : index
    %swap3A_969 = tpu.vector_load %arg8[%swap3A_968] {strides = array<i32>} : memref<2560xf32, #tpu.memory_space<vmem>>, vector<16xf32>,
    tpu.vector_store %arg8[%swap3A_968], %broadcast_in_dim3A_14 {strides = array<i32>} : memref<2560xf32, #tpu.memory_space<vmem>>, vector<16xf32>,
    %swap3A_970 = arith.constant 2544 : index
    %swap3A_971 = tpu.vector_load %arg9[%swap3A_970] {strides = array<i32>} : memref<2560xf32, #tpu.memory_space<vmem>>, vector<16xf32>,
    tpu.vector_store %arg9[%swap3A_970], %broadcast_in_dim3A_14 {strides = array<i32>} : memref<2560xf32, #tpu.memory_space<vmem>>, vector<16xf32>,
    %swap3A_972 = arith.constant 2544 : index
    %swap3A_973 = tpu.vector_load %arg10[%swap3A_972] {strides = array<i32>} : memref<2560xf32, #tpu.memory_space<vmem>>, vector<16xf32>,
    tpu.vector_store %arg10[%swap3A_972], %broadcast_in_dim3A_14 {strides = array<i32>} : memref<2560xf32, #tpu.memory_space<vmem>>, vector<16xf32>,
    %iota3A = tpu.iota {dimensions = array<i32: 0>} : vector<16xi32>
    %broadcast_in_dim3A_974 = arith.constant 1.000000e+00 : f32
    %broadcast_in_dim3A_975 = vector.broadcast %broadcast_in_dim3A_974 : f32 to vector<16xf32>
    %dma_wait3A = tpu.memref_slice %arg2[%mul3A_2] : memref<262144xi32, #tpu.memory_space<hbm>> -> memref<8192xi32, #tpu.memory_space<hbm>>
    %dma_wait3A_976 = tpu.memref_slice %arg2[%mul3A_2] : memref<262144xi32, #tpu.memory_space<hbm>> -> memref<8192xi32, #tpu.memory_space<hbm>>
    tpu.wait_dma2 semaphore(%arg12 : memref<!tpu.dma_semaphore, #tpu.memory_space<semaphore_mem>>) src(%dma_wait3A_976 : memref<8192xi32, #tpu.memory_space<hbm>>) dst(%arg5 : memref<8192xi32, #tpu.memory_space<vmem>>)
    %dma_wait3A_977 = arith.constant 0 : i32
    %dma_wait3A_978 = tpu.memref_slice %arg3[%dma_wait3A_977, %mul3A_2] : memref<2x262144xf32, #tpu.memory_space<hbm>> -> memref<1x8192xf32, #tpu.memory_space<hbm>>
    %dma_wait3A_979 = tpu.memref_squeeze %dma_wait3A_978 : memref<1x8192xf32, #tpu.memory_space<hbm>> -> memref<8192xf32, #tpu.memory_space<hbm>>
    %dma_wait3A_980 = tpu.memref_slice %arg3[%dma_wait3A_977, %mul3A_2] : memref<2x262144xf32, #tpu.memory_space<hbm>> -> memref<1x8192xf32, #tpu.memory_space<hbm>>
    %dma_wait3A_981 = tpu.memref_squeeze %dma_wait3A_980 : memref<1x8192xf32, #tpu.memory_space<hbm>> -> memref<8192xf32, #tpu.memory_space<hbm>>
    tpu.wait_dma2 semaphore(%arg12 : memref<!tpu.dma_semaphore, #tpu.memory_space<semaphore_mem>>) src(%dma_wait3A_981 : memref<8192xf32, #tpu.memory_space<hbm>>) dst(%arg6 : memref<8192xf32, #tpu.memory_space<vmem>>)
    %dma_wait3A_982 = arith.constant 1 : i32
    %dma_wait3A_983 = tpu.memref_slice %arg3[%dma_wait3A_982, %mul3A_2] : memref<2x262144xf32, #tpu.memory_space<hbm>> -> memref<1x8192xf32, #tpu.memory_space<hbm>>
    %dma_wait3A_984 = tpu.memref_squeeze %dma_wait3A_983 : memref<1x8192xf32, #tpu.memory_space<hbm>> -> memref<8192xf32, #tpu.memory_space<hbm>>
    %dma_wait3A_985 = tpu.memref_slice %arg3[%dma_wait3A_982, %mul3A_2] : memref<2x262144xf32, #tpu.memory_space<hbm>> -> memref<1x8192xf32, #tpu.memory_space<hbm>>
    %dma_wait3A_986 = tpu.memref_squeeze %dma_wait3A_985 : memref<1x8192xf32, #tpu.memory_space<hbm>> -> memref<8192xf32, #tpu.memory_space<hbm>>
    tpu.wait_dma2 semaphore(%arg12 : memref<!tpu.dma_semaphore, #tpu.memory_space<semaphore_mem>>) src(%dma_wait3A_986 : memref<8192xf32, #tpu.memory_space<hbm>>) dst(%arg7 : memref<8192xf32, #tpu.memory_space<vmem>>)
    %scan3A = arith.constant 0 : i32
    %scan3A_987 = arith.constant 0 : i32
    %scan3A_988 = arith.constant 128 : i32
    %scan3A_989 = arith.addi %scan3A_987, %scan3A_988 : i32
    %scan3A_990 = arith.constant 1 : i32
    scf.for %scan3A_2491 = %scan3A_987 to %scan3A_989 step %scan3A_990  : i32 {
      %mul3A_2492 = arith.constant 64 : i32
      %mul3A_2493 = arith.muli %scan3A_2491, %mul3A_2492 : i32
      %add3A_2494 = arith.constant 0 : i32
      %add3A_2495 = arith.addi %mul3A_2493, %add3A_2494 : i32
      %get3A_2496 = arith.index_cast %add3A_2495 : i32 to index
      %get3A_2497 = tpu.vector_load %arg5[%get3A_2496] {strides = array<i32>} : memref<8192xi32, #tpu.memory_space<vmem>>, vector<16xi32>,
      %add3A_2498 = arith.constant 16 : i32
      %add3A_2499 = arith.addi %mul3A_2493, %add3A_2498 : i32
      %get3A_2500 = arith.index_cast %add3A_2499 : i32 to index
      %get3A_2501 = tpu.vector_load %arg5[%get3A_2500] {strides = array<i32>} : memref<8192xi32, #tpu.memory_space<vmem>>, vector<16xi32>,
      %add3A_2502 = arith.constant 32 : i32
      %add3A_2503 = arith.addi %mul3A_2493, %add3A_2502 : i32
      %get3A_2504 = arith.index_cast %add3A_2503 : i32 to index
      %get3A_2505 = tpu.vector_load %arg5[%get3A_2504] {strides = array<i32>} : memref<8192xi32, #tpu.memory_space<vmem>>, vector<16xi32>,
      %add3A_2506 = arith.constant 48 : i32
      %add3A_2507 = arith.addi %mul3A_2493, %add3A_2506 : i32
      %get3A_2508 = arith.index_cast %add3A_2507 : i32 to index
      %get3A_2509 = tpu.vector_load %arg5[%get3A_2508] {strides = array<i32>} : memref<8192xi32, #tpu.memory_space<vmem>>, vector<16xi32>,
      %min3A = arith.minsi %get3A_2497, %get3A_2501 : vector<16xi32>
      %min3A_2510 = arith.minsi %min3A, %get3A_2505 : vector<16xi32>
      %min3A_2511 = arith.minsi %min3A_2510, %get3A_2509 : vector<16xi32>
      %lt3A = arith.constant 156 : i32
      %lt3A_2512 = vector.broadcast %lt3A : i32 to vector<16xi32>
      %lt3A_2513 = arith.cmpi slt, %min3A_2511, %lt3A_2512 : vector<16xi32>
      %reduce_or3A = arith.constant 1.000000e+00 : f32
      %reduce_or3A_2514 = arith.constant 0.000000e+00 : f32
      %reduce_or3A_2515 = vector.broadcast %reduce_or3A : f32 to vector<16xf32>
      %reduce_or3A_2516 = vector.broadcast %reduce_or3A_2514 : f32 to vector<16xf32>
      %reduce_or3A_2517 = arith.select %lt3A_2513, %reduce_or3A_2515, %reduce_or3A_2516 : vector<16xi1>, vector<16xf32>
      %reduce_or3A_2518 = arith.constant true
      %reduce_or3A_2519 = vector.broadcast %reduce_or3A_2518 : i1 to vector<16xi1>
      %reduce_or3A_2520 = tpu.scan <max>, %reduce_or3A_2517 masked %reduce_or3A_2519 : vector<16xf32>, vector<16xi1> -> vector<16xf32>
      %reduce_or3A_2521 = vector.extract %reduce_or3A_2520[15] : f32 from vector<16xf32>
      %reduce_or3A_2522 = arith.constant 0.000000e+00 : f32
      %reduce_or3A_2523 = arith.cmpf ogt, %reduce_or3A_2521, %reduce_or3A_2522 : f32
      %convert_element_type3A = arith.extui %reduce_or3A_2523 : i1 to i32
      %cond3A = arith.constant 0 : i32
      %cond3A_2524 = arith.cmpi ne, %convert_element_type3A, %cond3A : i32
      scf.if %cond3A_2524 {
        %add3A_2525 = arith.constant 0 : i32
        %add3A_2526 = arith.addi %mul3A_2493, %add3A_2525 : i32
        %mul3A_2527 = arith.constant 160 : i32
        %mul3A_2528 = vector.broadcast %mul3A_2527 : i32 to vector<16xi32>
        %mul3A_2529 = arith.muli %iota3A, %mul3A_2528 : vector<16xi32>
        %add3A_2530 = arith.addi %mul3A_2529, %get3A_2497 : vector<16xi32>
        %get3A_2531 = arith.index_cast %add3A_2526 : i32 to index
        %get3A_2532 = tpu.vector_load %arg6[%get3A_2531] {strides = array<i32>} : memref<8192xf32, #tpu.memory_space<vmem>>, vector<16xf32>,
        tpu.vector_store_idx %arg8[%add3A_2530], %get3A_2532 {add = true} : memref<2560xf32, #tpu.memory_space<vmem>>[vector<16xi32>], vector<16xf32>,
        %get3A_2533 = arith.index_cast %add3A_2526 : i32 to index
        %get3A_2534 = tpu.vector_load %arg7[%get3A_2533] {strides = array<i32>} : memref<8192xf32, #tpu.memory_space<vmem>>, vector<16xf32>,
        tpu.vector_store_idx %arg9[%add3A_2530], %get3A_2534 {add = true} : memref<2560xf32, #tpu.memory_space<vmem>>[vector<16xi32>], vector<16xf32>,
        tpu.vector_store_idx %arg10[%add3A_2530], %broadcast_in_dim3A_975 {add = true} : memref<2560xf32, #tpu.memory_space<vmem>>[vector<16xi32>], vector<16xf32>,
        %add3A_2535 = arith.constant 16 : i32
        %add3A_2536 = arith.addi %mul3A_2493, %add3A_2535 : i32
        %mul3A_2537 = arith.constant 160 : i32
        %mul3A_2538 = vector.broadcast %mul3A_2537 : i32 to vector<16xi32>
        %mul3A_2539 = arith.muli %iota3A, %mul3A_2538 : vector<16xi32>
        %add3A_2540 = arith.addi %mul3A_2539, %get3A_2501 : vector<16xi32>
        %get3A_2541 = arith.index_cast %add3A_2536 : i32 to index
        %get3A_2542 = tpu.vector_load %arg6[%get3A_2541] {strides = array<i32>} : memref<8192xf32, #tpu.memory_space<vmem>>, vector<16xf32>,
        tpu.vector_store_idx %arg8[%add3A_2540], %get3A_2542 {add = true} : memref<2560xf32, #tpu.memory_space<vmem>>[vector<16xi32>], vector<16xf32>,
        %get3A_2543 = arith.index_cast %add3A_2536 : i32 to index
        %get3A_2544 = tpu.vector_load %arg7[%get3A_2543] {strides = array<i32>} : memref<8192xf32, #tpu.memory_space<vmem>>, vector<16xf32>,
        tpu.vector_store_idx %arg9[%add3A_2540], %get3A_2544 {add = true} : memref<2560xf32, #tpu.memory_space<vmem>>[vector<16xi32>], vector<16xf32>,
        tpu.vector_store_idx %arg10[%add3A_2540], %broadcast_in_dim3A_975 {add = true} : memref<2560xf32, #tpu.memory_space<vmem>>[vector<16xi32>], vector<16xf32>,
        %add3A_2545 = arith.constant 32 : i32
        %add3A_2546 = arith.addi %mul3A_2493, %add3A_2545 : i32
        %mul3A_2547 = arith.constant 160 : i32
        %mul3A_2548 = vector.broadcast %mul3A_2547 : i32 to vector<16xi32>
        %mul3A_2549 = arith.muli %iota3A, %mul3A_2548 : vector<16xi32>
        %add3A_2550 = arith.addi %mul3A_2549, %get3A_2505 : vector<16xi32>
        %get3A_2551 = arith.index_cast %add3A_2546 : i32 to index
        %get3A_2552 = tpu.vector_load %arg6[%get3A_2551] {strides = array<i32>} : memref<8192xf32, #tpu.memory_space<vmem>>, vector<16xf32>,
        tpu.vector_store_idx %arg8[%add3A_2550], %get3A_2552 {add = true} : memref<2560xf32, #tpu.memory_space<vmem>>[vector<16xi32>], vector<16xf32>,
        %get3A_2553 = arith.index_cast %add3A_2546 : i32 to index
        %get3A_2554 = tpu.vector_load %arg7[%get3A_2553] {strides = array<i32>} : memref<8192xf32, #tpu.memory_space<vmem>>, vector<16xf32>,
        tpu.vector_store_idx %arg9[%add3A_2550], %get3A_2554 {add = true} : memref<2560xf32, #tpu.memory_space<vmem>>[vector<16xi32>], vector<16xf32>,
        tpu.vector_store_idx %arg10[%add3A_2550], %broadcast_in_dim3A_975 {add = true} : memref<2560xf32, #tpu.memory_space<vmem>>[vector<16xi32>], vector<16xf32>,
        %add3A_2555 = arith.constant 48 : i32
        %add3A_2556 = arith.addi %mul3A_2493, %add3A_2555 : i32
        %mul3A_2557 = arith.constant 160 : i32
        %mul3A_2558 = vector.broadcast %mul3A_2557 : i32 to vector<16xi32>
        %mul3A_2559 = arith.muli %iota3A, %mul3A_2558 : vector<16xi32>
        %add3A_2560 = arith.addi %mul3A_2559, %get3A_2509 : vector<16xi32>
        %get3A_2561 = arith.index_cast %add3A_2556 : i32 to index
        %get3A_2562 = tpu.vector_load %arg6[%get3A_2561] {strides = array<i32>} : memref<8192xf32, #tpu.memory_space<vmem>>, vector<16xf32>,
        tpu.vector_store_idx %arg8[%add3A_2560], %get3A_2562 {add = true} : memref<2560xf32, #tpu.memory_space<vmem>>[vector<16xi32>], vector<16xf32>,
        %get3A_2563 = arith.index_cast %add3A_2556 : i32 to index
        %get3A_2564 = tpu.vector_load %arg7[%get3A_2563] {strides = array<i32>} : memref<8192xf32, #tpu.memory_space<vmem>>, vector<16xf32>,
        tpu.vector_store_idx %arg9[%add3A_2560], %get3A_2564 {add = true} : memref<2560xf32, #tpu.memory_space<vmem>>[vector<16xi32>], vector<16xf32>,
        tpu.vector_store_idx %arg10[%add3A_2560], %broadcast_in_dim3A_975 {add = true} : memref<2560xf32, #tpu.memory_space<vmem>>[vector<16xi32>], vector<16xf32>,
      } else {
      }
    }
    %scan3A_991 = arith.constant 128 : i32
    %get3A = arith.constant 0 : index
    %get3A_992 = tpu.vector_load %arg8[%get3A] {strides = array<i32>} : memref<2560xf32, #tpu.memory_space<vmem>>, vector<16xf32>,
    %add3A_993 = arith.addf %broadcast_in_dim3A_14, %get3A_992 : vector<16xf32>
    %get3A_994 = arith.constant 0 : index
    %get3A_995 = tpu.vector_load %arg9[%get3A_994] {strides = array<i32>} : memref<2560xf32, #tpu.memory_space<vmem>>, vector<16xf32>,
    %add3A_996 = arith.addf %broadcast_in_dim3A_14, %get3A_995 : vector<16xf32>
    %get3A_997 = arith.constant 0 : index
    %get3A_998 = tpu.vector_load %arg10[%get3A_997] {strides = array<i32>} : memref<2560xf32, #tpu.memory_space<vmem>>, vector<16xf32>,
    %add3A_999 = arith.addf %broadcast_in_dim3A_14, %get3A_998 : vector<16xf32>
    %get3A_1000 = arith.constant 160 : index
    %get3A_1001 = tpu.vector_load %arg8[%get3A_1000] {strides = array<i32>} : memref<2560xf32, #tpu.memory_space<vmem>>, vector<16xf32>,
    %add3A_1002 = arith.addf %add3A_993, %get3A_1001 : vector<16xf32>
    %get3A_1003 = arith.constant 160 : index
    %get3A_1004 = tpu.vector_load %arg9[%get3A_1003] {strides = array<i32>} : memref<2560xf32, #tpu.memory_space<vmem>>, vector<16xf32>,
    %add3A_1005 = arith.addf %add3A_996, %get3A_1004 : vector<16xf32>
    %get3A_1006 = arith.constant 160 : index
    %get3A_1007 = tpu.vector_load %arg10[%get3A_1006] {strides = array<i32>} : memref<2560xf32, #tpu.memory_space<vmem>>, vector<16xf32>,
    %add3A_1008 = arith.addf %add3A_999, %get3A_1007 : vector<16xf32>
    %get3A_1009 = arith.constant 320 : index
    %get3A_1010 = tpu.vector_load %arg8[%get3A_1009] {strides = array<i32>} : memref<2560xf32, #tpu.memory_space<vmem>>, vector<16xf32>,
    %add3A_1011 = arith.addf %add3A_1002, %get3A_1010 : vector<16xf32>
    %get3A_1012 = arith.constant 320 : index
    %get3A_1013 = tpu.vector_load %arg9[%get3A_1012] {strides = array<i32>} : memref<2560xf32, #tpu.memory_space<vmem>>, vector<16xf32>,
    %add3A_1014 = arith.addf %add3A_1005, %get3A_1013 : vector<16xf32>
    %get3A_1015 = arith.constant 320 : index
    %get3A_1016 = tpu.vector_load %arg10[%get3A_1015] {strides = array<i32>} : memref<2560xf32, #tpu.memory_space<vmem>>, vector<16xf32>,
    %add3A_1017 = arith.addf %add3A_1008, %get3A_1016 : vector<16xf32>
    %get3A_1018 = arith.constant 480 : index
    %get3A_1019 = tpu.vector_load %arg8[%get3A_1018] {strides = array<i32>} : memref<2560xf32, #tpu.memory_space<vmem>>, vector<16xf32>,
    %add3A_1020 = arith.addf %add3A_1011, %get3A_1019 : vector<16xf32>
    %get3A_1021 = arith.constant 480 : index
    %get3A_1022 = tpu.vector_load %arg9[%get3A_1021] {strides = array<i32>} : memref<2560xf32, #tpu.memory_space<vmem>>, vector<16xf32>,
    %add3A_1023 = arith.addf %add3A_1014, %get3A_1022 : vector<16xf32>
    %get3A_1024 = arith.constant 480 : index
    %get3A_1025 = tpu.vector_load %arg10[%get3A_1024] {strides = array<i32>} : memref<2560xf32, #tpu.memory_space<vmem>>, vector<16xf32>,
    %add3A_1026 = arith.addf %add3A_1017, %get3A_1025 : vector<16xf32>
    %get3A_1027 = arith.constant 640 : index
    %get3A_1028 = tpu.vector_load %arg8[%get3A_1027] {strides = array<i32>} : memref<2560xf32, #tpu.memory_space<vmem>>, vector<16xf32>,
    %add3A_1029 = arith.addf %add3A_1020, %get3A_1028 : vector<16xf32>
    %get3A_1030 = arith.constant 640 : index
    %get3A_1031 = tpu.vector_load %arg9[%get3A_1030] {strides = array<i32>} : memref<2560xf32, #tpu.memory_space<vmem>>, vector<16xf32>,
    %add3A_1032 = arith.addf %add3A_1023, %get3A_1031 : vector<16xf32>
    %get3A_1033 = arith.constant 640 : index
    %get3A_1034 = tpu.vector_load %arg10[%get3A_1033] {strides = array<i32>} : memref<2560xf32, #tpu.memory_space<vmem>>, vector<16xf32>,
    %add3A_1035 = arith.addf %add3A_1026, %get3A_1034 : vector<16xf32>
    %get3A_1036 = arith.constant 800 : index
    %get3A_1037 = tpu.vector_load %arg8[%get3A_1036] {strides = array<i32>} : memref<2560xf32, #tpu.memory_space<vmem>>, vector<16xf32>,
    %add3A_1038 = arith.addf %add3A_1029, %get3A_1037 : vector<16xf32>
    %get3A_1039 = arith.constant 800 : index
    %get3A_1040 = tpu.vector_load %arg9[%get3A_1039] {strides = array<i32>} : memref<2560xf32, #tpu.memory_space<vmem>>, vector<16xf32>,
    %add3A_1041 = arith.addf %add3A_1032, %get3A_1040 : vector<16xf32>
    %get3A_1042 = arith.constant 800 : index
    %get3A_1043 = tpu.vector_load %arg10[%get3A_1042] {strides = array<i32>} : memref<2560xf32, #tpu.memory_space<vmem>>, vector<16xf32>,
    %add3A_1044 = arith.addf %add3A_1035, %get3A_1043 : vector<16xf32>
    %get3A_1045 = arith.constant 960 : index
    %get3A_1046 = tpu.vector_load %arg8[%get3A_1045] {strides = array<i32>} : memref<2560xf32, #tpu.memory_space<vmem>>, vector<16xf32>,
    %add3A_1047 = arith.addf %add3A_1038, %get3A_1046 : vector<16xf32>
    %get3A_1048 = arith.constant 960 : index
    %get3A_1049 = tpu.vector_load %arg9[%get3A_1048] {strides = array<i32>} : memref<2560xf32, #tpu.memory_space<vmem>>, vector<16xf32>,
    %add3A_1050 = arith.addf %add3A_1041, %get3A_1049 : vector<16xf32>
    %get3A_1051 = arith.constant 960 : index
    %get3A_1052 = tpu.vector_load %arg10[%get3A_1051] {strides = array<i32>} : memref<2560xf32, #tpu.memory_space<vmem>>, vector<16xf32>,
    %add3A_1053 = arith.addf %add3A_1044, %get3A_1052 : vector<16xf32>
    %get3A_1054 = arith.constant 1120 : index
    %get3A_1055 = tpu.vector_load %arg8[%get3A_1054] {strides = array<i32>} : memref<2560xf32, #tpu.memory_space<vmem>>, vector<16xf32>,
    %add3A_1056 = arith.addf %add3A_1047, %get3A_1055 : vector<16xf32>
    %get3A_1057 = arith.constant 1120 : index
    %get3A_1058 = tpu.vector_load %arg9[%get3A_1057] {strides = array<i32>} : memref<2560xf32, #tpu.memory_space<vmem>>, vector<16xf32>,
    %add3A_1059 = arith.addf %add3A_1050, %get3A_1058 : vector<16xf32>
    %get3A_1060 = arith.constant 1120 : index
    %get3A_1061 = tpu.vector_load %arg10[%get3A_1060] {strides = array<i32>} : memref<2560xf32, #tpu.memory_space<vmem>>, vector<16xf32>,
    %add3A_1062 = arith.addf %add3A_1053, %get3A_1061 : vector<16xf32>
    %get3A_1063 = arith.constant 1280 : index
    %get3A_1064 = tpu.vector_load %arg8[%get3A_1063] {strides = array<i32>} : memref<2560xf32, #tpu.memory_space<vmem>>, vector<16xf32>,
    %add3A_1065 = arith.addf %add3A_1056, %get3A_1064 : vector<16xf32>
    %get3A_1066 = arith.constant 1280 : index
    %get3A_1067 = tpu.vector_load %arg9[%get3A_1066] {strides = array<i32>} : memref<2560xf32, #tpu.memory_space<vmem>>, vector<16xf32>,
    %add3A_1068 = arith.addf %add3A_1059, %get3A_1067 : vector<16xf32>
    %get3A_1069 = arith.constant 1280 : index
    %get3A_1070 = tpu.vector_load %arg10[%get3A_1069] {strides = array<i32>} : memref<2560xf32, #tpu.memory_space<vmem>>, vector<16xf32>,
    %add3A_1071 = arith.addf %add3A_1062, %get3A_1070 : vector<16xf32>
    %get3A_1072 = arith.constant 1440 : index
    %get3A_1073 = tpu.vector_load %arg8[%get3A_1072] {strides = array<i32>} : memref<2560xf32, #tpu.memory_space<vmem>>, vector<16xf32>,
    %add3A_1074 = arith.addf %add3A_1065, %get3A_1073 : vector<16xf32>
    %get3A_1075 = arith.constant 1440 : index
    %get3A_1076 = tpu.vector_load %arg9[%get3A_1075] {strides = array<i32>} : memref<2560xf32, #tpu.memory_space<vmem>>, vector<16xf32>,
    %add3A_1077 = arith.addf %add3A_1068, %get3A_1076 : vector<16xf32>
    %get3A_1078 = arith.constant 1440 : index
    %get3A_1079 = tpu.vector_load %arg10[%get3A_1078] {strides = array<i32>} : memref<2560xf32, #tpu.memory_space<vmem>>, vector<16xf32>,
    %add3A_1080 = arith.addf %add3A_1071, %get3A_1079 : vector<16xf32>
    %get3A_1081 = arith.constant 1600 : index
    %get3A_1082 = tpu.vector_load %arg8[%get3A_1081] {strides = array<i32>} : memref<2560xf32, #tpu.memory_space<vmem>>, vector<16xf32>,
    %add3A_1083 = arith.addf %add3A_1074, %get3A_1082 : vector<16xf32>
    %get3A_1084 = arith.constant 1600 : index
    %get3A_1085 = tpu.vector_load %arg9[%get3A_1084] {strides = array<i32>} : memref<2560xf32, #tpu.memory_space<vmem>>, vector<16xf32>,
    %add3A_1086 = arith.addf %add3A_1077, %get3A_1085 : vector<16xf32>
    %get3A_1087 = arith.constant 1600 : index
    %get3A_1088 = tpu.vector_load %arg10[%get3A_1087] {strides = array<i32>} : memref<2560xf32, #tpu.memory_space<vmem>>, vector<16xf32>,
    %add3A_1089 = arith.addf %add3A_1080, %get3A_1088 : vector<16xf32>
    %get3A_1090 = arith.constant 1760 : index
    %get3A_1091 = tpu.vector_load %arg8[%get3A_1090] {strides = array<i32>} : memref<2560xf32, #tpu.memory_space<vmem>>, vector<16xf32>,
    %add3A_1092 = arith.addf %add3A_1083, %get3A_1091 : vector<16xf32>
    %get3A_1093 = arith.constant 1760 : index
    %get3A_1094 = tpu.vector_load %arg9[%get3A_1093] {strides = array<i32>} : memref<2560xf32, #tpu.memory_space<vmem>>, vector<16xf32>,
    %add3A_1095 = arith.addf %add3A_1086, %get3A_1094 : vector<16xf32>
    %get3A_1096 = arith.constant 1760 : index
    %get3A_1097 = tpu.vector_load %arg10[%get3A_1096] {strides = array<i32>} : memref<2560xf32, #tpu.memory_space<vmem>>, vector<16xf32>,
    %add3A_1098 = arith.addf %add3A_1089, %get3A_1097 : vector<16xf32>
    %get3A_1099 = arith.constant 1920 : index
    %get3A_1100 = tpu.vector_load %arg8[%get3A_1099] {strides = array<i32>} : memref<2560xf32, #tpu.memory_space<vmem>>, vector<16xf32>,
    %add3A_1101 = arith.addf %add3A_1092, %get3A_1100 : vector<16xf32>
    %get3A_1102 = arith.constant 1920 : index
    %get3A_1103 = tpu.vector_load %arg9[%get3A_1102] {strides = array<i32>} : memref<2560xf32, #tpu.memory_space<vmem>>, vector<16xf32>,
    %add3A_1104 = arith.addf %add3A_1095, %get3A_1103 : vector<16xf32>
    %get3A_1105 = arith.constant 1920 : index
    %get3A_1106 = tpu.vector_load %arg10[%get3A_1105] {strides = array<i32>} : memref<2560xf32, #tpu.memory_space<vmem>>, vector<16xf32>,
    %add3A_1107 = arith.addf %add3A_1098, %get3A_1106 : vector<16xf32>
    %get3A_1108 = arith.constant 2080 : index
    %get3A_1109 = tpu.vector_load %arg8[%get3A_1108] {strides = array<i32>} : memref<2560xf32, #tpu.memory_space<vmem>>, vector<16xf32>,
    %add3A_1110 = arith.addf %add3A_1101, %get3A_1109 : vector<16xf32>
    %get3A_1111 = arith.constant 2080 : index
    %get3A_1112 = tpu.vector_load %arg9[%get3A_1111] {strides = array<i32>} : memref<2560xf32, #tpu.memory_space<vmem>>, vector<16xf32>,
    %add3A_1113 = arith.addf %add3A_1104, %get3A_1112 : vector<16xf32>
    %get3A_1114 = arith.constant 2080 : index
    %get3A_1115 = tpu.vector_load %arg10[%get3A_1114] {strides = array<i32>} : memref<2560xf32, #tpu.memory_space<vmem>>, vector<16xf32>,
    %add3A_1116 = arith.addf %add3A_1107, %get3A_1115 : vector<16xf32>
    %get3A_1117 = arith.constant 2240 : index
    %get3A_1118 = tpu.vector_load %arg8[%get3A_1117] {strides = array<i32>} : memref<2560xf32, #tpu.memory_space<vmem>>, vector<16xf32>,
    %add3A_1119 = arith.addf %add3A_1110, %get3A_1118 : vector<16xf32>
    %get3A_1120 = arith.constant 2240 : index
    %get3A_1121 = tpu.vector_load %arg9[%get3A_1120] {strides = array<i32>} : memref<2560xf32, #tpu.memory_space<vmem>>, vector<16xf32>,
    %add3A_1122 = arith.addf %add3A_1113, %get3A_1121 : vector<16xf32>
    %get3A_1123 = arith.constant 2240 : index
    %get3A_1124 = tpu.vector_load %arg10[%get3A_1123] {strides = array<i32>} : memref<2560xf32, #tpu.memory_space<vmem>>, vector<16xf32>,
    %add3A_1125 = arith.addf %add3A_1116, %get3A_1124 : vector<16xf32>
    %get3A_1126 = arith.constant 2400 : index
    %get3A_1127 = tpu.vector_load %arg8[%get3A_1126] {strides = array<i32>} : memref<2560xf32, #tpu.memory_space<vmem>>, vector<16xf32>,
    %add3A_1128 = arith.addf %add3A_1119, %get3A_1127 : vector<16xf32>
    %get3A_1129 = arith.constant 2400 : index
    %get3A_1130 = tpu.vector_load %arg9[%get3A_1129] {strides = array<i32>} : memref<2560xf32, #tpu.memory_space<vmem>>, vector<16xf32>,
    %add3A_1131 = arith.addf %add3A_1122, %get3A_1130 : vector<16xf32>
    %get3A_1132 = arith.constant 2400 : index
    %get3A_1133 = tpu.vector_load %arg10[%get3A_1132] {strides = array<i32>} : memref<2560xf32, #tpu.memory_space<vmem>>, vector<16xf32>,
    %add3A_1134 = arith.addf %add3A_1125, %get3A_1133 : vector<16xf32>
    %swap3A_1135 = arith.constant 0 : index
    %swap3A_1136 = tpu.vector_load %arg11[%swap3A_1135] {strides = array<i32>} : memref<480xf32, #tpu.memory_space<vmem>>, vector<16xf32>,
    tpu.vector_store %arg11[%swap3A_1135], %add3A_1128 {strides = array<i32>} : memref<480xf32, #tpu.memory_space<vmem>>, vector<16xf32>,
    %swap3A_1137 = arith.constant 160 : index
    %swap3A_1138 = tpu.vector_load %arg11[%swap3A_1137] {strides = array<i32>} : memref<480xf32, #tpu.memory_space<vmem>>, vector<16xf32>,
    tpu.vector_store %arg11[%swap3A_1137], %add3A_1131 {strides = array<i32>} : memref<480xf32, #tpu.memory_space<vmem>>, vector<16xf32>,
    %swap3A_1139 = arith.constant 320 : index
    %swap3A_1140 = tpu.vector_load %arg11[%swap3A_1139] {strides = array<i32>} : memref<480xf32, #tpu.memory_space<vmem>>, vector<16xf32>,
    tpu.vector_store %arg11[%swap3A_1139], %add3A_1134 {strides = array<i32>} : memref<480xf32, #tpu.memory_space<vmem>>, vector<16xf32>,
    %get3A_1141 = arith.constant 16 : index
    %get3A_1142 = tpu.vector_load %arg8[%get3A_1141] {strides = array<i32>} : memref<2560xf32, #tpu.memory_space<vmem>>, vector<16xf32>,
    %add3A_1143 = arith.addf %broadcast_in_dim3A_14, %get3A_1142 : vector<16xf32>
    %get3A_1144 = arith.constant 16 : index
    %get3A_1145 = tpu.vector_load %arg9[%get3A_1144] {strides = array<i32>} : memref<2560xf32, #tpu.memory_space<vmem>>, vector<16xf32>,
    %add3A_1146 = arith.addf %broadcast_in_dim3A_14, %get3A_1145 : vector<16xf32>
    %get3A_1147 = arith.constant 16 : index
    %get3A_1148 = tpu.vector_load %arg10[%get3A_1147] {strides = array<i32>} : memref<2560xf32, #tpu.memory_space<vmem>>, vector<16xf32>,
    %add3A_1149 = arith.addf %broadcast_in_dim3A_14, %get3A_1148 : vector<16xf32>
    %get3A_1150 = arith.constant 176 : index
    %get3A_1151 = tpu.vector_load %arg8[%get3A_1150] {strides = array<i32>} : memref<2560xf32, #tpu.memory_space<vmem>>, vector<16xf32>,
    %add3A_1152 = arith.addf %add3A_1143, %get3A_1151 : vector<16xf32>
    %get3A_1153 = arith.constant 176 : index
    %get3A_1154 = tpu.vector_load %arg9[%get3A_1153] {strides = array<i32>} : memref<2560xf32, #tpu.memory_space<vmem>>, vector<16xf32>,
    %add3A_1155 = arith.addf %add3A_1146, %get3A_1154 : vector<16xf32>
    %get3A_1156 = arith.constant 176 : index
    %get3A_1157 = tpu.vector_load %arg10[%get3A_1156] {strides = array<i32>} : memref<2560xf32, #tpu.memory_space<vmem>>, vector<16xf32>,
    %add3A_1158 = arith.addf %add3A_1149, %get3A_1157 : vector<16xf32>
    %get3A_1159 = arith.constant 336 : index
    %get3A_1160 = tpu.vector_load %arg8[%get3A_1159] {strides = array<i32>} : memref<2560xf32, #tpu.memory_space<vmem>>, vector<16xf32>,
    %add3A_1161 = arith.addf %add3A_1152, %get3A_1160 : vector<16xf32>
    %get3A_1162 = arith.constant 336 : index
    %get3A_1163 = tpu.vector_load %arg9[%get3A_1162] {strides = array<i32>} : memref<2560xf32, #tpu.memory_space<vmem>>, vector<16xf32>,
    %add3A_1164 = arith.addf %add3A_1155, %get3A_1163 : vector<16xf32>
    %get3A_1165 = arith.constant 336 : index
    %get3A_1166 = tpu.vector_load %arg10[%get3A_1165] {strides = array<i32>} : memref<2560xf32, #tpu.memory_space<vmem>>, vector<16xf32>,
    %add3A_1167 = arith.addf %add3A_1158, %get3A_1166 : vector<16xf32>
    %get3A_1168 = arith.constant 496 : index
    %get3A_1169 = tpu.vector_load %arg8[%get3A_1168] {strides = array<i32>} : memref<2560xf32, #tpu.memory_space<vmem>>, vector<16xf32>,
    %add3A_1170 = arith.addf %add3A_1161, %get3A_1169 : vector<16xf32>
    %get3A_1171 = arith.constant 496 : index
    %get3A_1172 = tpu.vector_load %arg9[%get3A_1171] {strides = array<i32>} : memref<2560xf32, #tpu.memory_space<vmem>>, vector<16xf32>,
    %add3A_1173 = arith.addf %add3A_1164, %get3A_1172 : vector<16xf32>
    %get3A_1174 = arith.constant 496 : index
    %get3A_1175 = tpu.vector_load %arg10[%get3A_1174] {strides = array<i32>} : memref<2560xf32, #tpu.memory_space<vmem>>, vector<16xf32>,
    %add3A_1176 = arith.addf %add3A_1167, %get3A_1175 : vector<16xf32>
    %get3A_1177 = arith.constant 656 : index
    %get3A_1178 = tpu.vector_load %arg8[%get3A_1177] {strides = array<i32>} : memref<2560xf32, #tpu.memory_space<vmem>>, vector<16xf32>,
    %add3A_1179 = arith.addf %add3A_1170, %get3A_1178 : vector<16xf32>
    %get3A_1180 = arith.constant 656 : index
    %get3A_1181 = tpu.vector_load %arg9[%get3A_1180] {strides = array<i32>} : memref<2560xf32, #tpu.memory_space<vmem>>, vector<16xf32>,
    %add3A_1182 = arith.addf %add3A_1173, %get3A_1181 : vector<16xf32>
    %get3A_1183 = arith.constant 656 : index
    %get3A_1184 = tpu.vector_load %arg10[%get3A_1183] {strides = array<i32>} : memref<2560xf32, #tpu.memory_space<vmem>>, vector<16xf32>,
    %add3A_1185 = arith.addf %add3A_1176, %get3A_1184 : vector<16xf32>
    %get3A_1186 = arith.constant 816 : index
    %get3A_1187 = tpu.vector_load %arg8[%get3A_1186] {strides = array<i32>} : memref<2560xf32, #tpu.memory_space<vmem>>, vector<16xf32>,
    %add3A_1188 = arith.addf %add3A_1179, %get3A_1187 : vector<16xf32>
    %get3A_1189 = arith.constant 816 : index
    %get3A_1190 = tpu.vector_load %arg9[%get3A_1189] {strides = array<i32>} : memref<2560xf32, #tpu.memory_space<vmem>>, vector<16xf32>,
    %add3A_1191 = arith.addf %add3A_1182, %get3A_1190 : vector<16xf32>
    %get3A_1192 = arith.constant 816 : index
    %get3A_1193 = tpu.vector_load %arg10[%get3A_1192] {strides = array<i32>} : memref<2560xf32, #tpu.memory_space<vmem>>, vector<16xf32>,
    %add3A_1194 = arith.addf %add3A_1185, %get3A_1193 : vector<16xf32>
    %get3A_1195 = arith.constant 976 : index
    %get3A_1196 = tpu.vector_load %arg8[%get3A_1195] {strides = array<i32>} : memref<2560xf32, #tpu.memory_space<vmem>>, vector<16xf32>,
    %add3A_1197 = arith.addf %add3A_1188, %get3A_1196 : vector<16xf32>
    %get3A_1198 = arith.constant 976 : index
    %get3A_1199 = tpu.vector_load %arg9[%get3A_1198] {strides = array<i32>} : memref<2560xf32, #tpu.memory_space<vmem>>, vector<16xf32>,
    %add3A_1200 = arith.addf %add3A_1191, %get3A_1199 : vector<16xf32>
    %get3A_1201 = arith.constant 976 : index
    %get3A_1202 = tpu.vector_load %arg10[%get3A_1201] {strides = array<i32>} : memref<2560xf32, #tpu.memory_space<vmem>>, vector<16xf32>,
    %add3A_1203 = arith.addf %add3A_1194, %get3A_1202 : vector<16xf32>
    %get3A_1204 = arith.constant 1136 : index
    %get3A_1205 = tpu.vector_load %arg8[%get3A_1204] {strides = array<i32>} : memref<2560xf32, #tpu.memory_space<vmem>>, vector<16xf32>,
    %add3A_1206 = arith.addf %add3A_1197, %get3A_1205 : vector<16xf32>
    %get3A_1207 = arith.constant 1136 : index
    %get3A_1208 = tpu.vector_load %arg9[%get3A_1207] {strides = array<i32>} : memref<2560xf32, #tpu.memory_space<vmem>>, vector<16xf32>,
    %add3A_1209 = arith.addf %add3A_1200, %get3A_1208 : vector<16xf32>
    %get3A_1210 = arith.constant 1136 : index
    %get3A_1211 = tpu.vector_load %arg10[%get3A_1210] {strides = array<i32>} : memref<2560xf32, #tpu.memory_space<vmem>>, vector<16xf32>,
    %add3A_1212 = arith.addf %add3A_1203, %get3A_1211 : vector<16xf32>
    %get3A_1213 = arith.constant 1296 : index
    %get3A_1214 = tpu.vector_load %arg8[%get3A_1213] {strides = array<i32>} : memref<2560xf32, #tpu.memory_space<vmem>>, vector<16xf32>,
    %add3A_1215 = arith.addf %add3A_1206, %get3A_1214 : vector<16xf32>
    %get3A_1216 = arith.constant 1296 : index
    %get3A_1217 = tpu.vector_load %arg9[%get3A_1216] {strides = array<i32>} : memref<2560xf32, #tpu.memory_space<vmem>>, vector<16xf32>,
    %add3A_1218 = arith.addf %add3A_1209, %get3A_1217 : vector<16xf32>
    %get3A_1219 = arith.constant 1296 : index
    %get3A_1220 = tpu.vector_load %arg10[%get3A_1219] {strides = array<i32>} : memref<2560xf32, #tpu.memory_space<vmem>>, vector<16xf32>,
    %add3A_1221 = arith.addf %add3A_1212, %get3A_1220 : vector<16xf32>
    %get3A_1222 = arith.constant 1456 : index
    %get3A_1223 = tpu.vector_load %arg8[%get3A_1222] {strides = array<i32>} : memref<2560xf32, #tpu.memory_space<vmem>>, vector<16xf32>,
    %add3A_1224 = arith.addf %add3A_1215, %get3A_1223 : vector<16xf32>
    %get3A_1225 = arith.constant 1456 : index
    %get3A_1226 = tpu.vector_load %arg9[%get3A_1225] {strides = array<i32>} : memref<2560xf32, #tpu.memory_space<vmem>>, vector<16xf32>,
    %add3A_1227 = arith.addf %add3A_1218, %get3A_1226 : vector<16xf32>
    %get3A_1228 = arith.constant 1456 : index
    %get3A_1229 = tpu.vector_load %arg10[%get3A_1228] {strides = array<i32>} : memref<2560xf32, #tpu.memory_space<vmem>>, vector<16xf32>,
    %add3A_1230 = arith.addf %add3A_1221, %get3A_1229 : vector<16xf32>
    %get3A_1231 = arith.constant 1616 : index
    %get3A_1232 = tpu.vector_load %arg8[%get3A_1231] {strides = array<i32>} : memref<2560xf32, #tpu.memory_space<vmem>>, vector<16xf32>,
    %add3A_1233 = arith.addf %add3A_1224, %get3A_1232 : vector<16xf32>
    %get3A_1234 = arith.constant 1616 : index
    %get3A_1235 = tpu.vector_load %arg9[%get3A_1234] {strides = array<i32>} : memref<2560xf32, #tpu.memory_space<vmem>>, vector<16xf32>,
    %add3A_1236 = arith.addf %add3A_1227, %get3A_1235 : vector<16xf32>
    %get3A_1237 = arith.constant 1616 : index
    %get3A_1238 = tpu.vector_load %arg10[%get3A_1237] {strides = array<i32>} : memref<2560xf32, #tpu.memory_space<vmem>>, vector<16xf32>,
    %add3A_1239 = arith.addf %add3A_1230, %get3A_1238 : vector<16xf32>
    %get3A_1240 = arith.constant 1776 : index
    %get3A_1241 = tpu.vector_load %arg8[%get3A_1240] {strides = array<i32>} : memref<2560xf32, #tpu.memory_space<vmem>>, vector<16xf32>,
    %add3A_1242 = arith.addf %add3A_1233, %get3A_1241 : vector<16xf32>
    %get3A_1243 = arith.constant 1776 : index
    %get3A_1244 = tpu.vector_load %arg9[%get3A_1243] {strides = array<i32>} : memref<2560xf32, #tpu.memory_space<vmem>>, vector<16xf32>,
    %add3A_1245 = arith.addf %add3A_1236, %get3A_1244 : vector<16xf32>
    %get3A_1246 = arith.constant 1776 : index
    %get3A_1247 = tpu.vector_load %arg10[%get3A_1246] {strides = array<i32>} : memref<2560xf32, #tpu.memory_space<vmem>>, vector<16xf32>,
    %add3A_1248 = arith.addf %add3A_1239, %get3A_1247 : vector<16xf32>
    %get3A_1249 = arith.constant 1936 : index
    %get3A_1250 = tpu.vector_load %arg8[%get3A_1249] {strides = array<i32>} : memref<2560xf32, #tpu.memory_space<vmem>>, vector<16xf32>,
    %add3A_1251 = arith.addf %add3A_1242, %get3A_1250 : vector<16xf32>
    %get3A_1252 = arith.constant 1936 : index
    %get3A_1253 = tpu.vector_load %arg9[%get3A_1252] {strides = array<i32>} : memref<2560xf32, #tpu.memory_space<vmem>>, vector<16xf32>,
    %add3A_1254 = arith.addf %add3A_1245, %get3A_1253 : vector<16xf32>
    %get3A_1255 = arith.constant 1936 : index
    %get3A_1256 = tpu.vector_load %arg10[%get3A_1255] {strides = array<i32>} : memref<2560xf32, #tpu.memory_space<vmem>>, vector<16xf32>,
    %add3A_1257 = arith.addf %add3A_1248, %get3A_1256 : vector<16xf32>
    %get3A_1258 = arith.constant 2096 : index
    %get3A_1259 = tpu.vector_load %arg8[%get3A_1258] {strides = array<i32>} : memref<2560xf32, #tpu.memory_space<vmem>>, vector<16xf32>,
    %add3A_1260 = arith.addf %add3A_1251, %get3A_1259 : vector<16xf32>
    %get3A_1261 = arith.constant 2096 : index
    %get3A_1262 = tpu.vector_load %arg9[%get3A_1261] {strides = array<i32>} : memref<2560xf32, #tpu.memory_space<vmem>>, vector<16xf32>,
    %add3A_1263 = arith.addf %add3A_1254, %get3A_1262 : vector<16xf32>
    %get3A_1264 = arith.constant 2096 : index
    %get3A_1265 = tpu.vector_load %arg10[%get3A_1264] {strides = array<i32>} : memref<2560xf32, #tpu.memory_space<vmem>>, vector<16xf32>,
    %add3A_1266 = arith.addf %add3A_1257, %get3A_1265 : vector<16xf32>
    %get3A_1267 = arith.constant 2256 : index
    %get3A_1268 = tpu.vector_load %arg8[%get3A_1267] {strides = array<i32>} : memref<2560xf32, #tpu.memory_space<vmem>>, vector<16xf32>,
    %add3A_1269 = arith.addf %add3A_1260, %get3A_1268 : vector<16xf32>
    %get3A_1270 = arith.constant 2256 : index
    %get3A_1271 = tpu.vector_load %arg9[%get3A_1270] {strides = array<i32>} : memref<2560xf32, #tpu.memory_space<vmem>>, vector<16xf32>,
    %add3A_1272 = arith.addf %add3A_1263, %get3A_1271 : vector<16xf32>
    %get3A_1273 = arith.constant 2256 : index
    %get3A_1274 = tpu.vector_load %arg10[%get3A_1273] {strides = array<i32>} : memref<2560xf32, #tpu.memory_space<vmem>>, vector<16xf32>,
    %add3A_1275 = arith.addf %add3A_1266, %get3A_1274 : vector<16xf32>
    %get3A_1276 = arith.constant 2416 : index
    %get3A_1277 = tpu.vector_load %arg8[%get3A_1276] {strides = array<i32>} : memref<2560xf32, #tpu.memory_space<vmem>>, vector<16xf32>,
    %add3A_1278 = arith.addf %add3A_1269, %get3A_1277 : vector<16xf32>
    %get3A_1279 = arith.constant 2416 : index
    %get3A_1280 = tpu.vector_load %arg9[%get3A_1279] {strides = array<i32>} : memref<2560xf32, #tpu.memory_space<vmem>>, vector<16xf32>,
    %add3A_1281 = arith.addf %add3A_1272, %get3A_1280 : vector<16xf32>
    %get3A_1282 = arith.constant 2416 : index
    %get3A_1283 = tpu.vector_load %arg10[%get3A_1282] {strides = array<i32>} : memref<2560xf32, #tpu.memory_space<vmem>>, vector<16xf32>,
    %add3A_1284 = arith.addf %add3A_1275, %get3A_1283 : vector<16xf32>
    %swap3A_1285 = arith.constant 16 : index
    %swap3A_1286 = tpu.vector_load %arg11[%swap3A_1285] {strides = array<i32>} : memref<480xf32, #tpu.memory_space<vmem>>, vector<16xf32>,
    tpu.vector_store %arg11[%swap3A_1285], %add3A_1278 {strides = array<i32>} : memref<480xf32, #tpu.memory_space<vmem>>, vector<16xf32>,
    %swap3A_1287 = arith.constant 176 : index
    %swap3A_1288 = tpu.vector_load %arg11[%swap3A_1287] {strides = array<i32>} : memref<480xf32, #tpu.memory_space<vmem>>, vector<16xf32>,
    tpu.vector_store %arg11[%swap3A_1287], %add3A_1281 {strides = array<i32>} : memref<480xf32, #tpu.memory_space<vmem>>, vector<16xf32>,
    %swap3A_1289 = arith.constant 336 : index
    %swap3A_1290 = tpu.vector_load %arg11[%swap3A_1289] {strides = array<i32>} : memref<480xf32, #tpu.memory_space<vmem>>, vector<16xf32>,
    tpu.vector_store %arg11[%swap3A_1289], %add3A_1284 {strides = array<i32>} : memref<480xf32, #tpu.memory_space<vmem>>, vector<16xf32>,
    %get3A_1291 = arith.constant 32 : index
    %get3A_1292 = tpu.vector_load %arg8[%get3A_1291] {strides = array<i32>} : memref<2560xf32, #tpu.memory_space<vmem>>, vector<16xf32>,
    %add3A_1293 = arith.addf %broadcast_in_dim3A_14, %get3A_1292 : vector<16xf32>
    %get3A_1294 = arith.constant 32 : index
    %get3A_1295 = tpu.vector_load %arg9[%get3A_1294] {strides = array<i32>} : memref<2560xf32, #tpu.memory_space<vmem>>, vector<16xf32>,
    %add3A_1296 = arith.addf %broadcast_in_dim3A_14, %get3A_1295 : vector<16xf32>
    %get3A_1297 = arith.constant 32 : index
    %get3A_1298 = tpu.vector_load %arg10[%get3A_1297] {strides = array<i32>} : memref<2560xf32, #tpu.memory_space<vmem>>, vector<16xf32>,
    %add3A_1299 = arith.addf %broadcast_in_dim3A_14, %get3A_1298 : vector<16xf32>
    %get3A_1300 = arith.constant 192 : index
    %get3A_1301 = tpu.vector_load %arg8[%get3A_1300] {strides = array<i32>} : memref<2560xf32, #tpu.memory_space<vmem>>, vector<16xf32>,
    %add3A_1302 = arith.addf %add3A_1293, %get3A_1301 : vector<16xf32>
    %get3A_1303 = arith.constant 192 : index
    %get3A_1304 = tpu.vector_load %arg9[%get3A_1303] {strides = array<i32>} : memref<2560xf32, #tpu.memory_space<vmem>>, vector<16xf32>,
    %add3A_1305 = arith.addf %add3A_1296, %get3A_1304 : vector<16xf32>
    %get3A_1306 = arith.constant 192 : index
    %get3A_1307 = tpu.vector_load %arg10[%get3A_1306] {strides = array<i32>} : memref<2560xf32, #tpu.memory_space<vmem>>, vector<16xf32>,
    %add3A_1308 = arith.addf %add3A_1299, %get3A_1307 : vector<16xf32>
    %get3A_1309 = arith.constant 352 : index
    %get3A_1310 = tpu.vector_load %arg8[%get3A_1309] {strides = array<i32>} : memref<2560xf32, #tpu.memory_space<vmem>>, vector<16xf32>,
    %add3A_1311 = arith.addf %add3A_1302, %get3A_1310 : vector<16xf32>
    %get3A_1312 = arith.constant 352 : index
    %get3A_1313 = tpu.vector_load %arg9[%get3A_1312] {strides = array<i32>} : memref<2560xf32, #tpu.memory_space<vmem>>, vector<16xf32>,
    %add3A_1314 = arith.addf %add3A_1305, %get3A_1313 : vector<16xf32>
    %get3A_1315 = arith.constant 352 : index
    %get3A_1316 = tpu.vector_load %arg10[%get3A_1315] {strides = array<i32>} : memref<2560xf32, #tpu.memory_space<vmem>>, vector<16xf32>,
    %add3A_1317 = arith.addf %add3A_1308, %get3A_1316 : vector<16xf32>
    %get3A_1318 = arith.constant 512 : index
    %get3A_1319 = tpu.vector_load %arg8[%get3A_1318] {strides = array<i32>} : memref<2560xf32, #tpu.memory_space<vmem>>, vector<16xf32>,
    %add3A_1320 = arith.addf %add3A_1311, %get3A_1319 : vector<16xf32>
    %get3A_1321 = arith.constant 512 : index
    %get3A_1322 = tpu.vector_load %arg9[%get3A_1321] {strides = array<i32>} : memref<2560xf32, #tpu.memory_space<vmem>>, vector<16xf32>,
    %add3A_1323 = arith.addf %add3A_1314, %get3A_1322 : vector<16xf32>
    %get3A_1324 = arith.constant 512 : index
    %get3A_1325 = tpu.vector_load %arg10[%get3A_1324] {strides = array<i32>} : memref<2560xf32, #tpu.memory_space<vmem>>, vector<16xf32>,
    %add3A_1326 = arith.addf %add3A_1317, %get3A_1325 : vector<16xf32>
    %get3A_1327 = arith.constant 672 : index
    %get3A_1328 = tpu.vector_load %arg8[%get3A_1327] {strides = array<i32>} : memref<2560xf32, #tpu.memory_space<vmem>>, vector<16xf32>,
    %add3A_1329 = arith.addf %add3A_1320, %get3A_1328 : vector<16xf32>
    %get3A_1330 = arith.constant 672 : index
    %get3A_1331 = tpu.vector_load %arg9[%get3A_1330] {strides = array<i32>} : memref<2560xf32, #tpu.memory_space<vmem>>, vector<16xf32>,
    %add3A_1332 = arith.addf %add3A_1323, %get3A_1331 : vector<16xf32>
    %get3A_1333 = arith.constant 672 : index
    %get3A_1334 = tpu.vector_load %arg10[%get3A_1333] {strides = array<i32>} : memref<2560xf32, #tpu.memory_space<vmem>>, vector<16xf32>,
    %add3A_1335 = arith.addf %add3A_1326, %get3A_1334 : vector<16xf32>
    %get3A_1336 = arith.constant 832 : index
    %get3A_1337 = tpu.vector_load %arg8[%get3A_1336] {strides = array<i32>} : memref<2560xf32, #tpu.memory_space<vmem>>, vector<16xf32>,
    %add3A_1338 = arith.addf %add3A_1329, %get3A_1337 : vector<16xf32>
    %get3A_1339 = arith.constant 832 : index
    %get3A_1340 = tpu.vector_load %arg9[%get3A_1339] {strides = array<i32>} : memref<2560xf32, #tpu.memory_space<vmem>>, vector<16xf32>,
    %add3A_1341 = arith.addf %add3A_1332, %get3A_1340 : vector<16xf32>
    %get3A_1342 = arith.constant 832 : index
    %get3A_1343 = tpu.vector_load %arg10[%get3A_1342] {strides = array<i32>} : memref<2560xf32, #tpu.memory_space<vmem>>, vector<16xf32>,
    %add3A_1344 = arith.addf %add3A_1335, %get3A_1343 : vector<16xf32>
    %get3A_1345 = arith.constant 992 : index
    %get3A_1346 = tpu.vector_load %arg8[%get3A_1345] {strides = array<i32>} : memref<2560xf32, #tpu.memory_space<vmem>>, vector<16xf32>,
    %add3A_1347 = arith.addf %add3A_1338, %get3A_1346 : vector<16xf32>
    %get3A_1348 = arith.constant 992 : index
    %get3A_1349 = tpu.vector_load %arg9[%get3A_1348] {strides = array<i32>} : memref<2560xf32, #tpu.memory_space<vmem>>, vector<16xf32>,
    %add3A_1350 = arith.addf %add3A_1341, %get3A_1349 : vector<16xf32>
    %get3A_1351 = arith.constant 992 : index
    %get3A_1352 = tpu.vector_load %arg10[%get3A_1351] {strides = array<i32>} : memref<2560xf32, #tpu.memory_space<vmem>>, vector<16xf32>,
    %add3A_1353 = arith.addf %add3A_1344, %get3A_1352 : vector<16xf32>
    %get3A_1354 = arith.constant 1152 : index
    %get3A_1355 = tpu.vector_load %arg8[%get3A_1354] {strides = array<i32>} : memref<2560xf32, #tpu.memory_space<vmem>>, vector<16xf32>,
    %add3A_1356 = arith.addf %add3A_1347, %get3A_1355 : vector<16xf32>
    %get3A_1357 = arith.constant 1152 : index
    %get3A_1358 = tpu.vector_load %arg9[%get3A_1357] {strides = array<i32>} : memref<2560xf32, #tpu.memory_space<vmem>>, vector<16xf32>,
    %add3A_1359 = arith.addf %add3A_1350, %get3A_1358 : vector<16xf32>
    %get3A_1360 = arith.constant 1152 : index
    %get3A_1361 = tpu.vector_load %arg10[%get3A_1360] {strides = array<i32>} : memref<2560xf32, #tpu.memory_space<vmem>>, vector<16xf32>,
    %add3A_1362 = arith.addf %add3A_1353, %get3A_1361 : vector<16xf32>
    %get3A_1363 = arith.constant 1312 : index
    %get3A_1364 = tpu.vector_load %arg8[%get3A_1363] {strides = array<i32>} : memref<2560xf32, #tpu.memory_space<vmem>>, vector<16xf32>,
    %add3A_1365 = arith.addf %add3A_1356, %get3A_1364 : vector<16xf32>
    %get3A_1366 = arith.constant 1312 : index
    %get3A_1367 = tpu.vector_load %arg9[%get3A_1366] {strides = array<i32>} : memref<2560xf32, #tpu.memory_space<vmem>>, vector<16xf32>,
    %add3A_1368 = arith.addf %add3A_1359, %get3A_1367 : vector<16xf32>
    %get3A_1369 = arith.constant 1312 : index
    %get3A_1370 = tpu.vector_load %arg10[%get3A_1369] {strides = array<i32>} : memref<2560xf32, #tpu.memory_space<vmem>>, vector<16xf32>,
    %add3A_1371 = arith.addf %add3A_1362, %get3A_1370 : vector<16xf32>
    %get3A_1372 = arith.constant 1472 : index
    %get3A_1373 = tpu.vector_load %arg8[%get3A_1372] {strides = array<i32>} : memref<2560xf32, #tpu.memory_space<vmem>>, vector<16xf32>,
    %add3A_1374 = arith.addf %add3A_1365, %get3A_1373 : vector<16xf32>
    %get3A_1375 = arith.constant 1472 : index
    %get3A_1376 = tpu.vector_load %arg9[%get3A_1375] {strides = array<i32>} : memref<2560xf32, #tpu.memory_space<vmem>>, vector<16xf32>,
    %add3A_1377 = arith.addf %add3A_1368, %get3A_1376 : vector<16xf32>
    %get3A_1378 = arith.constant 1472 : index
    %get3A_1379 = tpu.vector_load %arg10[%get3A_1378] {strides = array<i32>} : memref<2560xf32, #tpu.memory_space<vmem>>, vector<16xf32>,
    %add3A_1380 = arith.addf %add3A_1371, %get3A_1379 : vector<16xf32>
    %get3A_1381 = arith.constant 1632 : index
    %get3A_1382 = tpu.vector_load %arg8[%get3A_1381] {strides = array<i32>} : memref<2560xf32, #tpu.memory_space<vmem>>, vector<16xf32>,
    %add3A_1383 = arith.addf %add3A_1374, %get3A_1382 : vector<16xf32>
    %get3A_1384 = arith.constant 1632 : index
    %get3A_1385 = tpu.vector_load %arg9[%get3A_1384] {strides = array<i32>} : memref<2560xf32, #tpu.memory_space<vmem>>, vector<16xf32>,
    %add3A_1386 = arith.addf %add3A_1377, %get3A_1385 : vector<16xf32>
    %get3A_1387 = arith.constant 1632 : index
    %get3A_1388 = tpu.vector_load %arg10[%get3A_1387] {strides = array<i32>} : memref<2560xf32, #tpu.memory_space<vmem>>, vector<16xf32>,
    %add3A_1389 = arith.addf %add3A_1380, %get3A_1388 : vector<16xf32>
    %get3A_1390 = arith.constant 1792 : index
    %get3A_1391 = tpu.vector_load %arg8[%get3A_1390] {strides = array<i32>} : memref<2560xf32, #tpu.memory_space<vmem>>, vector<16xf32>,
    %add3A_1392 = arith.addf %add3A_1383, %get3A_1391 : vector<16xf32>
    %get3A_1393 = arith.constant 1792 : index
    %get3A_1394 = tpu.vector_load %arg9[%get3A_1393] {strides = array<i32>} : memref<2560xf32, #tpu.memory_space<vmem>>, vector<16xf32>,
    %add3A_1395 = arith.addf %add3A_1386, %get3A_1394 : vector<16xf32>
    %get3A_1396 = arith.constant 1792 : index
    %get3A_1397 = tpu.vector_load %arg10[%get3A_1396] {strides = array<i32>} : memref<2560xf32, #tpu.memory_space<vmem>>, vector<16xf32>,
    %add3A_1398 = arith.addf %add3A_1389, %get3A_1397 : vector<16xf32>
    %get3A_1399 = arith.constant 1952 : index
    %get3A_1400 = tpu.vector_load %arg8[%get3A_1399] {strides = array<i32>} : memref<2560xf32, #tpu.memory_space<vmem>>, vector<16xf32>,
    %add3A_1401 = arith.addf %add3A_1392, %get3A_1400 : vector<16xf32>
    %get3A_1402 = arith.constant 1952 : index
    %get3A_1403 = tpu.vector_load %arg9[%get3A_1402] {strides = array<i32>} : memref<2560xf32, #tpu.memory_space<vmem>>, vector<16xf32>,
    %add3A_1404 = arith.addf %add3A_1395, %get3A_1403 : vector<16xf32>
    %get3A_1405 = arith.constant 1952 : index
    %get3A_1406 = tpu.vector_load %arg10[%get3A_1405] {strides = array<i32>} : memref<2560xf32, #tpu.memory_space<vmem>>, vector<16xf32>,
    %add3A_1407 = arith.addf %add3A_1398, %get3A_1406 : vector<16xf32>
    %get3A_1408 = arith.constant 2112 : index
    %get3A_1409 = tpu.vector_load %arg8[%get3A_1408] {strides = array<i32>} : memref<2560xf32, #tpu.memory_space<vmem>>, vector<16xf32>,
    %add3A_1410 = arith.addf %add3A_1401, %get3A_1409 : vector<16xf32>
    %get3A_1411 = arith.constant 2112 : index
    %get3A_1412 = tpu.vector_load %arg9[%get3A_1411] {strides = array<i32>} : memref<2560xf32, #tpu.memory_space<vmem>>, vector<16xf32>,
    %add3A_1413 = arith.addf %add3A_1404, %get3A_1412 : vector<16xf32>
    %get3A_1414 = arith.constant 2112 : index
    %get3A_1415 = tpu.vector_load %arg10[%get3A_1414] {strides = array<i32>} : memref<2560xf32, #tpu.memory_space<vmem>>, vector<16xf32>,
    %add3A_1416 = arith.addf %add3A_1407, %get3A_1415 : vector<16xf32>
    %get3A_1417 = arith.constant 2272 : index
    %get3A_1418 = tpu.vector_load %arg8[%get3A_1417] {strides = array<i32>} : memref<2560xf32, #tpu.memory_space<vmem>>, vector<16xf32>,
    %add3A_1419 = arith.addf %add3A_1410, %get3A_1418 : vector<16xf32>
    %get3A_1420 = arith.constant 2272 : index
    %get3A_1421 = tpu.vector_load %arg9[%get3A_1420] {strides = array<i32>} : memref<2560xf32, #tpu.memory_space<vmem>>, vector<16xf32>,
    %add3A_1422 = arith.addf %add3A_1413, %get3A_1421 : vector<16xf32>
    %get3A_1423 = arith.constant 2272 : index
    %get3A_1424 = tpu.vector_load %arg10[%get3A_1423] {strides = array<i32>} : memref<2560xf32, #tpu.memory_space<vmem>>, vector<16xf32>,
    %add3A_1425 = arith.addf %add3A_1416, %get3A_1424 : vector<16xf32>
    %get3A_1426 = arith.constant 2432 : index
    %get3A_1427 = tpu.vector_load %arg8[%get3A_1426] {strides = array<i32>} : memref<2560xf32, #tpu.memory_space<vmem>>, vector<16xf32>,
    %add3A_1428 = arith.addf %add3A_1419, %get3A_1427 : vector<16xf32>
    %get3A_1429 = arith.constant 2432 : index
    %get3A_1430 = tpu.vector_load %arg9[%get3A_1429] {strides = array<i32>} : memref<2560xf32, #tpu.memory_space<vmem>>, vector<16xf32>,
    %add3A_1431 = arith.addf %add3A_1422, %get3A_1430 : vector<16xf32>
    %get3A_1432 = arith.constant 2432 : index
    %get3A_1433 = tpu.vector_load %arg10[%get3A_1432] {strides = array<i32>} : memref<2560xf32, #tpu.memory_space<vmem>>, vector<16xf32>,
    %add3A_1434 = arith.addf %add3A_1425, %get3A_1433 : vector<16xf32>
    %swap3A_1435 = arith.constant 32 : index
    %swap3A_1436 = tpu.vector_load %arg11[%swap3A_1435] {strides = array<i32>} : memref<480xf32, #tpu.memory_space<vmem>>, vector<16xf32>,
    tpu.vector_store %arg11[%swap3A_1435], %add3A_1428 {strides = array<i32>} : memref<480xf32, #tpu.memory_space<vmem>>, vector<16xf32>,
    %swap3A_1437 = arith.constant 192 : index
    %swap3A_1438 = tpu.vector_load %arg11[%swap3A_1437] {strides = array<i32>} : memref<480xf32, #tpu.memory_space<vmem>>, vector<16xf32>,
    tpu.vector_store %arg11[%swap3A_1437], %add3A_1431 {strides = array<i32>} : memref<480xf32, #tpu.memory_space<vmem>>, vector<16xf32>,
    %swap3A_1439 = arith.constant 352 : index
    %swap3A_1440 = tpu.vector_load %arg11[%swap3A_1439] {strides = array<i32>} : memref<480xf32, #tpu.memory_space<vmem>>, vector<16xf32>,
    tpu.vector_store %arg11[%swap3A_1439], %add3A_1434 {strides = array<i32>} : memref<480xf32, #tpu.memory_space<vmem>>, vector<16xf32>,
    %get3A_1441 = arith.constant 48 : index
    %get3A_1442 = tpu.vector_load %arg8[%get3A_1441] {strides = array<i32>} : memref<2560xf32, #tpu.memory_space<vmem>>, vector<16xf32>,
    %add3A_1443 = arith.addf %broadcast_in_dim3A_14, %get3A_1442 : vector<16xf32>
    %get3A_1444 = arith.constant 48 : index
    %get3A_1445 = tpu.vector_load %arg9[%get3A_1444] {strides = array<i32>} : memref<2560xf32, #tpu.memory_space<vmem>>, vector<16xf32>,
    %add3A_1446 = arith.addf %broadcast_in_dim3A_14, %get3A_1445 : vector<16xf32>
    %get3A_1447 = arith.constant 48 : index
    %get3A_1448 = tpu.vector_load %arg10[%get3A_1447] {strides = array<i32>} : memref<2560xf32, #tpu.memory_space<vmem>>, vector<16xf32>,
    %add3A_1449 = arith.addf %broadcast_in_dim3A_14, %get3A_1448 : vector<16xf32>
    %get3A_1450 = arith.constant 208 : index
    %get3A_1451 = tpu.vector_load %arg8[%get3A_1450] {strides = array<i32>} : memref<2560xf32, #tpu.memory_space<vmem>>, vector<16xf32>,
    %add3A_1452 = arith.addf %add3A_1443, %get3A_1451 : vector<16xf32>
    %get3A_1453 = arith.constant 208 : index
    %get3A_1454 = tpu.vector_load %arg9[%get3A_1453] {strides = array<i32>} : memref<2560xf32, #tpu.memory_space<vmem>>, vector<16xf32>,
    %add3A_1455 = arith.addf %add3A_1446, %get3A_1454 : vector<16xf32>
    %get3A_1456 = arith.constant 208 : index
    %get3A_1457 = tpu.vector_load %arg10[%get3A_1456] {strides = array<i32>} : memref<2560xf32, #tpu.memory_space<vmem>>, vector<16xf32>,
    %add3A_1458 = arith.addf %add3A_1449, %get3A_1457 : vector<16xf32>
    %get3A_1459 = arith.constant 368 : index
    %get3A_1460 = tpu.vector_load %arg8[%get3A_1459] {strides = array<i32>} : memref<2560xf32, #tpu.memory_space<vmem>>, vector<16xf32>,
    %add3A_1461 = arith.addf %add3A_1452, %get3A_1460 : vector<16xf32>
    %get3A_1462 = arith.constant 368 : index
    %get3A_1463 = tpu.vector_load %arg9[%get3A_1462] {strides = array<i32>} : memref<2560xf32, #tpu.memory_space<vmem>>, vector<16xf32>,
    %add3A_1464 = arith.addf %add3A_1455, %get3A_1463 : vector<16xf32>
    %get3A_1465 = arith.constant 368 : index
    %get3A_1466 = tpu.vector_load %arg10[%get3A_1465] {strides = array<i32>} : memref<2560xf32, #tpu.memory_space<vmem>>, vector<16xf32>,
    %add3A_1467 = arith.addf %add3A_1458, %get3A_1466 : vector<16xf32>
    %get3A_1468 = arith.constant 528 : index
    %get3A_1469 = tpu.vector_load %arg8[%get3A_1468] {strides = array<i32>} : memref<2560xf32, #tpu.memory_space<vmem>>, vector<16xf32>,
    %add3A_1470 = arith.addf %add3A_1461, %get3A_1469 : vector<16xf32>
    %get3A_1471 = arith.constant 528 : index
    %get3A_1472 = tpu.vector_load %arg9[%get3A_1471] {strides = array<i32>} : memref<2560xf32, #tpu.memory_space<vmem>>, vector<16xf32>,
    %add3A_1473 = arith.addf %add3A_1464, %get3A_1472 : vector<16xf32>
    %get3A_1474 = arith.constant 528 : index
    %get3A_1475 = tpu.vector_load %arg10[%get3A_1474] {strides = array<i32>} : memref<2560xf32, #tpu.memory_space<vmem>>, vector<16xf32>,
    %add3A_1476 = arith.addf %add3A_1467, %get3A_1475 : vector<16xf32>
    %get3A_1477 = arith.constant 688 : index
    %get3A_1478 = tpu.vector_load %arg8[%get3A_1477] {strides = array<i32>} : memref<2560xf32, #tpu.memory_space<vmem>>, vector<16xf32>,
    %add3A_1479 = arith.addf %add3A_1470, %get3A_1478 : vector<16xf32>
    %get3A_1480 = arith.constant 688 : index
    %get3A_1481 = tpu.vector_load %arg9[%get3A_1480] {strides = array<i32>} : memref<2560xf32, #tpu.memory_space<vmem>>, vector<16xf32>,
    %add3A_1482 = arith.addf %add3A_1473, %get3A_1481 : vector<16xf32>
    %get3A_1483 = arith.constant 688 : index
    %get3A_1484 = tpu.vector_load %arg10[%get3A_1483] {strides = array<i32>} : memref<2560xf32, #tpu.memory_space<vmem>>, vector<16xf32>,
    %add3A_1485 = arith.addf %add3A_1476, %get3A_1484 : vector<16xf32>
    %get3A_1486 = arith.constant 848 : index
    %get3A_1487 = tpu.vector_load %arg8[%get3A_1486] {strides = array<i32>} : memref<2560xf32, #tpu.memory_space<vmem>>, vector<16xf32>,
    %add3A_1488 = arith.addf %add3A_1479, %get3A_1487 : vector<16xf32>
    %get3A_1489 = arith.constant 848 : index
    %get3A_1490 = tpu.vector_load %arg9[%get3A_1489] {strides = array<i32>} : memref<2560xf32, #tpu.memory_space<vmem>>, vector<16xf32>,
    %add3A_1491 = arith.addf %add3A_1482, %get3A_1490 : vector<16xf32>
    %get3A_1492 = arith.constant 848 : index
    %get3A_1493 = tpu.vector_load %arg10[%get3A_1492] {strides = array<i32>} : memref<2560xf32, #tpu.memory_space<vmem>>, vector<16xf32>,
    %add3A_1494 = arith.addf %add3A_1485, %get3A_1493 : vector<16xf32>
    %get3A_1495 = arith.constant 1008 : index
    %get3A_1496 = tpu.vector_load %arg8[%get3A_1495] {strides = array<i32>} : memref<2560xf32, #tpu.memory_space<vmem>>, vector<16xf32>,
    %add3A_1497 = arith.addf %add3A_1488, %get3A_1496 : vector<16xf32>
    %get3A_1498 = arith.constant 1008 : index
    %get3A_1499 = tpu.vector_load %arg9[%get3A_1498] {strides = array<i32>} : memref<2560xf32, #tpu.memory_space<vmem>>, vector<16xf32>,
    %add3A_1500 = arith.addf %add3A_1491, %get3A_1499 : vector<16xf32>
    %get3A_1501 = arith.constant 1008 : index
    %get3A_1502 = tpu.vector_load %arg10[%get3A_1501] {strides = array<i32>} : memref<2560xf32, #tpu.memory_space<vmem>>, vector<16xf32>,
    %add3A_1503 = arith.addf %add3A_1494, %get3A_1502 : vector<16xf32>
    %get3A_1504 = arith.constant 1168 : index
    %get3A_1505 = tpu.vector_load %arg8[%get3A_1504] {strides = array<i32>} : memref<2560xf32, #tpu.memory_space<vmem>>, vector<16xf32>,
    %add3A_1506 = arith.addf %add3A_1497, %get3A_1505 : vector<16xf32>
    %get3A_1507 = arith.constant 1168 : index
    %get3A_1508 = tpu.vector_load %arg9[%get3A_1507] {strides = array<i32>} : memref<2560xf32, #tpu.memory_space<vmem>>, vector<16xf32>,
    %add3A_1509 = arith.addf %add3A_1500, %get3A_1508 : vector<16xf32>
    %get3A_1510 = arith.constant 1168 : index
    %get3A_1511 = tpu.vector_load %arg10[%get3A_1510] {strides = array<i32>} : memref<2560xf32, #tpu.memory_space<vmem>>, vector<16xf32>,
    %add3A_1512 = arith.addf %add3A_1503, %get3A_1511 : vector<16xf32>
    %get3A_1513 = arith.constant 1328 : index
    %get3A_1514 = tpu.vector_load %arg8[%get3A_1513] {strides = array<i32>} : memref<2560xf32, #tpu.memory_space<vmem>>, vector<16xf32>,
    %add3A_1515 = arith.addf %add3A_1506, %get3A_1514 : vector<16xf32>
    %get3A_1516 = arith.constant 1328 : index
    %get3A_1517 = tpu.vector_load %arg9[%get3A_1516] {strides = array<i32>} : memref<2560xf32, #tpu.memory_space<vmem>>, vector<16xf32>,
    %add3A_1518 = arith.addf %add3A_1509, %get3A_1517 : vector<16xf32>
    %get3A_1519 = arith.constant 1328 : index
    %get3A_1520 = tpu.vector_load %arg10[%get3A_1519] {strides = array<i32>} : memref<2560xf32, #tpu.memory_space<vmem>>, vector<16xf32>,
    %add3A_1521 = arith.addf %add3A_1512, %get3A_1520 : vector<16xf32>
    %get3A_1522 = arith.constant 1488 : index
    %get3A_1523 = tpu.vector_load %arg8[%get3A_1522] {strides = array<i32>} : memref<2560xf32, #tpu.memory_space<vmem>>, vector<16xf32>,
    %add3A_1524 = arith.addf %add3A_1515, %get3A_1523 : vector<16xf32>
    %get3A_1525 = arith.constant 1488 : index
    %get3A_1526 = tpu.vector_load %arg9[%get3A_1525] {strides = array<i32>} : memref<2560xf32, #tpu.memory_space<vmem>>, vector<16xf32>,
    %add3A_1527 = arith.addf %add3A_1518, %get3A_1526 : vector<16xf32>
    %get3A_1528 = arith.constant 1488 : index
    %get3A_1529 = tpu.vector_load %arg10[%get3A_1528] {strides = array<i32>} : memref<2560xf32, #tpu.memory_space<vmem>>, vector<16xf32>,
    %add3A_1530 = arith.addf %add3A_1521, %get3A_1529 : vector<16xf32>
    %get3A_1531 = arith.constant 1648 : index
    %get3A_1532 = tpu.vector_load %arg8[%get3A_1531] {strides = array<i32>} : memref<2560xf32, #tpu.memory_space<vmem>>, vector<16xf32>,
    %add3A_1533 = arith.addf %add3A_1524, %get3A_1532 : vector<16xf32>
    %get3A_1534 = arith.constant 1648 : index
    %get3A_1535 = tpu.vector_load %arg9[%get3A_1534] {strides = array<i32>} : memref<2560xf32, #tpu.memory_space<vmem>>, vector<16xf32>,
    %add3A_1536 = arith.addf %add3A_1527, %get3A_1535 : vector<16xf32>
    %get3A_1537 = arith.constant 1648 : index
    %get3A_1538 = tpu.vector_load %arg10[%get3A_1537] {strides = array<i32>} : memref<2560xf32, #tpu.memory_space<vmem>>, vector<16xf32>,
    %add3A_1539 = arith.addf %add3A_1530, %get3A_1538 : vector<16xf32>
    %get3A_1540 = arith.constant 1808 : index
    %get3A_1541 = tpu.vector_load %arg8[%get3A_1540] {strides = array<i32>} : memref<2560xf32, #tpu.memory_space<vmem>>, vector<16xf32>,
    %add3A_1542 = arith.addf %add3A_1533, %get3A_1541 : vector<16xf32>
    %get3A_1543 = arith.constant 1808 : index
    %get3A_1544 = tpu.vector_load %arg9[%get3A_1543] {strides = array<i32>} : memref<2560xf32, #tpu.memory_space<vmem>>, vector<16xf32>,
    %add3A_1545 = arith.addf %add3A_1536, %get3A_1544 : vector<16xf32>
    %get3A_1546 = arith.constant 1808 : index
    %get3A_1547 = tpu.vector_load %arg10[%get3A_1546] {strides = array<i32>} : memref<2560xf32, #tpu.memory_space<vmem>>, vector<16xf32>,
    %add3A_1548 = arith.addf %add3A_1539, %get3A_1547 : vector<16xf32>
    %get3A_1549 = arith.constant 1968 : index
    %get3A_1550 = tpu.vector_load %arg8[%get3A_1549] {strides = array<i32>} : memref<2560xf32, #tpu.memory_space<vmem>>, vector<16xf32>,
    %add3A_1551 = arith.addf %add3A_1542, %get3A_1550 : vector<16xf32>
    %get3A_1552 = arith.constant 1968 : index
    %get3A_1553 = tpu.vector_load %arg9[%get3A_1552] {strides = array<i32>} : memref<2560xf32, #tpu.memory_space<vmem>>, vector<16xf32>,
    %add3A_1554 = arith.addf %add3A_1545, %get3A_1553 : vector<16xf32>
    %get3A_1555 = arith.constant 1968 : index
    %get3A_1556 = tpu.vector_load %arg10[%get3A_1555] {strides = array<i32>} : memref<2560xf32, #tpu.memory_space<vmem>>, vector<16xf32>,
    %add3A_1557 = arith.addf %add3A_1548, %get3A_1556 : vector<16xf32>
    %get3A_1558 = arith.constant 2128 : index
    %get3A_1559 = tpu.vector_load %arg8[%get3A_1558] {strides = array<i32>} : memref<2560xf32, #tpu.memory_space<vmem>>, vector<16xf32>,
    %add3A_1560 = arith.addf %add3A_1551, %get3A_1559 : vector<16xf32>
    %get3A_1561 = arith.constant 2128 : index
    %get3A_1562 = tpu.vector_load %arg9[%get3A_1561] {strides = array<i32>} : memref<2560xf32, #tpu.memory_space<vmem>>, vector<16xf32>,
    %add3A_1563 = arith.addf %add3A_1554, %get3A_1562 : vector<16xf32>
    %get3A_1564 = arith.constant 2128 : index
    %get3A_1565 = tpu.vector_load %arg10[%get3A_1564] {strides = array<i32>} : memref<2560xf32, #tpu.memory_space<vmem>>, vector<16xf32>,
    %add3A_1566 = arith.addf %add3A_1557, %get3A_1565 : vector<16xf32>
    %get3A_1567 = arith.constant 2288 : index
    %get3A_1568 = tpu.vector_load %arg8[%get3A_1567] {strides = array<i32>} : memref<2560xf32, #tpu.memory_space<vmem>>, vector<16xf32>,
    %add3A_1569 = arith.addf %add3A_1560, %get3A_1568 : vector<16xf32>
    %get3A_1570 = arith.constant 2288 : index
    %get3A_1571 = tpu.vector_load %arg9[%get3A_1570] {strides = array<i32>} : memref<2560xf32, #tpu.memory_space<vmem>>, vector<16xf32>,
    %add3A_1572 = arith.addf %add3A_1563, %get3A_1571 : vector<16xf32>
    %get3A_1573 = arith.constant 2288 : index
    %get3A_1574 = tpu.vector_load %arg10[%get3A_1573] {strides = array<i32>} : memref<2560xf32, #tpu.memory_space<vmem>>, vector<16xf32>,
    %add3A_1575 = arith.addf %add3A_1566, %get3A_1574 : vector<16xf32>
    %get3A_1576 = arith.constant 2448 : index
    %get3A_1577 = tpu.vector_load %arg8[%get3A_1576] {strides = array<i32>} : memref<2560xf32, #tpu.memory_space<vmem>>, vector<16xf32>,
    %add3A_1578 = arith.addf %add3A_1569, %get3A_1577 : vector<16xf32>
    %get3A_1579 = arith.constant 2448 : index
    %get3A_1580 = tpu.vector_load %arg9[%get3A_1579] {strides = array<i32>} : memref<2560xf32, #tpu.memory_space<vmem>>, vector<16xf32>,
    %add3A_1581 = arith.addf %add3A_1572, %get3A_1580 : vector<16xf32>
    %get3A_1582 = arith.constant 2448 : index
    %get3A_1583 = tpu.vector_load %arg10[%get3A_1582] {strides = array<i32>} : memref<2560xf32, #tpu.memory_space<vmem>>, vector<16xf32>,
    %add3A_1584 = arith.addf %add3A_1575, %get3A_1583 : vector<16xf32>
    %swap3A_1585 = arith.constant 48 : index
    %swap3A_1586 = tpu.vector_load %arg11[%swap3A_1585] {strides = array<i32>} : memref<480xf32, #tpu.memory_space<vmem>>, vector<16xf32>,
    tpu.vector_store %arg11[%swap3A_1585], %add3A_1578 {strides = array<i32>} : memref<480xf32, #tpu.memory_space<vmem>>, vector<16xf32>,
    %swap3A_1587 = arith.constant 208 : index
    %swap3A_1588 = tpu.vector_load %arg11[%swap3A_1587] {strides = array<i32>} : memref<480xf32, #tpu.memory_space<vmem>>, vector<16xf32>,
    tpu.vector_store %arg11[%swap3A_1587], %add3A_1581 {strides = array<i32>} : memref<480xf32, #tpu.memory_space<vmem>>, vector<16xf32>,
    %swap3A_1589 = arith.constant 368 : index
    %swap3A_1590 = tpu.vector_load %arg11[%swap3A_1589] {strides = array<i32>} : memref<480xf32, #tpu.memory_space<vmem>>, vector<16xf32>,
    tpu.vector_store %arg11[%swap3A_1589], %add3A_1584 {strides = array<i32>} : memref<480xf32, #tpu.memory_space<vmem>>, vector<16xf32>,
    %get3A_1591 = arith.constant 64 : index
    %get3A_1592 = tpu.vector_load %arg8[%get3A_1591] {strides = array<i32>} : memref<2560xf32, #tpu.memory_space<vmem>>, vector<16xf32>,
    %add3A_1593 = arith.addf %broadcast_in_dim3A_14, %get3A_1592 : vector<16xf32>
    %get3A_1594 = arith.constant 64 : index
    %get3A_1595 = tpu.vector_load %arg9[%get3A_1594] {strides = array<i32>} : memref<2560xf32, #tpu.memory_space<vmem>>, vector<16xf32>,
    %add3A_1596 = arith.addf %broadcast_in_dim3A_14, %get3A_1595 : vector<16xf32>
    %get3A_1597 = arith.constant 64 : index
    %get3A_1598 = tpu.vector_load %arg10[%get3A_1597] {strides = array<i32>} : memref<2560xf32, #tpu.memory_space<vmem>>, vector<16xf32>,
    %add3A_1599 = arith.addf %broadcast_in_dim3A_14, %get3A_1598 : vector<16xf32>
    %get3A_1600 = arith.constant 224 : index
    %get3A_1601 = tpu.vector_load %arg8[%get3A_1600] {strides = array<i32>} : memref<2560xf32, #tpu.memory_space<vmem>>, vector<16xf32>,
    %add3A_1602 = arith.addf %add3A_1593, %get3A_1601 : vector<16xf32>
    %get3A_1603 = arith.constant 224 : index
    %get3A_1604 = tpu.vector_load %arg9[%get3A_1603] {strides = array<i32>} : memref<2560xf32, #tpu.memory_space<vmem>>, vector<16xf32>,
    %add3A_1605 = arith.addf %add3A_1596, %get3A_1604 : vector<16xf32>
    %get3A_1606 = arith.constant 224 : index
    %get3A_1607 = tpu.vector_load %arg10[%get3A_1606] {strides = array<i32>} : memref<2560xf32, #tpu.memory_space<vmem>>, vector<16xf32>,
    %add3A_1608 = arith.addf %add3A_1599, %get3A_1607 : vector<16xf32>
    %get3A_1609 = arith.constant 384 : index
    %get3A_1610 = tpu.vector_load %arg8[%get3A_1609] {strides = array<i32>} : memref<2560xf32, #tpu.memory_space<vmem>>, vector<16xf32>,
    %add3A_1611 = arith.addf %add3A_1602, %get3A_1610 : vector<16xf32>
    %get3A_1612 = arith.constant 384 : index
    %get3A_1613 = tpu.vector_load %arg9[%get3A_1612] {strides = array<i32>} : memref<2560xf32, #tpu.memory_space<vmem>>, vector<16xf32>,
    %add3A_1614 = arith.addf %add3A_1605, %get3A_1613 : vector<16xf32>
    %get3A_1615 = arith.constant 384 : index
    %get3A_1616 = tpu.vector_load %arg10[%get3A_1615] {strides = array<i32>} : memref<2560xf32, #tpu.memory_space<vmem>>, vector<16xf32>,
    %add3A_1617 = arith.addf %add3A_1608, %get3A_1616 : vector<16xf32>
    %get3A_1618 = arith.constant 544 : index
    %get3A_1619 = tpu.vector_load %arg8[%get3A_1618] {strides = array<i32>} : memref<2560xf32, #tpu.memory_space<vmem>>, vector<16xf32>,
    %add3A_1620 = arith.addf %add3A_1611, %get3A_1619 : vector<16xf32>
    %get3A_1621 = arith.constant 544 : index
    %get3A_1622 = tpu.vector_load %arg9[%get3A_1621] {strides = array<i32>} : memref<2560xf32, #tpu.memory_space<vmem>>, vector<16xf32>,
    %add3A_1623 = arith.addf %add3A_1614, %get3A_1622 : vector<16xf32>
    %get3A_1624 = arith.constant 544 : index
    %get3A_1625 = tpu.vector_load %arg10[%get3A_1624] {strides = array<i32>} : memref<2560xf32, #tpu.memory_space<vmem>>, vector<16xf32>,
    %add3A_1626 = arith.addf %add3A_1617, %get3A_1625 : vector<16xf32>
    %get3A_1627 = arith.constant 704 : index
    %get3A_1628 = tpu.vector_load %arg8[%get3A_1627] {strides = array<i32>} : memref<2560xf32, #tpu.memory_space<vmem>>, vector<16xf32>,
    %add3A_1629 = arith.addf %add3A_1620, %get3A_1628 : vector<16xf32>
    %get3A_1630 = arith.constant 704 : index
    %get3A_1631 = tpu.vector_load %arg9[%get3A_1630] {strides = array<i32>} : memref<2560xf32, #tpu.memory_space<vmem>>, vector<16xf32>,
    %add3A_1632 = arith.addf %add3A_1623, %get3A_1631 : vector<16xf32>
    %get3A_1633 = arith.constant 704 : index
    %get3A_1634 = tpu.vector_load %arg10[%get3A_1633] {strides = array<i32>} : memref<2560xf32, #tpu.memory_space<vmem>>, vector<16xf32>,
    %add3A_1635 = arith.addf %add3A_1626, %get3A_1634 : vector<16xf32>
    %get3A_1636 = arith.constant 864 : index
    %get3A_1637 = tpu.vector_load %arg8[%get3A_1636] {strides = array<i32>} : memref<2560xf32, #tpu.memory_space<vmem>>, vector<16xf32>,
    %add3A_1638 = arith.addf %add3A_1629, %get3A_1637 : vector<16xf32>
    %get3A_1639 = arith.constant 864 : index
    %get3A_1640 = tpu.vector_load %arg9[%get3A_1639] {strides = array<i32>} : memref<2560xf32, #tpu.memory_space<vmem>>, vector<16xf32>,
    %add3A_1641 = arith.addf %add3A_1632, %get3A_1640 : vector<16xf32>
    %get3A_1642 = arith.constant 864 : index
    %get3A_1643 = tpu.vector_load %arg10[%get3A_1642] {strides = array<i32>} : memref<2560xf32, #tpu.memory_space<vmem>>, vector<16xf32>,
    %add3A_1644 = arith.addf %add3A_1635, %get3A_1643 : vector<16xf32>
    %get3A_1645 = arith.constant 1024 : index
    %get3A_1646 = tpu.vector_load %arg8[%get3A_1645] {strides = array<i32>} : memref<2560xf32, #tpu.memory_space<vmem>>, vector<16xf32>,
    %add3A_1647 = arith.addf %add3A_1638, %get3A_1646 : vector<16xf32>
    %get3A_1648 = arith.constant 1024 : index
    %get3A_1649 = tpu.vector_load %arg9[%get3A_1648] {strides = array<i32>} : memref<2560xf32, #tpu.memory_space<vmem>>, vector<16xf32>,
    %add3A_1650 = arith.addf %add3A_1641, %get3A_1649 : vector<16xf32>
    %get3A_1651 = arith.constant 1024 : index
    %get3A_1652 = tpu.vector_load %arg10[%get3A_1651] {strides = array<i32>} : memref<2560xf32, #tpu.memory_space<vmem>>, vector<16xf32>,
    %add3A_1653 = arith.addf %add3A_1644, %get3A_1652 : vector<16xf32>
    %get3A_1654 = arith.constant 1184 : index
    %get3A_1655 = tpu.vector_load %arg8[%get3A_1654] {strides = array<i32>} : memref<2560xf32, #tpu.memory_space<vmem>>, vector<16xf32>,
    %add3A_1656 = arith.addf %add3A_1647, %get3A_1655 : vector<16xf32>
    %get3A_1657 = arith.constant 1184 : index
    %get3A_1658 = tpu.vector_load %arg9[%get3A_1657] {strides = array<i32>} : memref<2560xf32, #tpu.memory_space<vmem>>, vector<16xf32>,
    %add3A_1659 = arith.addf %add3A_1650, %get3A_1658 : vector<16xf32>
    %get3A_1660 = arith.constant 1184 : index
    %get3A_1661 = tpu.vector_load %arg10[%get3A_1660] {strides = array<i32>} : memref<2560xf32, #tpu.memory_space<vmem>>, vector<16xf32>,
    %add3A_1662 = arith.addf %add3A_1653, %get3A_1661 : vector<16xf32>
    %get3A_1663 = arith.constant 1344 : index
    %get3A_1664 = tpu.vector_load %arg8[%get3A_1663] {strides = array<i32>} : memref<2560xf32, #tpu.memory_space<vmem>>, vector<16xf32>,
    %add3A_1665 = arith.addf %add3A_1656, %get3A_1664 : vector<16xf32>
    %get3A_1666 = arith.constant 1344 : index
    %get3A_1667 = tpu.vector_load %arg9[%get3A_1666] {strides = array<i32>} : memref<2560xf32, #tpu.memory_space<vmem>>, vector<16xf32>,
    %add3A_1668 = arith.addf %add3A_1659, %get3A_1667 : vector<16xf32>
    %get3A_1669 = arith.constant 1344 : index
    %get3A_1670 = tpu.vector_load %arg10[%get3A_1669] {strides = array<i32>} : memref<2560xf32, #tpu.memory_space<vmem>>, vector<16xf32>,
    %add3A_1671 = arith.addf %add3A_1662, %get3A_1670 : vector<16xf32>
    %get3A_1672 = arith.constant 1504 : index
    %get3A_1673 = tpu.vector_load %arg8[%get3A_1672] {strides = array<i32>} : memref<2560xf32, #tpu.memory_space<vmem>>, vector<16xf32>,
    %add3A_1674 = arith.addf %add3A_1665, %get3A_1673 : vector<16xf32>
    %get3A_1675 = arith.constant 1504 : index
    %get3A_1676 = tpu.vector_load %arg9[%get3A_1675] {strides = array<i32>} : memref<2560xf32, #tpu.memory_space<vmem>>, vector<16xf32>,
    %add3A_1677 = arith.addf %add3A_1668, %get3A_1676 : vector<16xf32>
    %get3A_1678 = arith.constant 1504 : index
    %get3A_1679 = tpu.vector_load %arg10[%get3A_1678] {strides = array<i32>} : memref<2560xf32, #tpu.memory_space<vmem>>, vector<16xf32>,
    %add3A_1680 = arith.addf %add3A_1671, %get3A_1679 : vector<16xf32>
    %get3A_1681 = arith.constant 1664 : index
    %get3A_1682 = tpu.vector_load %arg8[%get3A_1681] {strides = array<i32>} : memref<2560xf32, #tpu.memory_space<vmem>>, vector<16xf32>,
    %add3A_1683 = arith.addf %add3A_1674, %get3A_1682 : vector<16xf32>
    %get3A_1684 = arith.constant 1664 : index
    %get3A_1685 = tpu.vector_load %arg9[%get3A_1684] {strides = array<i32>} : memref<2560xf32, #tpu.memory_space<vmem>>, vector<16xf32>,
    %add3A_1686 = arith.addf %add3A_1677, %get3A_1685 : vector<16xf32>
    %get3A_1687 = arith.constant 1664 : index
    %get3A_1688 = tpu.vector_load %arg10[%get3A_1687] {strides = array<i32>} : memref<2560xf32, #tpu.memory_space<vmem>>, vector<16xf32>,
    %add3A_1689 = arith.addf %add3A_1680, %get3A_1688 : vector<16xf32>
    %get3A_1690 = arith.constant 1824 : index
    %get3A_1691 = tpu.vector_load %arg8[%get3A_1690] {strides = array<i32>} : memref<2560xf32, #tpu.memory_space<vmem>>, vector<16xf32>,
    %add3A_1692 = arith.addf %add3A_1683, %get3A_1691 : vector<16xf32>
    %get3A_1693 = arith.constant 1824 : index
    %get3A_1694 = tpu.vector_load %arg9[%get3A_1693] {strides = array<i32>} : memref<2560xf32, #tpu.memory_space<vmem>>, vector<16xf32>,
    %add3A_1695 = arith.addf %add3A_1686, %get3A_1694 : vector<16xf32>
    %get3A_1696 = arith.constant 1824 : index
    %get3A_1697 = tpu.vector_load %arg10[%get3A_1696] {strides = array<i32>} : memref<2560xf32, #tpu.memory_space<vmem>>, vector<16xf32>,
    %add3A_1698 = arith.addf %add3A_1689, %get3A_1697 : vector<16xf32>
    %get3A_1699 = arith.constant 1984 : index
    %get3A_1700 = tpu.vector_load %arg8[%get3A_1699] {strides = array<i32>} : memref<2560xf32, #tpu.memory_space<vmem>>, vector<16xf32>,
    %add3A_1701 = arith.addf %add3A_1692, %get3A_1700 : vector<16xf32>
    %get3A_1702 = arith.constant 1984 : index
    %get3A_1703 = tpu.vector_load %arg9[%get3A_1702] {strides = array<i32>} : memref<2560xf32, #tpu.memory_space<vmem>>, vector<16xf32>,
    %add3A_1704 = arith.addf %add3A_1695, %get3A_1703 : vector<16xf32>
    %get3A_1705 = arith.constant 1984 : index
    %get3A_1706 = tpu.vector_load %arg10[%get3A_1705] {strides = array<i32>} : memref<2560xf32, #tpu.memory_space<vmem>>, vector<16xf32>,
    %add3A_1707 = arith.addf %add3A_1698, %get3A_1706 : vector<16xf32>
    %get3A_1708 = arith.constant 2144 : index
    %get3A_1709 = tpu.vector_load %arg8[%get3A_1708] {strides = array<i32>} : memref<2560xf32, #tpu.memory_space<vmem>>, vector<16xf32>,
    %add3A_1710 = arith.addf %add3A_1701, %get3A_1709 : vector<16xf32>
    %get3A_1711 = arith.constant 2144 : index
    %get3A_1712 = tpu.vector_load %arg9[%get3A_1711] {strides = array<i32>} : memref<2560xf32, #tpu.memory_space<vmem>>, vector<16xf32>,
    %add3A_1713 = arith.addf %add3A_1704, %get3A_1712 : vector<16xf32>
    %get3A_1714 = arith.constant 2144 : index
    %get3A_1715 = tpu.vector_load %arg10[%get3A_1714] {strides = array<i32>} : memref<2560xf32, #tpu.memory_space<vmem>>, vector<16xf32>,
    %add3A_1716 = arith.addf %add3A_1707, %get3A_1715 : vector<16xf32>
    %get3A_1717 = arith.constant 2304 : index
    %get3A_1718 = tpu.vector_load %arg8[%get3A_1717] {strides = array<i32>} : memref<2560xf32, #tpu.memory_space<vmem>>, vector<16xf32>,
    %add3A_1719 = arith.addf %add3A_1710, %get3A_1718 : vector<16xf32>
    %get3A_1720 = arith.constant 2304 : index
    %get3A_1721 = tpu.vector_load %arg9[%get3A_1720] {strides = array<i32>} : memref<2560xf32, #tpu.memory_space<vmem>>, vector<16xf32>,
    %add3A_1722 = arith.addf %add3A_1713, %get3A_1721 : vector<16xf32>
    %get3A_1723 = arith.constant 2304 : index
    %get3A_1724 = tpu.vector_load %arg10[%get3A_1723] {strides = array<i32>} : memref<2560xf32, #tpu.memory_space<vmem>>, vector<16xf32>,
    %add3A_1725 = arith.addf %add3A_1716, %get3A_1724 : vector<16xf32>
    %get3A_1726 = arith.constant 2464 : index
    %get3A_1727 = tpu.vector_load %arg8[%get3A_1726] {strides = array<i32>} : memref<2560xf32, #tpu.memory_space<vmem>>, vector<16xf32>,
    %add3A_1728 = arith.addf %add3A_1719, %get3A_1727 : vector<16xf32>
    %get3A_1729 = arith.constant 2464 : index
    %get3A_1730 = tpu.vector_load %arg9[%get3A_1729] {strides = array<i32>} : memref<2560xf32, #tpu.memory_space<vmem>>, vector<16xf32>,
    %add3A_1731 = arith.addf %add3A_1722, %get3A_1730 : vector<16xf32>
    %get3A_1732 = arith.constant 2464 : index
    %get3A_1733 = tpu.vector_load %arg10[%get3A_1732] {strides = array<i32>} : memref<2560xf32, #tpu.memory_space<vmem>>, vector<16xf32>,
    %add3A_1734 = arith.addf %add3A_1725, %get3A_1733 : vector<16xf32>
    %swap3A_1735 = arith.constant 64 : index
    %swap3A_1736 = tpu.vector_load %arg11[%swap3A_1735] {strides = array<i32>} : memref<480xf32, #tpu.memory_space<vmem>>, vector<16xf32>,
    tpu.vector_store %arg11[%swap3A_1735], %add3A_1728 {strides = array<i32>} : memref<480xf32, #tpu.memory_space<vmem>>, vector<16xf32>,
    %swap3A_1737 = arith.constant 224 : index
    %swap3A_1738 = tpu.vector_load %arg11[%swap3A_1737] {strides = array<i32>} : memref<480xf32, #tpu.memory_space<vmem>>, vector<16xf32>,
    tpu.vector_store %arg11[%swap3A_1737], %add3A_1731 {strides = array<i32>} : memref<480xf32, #tpu.memory_space<vmem>>, vector<16xf32>,
    %swap3A_1739 = arith.constant 384 : index
    %swap3A_1740 = tpu.vector_load %arg11[%swap3A_1739] {strides = array<i32>} : memref<480xf32, #tpu.memory_space<vmem>>, vector<16xf32>,
    tpu.vector_store %arg11[%swap3A_1739], %add3A_1734 {strides = array<i32>} : memref<480xf32, #tpu.memory_space<vmem>>, vector<16xf32>,
    %get3A_1741 = arith.constant 80 : index
    %get3A_1742 = tpu.vector_load %arg8[%get3A_1741] {strides = array<i32>} : memref<2560xf32, #tpu.memory_space<vmem>>, vector<16xf32>,
    %add3A_1743 = arith.addf %broadcast_in_dim3A_14, %get3A_1742 : vector<16xf32>
    %get3A_1744 = arith.constant 80 : index
    %get3A_1745 = tpu.vector_load %arg9[%get3A_1744] {strides = array<i32>} : memref<2560xf32, #tpu.memory_space<vmem>>, vector<16xf32>,
    %add3A_1746 = arith.addf %broadcast_in_dim3A_14, %get3A_1745 : vector<16xf32>
    %get3A_1747 = arith.constant 80 : index
    %get3A_1748 = tpu.vector_load %arg10[%get3A_1747] {strides = array<i32>} : memref<2560xf32, #tpu.memory_space<vmem>>, vector<16xf32>,
    %add3A_1749 = arith.addf %broadcast_in_dim3A_14, %get3A_1748 : vector<16xf32>
    %get3A_1750 = arith.constant 240 : index
    %get3A_1751 = tpu.vector_load %arg8[%get3A_1750] {strides = array<i32>} : memref<2560xf32, #tpu.memory_space<vmem>>, vector<16xf32>,
    %add3A_1752 = arith.addf %add3A_1743, %get3A_1751 : vector<16xf32>
    %get3A_1753 = arith.constant 240 : index
    %get3A_1754 = tpu.vector_load %arg9[%get3A_1753] {strides = array<i32>} : memref<2560xf32, #tpu.memory_space<vmem>>, vector<16xf32>,
    %add3A_1755 = arith.addf %add3A_1746, %get3A_1754 : vector<16xf32>
    %get3A_1756 = arith.constant 240 : index
    %get3A_1757 = tpu.vector_load %arg10[%get3A_1756] {strides = array<i32>} : memref<2560xf32, #tpu.memory_space<vmem>>, vector<16xf32>,
    %add3A_1758 = arith.addf %add3A_1749, %get3A_1757 : vector<16xf32>
    %get3A_1759 = arith.constant 400 : index
    %get3A_1760 = tpu.vector_load %arg8[%get3A_1759] {strides = array<i32>} : memref<2560xf32, #tpu.memory_space<vmem>>, vector<16xf32>,
    %add3A_1761 = arith.addf %add3A_1752, %get3A_1760 : vector<16xf32>
    %get3A_1762 = arith.constant 400 : index
    %get3A_1763 = tpu.vector_load %arg9[%get3A_1762] {strides = array<i32>} : memref<2560xf32, #tpu.memory_space<vmem>>, vector<16xf32>,
    %add3A_1764 = arith.addf %add3A_1755, %get3A_1763 : vector<16xf32>
    %get3A_1765 = arith.constant 400 : index
    %get3A_1766 = tpu.vector_load %arg10[%get3A_1765] {strides = array<i32>} : memref<2560xf32, #tpu.memory_space<vmem>>, vector<16xf32>,
    %add3A_1767 = arith.addf %add3A_1758, %get3A_1766 : vector<16xf32>
    %get3A_1768 = arith.constant 560 : index
    %get3A_1769 = tpu.vector_load %arg8[%get3A_1768] {strides = array<i32>} : memref<2560xf32, #tpu.memory_space<vmem>>, vector<16xf32>,
    %add3A_1770 = arith.addf %add3A_1761, %get3A_1769 : vector<16xf32>
    %get3A_1771 = arith.constant 560 : index
    %get3A_1772 = tpu.vector_load %arg9[%get3A_1771] {strides = array<i32>} : memref<2560xf32, #tpu.memory_space<vmem>>, vector<16xf32>,
    %add3A_1773 = arith.addf %add3A_1764, %get3A_1772 : vector<16xf32>
    %get3A_1774 = arith.constant 560 : index
    %get3A_1775 = tpu.vector_load %arg10[%get3A_1774] {strides = array<i32>} : memref<2560xf32, #tpu.memory_space<vmem>>, vector<16xf32>,
    %add3A_1776 = arith.addf %add3A_1767, %get3A_1775 : vector<16xf32>
    %get3A_1777 = arith.constant 720 : index
    %get3A_1778 = tpu.vector_load %arg8[%get3A_1777] {strides = array<i32>} : memref<2560xf32, #tpu.memory_space<vmem>>, vector<16xf32>,
    %add3A_1779 = arith.addf %add3A_1770, %get3A_1778 : vector<16xf32>
    %get3A_1780 = arith.constant 720 : index
    %get3A_1781 = tpu.vector_load %arg9[%get3A_1780] {strides = array<i32>} : memref<2560xf32, #tpu.memory_space<vmem>>, vector<16xf32>,
    %add3A_1782 = arith.addf %add3A_1773, %get3A_1781 : vector<16xf32>
    %get3A_1783 = arith.constant 720 : index
    %get3A_1784 = tpu.vector_load %arg10[%get3A_1783] {strides = array<i32>} : memref<2560xf32, #tpu.memory_space<vmem>>, vector<16xf32>,
    %add3A_1785 = arith.addf %add3A_1776, %get3A_1784 : vector<16xf32>
    %get3A_1786 = arith.constant 880 : index
    %get3A_1787 = tpu.vector_load %arg8[%get3A_1786] {strides = array<i32>} : memref<2560xf32, #tpu.memory_space<vmem>>, vector<16xf32>,
    %add3A_1788 = arith.addf %add3A_1779, %get3A_1787 : vector<16xf32>
    %get3A_1789 = arith.constant 880 : index
    %get3A_1790 = tpu.vector_load %arg9[%get3A_1789] {strides = array<i32>} : memref<2560xf32, #tpu.memory_space<vmem>>, vector<16xf32>,
    %add3A_1791 = arith.addf %add3A_1782, %get3A_1790 : vector<16xf32>
    %get3A_1792 = arith.constant 880 : index
    %get3A_1793 = tpu.vector_load %arg10[%get3A_1792] {strides = array<i32>} : memref<2560xf32, #tpu.memory_space<vmem>>, vector<16xf32>,
    %add3A_1794 = arith.addf %add3A_1785, %get3A_1793 : vector<16xf32>
    %get3A_1795 = arith.constant 1040 : index
    %get3A_1796 = tpu.vector_load %arg8[%get3A_1795] {strides = array<i32>} : memref<2560xf32, #tpu.memory_space<vmem>>, vector<16xf32>,
    %add3A_1797 = arith.addf %add3A_1788, %get3A_1796 : vector<16xf32>
    %get3A_1798 = arith.constant 1040 : index
    %get3A_1799 = tpu.vector_load %arg9[%get3A_1798] {strides = array<i32>} : memref<2560xf32, #tpu.memory_space<vmem>>, vector<16xf32>,
    %add3A_1800 = arith.addf %add3A_1791, %get3A_1799 : vector<16xf32>
    %get3A_1801 = arith.constant 1040 : index
    %get3A_1802 = tpu.vector_load %arg10[%get3A_1801] {strides = array<i32>} : memref<2560xf32, #tpu.memory_space<vmem>>, vector<16xf32>,
    %add3A_1803 = arith.addf %add3A_1794, %get3A_1802 : vector<16xf32>
    %get3A_1804 = arith.constant 1200 : index
    %get3A_1805 = tpu.vector_load %arg8[%get3A_1804] {strides = array<i32>} : memref<2560xf32, #tpu.memory_space<vmem>>, vector<16xf32>,
    %add3A_1806 = arith.addf %add3A_1797, %get3A_1805 : vector<16xf32>
    %get3A_1807 = arith.constant 1200 : index
    %get3A_1808 = tpu.vector_load %arg9[%get3A_1807] {strides = array<i32>} : memref<2560xf32, #tpu.memory_space<vmem>>, vector<16xf32>,
    %add3A_1809 = arith.addf %add3A_1800, %get3A_1808 : vector<16xf32>
    %get3A_1810 = arith.constant 1200 : index
    %get3A_1811 = tpu.vector_load %arg10[%get3A_1810] {strides = array<i32>} : memref<2560xf32, #tpu.memory_space<vmem>>, vector<16xf32>,
    %add3A_1812 = arith.addf %add3A_1803, %get3A_1811 : vector<16xf32>
    %get3A_1813 = arith.constant 1360 : index
    %get3A_1814 = tpu.vector_load %arg8[%get3A_1813] {strides = array<i32>} : memref<2560xf32, #tpu.memory_space<vmem>>, vector<16xf32>,
    %add3A_1815 = arith.addf %add3A_1806, %get3A_1814 : vector<16xf32>
    %get3A_1816 = arith.constant 1360 : index
    %get3A_1817 = tpu.vector_load %arg9[%get3A_1816] {strides = array<i32>} : memref<2560xf32, #tpu.memory_space<vmem>>, vector<16xf32>,
    %add3A_1818 = arith.addf %add3A_1809, %get3A_1817 : vector<16xf32>
    %get3A_1819 = arith.constant 1360 : index
    %get3A_1820 = tpu.vector_load %arg10[%get3A_1819] {strides = array<i32>} : memref<2560xf32, #tpu.memory_space<vmem>>, vector<16xf32>,
    %add3A_1821 = arith.addf %add3A_1812, %get3A_1820 : vector<16xf32>
    %get3A_1822 = arith.constant 1520 : index
    %get3A_1823 = tpu.vector_load %arg8[%get3A_1822] {strides = array<i32>} : memref<2560xf32, #tpu.memory_space<vmem>>, vector<16xf32>,
    %add3A_1824 = arith.addf %add3A_1815, %get3A_1823 : vector<16xf32>
    %get3A_1825 = arith.constant 1520 : index
    %get3A_1826 = tpu.vector_load %arg9[%get3A_1825] {strides = array<i32>} : memref<2560xf32, #tpu.memory_space<vmem>>, vector<16xf32>,
    %add3A_1827 = arith.addf %add3A_1818, %get3A_1826 : vector<16xf32>
    %get3A_1828 = arith.constant 1520 : index
    %get3A_1829 = tpu.vector_load %arg10[%get3A_1828] {strides = array<i32>} : memref<2560xf32, #tpu.memory_space<vmem>>, vector<16xf32>,
    %add3A_1830 = arith.addf %add3A_1821, %get3A_1829 : vector<16xf32>
    %get3A_1831 = arith.constant 1680 : index
    %get3A_1832 = tpu.vector_load %arg8[%get3A_1831] {strides = array<i32>} : memref<2560xf32, #tpu.memory_space<vmem>>, vector<16xf32>,
    %add3A_1833 = arith.addf %add3A_1824, %get3A_1832 : vector<16xf32>
    %get3A_1834 = arith.constant 1680 : index
    %get3A_1835 = tpu.vector_load %arg9[%get3A_1834] {strides = array<i32>} : memref<2560xf32, #tpu.memory_space<vmem>>, vector<16xf32>,
    %add3A_1836 = arith.addf %add3A_1827, %get3A_1835 : vector<16xf32>
    %get3A_1837 = arith.constant 1680 : index
    %get3A_1838 = tpu.vector_load %arg10[%get3A_1837] {strides = array<i32>} : memref<2560xf32, #tpu.memory_space<vmem>>, vector<16xf32>,
    %add3A_1839 = arith.addf %add3A_1830, %get3A_1838 : vector<16xf32>
    %get3A_1840 = arith.constant 1840 : index
    %get3A_1841 = tpu.vector_load %arg8[%get3A_1840] {strides = array<i32>} : memref<2560xf32, #tpu.memory_space<vmem>>, vector<16xf32>,
    %add3A_1842 = arith.addf %add3A_1833, %get3A_1841 : vector<16xf32>
    %get3A_1843 = arith.constant 1840 : index
    %get3A_1844 = tpu.vector_load %arg9[%get3A_1843] {strides = array<i32>} : memref<2560xf32, #tpu.memory_space<vmem>>, vector<16xf32>,
    %add3A_1845 = arith.addf %add3A_1836, %get3A_1844 : vector<16xf32>
    %get3A_1846 = arith.constant 1840 : index
    %get3A_1847 = tpu.vector_load %arg10[%get3A_1846] {strides = array<i32>} : memref<2560xf32, #tpu.memory_space<vmem>>, vector<16xf32>,
    %add3A_1848 = arith.addf %add3A_1839, %get3A_1847 : vector<16xf32>
    %get3A_1849 = arith.constant 2000 : index
    %get3A_1850 = tpu.vector_load %arg8[%get3A_1849] {strides = array<i32>} : memref<2560xf32, #tpu.memory_space<vmem>>, vector<16xf32>,
    %add3A_1851 = arith.addf %add3A_1842, %get3A_1850 : vector<16xf32>
    %get3A_1852 = arith.constant 2000 : index
    %get3A_1853 = tpu.vector_load %arg9[%get3A_1852] {strides = array<i32>} : memref<2560xf32, #tpu.memory_space<vmem>>, vector<16xf32>,
    %add3A_1854 = arith.addf %add3A_1845, %get3A_1853 : vector<16xf32>
    %get3A_1855 = arith.constant 2000 : index
    %get3A_1856 = tpu.vector_load %arg10[%get3A_1855] {strides = array<i32>} : memref<2560xf32, #tpu.memory_space<vmem>>, vector<16xf32>,
    %add3A_1857 = arith.addf %add3A_1848, %get3A_1856 : vector<16xf32>
    %get3A_1858 = arith.constant 2160 : index
    %get3A_1859 = tpu.vector_load %arg8[%get3A_1858] {strides = array<i32>} : memref<2560xf32, #tpu.memory_space<vmem>>, vector<16xf32>,
    %add3A_1860 = arith.addf %add3A_1851, %get3A_1859 : vector<16xf32>
    %get3A_1861 = arith.constant 2160 : index
    %get3A_1862 = tpu.vector_load %arg9[%get3A_1861] {strides = array<i32>} : memref<2560xf32, #tpu.memory_space<vmem>>, vector<16xf32>,
    %add3A_1863 = arith.addf %add3A_1854, %get3A_1862 : vector<16xf32>
    %get3A_1864 = arith.constant 2160 : index
    %get3A_1865 = tpu.vector_load %arg10[%get3A_1864] {strides = array<i32>} : memref<2560xf32, #tpu.memory_space<vmem>>, vector<16xf32>,
    %add3A_1866 = arith.addf %add3A_1857, %get3A_1865 : vector<16xf32>
    %get3A_1867 = arith.constant 2320 : index
    %get3A_1868 = tpu.vector_load %arg8[%get3A_1867] {strides = array<i32>} : memref<2560xf32, #tpu.memory_space<vmem>>, vector<16xf32>,
    %add3A_1869 = arith.addf %add3A_1860, %get3A_1868 : vector<16xf32>
    %get3A_1870 = arith.constant 2320 : index
    %get3A_1871 = tpu.vector_load %arg9[%get3A_1870] {strides = array<i32>} : memref<2560xf32, #tpu.memory_space<vmem>>, vector<16xf32>,
    %add3A_1872 = arith.addf %add3A_1863, %get3A_1871 : vector<16xf32>
    %get3A_1873 = arith.constant 2320 : index
    %get3A_1874 = tpu.vector_load %arg10[%get3A_1873] {strides = array<i32>} : memref<2560xf32, #tpu.memory_space<vmem>>, vector<16xf32>,
    %add3A_1875 = arith.addf %add3A_1866, %get3A_1874 : vector<16xf32>
    %get3A_1876 = arith.constant 2480 : index
    %get3A_1877 = tpu.vector_load %arg8[%get3A_1876] {strides = array<i32>} : memref<2560xf32, #tpu.memory_space<vmem>>, vector<16xf32>,
    %add3A_1878 = arith.addf %add3A_1869, %get3A_1877 : vector<16xf32>
    %get3A_1879 = arith.constant 2480 : index
    %get3A_1880 = tpu.vector_load %arg9[%get3A_1879] {strides = array<i32>} : memref<2560xf32, #tpu.memory_space<vmem>>, vector<16xf32>,
    %add3A_1881 = arith.addf %add3A_1872, %get3A_1880 : vector<16xf32>
    %get3A_1882 = arith.constant 2480 : index
    %get3A_1883 = tpu.vector_load %arg10[%get3A_1882] {strides = array<i32>} : memref<2560xf32, #tpu.memory_space<vmem>>, vector<16xf32>,
    %add3A_1884 = arith.addf %add3A_1875, %get3A_1883 : vector<16xf32>
    %swap3A_1885 = arith.constant 80 : index
    %swap3A_1886 = tpu.vector_load %arg11[%swap3A_1885] {strides = array<i32>} : memref<480xf32, #tpu.memory_space<vmem>>, vector<16xf32>,
    tpu.vector_store %arg11[%swap3A_1885], %add3A_1878 {strides = array<i32>} : memref<480xf32, #tpu.memory_space<vmem>>, vector<16xf32>,
    %swap3A_1887 = arith.constant 240 : index
    %swap3A_1888 = tpu.vector_load %arg11[%swap3A_1887] {strides = array<i32>} : memref<480xf32, #tpu.memory_space<vmem>>, vector<16xf32>,
    tpu.vector_store %arg11[%swap3A_1887], %add3A_1881 {strides = array<i32>} : memref<480xf32, #tpu.memory_space<vmem>>, vector<16xf32>,
    %swap3A_1889 = arith.constant 400 : index
    %swap3A_1890 = tpu.vector_load %arg11[%swap3A_1889] {strides = array<i32>} : memref<480xf32, #tpu.memory_space<vmem>>, vector<16xf32>,
    tpu.vector_store %arg11[%swap3A_1889], %add3A_1884 {strides = array<i32>} : memref<480xf32, #tpu.memory_space<vmem>>, vector<16xf32>,
    %get3A_1891 = arith.constant 96 : index
    %get3A_1892 = tpu.vector_load %arg8[%get3A_1891] {strides = array<i32>} : memref<2560xf32, #tpu.memory_space<vmem>>, vector<16xf32>,
    %add3A_1893 = arith.addf %broadcast_in_dim3A_14, %get3A_1892 : vector<16xf32>
    %get3A_1894 = arith.constant 96 : index
    %get3A_1895 = tpu.vector_load %arg9[%get3A_1894] {strides = array<i32>} : memref<2560xf32, #tpu.memory_space<vmem>>, vector<16xf32>,
    %add3A_1896 = arith.addf %broadcast_in_dim3A_14, %get3A_1895 : vector<16xf32>
    %get3A_1897 = arith.constant 96 : index
    %get3A_1898 = tpu.vector_load %arg10[%get3A_1897] {strides = array<i32>} : memref<2560xf32, #tpu.memory_space<vmem>>, vector<16xf32>,
    %add3A_1899 = arith.addf %broadcast_in_dim3A_14, %get3A_1898 : vector<16xf32>
    %get3A_1900 = arith.constant 256 : index
    %get3A_1901 = tpu.vector_load %arg8[%get3A_1900] {strides = array<i32>} : memref<2560xf32, #tpu.memory_space<vmem>>, vector<16xf32>,
    %add3A_1902 = arith.addf %add3A_1893, %get3A_1901 : vector<16xf32>
    %get3A_1903 = arith.constant 256 : index
    %get3A_1904 = tpu.vector_load %arg9[%get3A_1903] {strides = array<i32>} : memref<2560xf32, #tpu.memory_space<vmem>>, vector<16xf32>,
    %add3A_1905 = arith.addf %add3A_1896, %get3A_1904 : vector<16xf32>
    %get3A_1906 = arith.constant 256 : index
    %get3A_1907 = tpu.vector_load %arg10[%get3A_1906] {strides = array<i32>} : memref<2560xf32, #tpu.memory_space<vmem>>, vector<16xf32>,
    %add3A_1908 = arith.addf %add3A_1899, %get3A_1907 : vector<16xf32>
    %get3A_1909 = arith.constant 416 : index
    %get3A_1910 = tpu.vector_load %arg8[%get3A_1909] {strides = array<i32>} : memref<2560xf32, #tpu.memory_space<vmem>>, vector<16xf32>,
    %add3A_1911 = arith.addf %add3A_1902, %get3A_1910 : vector<16xf32>
    %get3A_1912 = arith.constant 416 : index
    %get3A_1913 = tpu.vector_load %arg9[%get3A_1912] {strides = array<i32>} : memref<2560xf32, #tpu.memory_space<vmem>>, vector<16xf32>,
    %add3A_1914 = arith.addf %add3A_1905, %get3A_1913 : vector<16xf32>
    %get3A_1915 = arith.constant 416 : index
    %get3A_1916 = tpu.vector_load %arg10[%get3A_1915] {strides = array<i32>} : memref<2560xf32, #tpu.memory_space<vmem>>, vector<16xf32>,
    %add3A_1917 = arith.addf %add3A_1908, %get3A_1916 : vector<16xf32>
    %get3A_1918 = arith.constant 576 : index
    %get3A_1919 = tpu.vector_load %arg8[%get3A_1918] {strides = array<i32>} : memref<2560xf32, #tpu.memory_space<vmem>>, vector<16xf32>,
    %add3A_1920 = arith.addf %add3A_1911, %get3A_1919 : vector<16xf32>
    %get3A_1921 = arith.constant 576 : index
    %get3A_1922 = tpu.vector_load %arg9[%get3A_1921] {strides = array<i32>} : memref<2560xf32, #tpu.memory_space<vmem>>, vector<16xf32>,
    %add3A_1923 = arith.addf %add3A_1914, %get3A_1922 : vector<16xf32>
    %get3A_1924 = arith.constant 576 : index
    %get3A_1925 = tpu.vector_load %arg10[%get3A_1924] {strides = array<i32>} : memref<2560xf32, #tpu.memory_space<vmem>>, vector<16xf32>,
    %add3A_1926 = arith.addf %add3A_1917, %get3A_1925 : vector<16xf32>
    %get3A_1927 = arith.constant 736 : index
    %get3A_1928 = tpu.vector_load %arg8[%get3A_1927] {strides = array<i32>} : memref<2560xf32, #tpu.memory_space<vmem>>, vector<16xf32>,
    %add3A_1929 = arith.addf %add3A_1920, %get3A_1928 : vector<16xf32>
    %get3A_1930 = arith.constant 736 : index
    %get3A_1931 = tpu.vector_load %arg9[%get3A_1930] {strides = array<i32>} : memref<2560xf32, #tpu.memory_space<vmem>>, vector<16xf32>,
    %add3A_1932 = arith.addf %add3A_1923, %get3A_1931 : vector<16xf32>
    %get3A_1933 = arith.constant 736 : index
    %get3A_1934 = tpu.vector_load %arg10[%get3A_1933] {strides = array<i32>} : memref<2560xf32, #tpu.memory_space<vmem>>, vector<16xf32>,
    %add3A_1935 = arith.addf %add3A_1926, %get3A_1934 : vector<16xf32>
    %get3A_1936 = arith.constant 896 : index
    %get3A_1937 = tpu.vector_load %arg8[%get3A_1936] {strides = array<i32>} : memref<2560xf32, #tpu.memory_space<vmem>>, vector<16xf32>,
    %add3A_1938 = arith.addf %add3A_1929, %get3A_1937 : vector<16xf32>
    %get3A_1939 = arith.constant 896 : index
    %get3A_1940 = tpu.vector_load %arg9[%get3A_1939] {strides = array<i32>} : memref<2560xf32, #tpu.memory_space<vmem>>, vector<16xf32>,
    %add3A_1941 = arith.addf %add3A_1932, %get3A_1940 : vector<16xf32>
    %get3A_1942 = arith.constant 896 : index
    %get3A_1943 = tpu.vector_load %arg10[%get3A_1942] {strides = array<i32>} : memref<2560xf32, #tpu.memory_space<vmem>>, vector<16xf32>,
    %add3A_1944 = arith.addf %add3A_1935, %get3A_1943 : vector<16xf32>
    %get3A_1945 = arith.constant 1056 : index
    %get3A_1946 = tpu.vector_load %arg8[%get3A_1945] {strides = array<i32>} : memref<2560xf32, #tpu.memory_space<vmem>>, vector<16xf32>,
    %add3A_1947 = arith.addf %add3A_1938, %get3A_1946 : vector<16xf32>
    %get3A_1948 = arith.constant 1056 : index
    %get3A_1949 = tpu.vector_load %arg9[%get3A_1948] {strides = array<i32>} : memref<2560xf32, #tpu.memory_space<vmem>>, vector<16xf32>,
    %add3A_1950 = arith.addf %add3A_1941, %get3A_1949 : vector<16xf32>
    %get3A_1951 = arith.constant 1056 : index
    %get3A_1952 = tpu.vector_load %arg10[%get3A_1951] {strides = array<i32>} : memref<2560xf32, #tpu.memory_space<vmem>>, vector<16xf32>,
    %add3A_1953 = arith.addf %add3A_1944, %get3A_1952 : vector<16xf32>
    %get3A_1954 = arith.constant 1216 : index
    %get3A_1955 = tpu.vector_load %arg8[%get3A_1954] {strides = array<i32>} : memref<2560xf32, #tpu.memory_space<vmem>>, vector<16xf32>,
    %add3A_1956 = arith.addf %add3A_1947, %get3A_1955 : vector<16xf32>
    %get3A_1957 = arith.constant 1216 : index
    %get3A_1958 = tpu.vector_load %arg9[%get3A_1957] {strides = array<i32>} : memref<2560xf32, #tpu.memory_space<vmem>>, vector<16xf32>,
    %add3A_1959 = arith.addf %add3A_1950, %get3A_1958 : vector<16xf32>
    %get3A_1960 = arith.constant 1216 : index
    %get3A_1961 = tpu.vector_load %arg10[%get3A_1960] {strides = array<i32>} : memref<2560xf32, #tpu.memory_space<vmem>>, vector<16xf32>,
    %add3A_1962 = arith.addf %add3A_1953, %get3A_1961 : vector<16xf32>
    %get3A_1963 = arith.constant 1376 : index
    %get3A_1964 = tpu.vector_load %arg8[%get3A_1963] {strides = array<i32>} : memref<2560xf32, #tpu.memory_space<vmem>>, vector<16xf32>,
    %add3A_1965 = arith.addf %add3A_1956, %get3A_1964 : vector<16xf32>
    %get3A_1966 = arith.constant 1376 : index
    %get3A_1967 = tpu.vector_load %arg9[%get3A_1966] {strides = array<i32>} : memref<2560xf32, #tpu.memory_space<vmem>>, vector<16xf32>,
    %add3A_1968 = arith.addf %add3A_1959, %get3A_1967 : vector<16xf32>
    %get3A_1969 = arith.constant 1376 : index
    %get3A_1970 = tpu.vector_load %arg10[%get3A_1969] {strides = array<i32>} : memref<2560xf32, #tpu.memory_space<vmem>>, vector<16xf32>,
    %add3A_1971 = arith.addf %add3A_1962, %get3A_1970 : vector<16xf32>
    %get3A_1972 = arith.constant 1536 : index
    %get3A_1973 = tpu.vector_load %arg8[%get3A_1972] {strides = array<i32>} : memref<2560xf32, #tpu.memory_space<vmem>>, vector<16xf32>,
    %add3A_1974 = arith.addf %add3A_1965, %get3A_1973 : vector<16xf32>
    %get3A_1975 = arith.constant 1536 : index
    %get3A_1976 = tpu.vector_load %arg9[%get3A_1975] {strides = array<i32>} : memref<2560xf32, #tpu.memory_space<vmem>>, vector<16xf32>,
    %add3A_1977 = arith.addf %add3A_1968, %get3A_1976 : vector<16xf32>
    %get3A_1978 = arith.constant 1536 : index
    %get3A_1979 = tpu.vector_load %arg10[%get3A_1978] {strides = array<i32>} : memref<2560xf32, #tpu.memory_space<vmem>>, vector<16xf32>,
    %add3A_1980 = arith.addf %add3A_1971, %get3A_1979 : vector<16xf32>
    %get3A_1981 = arith.constant 1696 : index
    %get3A_1982 = tpu.vector_load %arg8[%get3A_1981] {strides = array<i32>} : memref<2560xf32, #tpu.memory_space<vmem>>, vector<16xf32>,
    %add3A_1983 = arith.addf %add3A_1974, %get3A_1982 : vector<16xf32>
    %get3A_1984 = arith.constant 1696 : index
    %get3A_1985 = tpu.vector_load %arg9[%get3A_1984] {strides = array<i32>} : memref<2560xf32, #tpu.memory_space<vmem>>, vector<16xf32>,
    %add3A_1986 = arith.addf %add3A_1977, %get3A_1985 : vector<16xf32>
    %get3A_1987 = arith.constant 1696 : index
    %get3A_1988 = tpu.vector_load %arg10[%get3A_1987] {strides = array<i32>} : memref<2560xf32, #tpu.memory_space<vmem>>, vector<16xf32>,
    %add3A_1989 = arith.addf %add3A_1980, %get3A_1988 : vector<16xf32>
    %get3A_1990 = arith.constant 1856 : index
    %get3A_1991 = tpu.vector_load %arg8[%get3A_1990] {strides = array<i32>} : memref<2560xf32, #tpu.memory_space<vmem>>, vector<16xf32>,
    %add3A_1992 = arith.addf %add3A_1983, %get3A_1991 : vector<16xf32>
    %get3A_1993 = arith.constant 1856 : index
    %get3A_1994 = tpu.vector_load %arg9[%get3A_1993] {strides = array<i32>} : memref<2560xf32, #tpu.memory_space<vmem>>, vector<16xf32>,
    %add3A_1995 = arith.addf %add3A_1986, %get3A_1994 : vector<16xf32>
    %get3A_1996 = arith.constant 1856 : index
    %get3A_1997 = tpu.vector_load %arg10[%get3A_1996] {strides = array<i32>} : memref<2560xf32, #tpu.memory_space<vmem>>, vector<16xf32>,
    %add3A_1998 = arith.addf %add3A_1989, %get3A_1997 : vector<16xf32>
    %get3A_1999 = arith.constant 2016 : index
    %get3A_2000 = tpu.vector_load %arg8[%get3A_1999] {strides = array<i32>} : memref<2560xf32, #tpu.memory_space<vmem>>, vector<16xf32>,
    %add3A_2001 = arith.addf %add3A_1992, %get3A_2000 : vector<16xf32>
    %get3A_2002 = arith.constant 2016 : index
    %get3A_2003 = tpu.vector_load %arg9[%get3A_2002] {strides = array<i32>} : memref<2560xf32, #tpu.memory_space<vmem>>, vector<16xf32>,
    %add3A_2004 = arith.addf %add3A_1995, %get3A_2003 : vector<16xf32>
    %get3A_2005 = arith.constant 2016 : index
    %get3A_2006 = tpu.vector_load %arg10[%get3A_2005] {strides = array<i32>} : memref<2560xf32, #tpu.memory_space<vmem>>, vector<16xf32>,
    %add3A_2007 = arith.addf %add3A_1998, %get3A_2006 : vector<16xf32>
    %get3A_2008 = arith.constant 2176 : index
    %get3A_2009 = tpu.vector_load %arg8[%get3A_2008] {strides = array<i32>} : memref<2560xf32, #tpu.memory_space<vmem>>, vector<16xf32>,
    %add3A_2010 = arith.addf %add3A_2001, %get3A_2009 : vector<16xf32>
    %get3A_2011 = arith.constant 2176 : index
    %get3A_2012 = tpu.vector_load %arg9[%get3A_2011] {strides = array<i32>} : memref<2560xf32, #tpu.memory_space<vmem>>, vector<16xf32>,
    %add3A_2013 = arith.addf %add3A_2004, %get3A_2012 : vector<16xf32>
    %get3A_2014 = arith.constant 2176 : index
    %get3A_2015 = tpu.vector_load %arg10[%get3A_2014] {strides = array<i32>} : memref<2560xf32, #tpu.memory_space<vmem>>, vector<16xf32>,
    %add3A_2016 = arith.addf %add3A_2007, %get3A_2015 : vector<16xf32>
    %get3A_2017 = arith.constant 2336 : index
    %get3A_2018 = tpu.vector_load %arg8[%get3A_2017] {strides = array<i32>} : memref<2560xf32, #tpu.memory_space<vmem>>, vector<16xf32>,
    %add3A_2019 = arith.addf %add3A_2010, %get3A_2018 : vector<16xf32>
    %get3A_2020 = arith.constant 2336 : index
    %get3A_2021 = tpu.vector_load %arg9[%get3A_2020] {strides = array<i32>} : memref<2560xf32, #tpu.memory_space<vmem>>, vector<16xf32>,
    %add3A_2022 = arith.addf %add3A_2013, %get3A_2021 : vector<16xf32>
    %get3A_2023 = arith.constant 2336 : index
    %get3A_2024 = tpu.vector_load %arg10[%get3A_2023] {strides = array<i32>} : memref<2560xf32, #tpu.memory_space<vmem>>, vector<16xf32>,
    %add3A_2025 = arith.addf %add3A_2016, %get3A_2024 : vector<16xf32>
    %get3A_2026 = arith.constant 2496 : index
    %get3A_2027 = tpu.vector_load %arg8[%get3A_2026] {strides = array<i32>} : memref<2560xf32, #tpu.memory_space<vmem>>, vector<16xf32>,
    %add3A_2028 = arith.addf %add3A_2019, %get3A_2027 : vector<16xf32>
    %get3A_2029 = arith.constant 2496 : index
    %get3A_2030 = tpu.vector_load %arg9[%get3A_2029] {strides = array<i32>} : memref<2560xf32, #tpu.memory_space<vmem>>, vector<16xf32>,
    %add3A_2031 = arith.addf %add3A_2022, %get3A_2030 : vector<16xf32>
    %get3A_2032 = arith.constant 2496 : index
    %get3A_2033 = tpu.vector_load %arg10[%get3A_2032] {strides = array<i32>} : memref<2560xf32, #tpu.memory_space<vmem>>, vector<16xf32>,
    %add3A_2034 = arith.addf %add3A_2025, %get3A_2033 : vector<16xf32>
    %swap3A_2035 = arith.constant 96 : index
    %swap3A_2036 = tpu.vector_load %arg11[%swap3A_2035] {strides = array<i32>} : memref<480xf32, #tpu.memory_space<vmem>>, vector<16xf32>,
    tpu.vector_store %arg11[%swap3A_2035], %add3A_2028 {strides = array<i32>} : memref<480xf32, #tpu.memory_space<vmem>>, vector<16xf32>,
    %swap3A_2037 = arith.constant 256 : index
    %swap3A_2038 = tpu.vector_load %arg11[%swap3A_2037] {strides = array<i32>} : memref<480xf32, #tpu.memory_space<vmem>>, vector<16xf32>,
    tpu.vector_store %arg11[%swap3A_2037], %add3A_2031 {strides = array<i32>} : memref<480xf32, #tpu.memory_space<vmem>>, vector<16xf32>,
    %swap3A_2039 = arith.constant 416 : index
    %swap3A_2040 = tpu.vector_load %arg11[%swap3A_2039] {strides = array<i32>} : memref<480xf32, #tpu.memory_space<vmem>>, vector<16xf32>,
    tpu.vector_store %arg11[%swap3A_2039], %add3A_2034 {strides = array<i32>} : memref<480xf32, #tpu.memory_space<vmem>>, vector<16xf32>,
    %get3A_2041 = arith.constant 112 : index
    %get3A_2042 = tpu.vector_load %arg8[%get3A_2041] {strides = array<i32>} : memref<2560xf32, #tpu.memory_space<vmem>>, vector<16xf32>,
    %add3A_2043 = arith.addf %broadcast_in_dim3A_14, %get3A_2042 : vector<16xf32>
    %get3A_2044 = arith.constant 112 : index
    %get3A_2045 = tpu.vector_load %arg9[%get3A_2044] {strides = array<i32>} : memref<2560xf32, #tpu.memory_space<vmem>>, vector<16xf32>,
    %add3A_2046 = arith.addf %broadcast_in_dim3A_14, %get3A_2045 : vector<16xf32>
    %get3A_2047 = arith.constant 112 : index
    %get3A_2048 = tpu.vector_load %arg10[%get3A_2047] {strides = array<i32>} : memref<2560xf32, #tpu.memory_space<vmem>>, vector<16xf32>,
    %add3A_2049 = arith.addf %broadcast_in_dim3A_14, %get3A_2048 : vector<16xf32>
    %get3A_2050 = arith.constant 272 : index
    %get3A_2051 = tpu.vector_load %arg8[%get3A_2050] {strides = array<i32>} : memref<2560xf32, #tpu.memory_space<vmem>>, vector<16xf32>,
    %add3A_2052 = arith.addf %add3A_2043, %get3A_2051 : vector<16xf32>
    %get3A_2053 = arith.constant 272 : index
    %get3A_2054 = tpu.vector_load %arg9[%get3A_2053] {strides = array<i32>} : memref<2560xf32, #tpu.memory_space<vmem>>, vector<16xf32>,
    %add3A_2055 = arith.addf %add3A_2046, %get3A_2054 : vector<16xf32>
    %get3A_2056 = arith.constant 272 : index
    %get3A_2057 = tpu.vector_load %arg10[%get3A_2056] {strides = array<i32>} : memref<2560xf32, #tpu.memory_space<vmem>>, vector<16xf32>,
    %add3A_2058 = arith.addf %add3A_2049, %get3A_2057 : vector<16xf32>
    %get3A_2059 = arith.constant 432 : index
    %get3A_2060 = tpu.vector_load %arg8[%get3A_2059] {strides = array<i32>} : memref<2560xf32, #tpu.memory_space<vmem>>, vector<16xf32>,
    %add3A_2061 = arith.addf %add3A_2052, %get3A_2060 : vector<16xf32>
    %get3A_2062 = arith.constant 432 : index
    %get3A_2063 = tpu.vector_load %arg9[%get3A_2062] {strides = array<i32>} : memref<2560xf32, #tpu.memory_space<vmem>>, vector<16xf32>,
    %add3A_2064 = arith.addf %add3A_2055, %get3A_2063 : vector<16xf32>
    %get3A_2065 = arith.constant 432 : index
    %get3A_2066 = tpu.vector_load %arg10[%get3A_2065] {strides = array<i32>} : memref<2560xf32, #tpu.memory_space<vmem>>, vector<16xf32>,
    %add3A_2067 = arith.addf %add3A_2058, %get3A_2066 : vector<16xf32>
    %get3A_2068 = arith.constant 592 : index
    %get3A_2069 = tpu.vector_load %arg8[%get3A_2068] {strides = array<i32>} : memref<2560xf32, #tpu.memory_space<vmem>>, vector<16xf32>,
    %add3A_2070 = arith.addf %add3A_2061, %get3A_2069 : vector<16xf32>
    %get3A_2071 = arith.constant 592 : index
    %get3A_2072 = tpu.vector_load %arg9[%get3A_2071] {strides = array<i32>} : memref<2560xf32, #tpu.memory_space<vmem>>, vector<16xf32>,
    %add3A_2073 = arith.addf %add3A_2064, %get3A_2072 : vector<16xf32>
    %get3A_2074 = arith.constant 592 : index
    %get3A_2075 = tpu.vector_load %arg10[%get3A_2074] {strides = array<i32>} : memref<2560xf32, #tpu.memory_space<vmem>>, vector<16xf32>,
    %add3A_2076 = arith.addf %add3A_2067, %get3A_2075 : vector<16xf32>
    %get3A_2077 = arith.constant 752 : index
    %get3A_2078 = tpu.vector_load %arg8[%get3A_2077] {strides = array<i32>} : memref<2560xf32, #tpu.memory_space<vmem>>, vector<16xf32>,
    %add3A_2079 = arith.addf %add3A_2070, %get3A_2078 : vector<16xf32>
    %get3A_2080 = arith.constant 752 : index
    %get3A_2081 = tpu.vector_load %arg9[%get3A_2080] {strides = array<i32>} : memref<2560xf32, #tpu.memory_space<vmem>>, vector<16xf32>,
    %add3A_2082 = arith.addf %add3A_2073, %get3A_2081 : vector<16xf32>
    %get3A_2083 = arith.constant 752 : index
    %get3A_2084 = tpu.vector_load %arg10[%get3A_2083] {strides = array<i32>} : memref<2560xf32, #tpu.memory_space<vmem>>, vector<16xf32>,
    %add3A_2085 = arith.addf %add3A_2076, %get3A_2084 : vector<16xf32>
    %get3A_2086 = arith.constant 912 : index
    %get3A_2087 = tpu.vector_load %arg8[%get3A_2086] {strides = array<i32>} : memref<2560xf32, #tpu.memory_space<vmem>>, vector<16xf32>,
    %add3A_2088 = arith.addf %add3A_2079, %get3A_2087 : vector<16xf32>
    %get3A_2089 = arith.constant 912 : index
    %get3A_2090 = tpu.vector_load %arg9[%get3A_2089] {strides = array<i32>} : memref<2560xf32, #tpu.memory_space<vmem>>, vector<16xf32>,
    %add3A_2091 = arith.addf %add3A_2082, %get3A_2090 : vector<16xf32>
    %get3A_2092 = arith.constant 912 : index
    %get3A_2093 = tpu.vector_load %arg10[%get3A_2092] {strides = array<i32>} : memref<2560xf32, #tpu.memory_space<vmem>>, vector<16xf32>,
    %add3A_2094 = arith.addf %add3A_2085, %get3A_2093 : vector<16xf32>
    %get3A_2095 = arith.constant 1072 : index
    %get3A_2096 = tpu.vector_load %arg8[%get3A_2095] {strides = array<i32>} : memref<2560xf32, #tpu.memory_space<vmem>>, vector<16xf32>,
    %add3A_2097 = arith.addf %add3A_2088, %get3A_2096 : vector<16xf32>
    %get3A_2098 = arith.constant 1072 : index
    %get3A_2099 = tpu.vector_load %arg9[%get3A_2098] {strides = array<i32>} : memref<2560xf32, #tpu.memory_space<vmem>>, vector<16xf32>,
    %add3A_2100 = arith.addf %add3A_2091, %get3A_2099 : vector<16xf32>
    %get3A_2101 = arith.constant 1072 : index
    %get3A_2102 = tpu.vector_load %arg10[%get3A_2101] {strides = array<i32>} : memref<2560xf32, #tpu.memory_space<vmem>>, vector<16xf32>,
    %add3A_2103 = arith.addf %add3A_2094, %get3A_2102 : vector<16xf32>
    %get3A_2104 = arith.constant 1232 : index
    %get3A_2105 = tpu.vector_load %arg8[%get3A_2104] {strides = array<i32>} : memref<2560xf32, #tpu.memory_space<vmem>>, vector<16xf32>,
    %add3A_2106 = arith.addf %add3A_2097, %get3A_2105 : vector<16xf32>
    %get3A_2107 = arith.constant 1232 : index
    %get3A_2108 = tpu.vector_load %arg9[%get3A_2107] {strides = array<i32>} : memref<2560xf32, #tpu.memory_space<vmem>>, vector<16xf32>,
    %add3A_2109 = arith.addf %add3A_2100, %get3A_2108 : vector<16xf32>
    %get3A_2110 = arith.constant 1232 : index
    %get3A_2111 = tpu.vector_load %arg10[%get3A_2110] {strides = array<i32>} : memref<2560xf32, #tpu.memory_space<vmem>>, vector<16xf32>,
    %add3A_2112 = arith.addf %add3A_2103, %get3A_2111 : vector<16xf32>
    %get3A_2113 = arith.constant 1392 : index
    %get3A_2114 = tpu.vector_load %arg8[%get3A_2113] {strides = array<i32>} : memref<2560xf32, #tpu.memory_space<vmem>>, vector<16xf32>,
    %add3A_2115 = arith.addf %add3A_2106, %get3A_2114 : vector<16xf32>
    %get3A_2116 = arith.constant 1392 : index
    %get3A_2117 = tpu.vector_load %arg9[%get3A_2116] {strides = array<i32>} : memref<2560xf32, #tpu.memory_space<vmem>>, vector<16xf32>,
    %add3A_2118 = arith.addf %add3A_2109, %get3A_2117 : vector<16xf32>
    %get3A_2119 = arith.constant 1392 : index
    %get3A_2120 = tpu.vector_load %arg10[%get3A_2119] {strides = array<i32>} : memref<2560xf32, #tpu.memory_space<vmem>>, vector<16xf32>,
    %add3A_2121 = arith.addf %add3A_2112, %get3A_2120 : vector<16xf32>
    %get3A_2122 = arith.constant 1552 : index
    %get3A_2123 = tpu.vector_load %arg8[%get3A_2122] {strides = array<i32>} : memref<2560xf32, #tpu.memory_space<vmem>>, vector<16xf32>,
    %add3A_2124 = arith.addf %add3A_2115, %get3A_2123 : vector<16xf32>
    %get3A_2125 = arith.constant 1552 : index
    %get3A_2126 = tpu.vector_load %arg9[%get3A_2125] {strides = array<i32>} : memref<2560xf32, #tpu.memory_space<vmem>>, vector<16xf32>,
    %add3A_2127 = arith.addf %add3A_2118, %get3A_2126 : vector<16xf32>
    %get3A_2128 = arith.constant 1552 : index
    %get3A_2129 = tpu.vector_load %arg10[%get3A_2128] {strides = array<i32>} : memref<2560xf32, #tpu.memory_space<vmem>>, vector<16xf32>,
    %add3A_2130 = arith.addf %add3A_2121, %get3A_2129 : vector<16xf32>
    %get3A_2131 = arith.constant 1712 : index
    %get3A_2132 = tpu.vector_load %arg8[%get3A_2131] {strides = array<i32>} : memref<2560xf32, #tpu.memory_space<vmem>>, vector<16xf32>,
    %add3A_2133 = arith.addf %add3A_2124, %get3A_2132 : vector<16xf32>
    %get3A_2134 = arith.constant 1712 : index
    %get3A_2135 = tpu.vector_load %arg9[%get3A_2134] {strides = array<i32>} : memref<2560xf32, #tpu.memory_space<vmem>>, vector<16xf32>,
    %add3A_2136 = arith.addf %add3A_2127, %get3A_2135 : vector<16xf32>
    %get3A_2137 = arith.constant 1712 : index
    %get3A_2138 = tpu.vector_load %arg10[%get3A_2137] {strides = array<i32>} : memref<2560xf32, #tpu.memory_space<vmem>>, vector<16xf32>,
    %add3A_2139 = arith.addf %add3A_2130, %get3A_2138 : vector<16xf32>
    %get3A_2140 = arith.constant 1872 : index
    %get3A_2141 = tpu.vector_load %arg8[%get3A_2140] {strides = array<i32>} : memref<2560xf32, #tpu.memory_space<vmem>>, vector<16xf32>,
    %add3A_2142 = arith.addf %add3A_2133, %get3A_2141 : vector<16xf32>
    %get3A_2143 = arith.constant 1872 : index
    %get3A_2144 = tpu.vector_load %arg9[%get3A_2143] {strides = array<i32>} : memref<2560xf32, #tpu.memory_space<vmem>>, vector<16xf32>,
    %add3A_2145 = arith.addf %add3A_2136, %get3A_2144 : vector<16xf32>
    %get3A_2146 = arith.constant 1872 : index
    %get3A_2147 = tpu.vector_load %arg10[%get3A_2146] {strides = array<i32>} : memref<2560xf32, #tpu.memory_space<vmem>>, vector<16xf32>,
    %add3A_2148 = arith.addf %add3A_2139, %get3A_2147 : vector<16xf32>
    %get3A_2149 = arith.constant 2032 : index
    %get3A_2150 = tpu.vector_load %arg8[%get3A_2149] {strides = array<i32>} : memref<2560xf32, #tpu.memory_space<vmem>>, vector<16xf32>,
    %add3A_2151 = arith.addf %add3A_2142, %get3A_2150 : vector<16xf32>
    %get3A_2152 = arith.constant 2032 : index
    %get3A_2153 = tpu.vector_load %arg9[%get3A_2152] {strides = array<i32>} : memref<2560xf32, #tpu.memory_space<vmem>>, vector<16xf32>,
    %add3A_2154 = arith.addf %add3A_2145, %get3A_2153 : vector<16xf32>
    %get3A_2155 = arith.constant 2032 : index
    %get3A_2156 = tpu.vector_load %arg10[%get3A_2155] {strides = array<i32>} : memref<2560xf32, #tpu.memory_space<vmem>>, vector<16xf32>,
    %add3A_2157 = arith.addf %add3A_2148, %get3A_2156 : vector<16xf32>
    %get3A_2158 = arith.constant 2192 : index
    %get3A_2159 = tpu.vector_load %arg8[%get3A_2158] {strides = array<i32>} : memref<2560xf32, #tpu.memory_space<vmem>>, vector<16xf32>,
    %add3A_2160 = arith.addf %add3A_2151, %get3A_2159 : vector<16xf32>
    %get3A_2161 = arith.constant 2192 : index
    %get3A_2162 = tpu.vector_load %arg9[%get3A_2161] {strides = array<i32>} : memref<2560xf32, #tpu.memory_space<vmem>>, vector<16xf32>,
    %add3A_2163 = arith.addf %add3A_2154, %get3A_2162 : vector<16xf32>
    %get3A_2164 = arith.constant 2192 : index
    %get3A_2165 = tpu.vector_load %arg10[%get3A_2164] {strides = array<i32>} : memref<2560xf32, #tpu.memory_space<vmem>>, vector<16xf32>,
    %add3A_2166 = arith.addf %add3A_2157, %get3A_2165 : vector<16xf32>
    %get3A_2167 = arith.constant 2352 : index
    %get3A_2168 = tpu.vector_load %arg8[%get3A_2167] {strides = array<i32>} : memref<2560xf32, #tpu.memory_space<vmem>>, vector<16xf32>,
    %add3A_2169 = arith.addf %add3A_2160, %get3A_2168 : vector<16xf32>
    %get3A_2170 = arith.constant 2352 : index
    %get3A_2171 = tpu.vector_load %arg9[%get3A_2170] {strides = array<i32>} : memref<2560xf32, #tpu.memory_space<vmem>>, vector<16xf32>,
    %add3A_2172 = arith.addf %add3A_2163, %get3A_2171 : vector<16xf32>
    %get3A_2173 = arith.constant 2352 : index
    %get3A_2174 = tpu.vector_load %arg10[%get3A_2173] {strides = array<i32>} : memref<2560xf32, #tpu.memory_space<vmem>>, vector<16xf32>,
    %add3A_2175 = arith.addf %add3A_2166, %get3A_2174 : vector<16xf32>
    %get3A_2176 = arith.constant 2512 : index
    %get3A_2177 = tpu.vector_load %arg8[%get3A_2176] {strides = array<i32>} : memref<2560xf32, #tpu.memory_space<vmem>>, vector<16xf32>,
    %add3A_2178 = arith.addf %add3A_2169, %get3A_2177 : vector<16xf32>
    %get3A_2179 = arith.constant 2512 : index
    %get3A_2180 = tpu.vector_load %arg9[%get3A_2179] {strides = array<i32>} : memref<2560xf32, #tpu.memory_space<vmem>>, vector<16xf32>,
    %add3A_2181 = arith.addf %add3A_2172, %get3A_2180 : vector<16xf32>
    %get3A_2182 = arith.constant 2512 : index
    %get3A_2183 = tpu.vector_load %arg10[%get3A_2182] {strides = array<i32>} : memref<2560xf32, #tpu.memory_space<vmem>>, vector<16xf32>,
    %add3A_2184 = arith.addf %add3A_2175, %get3A_2183 : vector<16xf32>
    %swap3A_2185 = arith.constant 112 : index
    %swap3A_2186 = tpu.vector_load %arg11[%swap3A_2185] {strides = array<i32>} : memref<480xf32, #tpu.memory_space<vmem>>, vector<16xf32>,
    tpu.vector_store %arg11[%swap3A_2185], %add3A_2178 {strides = array<i32>} : memref<480xf32, #tpu.memory_space<vmem>>, vector<16xf32>,
    %swap3A_2187 = arith.constant 272 : index
    %swap3A_2188 = tpu.vector_load %arg11[%swap3A_2187] {strides = array<i32>} : memref<480xf32, #tpu.memory_space<vmem>>, vector<16xf32>,
    tpu.vector_store %arg11[%swap3A_2187], %add3A_2181 {strides = array<i32>} : memref<480xf32, #tpu.memory_space<vmem>>, vector<16xf32>,
    %swap3A_2189 = arith.constant 432 : index
    %swap3A_2190 = tpu.vector_load %arg11[%swap3A_2189] {strides = array<i32>} : memref<480xf32, #tpu.memory_space<vmem>>, vector<16xf32>,
    tpu.vector_store %arg11[%swap3A_2189], %add3A_2184 {strides = array<i32>} : memref<480xf32, #tpu.memory_space<vmem>>, vector<16xf32>,
    %get3A_2191 = arith.constant 128 : index
    %get3A_2192 = tpu.vector_load %arg8[%get3A_2191] {strides = array<i32>} : memref<2560xf32, #tpu.memory_space<vmem>>, vector<16xf32>,
    %add3A_2193 = arith.addf %broadcast_in_dim3A_14, %get3A_2192 : vector<16xf32>
    %get3A_2194 = arith.constant 128 : index
    %get3A_2195 = tpu.vector_load %arg9[%get3A_2194] {strides = array<i32>} : memref<2560xf32, #tpu.memory_space<vmem>>, vector<16xf32>,
    %add3A_2196 = arith.addf %broadcast_in_dim3A_14, %get3A_2195 : vector<16xf32>
    %get3A_2197 = arith.constant 128 : index
    %get3A_2198 = tpu.vector_load %arg10[%get3A_2197] {strides = array<i32>} : memref<2560xf32, #tpu.memory_space<vmem>>, vector<16xf32>,
    %add3A_2199 = arith.addf %broadcast_in_dim3A_14, %get3A_2198 : vector<16xf32>
    %get3A_2200 = arith.constant 288 : index
    %get3A_2201 = tpu.vector_load %arg8[%get3A_2200] {strides = array<i32>} : memref<2560xf32, #tpu.memory_space<vmem>>, vector<16xf32>,
    %add3A_2202 = arith.addf %add3A_2193, %get3A_2201 : vector<16xf32>
    %get3A_2203 = arith.constant 288 : index
    %get3A_2204 = tpu.vector_load %arg9[%get3A_2203] {strides = array<i32>} : memref<2560xf32, #tpu.memory_space<vmem>>, vector<16xf32>,
    %add3A_2205 = arith.addf %add3A_2196, %get3A_2204 : vector<16xf32>
    %get3A_2206 = arith.constant 288 : index
    %get3A_2207 = tpu.vector_load %arg10[%get3A_2206] {strides = array<i32>} : memref<2560xf32, #tpu.memory_space<vmem>>, vector<16xf32>,
    %add3A_2208 = arith.addf %add3A_2199, %get3A_2207 : vector<16xf32>
    %get3A_2209 = arith.constant 448 : index
    %get3A_2210 = tpu.vector_load %arg8[%get3A_2209] {strides = array<i32>} : memref<2560xf32, #tpu.memory_space<vmem>>, vector<16xf32>,
    %add3A_2211 = arith.addf %add3A_2202, %get3A_2210 : vector<16xf32>
    %get3A_2212 = arith.constant 448 : index
    %get3A_2213 = tpu.vector_load %arg9[%get3A_2212] {strides = array<i32>} : memref<2560xf32, #tpu.memory_space<vmem>>, vector<16xf32>,
    %add3A_2214 = arith.addf %add3A_2205, %get3A_2213 : vector<16xf32>
    %get3A_2215 = arith.constant 448 : index
    %get3A_2216 = tpu.vector_load %arg10[%get3A_2215] {strides = array<i32>} : memref<2560xf32, #tpu.memory_space<vmem>>, vector<16xf32>,
    %add3A_2217 = arith.addf %add3A_2208, %get3A_2216 : vector<16xf32>
    %get3A_2218 = arith.constant 608 : index
    %get3A_2219 = tpu.vector_load %arg8[%get3A_2218] {strides = array<i32>} : memref<2560xf32, #tpu.memory_space<vmem>>, vector<16xf32>,
    %add3A_2220 = arith.addf %add3A_2211, %get3A_2219 : vector<16xf32>
    %get3A_2221 = arith.constant 608 : index
    %get3A_2222 = tpu.vector_load %arg9[%get3A_2221] {strides = array<i32>} : memref<2560xf32, #tpu.memory_space<vmem>>, vector<16xf32>,
    %add3A_2223 = arith.addf %add3A_2214, %get3A_2222 : vector<16xf32>
    %get3A_2224 = arith.constant 608 : index
    %get3A_2225 = tpu.vector_load %arg10[%get3A_2224] {strides = array<i32>} : memref<2560xf32, #tpu.memory_space<vmem>>, vector<16xf32>,
    %add3A_2226 = arith.addf %add3A_2217, %get3A_2225 : vector<16xf32>
    %get3A_2227 = arith.constant 768 : index
    %get3A_2228 = tpu.vector_load %arg8[%get3A_2227] {strides = array<i32>} : memref<2560xf32, #tpu.memory_space<vmem>>, vector<16xf32>,
    %add3A_2229 = arith.addf %add3A_2220, %get3A_2228 : vector<16xf32>
    %get3A_2230 = arith.constant 768 : index
    %get3A_2231 = tpu.vector_load %arg9[%get3A_2230] {strides = array<i32>} : memref<2560xf32, #tpu.memory_space<vmem>>, vector<16xf32>,
    %add3A_2232 = arith.addf %add3A_2223, %get3A_2231 : vector<16xf32>
    %get3A_2233 = arith.constant 768 : index
    %get3A_2234 = tpu.vector_load %arg10[%get3A_2233] {strides = array<i32>} : memref<2560xf32, #tpu.memory_space<vmem>>, vector<16xf32>,
    %add3A_2235 = arith.addf %add3A_2226, %get3A_2234 : vector<16xf32>
    %get3A_2236 = arith.constant 928 : index
    %get3A_2237 = tpu.vector_load %arg8[%get3A_2236] {strides = array<i32>} : memref<2560xf32, #tpu.memory_space<vmem>>, vector<16xf32>,
    %add3A_2238 = arith.addf %add3A_2229, %get3A_2237 : vector<16xf32>
    %get3A_2239 = arith.constant 928 : index
    %get3A_2240 = tpu.vector_load %arg9[%get3A_2239] {strides = array<i32>} : memref<2560xf32, #tpu.memory_space<vmem>>, vector<16xf32>,
    %add3A_2241 = arith.addf %add3A_2232, %get3A_2240 : vector<16xf32>
    %get3A_2242 = arith.constant 928 : index
    %get3A_2243 = tpu.vector_load %arg10[%get3A_2242] {strides = array<i32>} : memref<2560xf32, #tpu.memory_space<vmem>>, vector<16xf32>,
    %add3A_2244 = arith.addf %add3A_2235, %get3A_2243 : vector<16xf32>
    %get3A_2245 = arith.constant 1088 : index
    %get3A_2246 = tpu.vector_load %arg8[%get3A_2245] {strides = array<i32>} : memref<2560xf32, #tpu.memory_space<vmem>>, vector<16xf32>,
    %add3A_2247 = arith.addf %add3A_2238, %get3A_2246 : vector<16xf32>
    %get3A_2248 = arith.constant 1088 : index
    %get3A_2249 = tpu.vector_load %arg9[%get3A_2248] {strides = array<i32>} : memref<2560xf32, #tpu.memory_space<vmem>>, vector<16xf32>,
    %add3A_2250 = arith.addf %add3A_2241, %get3A_2249 : vector<16xf32>
    %get3A_2251 = arith.constant 1088 : index
    %get3A_2252 = tpu.vector_load %arg10[%get3A_2251] {strides = array<i32>} : memref<2560xf32, #tpu.memory_space<vmem>>, vector<16xf32>,
    %add3A_2253 = arith.addf %add3A_2244, %get3A_2252 : vector<16xf32>
    %get3A_2254 = arith.constant 1248 : index
    %get3A_2255 = tpu.vector_load %arg8[%get3A_2254] {strides = array<i32>} : memref<2560xf32, #tpu.memory_space<vmem>>, vector<16xf32>,
    %add3A_2256 = arith.addf %add3A_2247, %get3A_2255 : vector<16xf32>
    %get3A_2257 = arith.constant 1248 : index
    %get3A_2258 = tpu.vector_load %arg9[%get3A_2257] {strides = array<i32>} : memref<2560xf32, #tpu.memory_space<vmem>>, vector<16xf32>,
    %add3A_2259 = arith.addf %add3A_2250, %get3A_2258 : vector<16xf32>
    %get3A_2260 = arith.constant 1248 : index
    %get3A_2261 = tpu.vector_load %arg10[%get3A_2260] {strides = array<i32>} : memref<2560xf32, #tpu.memory_space<vmem>>, vector<16xf32>,
    %add3A_2262 = arith.addf %add3A_2253, %get3A_2261 : vector<16xf32>
    %get3A_2263 = arith.constant 1408 : index
    %get3A_2264 = tpu.vector_load %arg8[%get3A_2263] {strides = array<i32>} : memref<2560xf32, #tpu.memory_space<vmem>>, vector<16xf32>,
    %add3A_2265 = arith.addf %add3A_2256, %get3A_2264 : vector<16xf32>
    %get3A_2266 = arith.constant 1408 : index
    %get3A_2267 = tpu.vector_load %arg9[%get3A_2266] {strides = array<i32>} : memref<2560xf32, #tpu.memory_space<vmem>>, vector<16xf32>,
    %add3A_2268 = arith.addf %add3A_2259, %get3A_2267 : vector<16xf32>
    %get3A_2269 = arith.constant 1408 : index
    %get3A_2270 = tpu.vector_load %arg10[%get3A_2269] {strides = array<i32>} : memref<2560xf32, #tpu.memory_space<vmem>>, vector<16xf32>,
    %add3A_2271 = arith.addf %add3A_2262, %get3A_2270 : vector<16xf32>
    %get3A_2272 = arith.constant 1568 : index
    %get3A_2273 = tpu.vector_load %arg8[%get3A_2272] {strides = array<i32>} : memref<2560xf32, #tpu.memory_space<vmem>>, vector<16xf32>,
    %add3A_2274 = arith.addf %add3A_2265, %get3A_2273 : vector<16xf32>
    %get3A_2275 = arith.constant 1568 : index
    %get3A_2276 = tpu.vector_load %arg9[%get3A_2275] {strides = array<i32>} : memref<2560xf32, #tpu.memory_space<vmem>>, vector<16xf32>,
    %add3A_2277 = arith.addf %add3A_2268, %get3A_2276 : vector<16xf32>
    %get3A_2278 = arith.constant 1568 : index
    %get3A_2279 = tpu.vector_load %arg10[%get3A_2278] {strides = array<i32>} : memref<2560xf32, #tpu.memory_space<vmem>>, vector<16xf32>,
    %add3A_2280 = arith.addf %add3A_2271, %get3A_2279 : vector<16xf32>
    %get3A_2281 = arith.constant 1728 : index
    %get3A_2282 = tpu.vector_load %arg8[%get3A_2281] {strides = array<i32>} : memref<2560xf32, #tpu.memory_space<vmem>>, vector<16xf32>,
    %add3A_2283 = arith.addf %add3A_2274, %get3A_2282 : vector<16xf32>
    %get3A_2284 = arith.constant 1728 : index
    %get3A_2285 = tpu.vector_load %arg9[%get3A_2284] {strides = array<i32>} : memref<2560xf32, #tpu.memory_space<vmem>>, vector<16xf32>,
    %add3A_2286 = arith.addf %add3A_2277, %get3A_2285 : vector<16xf32>
    %get3A_2287 = arith.constant 1728 : index
    %get3A_2288 = tpu.vector_load %arg10[%get3A_2287] {strides = array<i32>} : memref<2560xf32, #tpu.memory_space<vmem>>, vector<16xf32>,
    %add3A_2289 = arith.addf %add3A_2280, %get3A_2288 : vector<16xf32>
    %get3A_2290 = arith.constant 1888 : index
    %get3A_2291 = tpu.vector_load %arg8[%get3A_2290] {strides = array<i32>} : memref<2560xf32, #tpu.memory_space<vmem>>, vector<16xf32>,
    %add3A_2292 = arith.addf %add3A_2283, %get3A_2291 : vector<16xf32>
    %get3A_2293 = arith.constant 1888 : index
    %get3A_2294 = tpu.vector_load %arg9[%get3A_2293] {strides = array<i32>} : memref<2560xf32, #tpu.memory_space<vmem>>, vector<16xf32>,
    %add3A_2295 = arith.addf %add3A_2286, %get3A_2294 : vector<16xf32>
    %get3A_2296 = arith.constant 1888 : index
    %get3A_2297 = tpu.vector_load %arg10[%get3A_2296] {strides = array<i32>} : memref<2560xf32, #tpu.memory_space<vmem>>, vector<16xf32>,
    %add3A_2298 = arith.addf %add3A_2289, %get3A_2297 : vector<16xf32>
    %get3A_2299 = arith.constant 2048 : index
    %get3A_2300 = tpu.vector_load %arg8[%get3A_2299] {strides = array<i32>} : memref<2560xf32, #tpu.memory_space<vmem>>, vector<16xf32>,
    %add3A_2301 = arith.addf %add3A_2292, %get3A_2300 : vector<16xf32>
    %get3A_2302 = arith.constant 2048 : index
    %get3A_2303 = tpu.vector_load %arg9[%get3A_2302] {strides = array<i32>} : memref<2560xf32, #tpu.memory_space<vmem>>, vector<16xf32>,
    %add3A_2304 = arith.addf %add3A_2295, %get3A_2303 : vector<16xf32>
    %get3A_2305 = arith.constant 2048 : index
    %get3A_2306 = tpu.vector_load %arg10[%get3A_2305] {strides = array<i32>} : memref<2560xf32, #tpu.memory_space<vmem>>, vector<16xf32>,
    %add3A_2307 = arith.addf %add3A_2298, %get3A_2306 : vector<16xf32>
    %get3A_2308 = arith.constant 2208 : index
    %get3A_2309 = tpu.vector_load %arg8[%get3A_2308] {strides = array<i32>} : memref<2560xf32, #tpu.memory_space<vmem>>, vector<16xf32>,
    %add3A_2310 = arith.addf %add3A_2301, %get3A_2309 : vector<16xf32>
    %get3A_2311 = arith.constant 2208 : index
    %get3A_2312 = tpu.vector_load %arg9[%get3A_2311] {strides = array<i32>} : memref<2560xf32, #tpu.memory_space<vmem>>, vector<16xf32>,
    %add3A_2313 = arith.addf %add3A_2304, %get3A_2312 : vector<16xf32>
    %get3A_2314 = arith.constant 2208 : index
    %get3A_2315 = tpu.vector_load %arg10[%get3A_2314] {strides = array<i32>} : memref<2560xf32, #tpu.memory_space<vmem>>, vector<16xf32>,
    %add3A_2316 = arith.addf %add3A_2307, %get3A_2315 : vector<16xf32>
    %get3A_2317 = arith.constant 2368 : index
    %get3A_2318 = tpu.vector_load %arg8[%get3A_2317] {strides = array<i32>} : memref<2560xf32, #tpu.memory_space<vmem>>, vector<16xf32>,
    %add3A_2319 = arith.addf %add3A_2310, %get3A_2318 : vector<16xf32>
    %get3A_2320 = arith.constant 2368 : index
    %get3A_2321 = tpu.vector_load %arg9[%get3A_2320] {strides = array<i32>} : memref<2560xf32, #tpu.memory_space<vmem>>, vector<16xf32>,
    %add3A_2322 = arith.addf %add3A_2313, %get3A_2321 : vector<16xf32>
    %get3A_2323 = arith.constant 2368 : index
    %get3A_2324 = tpu.vector_load %arg10[%get3A_2323] {strides = array<i32>} : memref<2560xf32, #tpu.memory_space<vmem>>, vector<16xf32>,
    %add3A_2325 = arith.addf %add3A_2316, %get3A_2324 : vector<16xf32>
    %get3A_2326 = arith.constant 2528 : index
    %get3A_2327 = tpu.vector_load %arg8[%get3A_2326] {strides = array<i32>} : memref<2560xf32, #tpu.memory_space<vmem>>, vector<16xf32>,
    %add3A_2328 = arith.addf %add3A_2319, %get3A_2327 : vector<16xf32>
    %get3A_2329 = arith.constant 2528 : index
    %get3A_2330 = tpu.vector_load %arg9[%get3A_2329] {strides = array<i32>} : memref<2560xf32, #tpu.memory_space<vmem>>, vector<16xf32>,
    %add3A_2331 = arith.addf %add3A_2322, %get3A_2330 : vector<16xf32>
    %get3A_2332 = arith.constant 2528 : index
    %get3A_2333 = tpu.vector_load %arg10[%get3A_2332] {strides = array<i32>} : memref<2560xf32, #tpu.memory_space<vmem>>, vector<16xf32>,
    %add3A_2334 = arith.addf %add3A_2325, %get3A_2333 : vector<16xf32>
    %swap3A_2335 = arith.constant 128 : index
    %swap3A_2336 = tpu.vector_load %arg11[%swap3A_2335] {strides = array<i32>} : memref<480xf32, #tpu.memory_space<vmem>>, vector<16xf32>,
    tpu.vector_store %arg11[%swap3A_2335], %add3A_2328 {strides = array<i32>} : memref<480xf32, #tpu.memory_space<vmem>>, vector<16xf32>,
    %swap3A_2337 = arith.constant 288 : index
    %swap3A_2338 = tpu.vector_load %arg11[%swap3A_2337] {strides = array<i32>} : memref<480xf32, #tpu.memory_space<vmem>>, vector<16xf32>,
    tpu.vector_store %arg11[%swap3A_2337], %add3A_2331 {strides = array<i32>} : memref<480xf32, #tpu.memory_space<vmem>>, vector<16xf32>,
    %swap3A_2339 = arith.constant 448 : index
    %swap3A_2340 = tpu.vector_load %arg11[%swap3A_2339] {strides = array<i32>} : memref<480xf32, #tpu.memory_space<vmem>>, vector<16xf32>,
    tpu.vector_store %arg11[%swap3A_2339], %add3A_2334 {strides = array<i32>} : memref<480xf32, #tpu.memory_space<vmem>>, vector<16xf32>,
    %get3A_2341 = arith.constant 144 : index
    %get3A_2342 = tpu.vector_load %arg8[%get3A_2341] {strides = array<i32>} : memref<2560xf32, #tpu.memory_space<vmem>>, vector<16xf32>,
    %add3A_2343 = arith.addf %broadcast_in_dim3A_14, %get3A_2342 : vector<16xf32>
    %get3A_2344 = arith.constant 144 : index
    %get3A_2345 = tpu.vector_load %arg9[%get3A_2344] {strides = array<i32>} : memref<2560xf32, #tpu.memory_space<vmem>>, vector<16xf32>,
    %add3A_2346 = arith.addf %broadcast_in_dim3A_14, %get3A_2345 : vector<16xf32>
    %get3A_2347 = arith.constant 144 : index
    %get3A_2348 = tpu.vector_load %arg10[%get3A_2347] {strides = array<i32>} : memref<2560xf32, #tpu.memory_space<vmem>>, vector<16xf32>,
    %add3A_2349 = arith.addf %broadcast_in_dim3A_14, %get3A_2348 : vector<16xf32>
    %get3A_2350 = arith.constant 304 : index
    %get3A_2351 = tpu.vector_load %arg8[%get3A_2350] {strides = array<i32>} : memref<2560xf32, #tpu.memory_space<vmem>>, vector<16xf32>,
    %add3A_2352 = arith.addf %add3A_2343, %get3A_2351 : vector<16xf32>
    %get3A_2353 = arith.constant 304 : index
    %get3A_2354 = tpu.vector_load %arg9[%get3A_2353] {strides = array<i32>} : memref<2560xf32, #tpu.memory_space<vmem>>, vector<16xf32>,
    %add3A_2355 = arith.addf %add3A_2346, %get3A_2354 : vector<16xf32>
    %get3A_2356 = arith.constant 304 : index
    %get3A_2357 = tpu.vector_load %arg10[%get3A_2356] {strides = array<i32>} : memref<2560xf32, #tpu.memory_space<vmem>>, vector<16xf32>,
    %add3A_2358 = arith.addf %add3A_2349, %get3A_2357 : vector<16xf32>
    %get3A_2359 = arith.constant 464 : index
    %get3A_2360 = tpu.vector_load %arg8[%get3A_2359] {strides = array<i32>} : memref<2560xf32, #tpu.memory_space<vmem>>, vector<16xf32>,
    %add3A_2361 = arith.addf %add3A_2352, %get3A_2360 : vector<16xf32>
    %get3A_2362 = arith.constant 464 : index
    %get3A_2363 = tpu.vector_load %arg9[%get3A_2362] {strides = array<i32>} : memref<2560xf32, #tpu.memory_space<vmem>>, vector<16xf32>,
    %add3A_2364 = arith.addf %add3A_2355, %get3A_2363 : vector<16xf32>
    %get3A_2365 = arith.constant 464 : index
    %get3A_2366 = tpu.vector_load %arg10[%get3A_2365] {strides = array<i32>} : memref<2560xf32, #tpu.memory_space<vmem>>, vector<16xf32>,
    %add3A_2367 = arith.addf %add3A_2358, %get3A_2366 : vector<16xf32>
    %get3A_2368 = arith.constant 624 : index
    %get3A_2369 = tpu.vector_load %arg8[%get3A_2368] {strides = array<i32>} : memref<2560xf32, #tpu.memory_space<vmem>>, vector<16xf32>,
    %add3A_2370 = arith.addf %add3A_2361, %get3A_2369 : vector<16xf32>
    %get3A_2371 = arith.constant 624 : index
    %get3A_2372 = tpu.vector_load %arg9[%get3A_2371] {strides = array<i32>} : memref<2560xf32, #tpu.memory_space<vmem>>, vector<16xf32>,
    %add3A_2373 = arith.addf %add3A_2364, %get3A_2372 : vector<16xf32>
    %get3A_2374 = arith.constant 624 : index
    %get3A_2375 = tpu.vector_load %arg10[%get3A_2374] {strides = array<i32>} : memref<2560xf32, #tpu.memory_space<vmem>>, vector<16xf32>,
    %add3A_2376 = arith.addf %add3A_2367, %get3A_2375 : vector<16xf32>
    %get3A_2377 = arith.constant 784 : index
    %get3A_2378 = tpu.vector_load %arg8[%get3A_2377] {strides = array<i32>} : memref<2560xf32, #tpu.memory_space<vmem>>, vector<16xf32>,
    %add3A_2379 = arith.addf %add3A_2370, %get3A_2378 : vector<16xf32>
    %get3A_2380 = arith.constant 784 : index
    %get3A_2381 = tpu.vector_load %arg9[%get3A_2380] {strides = array<i32>} : memref<2560xf32, #tpu.memory_space<vmem>>, vector<16xf32>,
    %add3A_2382 = arith.addf %add3A_2373, %get3A_2381 : vector<16xf32>
    %get3A_2383 = arith.constant 784 : index
    %get3A_2384 = tpu.vector_load %arg10[%get3A_2383] {strides = array<i32>} : memref<2560xf32, #tpu.memory_space<vmem>>, vector<16xf32>,
    %add3A_2385 = arith.addf %add3A_2376, %get3A_2384 : vector<16xf32>
    %get3A_2386 = arith.constant 944 : index
    %get3A_2387 = tpu.vector_load %arg8[%get3A_2386] {strides = array<i32>} : memref<2560xf32, #tpu.memory_space<vmem>>, vector<16xf32>,
    %add3A_2388 = arith.addf %add3A_2379, %get3A_2387 : vector<16xf32>
    %get3A_2389 = arith.constant 944 : index
    %get3A_2390 = tpu.vector_load %arg9[%get3A_2389] {strides = array<i32>} : memref<2560xf32, #tpu.memory_space<vmem>>, vector<16xf32>,
    %add3A_2391 = arith.addf %add3A_2382, %get3A_2390 : vector<16xf32>
    %get3A_2392 = arith.constant 944 : index
    %get3A_2393 = tpu.vector_load %arg10[%get3A_2392] {strides = array<i32>} : memref<2560xf32, #tpu.memory_space<vmem>>, vector<16xf32>,
    %add3A_2394 = arith.addf %add3A_2385, %get3A_2393 : vector<16xf32>
    %get3A_2395 = arith.constant 1104 : index
    %get3A_2396 = tpu.vector_load %arg8[%get3A_2395] {strides = array<i32>} : memref<2560xf32, #tpu.memory_space<vmem>>, vector<16xf32>,
    %add3A_2397 = arith.addf %add3A_2388, %get3A_2396 : vector<16xf32>
    %get3A_2398 = arith.constant 1104 : index
    %get3A_2399 = tpu.vector_load %arg9[%get3A_2398] {strides = array<i32>} : memref<2560xf32, #tpu.memory_space<vmem>>, vector<16xf32>,
    %add3A_2400 = arith.addf %add3A_2391, %get3A_2399 : vector<16xf32>
    %get3A_2401 = arith.constant 1104 : index
    %get3A_2402 = tpu.vector_load %arg10[%get3A_2401] {strides = array<i32>} : memref<2560xf32, #tpu.memory_space<vmem>>, vector<16xf32>,
    %add3A_2403 = arith.addf %add3A_2394, %get3A_2402 : vector<16xf32>
    %get3A_2404 = arith.constant 1264 : index
    %get3A_2405 = tpu.vector_load %arg8[%get3A_2404] {strides = array<i32>} : memref<2560xf32, #tpu.memory_space<vmem>>, vector<16xf32>,
    %add3A_2406 = arith.addf %add3A_2397, %get3A_2405 : vector<16xf32>
    %get3A_2407 = arith.constant 1264 : index
    %get3A_2408 = tpu.vector_load %arg9[%get3A_2407] {strides = array<i32>} : memref<2560xf32, #tpu.memory_space<vmem>>, vector<16xf32>,
    %add3A_2409 = arith.addf %add3A_2400, %get3A_2408 : vector<16xf32>
    %get3A_2410 = arith.constant 1264 : index
    %get3A_2411 = tpu.vector_load %arg10[%get3A_2410] {strides = array<i32>} : memref<2560xf32, #tpu.memory_space<vmem>>, vector<16xf32>,
    %add3A_2412 = arith.addf %add3A_2403, %get3A_2411 : vector<16xf32>
    %get3A_2413 = arith.constant 1424 : index
    %get3A_2414 = tpu.vector_load %arg8[%get3A_2413] {strides = array<i32>} : memref<2560xf32, #tpu.memory_space<vmem>>, vector<16xf32>,
    %add3A_2415 = arith.addf %add3A_2406, %get3A_2414 : vector<16xf32>
    %get3A_2416 = arith.constant 1424 : index
    %get3A_2417 = tpu.vector_load %arg9[%get3A_2416] {strides = array<i32>} : memref<2560xf32, #tpu.memory_space<vmem>>, vector<16xf32>,
    %add3A_2418 = arith.addf %add3A_2409, %get3A_2417 : vector<16xf32>
    %get3A_2419 = arith.constant 1424 : index
    %get3A_2420 = tpu.vector_load %arg10[%get3A_2419] {strides = array<i32>} : memref<2560xf32, #tpu.memory_space<vmem>>, vector<16xf32>,
    %add3A_2421 = arith.addf %add3A_2412, %get3A_2420 : vector<16xf32>
    %get3A_2422 = arith.constant 1584 : index
    %get3A_2423 = tpu.vector_load %arg8[%get3A_2422] {strides = array<i32>} : memref<2560xf32, #tpu.memory_space<vmem>>, vector<16xf32>,
    %add3A_2424 = arith.addf %add3A_2415, %get3A_2423 : vector<16xf32>
    %get3A_2425 = arith.constant 1584 : index
    %get3A_2426 = tpu.vector_load %arg9[%get3A_2425] {strides = array<i32>} : memref<2560xf32, #tpu.memory_space<vmem>>, vector<16xf32>,
    %add3A_2427 = arith.addf %add3A_2418, %get3A_2426 : vector<16xf32>
    %get3A_2428 = arith.constant 1584 : index
    %get3A_2429 = tpu.vector_load %arg10[%get3A_2428] {strides = array<i32>} : memref<2560xf32, #tpu.memory_space<vmem>>, vector<16xf32>,
    %add3A_2430 = arith.addf %add3A_2421, %get3A_2429 : vector<16xf32>
    %get3A_2431 = arith.constant 1744 : index
    %get3A_2432 = tpu.vector_load %arg8[%get3A_2431] {strides = array<i32>} : memref<2560xf32, #tpu.memory_space<vmem>>, vector<16xf32>,
    %add3A_2433 = arith.addf %add3A_2424, %get3A_2432 : vector<16xf32>
    %get3A_2434 = arith.constant 1744 : index
    %get3A_2435 = tpu.vector_load %arg9[%get3A_2434] {strides = array<i32>} : memref<2560xf32, #tpu.memory_space<vmem>>, vector<16xf32>,
    %add3A_2436 = arith.addf %add3A_2427, %get3A_2435 : vector<16xf32>
    %get3A_2437 = arith.constant 1744 : index
    %get3A_2438 = tpu.vector_load %arg10[%get3A_2437] {strides = array<i32>} : memref<2560xf32, #tpu.memory_space<vmem>>, vector<16xf32>,
    %add3A_2439 = arith.addf %add3A_2430, %get3A_2438 : vector<16xf32>
    %get3A_2440 = arith.constant 1904 : index
    %get3A_2441 = tpu.vector_load %arg8[%get3A_2440] {strides = array<i32>} : memref<2560xf32, #tpu.memory_space<vmem>>, vector<16xf32>,
    %add3A_2442 = arith.addf %add3A_2433, %get3A_2441 : vector<16xf32>
    %get3A_2443 = arith.constant 1904 : index
    %get3A_2444 = tpu.vector_load %arg9[%get3A_2443] {strides = array<i32>} : memref<2560xf32, #tpu.memory_space<vmem>>, vector<16xf32>,
    %add3A_2445 = arith.addf %add3A_2436, %get3A_2444 : vector<16xf32>
    %get3A_2446 = arith.constant 1904 : index
    %get3A_2447 = tpu.vector_load %arg10[%get3A_2446] {strides = array<i32>} : memref<2560xf32, #tpu.memory_space<vmem>>, vector<16xf32>,
    %add3A_2448 = arith.addf %add3A_2439, %get3A_2447 : vector<16xf32>
    %get3A_2449 = arith.constant 2064 : index
    %get3A_2450 = tpu.vector_load %arg8[%get3A_2449] {strides = array<i32>} : memref<2560xf32, #tpu.memory_space<vmem>>, vector<16xf32>,
    %add3A_2451 = arith.addf %add3A_2442, %get3A_2450 : vector<16xf32>
    %get3A_2452 = arith.constant 2064 : index
    %get3A_2453 = tpu.vector_load %arg9[%get3A_2452] {strides = array<i32>} : memref<2560xf32, #tpu.memory_space<vmem>>, vector<16xf32>,
    %add3A_2454 = arith.addf %add3A_2445, %get3A_2453 : vector<16xf32>
    %get3A_2455 = arith.constant 2064 : index
    %get3A_2456 = tpu.vector_load %arg10[%get3A_2455] {strides = array<i32>} : memref<2560xf32, #tpu.memory_space<vmem>>, vector<16xf32>,
    %add3A_2457 = arith.addf %add3A_2448, %get3A_2456 : vector<16xf32>
    %get3A_2458 = arith.constant 2224 : index
    %get3A_2459 = tpu.vector_load %arg8[%get3A_2458] {strides = array<i32>} : memref<2560xf32, #tpu.memory_space<vmem>>, vector<16xf32>,
    %add3A_2460 = arith.addf %add3A_2451, %get3A_2459 : vector<16xf32>
    %get3A_2461 = arith.constant 2224 : index
    %get3A_2462 = tpu.vector_load %arg9[%get3A_2461] {strides = array<i32>} : memref<2560xf32, #tpu.memory_space<vmem>>, vector<16xf32>,
    %add3A_2463 = arith.addf %add3A_2454, %get3A_2462 : vector<16xf32>
    %get3A_2464 = arith.constant 2224 : index
    %get3A_2465 = tpu.vector_load %arg10[%get3A_2464] {strides = array<i32>} : memref<2560xf32, #tpu.memory_space<vmem>>, vector<16xf32>,
    %add3A_2466 = arith.addf %add3A_2457, %get3A_2465 : vector<16xf32>
    %get3A_2467 = arith.constant 2384 : index
    %get3A_2468 = tpu.vector_load %arg8[%get3A_2467] {strides = array<i32>} : memref<2560xf32, #tpu.memory_space<vmem>>, vector<16xf32>,
    %add3A_2469 = arith.addf %add3A_2460, %get3A_2468 : vector<16xf32>
    %get3A_2470 = arith.constant 2384 : index
    %get3A_2471 = tpu.vector_load %arg9[%get3A_2470] {strides = array<i32>} : memref<2560xf32, #tpu.memory_space<vmem>>, vector<16xf32>,
    %add3A_2472 = arith.addf %add3A_2463, %get3A_2471 : vector<16xf32>
    %get3A_2473 = arith.constant 2384 : index
    %get3A_2474 = tpu.vector_load %arg10[%get3A_2473] {strides = array<i32>} : memref<2560xf32, #tpu.memory_space<vmem>>, vector<16xf32>,
    %add3A_2475 = arith.addf %add3A_2466, %get3A_2474 : vector<16xf32>
    %get3A_2476 = arith.constant 2544 : index
    %get3A_2477 = tpu.vector_load %arg8[%get3A_2476] {strides = array<i32>} : memref<2560xf32, #tpu.memory_space<vmem>>, vector<16xf32>,
    %add3A_2478 = arith.addf %add3A_2469, %get3A_2477 : vector<16xf32>
    %get3A_2479 = arith.constant 2544 : index
    %get3A_2480 = tpu.vector_load %arg9[%get3A_2479] {strides = array<i32>} : memref<2560xf32, #tpu.memory_space<vmem>>, vector<16xf32>,
    %add3A_2481 = arith.addf %add3A_2472, %get3A_2480 : vector<16xf32>
    %get3A_2482 = arith.constant 2544 : index
    %get3A_2483 = tpu.vector_load %arg10[%get3A_2482] {strides = array<i32>} : memref<2560xf32, #tpu.memory_space<vmem>>, vector<16xf32>,
    %add3A_2484 = arith.addf %add3A_2475, %get3A_2483 : vector<16xf32>
    %swap3A_2485 = arith.constant 144 : index
    %swap3A_2486 = tpu.vector_load %arg11[%swap3A_2485] {strides = array<i32>} : memref<480xf32, #tpu.memory_space<vmem>>, vector<16xf32>,
    tpu.vector_store %arg11[%swap3A_2485], %add3A_2478 {strides = array<i32>} : memref<480xf32, #tpu.memory_space<vmem>>, vector<16xf32>,
    %swap3A_2487 = arith.constant 304 : index
    %swap3A_2488 = tpu.vector_load %arg11[%swap3A_2487] {strides = array<i32>} : memref<480xf32, #tpu.memory_space<vmem>>, vector<16xf32>,
    tpu.vector_store %arg11[%swap3A_2487], %add3A_2481 {strides = array<i32>} : memref<480xf32, #tpu.memory_space<vmem>>, vector<16xf32>,
    %swap3A_2489 = arith.constant 464 : index
    %swap3A_2490 = tpu.vector_load %arg11[%swap3A_2489] {strides = array<i32>} : memref<480xf32, #tpu.memory_space<vmem>>, vector<16xf32>,
    tpu.vector_store %arg11[%swap3A_2489], %add3A_2484 {strides = array<i32>} : memref<480xf32, #tpu.memory_space<vmem>>, vector<16xf32>,
    "tpu.region"() ({
      %run_scoped3A = tpu.sem_alloc : memref<!tpu.dma_semaphore, #tpu.memory_space<semaphore_mem>>
      %dma_start3A_2491 = arith.constant 0 : i32
      %dma_start3A_2492 = tpu.memref_slice %arg4[%add3A, %dma_start3A_2491] : memref<32x480xf32, #tpu.memory_space<hbm>> -> memref<1x480xf32, #tpu.memory_space<hbm>>
      %dma_start3A_2493 = tpu.memref_squeeze %dma_start3A_2492 : memref<1x480xf32, #tpu.memory_space<hbm>> -> memref<480xf32, #tpu.memory_space<hbm>>
      %dma_start3A_2494 = arith.constant 0 : i32
      %dma_start3A_2495 = tpu.memref_slice %arg4[%add3A, %dma_start3A_2494] : memref<32x480xf32, #tpu.memory_space<hbm>> -> memref<1x480xf32, #tpu.memory_space<hbm>>
      %dma_start3A_2496 = tpu.memref_squeeze %dma_start3A_2495 : memref<1x480xf32, #tpu.memory_space<hbm>> -> memref<480xf32, #tpu.memory_space<hbm>>
      tpu.enqueue_dma source(%arg11 : memref<480xf32, #tpu.memory_space<vmem>>) target(%dma_start3A_2496 : memref<480xf32, #tpu.memory_space<hbm>>) target_semaphore(%run_scoped3A : memref<!tpu.dma_semaphore, #tpu.memory_space<semaphore_mem>>)
      %dma_wait3A_2497 = arith.constant 0 : i32
      %dma_wait3A_2498 = tpu.memref_slice %arg4[%add3A, %dma_wait3A_2497] : memref<32x480xf32, #tpu.memory_space<hbm>> -> memref<1x480xf32, #tpu.memory_space<hbm>>
      %dma_wait3A_2499 = tpu.memref_squeeze %dma_wait3A_2498 : memref<1x480xf32, #tpu.memory_space<hbm>> -> memref<480xf32, #tpu.memory_space<hbm>>
      %dma_wait3A_2500 = arith.constant 0 : i32
      %dma_wait3A_2501 = tpu.memref_slice %arg4[%add3A, %dma_wait3A_2500] : memref<32x480xf32, #tpu.memory_space<hbm>> -> memref<1x480xf32, #tpu.memory_space<hbm>>
      %dma_wait3A_2502 = tpu.memref_squeeze %dma_wait3A_2501 : memref<1x480xf32, #tpu.memory_space<hbm>> -> memref<480xf32, #tpu.memory_space<hbm>>
      tpu.wait_dma2 semaphore(%run_scoped3A : memref<!tpu.dma_semaphore, #tpu.memory_space<semaphore_mem>>) src(%arg11 : memref<480xf32, #tpu.memory_space<vmem>>) dst(%dma_wait3A_2502 : memref<480xf32, #tpu.memory_space<hbm>>)
      tpu.yield
    }) : () -> ()
    return
  }
}

module attributes {stable_mosaic.version = 14 : i64} {
  func.func @_tc_body(%arg0: memref<2x520x514xf32, #tpu.memory_space<vmem>>, %arg1: memref<19x156xf32, #tpu.memory_space<vmem>>, %arg2: memref<2x156xf32, #tpu.memory_space<vmem>>, %arg3: memref<156x1xf32, #tpu.memory_space<vmem>>, %arg4: memref<32x1x8192xi32, #tpu.memory_space<vmem>>, %arg5: memref<156x156xf32, #tpu.memory_space<vmem>>) attributes {dimension_semantics = [], scalar_prefetch = 0 : i64, scratch_operands = 0 : i64, tpu.core_type = #tpu.core_type<tc>} {
    %broadcast_in_dim3A = arith.constant 1.000000e+00 : f32
    %broadcast_in_dim3A_0 = vector.broadcast %broadcast_in_dim3A : f32 to vector<1x8192xf32>
    %broadcast_in_dim3A_1 = arith.constant 0.000000e+00 : f32
    %broadcast_in_dim3A_2 = vector.broadcast %broadcast_in_dim3A_1 : f32 to vector<156x156xf32>
    %scan3A = arith.constant 0 : i32
    %scan3A_3 = arith.constant 32 : i32
    %scan3A_4 = arith.addi %scan3A, %scan3A_3 : i32
    %scan3A_5 = arith.constant 1 : i32
    %scan3A_6 = scf.for %scan3A_10 = %scan3A to %scan3A_4 step %scan3A_5 iter_args(%scan3A_11 = %broadcast_in_dim3A_2) -> (vector<156x156xf32>)  : i32 {
      %mul3A = arith.constant 16 : i32
      %mul3A_12 = arith.muli %scan3A_10, %mul3A : i32
      %multiple_of3A = tpu.assume_multiple %mul3A_12, 8 : i32
      %get3A = arith.constant 0 : index
      %get3A_13 = arith.index_cast %multiple_of3A : i32 to index
      %get3A_14 = arith.constant 0 : index
      %get3A_15 = vector.load %arg0[%get3A, %get3A_13, %get3A_14] : memref<2x520x514xf32, #tpu.memory_space<vmem>>, vector<2x24x514xf32>
      %slice3A = vector.extract_strided_slice %get3A_15 {offsets = [0, 0, 0], sizes = [2, 16, 512], strides = [1, 1, 1]} : vector<2x24x514xf32> to vector<2x16x512xf32>
      %reshape3A = vector.shape_cast %slice3A : vector<2x16x512xf32> to vector<2x8192xf32>
      %slice3A_16 = vector.extract_strided_slice %get3A_15 {offsets = [0, 0, 1], sizes = [2, 16, 512], strides = [1, 1, 1]} : vector<2x24x514xf32> to vector<2x16x512xf32>
      %reshape3A_17 = vector.shape_cast %slice3A_16 : vector<2x16x512xf32> to vector<2x8192xf32>
      %slice3A_18 = vector.extract_strided_slice %get3A_15 {offsets = [0, 0, 2], sizes = [2, 16, 512], strides = [1, 1, 1]} : vector<2x24x514xf32> to vector<2x16x512xf32>
      %reshape3A_19 = vector.shape_cast %slice3A_18 : vector<2x16x512xf32> to vector<2x8192xf32>
      %slice3A_20 = vector.extract_strided_slice %get3A_15 {offsets = [0, 1, 0], sizes = [2, 16, 512], strides = [1, 1, 1]} : vector<2x24x514xf32> to vector<2x16x512xf32>
      %reshape3A_21 = vector.shape_cast %slice3A_20 : vector<2x16x512xf32> to vector<2x8192xf32>
      %slice3A_22 = vector.extract_strided_slice %get3A_15 {offsets = [0, 1, 1], sizes = [2, 16, 512], strides = [1, 1, 1]} : vector<2x24x514xf32> to vector<2x16x512xf32>
      %reshape3A_23 = vector.shape_cast %slice3A_22 : vector<2x16x512xf32> to vector<2x8192xf32>
      %slice3A_24 = vector.extract_strided_slice %get3A_15 {offsets = [0, 1, 2], sizes = [2, 16, 512], strides = [1, 1, 1]} : vector<2x24x514xf32> to vector<2x16x512xf32>
      %reshape3A_25 = vector.shape_cast %slice3A_24 : vector<2x16x512xf32> to vector<2x8192xf32>
      %slice3A_26 = vector.extract_strided_slice %get3A_15 {offsets = [0, 2, 0], sizes = [2, 16, 512], strides = [1, 1, 1]} : vector<2x24x514xf32> to vector<2x16x512xf32>
      %reshape3A_27 = vector.shape_cast %slice3A_26 : vector<2x16x512xf32> to vector<2x8192xf32>
      %slice3A_28 = vector.extract_strided_slice %get3A_15 {offsets = [0, 2, 1], sizes = [2, 16, 512], strides = [1, 1, 1]} : vector<2x24x514xf32> to vector<2x16x512xf32>
      %reshape3A_29 = vector.shape_cast %slice3A_28 : vector<2x16x512xf32> to vector<2x8192xf32>
      %slice3A_30 = vector.extract_strided_slice %get3A_15 {offsets = [0, 2, 2], sizes = [2, 16, 512], strides = [1, 1, 1]} : vector<2x24x514xf32> to vector<2x16x512xf32>
      %reshape3A_31 = vector.shape_cast %slice3A_30 : vector<2x16x512xf32> to vector<2x8192xf32>
      %concatenate3A = tpu.concatenate %reshape3A, %reshape3A_17, %reshape3A_19, %reshape3A_21, %reshape3A_23, %reshape3A_25, %reshape3A_27, %reshape3A_29, %reshape3A_31, %broadcast_in_dim3A_0 in 0 : vector<2x8192xf32>, vector<2x8192xf32>, vector<2x8192xf32>, vector<2x8192xf32>, vector<2x8192xf32>, vector<2x8192xf32>, vector<2x8192xf32>, vector<2x8192xf32>, vector<2x8192xf32>, vector<1x8192xf32> -> vector<19x8192xf32>
      %get3A_32 = arith.constant 0 : index
      %get3A_33 = arith.constant 0 : index
      %get3A_34 = vector.load %arg1[%get3A_32, %get3A_33] : memref<19x156xf32, #tpu.memory_space<vmem>>, vector<19x156xf32>
      %dot_general3A = arith.constant dense<0.000000e+00> : vector<8192x156xf32>
      %dot_general3A_35 = tpu.matmul %concatenate3A, %get3A_34, %dot_general3A {dimension_numbers = #tpu.dot_dimension_numbers<[0], [0], [1], [1], [0, 1, 1, 1], [], []>, transpose_lhs_hint = false} : vector<19x8192xf32>, vector<19x156xf32>, vector<8192x156xf32> -> vector<8192x156xf32>
      %exp3A = math.exp %dot_general3A_35 : vector<8192x156xf32>
      %get3A_36 = arith.constant 0 : index
      %get3A_37 = arith.constant 0 : index
      %get3A_38 = vector.load %arg3[%get3A_36, %get3A_37] : memref<156x1xf32, #tpu.memory_space<vmem>>, vector<156x1xf32>
      %dot_general3A_39 = arith.constant dense<0.000000e+00> : vector<8192x1xf32>
      %dot_general3A_40 = tpu.matmul %exp3A, %get3A_38, %dot_general3A_39 {dimension_numbers = #tpu.dot_dimension_numbers<[1], [0], [0], [1], [0, 0, 1, 1], [], []>, transpose_lhs_hint = false} : vector<8192x156xf32>, vector<156x1xf32>, vector<8192x1xf32> -> vector<8192x1xf32>
      %div3A = arith.constant 1.000000e+00 : f32
      %div3A_41 = vector.broadcast %div3A : f32 to vector<8192x1xf32>
      %div3A_42 = arith.divf %div3A_41, %dot_general3A_40 : vector<8192x1xf32>
      %mul3A_43 = vector.broadcast %div3A_42 : vector<8192x1xf32> to vector<8192x156xf32>
      %mul3A_44 = arith.mulf %exp3A, %mul3A_43 : vector<8192x156xf32>
      %dot_general3A_45 = arith.constant dense<0.000000e+00> : vector<156x156xf32>
      %dot_general3A_46 = tpu.matmul %mul3A_44, %mul3A_44, %dot_general3A_45 {dimension_numbers = #tpu.dot_dimension_numbers<[0], [0], [1], [1], [0, 1, 1, 1], [], []>, transpose_lhs_hint = false} : vector<8192x156xf32>, vector<8192x156xf32>, vector<156x156xf32> -> vector<156x156xf32>
      %gt3A = arith.constant 5.000000e-01 : f32
      %gt3A_47 = vector.broadcast %gt3A : f32 to vector<8192x156xf32>
      %gt3A_48 = arith.cmpf ogt, %mul3A_44, %gt3A_47 : vector<8192x156xf32>
      %jit3A = arith.constant 1.000000e+00 : f32
      %jit3A_49 = arith.constant 0.000000e+00 : f32
      %broadcast_in_dim3A_50 = vector.broadcast %jit3A : f32 to vector<8192x156xf32>
      %broadcast_in_dim3A_51 = vector.broadcast %jit3A_49 : f32 to vector<8192x156xf32>
      %select_n3A = arith.select %gt3A_48, %broadcast_in_dim3A_50, %broadcast_in_dim3A_51 : vector<8192x156xi1>, vector<8192x156xf32>
      %get3A_52 = arith.constant 0 : index
      %get3A_53 = arith.constant 0 : index
      %get3A_54 = vector.load %arg2[%get3A_52, %get3A_53] : memref<2x156xf32, #tpu.memory_space<vmem>>, vector<2x156xf32>
      %dot_general3A_55 = arith.constant dense<0.000000e+00> : vector<2x8192xf32>
      %dot_general3A_56 = tpu.matmul %get3A_54, %select_n3A, %dot_general3A_55 {dimension_numbers = #tpu.dot_dimension_numbers<[1], [1], [0], [0], [0, 0, 1, 0], [], []>, transpose_lhs_hint = false} : vector<2x156xf32>, vector<8192x156xf32>, vector<2x8192xf32> -> vector<2x8192xf32>
      %slice3A_57 = vector.extract_strided_slice %dot_general3A_56 {offsets = [0, 0], sizes = [1, 8192], strides = [1, 1]} : vector<2x8192xf32> to vector<1x8192xf32>
      %slice3A_58 = vector.extract_strided_slice %dot_general3A_56 {offsets = [1, 0], sizes = [1, 8192], strides = [1, 1]} : vector<2x8192xf32> to vector<1x8192xf32>
      %sub3A = arith.constant 1.000000e+00 : f32
      %sub3A_59 = vector.broadcast %sub3A : f32 to vector<1x8192xf32>
      %sub3A_60 = arith.subf %sub3A_59, %slice3A_58 : vector<1x8192xf32>
      %mul3A_61 = arith.constant 1.560000e+02 : f32
      %mul3A_62 = vector.broadcast %mul3A_61 : f32 to vector<1x8192xf32>
      %mul3A_63 = arith.mulf %sub3A_60, %mul3A_62 : vector<1x8192xf32>
      %add3A = arith.addf %slice3A_57, %mul3A_63 : vector<1x8192xf32>
      %convert_element_type3A = arith.fptosi %add3A : vector<1x8192xf32> to vector<1x8192xi32>
      %reshape3A_64 = vector.shape_cast %convert_element_type3A : vector<1x8192xi32> to vector<1x1x8192xi32>
      %swap3A_65 = arith.index_cast %scan3A_10 : i32 to index
      %swap3A_66 = arith.constant 0 : index
      %swap3A_67 = arith.constant 0 : index
      %swap3A_68 = vector.load %arg4[%swap3A_65, %swap3A_66, %swap3A_67] : memref<32x1x8192xi32, #tpu.memory_space<vmem>>, vector<1x1x8192xi32>
      tpu.vector_store %arg4[%swap3A_65, %swap3A_66, %swap3A_67], %reshape3A_64 {strides = array<i32>} : memref<32x1x8192xi32, #tpu.memory_space<vmem>>, vector<1x1x8192xi32>,
      %add3A_69 = arith.addf %scan3A_11, %dot_general3A_46 : vector<156x156xf32>
      scf.yield %add3A_69 : vector<156x156xf32>
    }
    %scan3A_7 = arith.constant 32 : i32
    %swap3A = arith.constant 0 : index
    %swap3A_8 = arith.constant 0 : index
    %swap3A_9 = vector.load %arg5[%swap3A, %swap3A_8] : memref<156x156xf32, #tpu.memory_space<vmem>>, vector<156x156xf32>
    tpu.vector_store %arg5[%swap3A, %swap3A_8], %scan3A_6 {strides = array<i32>} : memref<156x156xf32, #tpu.memory_space<vmem>>, vector<156x156xf32>,
    return
  }
}

</mosaic_0001>

<sc_bundles>
// kernel: kernel.4.cloned.1.call-start
scs
__scs_entry_jumppad:
0x0: {  	(pc) =	sbr.rel $0x88, $3  }
0x1: {  	(tag) =	ssettag $0x0;
	lr =	simm.s32 $0x1  }
0x2: {  	[smem:$0x3F9E] =	sst lr;
	_ =	strace $0xD0000000  }
0x3: {  	_ = 	snop  }
0x4: {  	_ = 	snop  }
0x5: {  	_ = 	snop  }
0x6: {  	_ = 	snop  }
0x7: {  	_ = 	snop  }
__scs_overlays_trampoline_lowered:
0x8: {  	[smem:$0x3FAD] =	sst s0  }
0x9: {  	[smem:$0x3FAE] =	sst s1  }
0xa: {  	[smem:$0x3FAF] =	sst s2  }
0xb: {  	[smem:$0x3FB0] =	sst s3  }
0xc: {  	[smem:$0x3FB1] =	sst s4  }
0xd: {  	[smem:$0x3FB2] =	sst s5  }
0xe: {  	[smem:$0x3FB3] =	sst s6  }
0xf: {  	[smem:$0x3FB4] =	sst s7  }
0x10: {  	[smem:$0x3FB5] =	sst s8  }
0x11: {  	[smem:$0x3FB6] =	sst s9;
	s0 =	simm.s32 @!p0 $0x0  }
0x12: {  	s1 =	sld [smem:$0x3F9C];
	s0 =	simm.s32 @p0 $0x1  }
0x13: {  	[smem:$0x3FB7] =	sst s0;
	s0 =	simm.s32 @!p1 $0x0  }
0x14: {  	s2 =	sld [smem:$0x3F9B];
	s0 =	simm.s32 @p1 $0x1  }
0x15: {  	[smem:$0x3FB8] =	sst s0;
	s0 =	simm.s32 @!p2 $0x0  }
0x16: {  	s3 =	sld [smem:$0x3FDB];
	s0 =	simm.s32 @p2 $0x1  }
0x17: {  	s4 =	simm.s32 $0x1BF5;
	[smem:$0x3FBA] =	sst s0  }
0x18: {  	s0 =	sld [smem:$0x3F9D];
	_ =	swait.ge [sflag:s4], $0x0  }
0x19: {  	s7 =	sld [smem:$0x3F9E]  }
0x1a: {  	s8 =	sadd.s32 $0xFFFFE003, lr  }
0x1b: {  	s9 =	sadd.s32 $0xFFFFFEF7, lr;
	s5 =	simm.s32 $0xFFFFFFFF;
	p2 =	slt.u32 s8, $0xFFFFF086  }
0x1c: {  	p1 =	slt.u32 s9, $0xF7A;
	s5 =	simm.s32 @!p2 $0x0  }
0x1d: {  	s5 =	simm.s32 @p1 $0x1;
	p0 =	seq.s32 s7, s2  }
0x1e: {  	s7 =	smul.u32 @!p0 $0xF7A, s2;
	p2 =	seq.s32 @!p0 s5, $0x0  }
0x1f: {  	s9 =	smul.u32 $0xF7A, s1;
	s8 =	simm.s32 @!p0 $0x1BF5;
	p2 =	por !p2, p0  }
0x20: {  	[sflag:s8] =	ssyncset.s32 @!p0 $0xFFFFF086;
	s6 =	sadd.s32 @!p0 s3, s7;
	s7 =	simm.s32 @!p0 $0x108  }
0x21: {  	s3 =	sadd.s32 s3, s9;
	s6 =	sadd.s32 @!p0 $0x88, s6;
	s7 =	simm.s32 @p2 $0x1082  }
0x22: {  	[simem:s7], [sflag:s8] =	dma.local @!p0 [hbm:s6], $0xF7A  }
0x23: {  	s9 =	sor.u32 $0xD0000000, s2;
	s6 =	simm.s32 $0x108;
	_ =	swait.ge @!p0 [sflag:s8], $0x0  }
0x24: {  	s3 =	sadd.s32 $0x88, s3;
	s6 =	simm.s32 @!p1 $0x1082;
	[sflag:s4] =	ssyncset.s32 $0xFFFFF086  }
0x25: {  	[simem:s6], [sflag:s4] =	dma.local [hbm:s3], $0xF7A  }
0x26: {  	[smem:$0x3F9E] =	sst s1;
	(tag) =	ssettag s2;
	_ =	strace s9  }
0x27: {  	s1 =	sld [smem:$0x3FAE]  }
0x28: {  	s2 =	sld [smem:$0x3FAF]  }
0x29: {  	s4 =	sld [smem:$0x3FB1]  }
0x2a: {  	p0 =	seq.s32 s5, $0x0;
	s5 =	sld [smem:$0x3FB2]  }
0x2b: {  	s6 =	sld [smem:$0x3FB3]  }
0x2c: {  	s7 =	sld [smem:$0x3FB4]  }
0x2d: {  	s3 =	simm.s32 $0x108;
	s8 =	sld [smem:$0x3FB5]  }
0x2e: {  	s3 =	simm.s32 @!p0 $0x1082;
	s9 =	sld [smem:$0x3FB6]  }
0x2f: {  	lr =	sadd.s32 s0, s3;
	s0 =	sld [smem:$0x3FAD]  }
0x30: {  	s3 =	sld [smem:$0x3FB0]  }
0x31: {  	[smem:$0x3FB9] =	sst s10  }
0x32: {  	s10 =	sld [smem:$0x3FB7];
	_ =	sdelay $0x3  }
0x33: {  	p0 =	seq.s32 s10, $0x1;
	s10 =	sld [smem:$0x3FB9];
	_ =	sdelay $0x3  }
0x34: {  	[smem:$0x3FB9] =	sst s10  }
0x35: {  	s10 =	sld [smem:$0x3FB8];
	_ =	sdelay $0x3  }
0x36: {  	p1 =	seq.s32 s10, $0x1;
	s10 =	sld [smem:$0x3FB9];
	_ =	sdelay $0x3  }
0x37: {  	[smem:$0x3FB9] =	sst s10  }
0x38: {  	s10 =	sld [smem:$0x3FBA]  }
0x39: {  	_ = 	snop;
	(pc) =	sbr.ind lr, $3  }
0x3a: {  	_ = 	snop  }
0x3b: {  	_ = 	snop  }
0x3c: {  	p2 =	seq.s32 s10, $0x1;
	s10 =	sld [smem:$0x3FB9]  }
0x3d: {  	_ =	shalt  }
0x3e: {  	_ =	shalt  }
0x3f: {  	_ =	shalt  }
0x40: {  	_ =	shalt  }
0x41: {  	_ =	shalt  }
0x42: {  	_ =	shalt  }
0x43: {  	_ =	shalt  }
0x44: {  	_ =	shalt  }
0x45: {  	_ =	shalt  }
0x46: {  	_ =	shalt  }
0x47: {  	_ =	shalt  }
0x48: {  	_ =	shalt  }
0x49: {  	_ =	shalt  }
0x4a: {  	_ =	shalt  }
0x4b: {  	_ =	shalt  }
0x4c: {  	_ =	shalt  }
0x4d: {  	_ =	shalt  }
0x4e: {  	_ =	shalt  }
0x4f: {  	_ =	shalt  }
0x50: {  	_ =	shalt  }
0x51: {  	_ =	shalt  }
0x52: {  	_ =	shalt  }
0x53: {  	_ =	shalt  }
0x54: {  	_ =	shalt  }
0x55: {  	_ =	shalt  }
0x56: {  	_ =	shalt  }
0x57: {  	_ =	shalt  }
0x58: {  	_ =	shalt  }
0x59: {  	_ =	shalt  }
0x5a: {  	_ =	shalt  }
0x5b: {  	_ =	shalt  }
0x5c: {  	_ =	shalt  }
0x5d: {  	_ =	shalt  }
0x5e: {  	_ =	shalt  }
0x5f: {  	_ =	shalt  }
0x60: {  	_ =	shalt  }
0x61: {  	_ =	shalt  }
0x62: {  	_ =	shalt  }
0x63: {  	_ =	shalt  }
0x64: {  	_ =	shalt  }
0x65: {  	_ =	shalt  }
0x66: {  	_ =	shalt  }
0x67: {  	_ =	shalt  }
0x68: {  	_ =	shalt  }
0x69: {  	_ =	shalt  }
0x6a: {  	_ =	shalt  }
0x6b: {  	_ =	shalt  }
0x6c: {  	_ =	shalt  }
0x6d: {  	_ =	shalt  }
0x6e: {  	_ =	shalt  }
0x6f: {  	_ =	shalt  }
0x70: {  	_ =	shalt  }
0x71: {  	_ =	shalt  }
0x72: {  	_ =	shalt  }
0x73: {  	_ =	shalt  }
0x74: {  	_ =	shalt  }
0x75: {  	_ =	shalt  }
0x76: {  	_ =	shalt  }
0x77: {  	_ =	shalt  }
0x78: {  	_ =	shalt  }
0x79: {  	_ =	shalt  }
0x7a: {  	_ =	shalt  }
0x7b: {  	_ =	shalt  }
0x7c: {  	_ =	shalt  }
0x7d: {  	_ =	shalt  }
0x7e: {  	_ =	shalt  }
0x7f: {  	_ =	shalt  }
0x80: {  	_ =	shalt  }
0x81: {  	_ =	shalt  }
0x82: {  	_ =	shalt  }
0x83: {  	_ =	shalt  }
0x84: {  	_ =	shalt  }
0x85: {  	_ =	shalt  }
0x86: {  	_ =	shalt  }
0x87: {  	_ =	shalt  }
.Lfunc_end0:
.L_simem_size_0:
called_computation_lowered:
.L_overlay_start_0:
0x88: {  	s2 =	sld [smem:$0x3FD9]  }
0x89: {  	s3 =	sld [smem:$0x3FFE];
	_ =	sdelay $0x1  }
0x8a: {  	s1 =	srdreg.scid  }
0x8b: {  	s0 =	sand.u32 $0x1, s1  }
0x8c: {  	s16 =	sshll.u32 s0, $0xA;
	s2 =	sadd.s32 s3, s2  }
0x8d: {  	s2 =	sadd.s32 s2, s16  }
0x8e: {  	[smem:$0x3FC5] =	sst s2  }
0x8f: {  	_ = 	snop  }
0x90: {  	(tm) =	ssettm $0x1  }
0x91: {  	s17 =	sld [smem:$0x3FFB];
	_ =	sdelay $0x3  }
0x92: {  	_ =	strace s17  }
0x93: {  	s2 =	sld [smem:$0x3FFC];
	_ =	sdelay $0x3  }
0x94: {  	_ =	strace s2  }
0x95: {  	s2 =	sld [smem:$0x3FFD];
	_ =	sdelay $0x3  }
0x96: {  	_ =	strace s2  }
0x97: {  	_ =	strace $0x8FFFFFFF  }
0x98: {  	s18 =	sld [smem:$0x3FDB];
	_ =	sdelay $0x1  }
0x99: {  	s19 =	simm.s32 $_scs_section_size  }
0x9a: {  	s4 =	simm.s32 $_size__tile_overlayer_lowered;
	s5 =	simm.s32 $_tile_overlayer_lowered  }
0x9b: {  	s22 =	simm.s32 $0x1BFF;
	s21 =	sshll.u32 s5, $0x1;
	s2 =	sadd.s32 s19, s18  }
0x9c: {  	s6 =	simm.s32 $0x0;
	s20 =	sshll.u32 s4, $0x1;
	s4 =	sadd.s32 s21, s2  }
0x9d: {  	[timem:s6], [sflag:s22] =	dma.local [hbm:s4], s20  }
0x9e: {  	_ =	swait.ge [sflag:s22], s20  }
0x9f: {  	s3 =	ssub.s32 $0x0, s20;
	[sflag:s22] =	ssyncset.done $0x0  }
0xa0: {  	[sflag:s22] =	ssyncadd.s32 s3;
	_ =	sdelay $0x1  }
0xa1: {  	s23 =	simm.s32 $0x1B8B  }
0xa2: {  	_ =	swait.ge [sflag:s23], $0x1  }
0xa3: {  	[sflag:s23] =	ssyncset.done $0x0  }
0xa4: {  	s25 =	simm.s32 $0x1B8E;
	s24 =	sld [smem:$0x3FFE];
	[sflag:s23] =	ssyncadd.s32 $0xFFFFFFFF  }
0xa5: {  	s26 =	simm.s32 $execute0_lowered;
	[smem:$0x3FD2] =	sst s25  }
0xa6: {  	s4 =	sshll.u32 s26, $0x1;
	_ =	strace $0x80000046;
	[dreg:$0x1] =	wrdreg $0xFFFFFFFF  }
0xa7: {  	s28 =	simm.s32 $_size_execute0_lowered;
	s2 =	sadd.s32 s2, s4;
	[dreg:$0x0] =	wrdreg $0x0  }
0xa8: {  	s4 =	sshll.u32 s28, $0x1;
	[dreg:$0x2] =	wrdreg s2  }
0xa9: {  	[dreg:$0x3] =	wrdreg s4  }
0xaa: {  	[dreg:$0x4] =	wrdreg $0xC0  }
0xab: {  	_ =	task [dreg:s6], $0x5FFFF  }
0xac: {  	[dreg:$0x1] =	wrdreg $0xFFFFFFFF  }
0xad: {  	[dreg:$0x0] =	wrdreg $0x60  }
0xae: {  	[dreg:$0x2] =	wrdreg s24  }
0xaf: {  	[dreg:$0x3] =	wrdreg $0x9  }
0xb0: {  	_ =	task.clear_ibuf [dreg:s6], $0x4FFFF;
	_ =	strace $0x90000046  }
0xb1: {  	s29 =	simm.s32 $0x9;
	_ =	strace $0x80000048  }
0xb2: {  	_ =	swait.ge [sflag:s29], $0x1  }
0xb3: {  	[sflag:s29] =	ssyncadd.s32 $0xFFFFFFFF  }
0xb4: {  	_ =	strace $0x90000048  }
0xb5: {  	_ =	sfence  }
0xb6: {  	s30 =	sld [smem:$0x0];
	_ =	sdelay $0x2  }
0xb7: {  	s31 =	sshll.u32 s1, $0xD;
	s1 =	sshrl.u32 s1, $0x2  }
0xb8: {  	s3 =	sand.u32 $0x4000, s31;
	s1 =	sadd.s32 s1, s30  }
0xb9: {  	s0 =	sor.u32 s3, s0;
	s1 =	sshll.u32 s1, $0x11  }
0xba: {  	s0 =	sor.u32 s1, s0  }
0xbb: {  	s0 =	sadd.s32 $0x8F2B, s0  }
0xbc: {  	[sflag:s0] =	ssyncadd.remote.s32 $0x1  }
0xbd: {  	_ =	sfence.sel $0xFFFF  }
0xbe: {  	[dreg:$0x0] =	wrdreg $0xFFFFFFFF;
	(pc) =	sbr.abs _section_cstart, $3  }
0xbf: {  	[dreg:$0x1] =	wrdreg $0xFFFFFFFF  }
0xc0: {  	_ =	task.clear_ibuf [dreg:s6], $0x2FFFF;
	_ =	strace $0x9FFFFFFF  }
0xc1: {  	(tm) =	ssettm $0x7FFFFFFF  }
tec
execute0_lowered:
.L_overlay_start_1:
0x0: {  	(tag) =	ssettag $0x1  }
0x1: {  	s1 =	srdreg.scid  }
0x2: {  	s0 =	stileid.u32;
	s3 =	rddreg [dreg:$0x0];
	s2 =	simm.s32 $0x0  }
0x3: {  	s10 =	simm.s32 $0x2000;
	s11 =	simm.s32 $0x4000;
	s12 =	simm.s32 $0x1  }
0x4: {  	s13 =	simm.s32 $0x400;
	s14 =	simm.s32 $0x7E00;
	s15 =	simm.s32 $0x2  }
0x5: {  	s16 =	simm.s32 $0x0;
	s4 =	sand.u32 $0x1, s1;
	s1 =	rddreg [dreg:$0x1]  }
0x6: {  	s5 =	sshll.u32 s0, $0x1;
	[smem:$0x7FF] =	sst s2;
	s8 =	sshll.u32 s0, $0x7  }
0x7: {  	s5 =	sor.u32 s4, s5;
	_ =	strace $0x80000047;
	s4 =	ssub.s32 $0x2, s4  }
0x8: {  	s8 =	sand.u32 $0x600, s8;
	s6 =	sshll.u32 s5, $0xA;
	s7 =	sshll.u32 s5, $0xB  }
0x9: {  	s9 =	sshrl.u32 s4, $0x1;
	s5 =	sshll.u32 s5, $0x4;
	s8 =	sadd.s32 s8, s3  }
0xa: {  	s6 =	sadd.s32 s6, s3;
	s7 =	sadd.s32 s7, s3;
	s9 =	ssub.s32 s4, s9  }
0xb: {  	s5 =	sand.u32 $0x70, s5;
	s3 =	sadd.s32 $0x10C00, s6;
	s4 =	sadd.s32 $0xC00, s7  }
0xc: {  	s31 =	sadd.s32 s5, s8;
	s5 =	sadd.s32 $0xC10, s7;
	s7 =	smax.u32 s9, $0x1  }
0xd: {  	v0 =	vimm.f32 $0.0e+00;
	s8 =	simm.s32 $0x80;
	s9 =	simm.s32 $0x100;
	s6 =	sadd.s32 $0x18C00, s31  }
.LBB2_1:
0xe: {  	[tilespmem:s2], [sflag:$0x1] =	stream.linear.gather [hbm4b:s3+s2], $0x2000, $0x38;
	[tilespmem:$0x8000] =	vst v63  }
0xf: {  	_ = 	snop  }
0x10: {  	[tilespmem:s10], [sflag:$0x1] =	stream.strided.gather [hbm4b:s4+s8], $0x2000, s9, s8, $0x38;
	[tilespmem:$0x8000] =	vst v63  }
0x11: {  	_ = 	snop  }
0x12: {  	[tilespmem:s11], [sflag:$0x1] =	stream.strided.gather [hbm4b:s5+s8], $0x2000, s9, s8, $0x38;
	[tilespmem:$0x8000] =	vst v63  }
0x13: {  	[tilespmem:$0x6000] =	vst v0  }
0x14: {  	[tilespmem:$0x6A00] =	vst v0  }
0x15: {  	[tilespmem:$0x7400] =	vst v0  }
0x16: {  	[tilespmem:$0x6010] =	vst v0  }
0x17: {  	[tilespmem:$0x6A10] =	vst v0  }
0x18: {  	[tilespmem:$0x7410] =	vst v0  }
0x19: {  	[tilespmem:$0x6020] =	vst v0  }
0x1a: {  	[tilespmem:$0x6A20] =	vst v0  }
0x1b: {  	[tilespmem:$0x7420] =	vst v0  }
0x1c: {  	[tilespmem:$0x6030] =	vst v0  }
0x1d: {  	[tilespmem:$0x6A30] =	vst v0  }
0x1e: {  	[tilespmem:$0x7430] =	vst v0  }
0x1f: {  	[tilespmem:$0x6040] =	vst v0  }
0x20: {  	[tilespmem:$0x6A40] =	vst v0  }
0x21: {  	[tilespmem:$0x7440] =	vst v0  }
0x22: {  	[tilespmem:$0x6050] =	vst v0  }
0x23: {  	[tilespmem:$0x6A50] =	vst v0  }
0x24: {  	[tilespmem:$0x7450] =	vst v0  }
0x25: {  	[tilespmem:$0x6060] =	vst v0  }
0x26: {  	[tilespmem:$0x6A60] =	vst v0  }
0x27: {  	[tilespmem:$0x7460] =	vst v0  }
0x28: {  	[tilespmem:$0x6070] =	vst v0  }
0x29: {  	[tilespmem:$0x6A70] =	vst v0  }
0x2a: {  	[tilespmem:$0x7470] =	vst v0  }
0x2b: {  	[tilespmem:$0x6080] =	vst v0  }
0x2c: {  	[tilespmem:$0x6A80] =	vst v0  }
0x2d: {  	[tilespmem:$0x7480] =	vst v0  }
0x2e: {  	[tilespmem:$0x6090] =	vst v0  }
0x2f: {  	[tilespmem:$0x6A90] =	vst v0  }
0x30: {  	[tilespmem:$0x7490] =	vst v0  }
0x31: {  	[tilespmem:$0x60A0] =	vst v0  }
0x32: {  	[tilespmem:$0x6AA0] =	vst v0  }
0x33: {  	[tilespmem:$0x74A0] =	vst v0  }
0x34: {  	[tilespmem:$0x60B0] =	vst v0  }
0x35: {  	[tilespmem:$0x6AB0] =	vst v0  }
0x36: {  	[tilespmem:$0x74B0] =	vst v0  }
0x37: {  	[tilespmem:$0x60C0] =	vst v0  }
0x38: {  	[tilespmem:$0x6AC0] =	vst v0  }
0x39: {  	[tilespmem:$0x74C0] =	vst v0  }
0x3a: {  	[tilespmem:$0x60D0] =	vst v0  }
0x3b: {  	[tilespmem:$0x6AD0] =	vst v0  }
0x3c: {  	[tilespmem:$0x74D0] =	vst v0  }
0x3d: {  	[tilespmem:$0x60E0] =	vst v0  }
0x3e: {  	[tilespmem:$0x6AE0] =	vst v0  }
0x3f: {  	[tilespmem:$0x74E0] =	vst v0  }
0x40: {  	[tilespmem:$0x60F0] =	vst v0  }
0x41: {  	[tilespmem:$0x6AF0] =	vst v0  }
0x42: {  	[tilespmem:$0x74F0] =	vst v0  }
0x43: {  	[tilespmem:$0x6100] =	vst v0  }
0x44: {  	[tilespmem:$0x6B00] =	vst v0  }
0x45: {  	[tilespmem:$0x7500] =	vst v0  }
0x46: {  	[tilespmem:$0x6110] =	vst v0  }
0x47: {  	[tilespmem:$0x6B10] =	vst v0  }
0x48: {  	[tilespmem:$0x7510] =	vst v0  }
0x49: {  	[tilespmem:$0x6120] =	vst v0  }
0x4a: {  	[tilespmem:$0x6B20] =	vst v0  }
0x4b: {  	[tilespmem:$0x7520] =	vst v0  }
0x4c: {  	[tilespmem:$0x6130] =	vst v0  }
0x4d: {  	[tilespmem:$0x6B30] =	vst v0  }
0x4e: {  	[tilespmem:$0x7530] =	vst v0  }
0x4f: {  	[tilespmem:$0x6140] =	vst v0  }
0x50: {  	[tilespmem:$0x6B40] =	vst v0  }
0x51: {  	[tilespmem:$0x7540] =	vst v0  }
0x52: {  	[tilespmem:$0x6150] =	vst v0  }
0x53: {  	[tilespmem:$0x6B50] =	vst v0  }
0x54: {  	[tilespmem:$0x7550] =	vst v0  }
0x55: {  	[tilespmem:$0x6160] =	vst v0  }
0x56: {  	[tilespmem:$0x6B60] =	vst v0  }
0x57: {  	[tilespmem:$0x7560] =	vst v0  }
0x58: {  	[tilespmem:$0x6170] =	vst v0  }
0x59: {  	[tilespmem:$0x6B70] =	vst v0  }
0x5a: {  	[tilespmem:$0x7570] =	vst v0  }
0x5b: {  	[tilespmem:$0x6180] =	vst v0  }
0x5c: {  	[tilespmem:$0x6B80] =	vst v0  }
0x5d: {  	[tilespmem:$0x7580] =	vst v0  }
0x5e: {  	[tilespmem:$0x6190] =	vst v0  }
0x5f: {  	[tilespmem:$0x6B90] =	vst v0  }
0x60: {  	[tilespmem:$0x7590] =	vst v0  }
0x61: {  	[tilespmem:$0x61A0] =	vst v0  }
0x62: {  	[tilespmem:$0x6BA0] =	vst v0  }
0x63: {  	[tilespmem:$0x75A0] =	vst v0  }
0x64: {  	[tilespmem:$0x61B0] =	vst v0  }
0x65: {  	[tilespmem:$0x6BB0] =	vst v0  }
0x66: {  	[tilespmem:$0x75B0] =	vst v0  }
0x67: {  	[tilespmem:$0x61C0] =	vst v0  }
0x68: {  	[tilespmem:$0x6BC0] =	vst v0  }
0x69: {  	[tilespmem:$0x75C0] =	vst v0  }
0x6a: {  	[tilespmem:$0x61D0] =	vst v0  }
0x6b: {  	[tilespmem:$0x6BD0] =	vst v0  }
0x6c: {  	[tilespmem:$0x75D0] =	vst v0  }
0x6d: {  	[tilespmem:$0x61E0] =	vst v0  }
0x6e: {  	[tilespmem:$0x6BE0] =	vst v0  }
0x6f: {  	[tilespmem:$0x75E0] =	vst v0  }
0x70: {  	[tilespmem:$0x61F0] =	vst v0  }
0x71: {  	[tilespmem:$0x6BF0] =	vst v0  }
0x72: {  	[tilespmem:$0x75F0] =	vst v0  }
0x73: {  	[tilespmem:$0x6200] =	vst v0  }
0x74: {  	[tilespmem:$0x6C00] =	vst v0  }
0x75: {  	[tilespmem:$0x7600] =	vst v0  }
0x76: {  	[tilespmem:$0x6210] =	vst v0  }
0x77: {  	[tilespmem:$0x6C10] =	vst v0  }
0x78: {  	[tilespmem:$0x7610] =	vst v0  }
0x79: {  	[tilespmem:$0x6220] =	vst v0  }
0x7a: {  	[tilespmem:$0x6C20] =	vst v0  }
0x7b: {  	[tilespmem:$0x7620] =	vst v0  }
0x7c: {  	[tilespmem:$0x6230] =	vst v0  }
0x7d: {  	[tilespmem:$0x6C30] =	vst v0  }
0x7e: {  	[tilespmem:$0x7630] =	vst v0  }
0x7f: {  	[tilespmem:$0x6240] =	vst v0  }
0x80: {  	[tilespmem:$0x6C40] =	vst v0  }
0x81: {  	[tilespmem:$0x7640] =	vst v0  }
0x82: {  	[tilespmem:$0x6250] =	vst v0  }
0x83: {  	[tilespmem:$0x6C50] =	vst v0  }
0x84: {  	[tilespmem:$0x7650] =	vst v0  }
0x85: {  	[tilespmem:$0x6260] =	vst v0  }
0x86: {  	[tilespmem:$0x6C60] =	vst v0  }
0x87: {  	[tilespmem:$0x7660] =	vst v0  }
0x88: {  	[tilespmem:$0x6270] =	vst v0  }
0x89: {  	[tilespmem:$0x6C70] =	vst v0  }
0x8a: {  	[tilespmem:$0x7670] =	vst v0  }
0x8b: {  	[tilespmem:$0x6280] =	vst v0  }
0x8c: {  	[tilespmem:$0x6C80] =	vst v0  }
0x8d: {  	[tilespmem:$0x7680] =	vst v0  }
0x8e: {  	[tilespmem:$0x6290] =	vst v0  }
0x8f: {  	[tilespmem:$0x6C90] =	vst v0  }
0x90: {  	[tilespmem:$0x7690] =	vst v0  }
0x91: {  	[tilespmem:$0x62A0] =	vst v0  }
0x92: {  	[tilespmem:$0x6CA0] =	vst v0  }
0x93: {  	[tilespmem:$0x76A0] =	vst v0  }
0x94: {  	[tilespmem:$0x62B0] =	vst v0  }
0x95: {  	[tilespmem:$0x6CB0] =	vst v0  }
0x96: {  	[tilespmem:$0x76B0] =	vst v0  }
0x97: {  	[tilespmem:$0x62C0] =	vst v0  }
0x98: {  	[tilespmem:$0x6CC0] =	vst v0  }
0x99: {  	[tilespmem:$0x76C0] =	vst v0  }
0x9a: {  	[tilespmem:$0x62D0] =	vst v0  }
0x9b: {  	[tilespmem:$0x6CD0] =	vst v0  }
0x9c: {  	[tilespmem:$0x76D0] =	vst v0  }
0x9d: {  	[tilespmem:$0x62E0] =	vst v0  }
0x9e: {  	[tilespmem:$0x6CE0] =	vst v0  }
0x9f: {  	[tilespmem:$0x76E0] =	vst v0  }
0xa0: {  	[tilespmem:$0x62F0] =	vst v0  }
0xa1: {  	[tilespmem:$0x6CF0] =	vst v0  }
0xa2: {  	[tilespmem:$0x76F0] =	vst v0  }
0xa3: {  	[tilespmem:$0x6300] =	vst v0  }
0xa4: {  	[tilespmem:$0x6D00] =	vst v0  }
0xa5: {  	[tilespmem:$0x7700] =	vst v0  }
0xa6: {  	[tilespmem:$0x6310] =	vst v0  }
0xa7: {  	[tilespmem:$0x6D10] =	vst v0  }
0xa8: {  	[tilespmem:$0x7710] =	vst v0  }
0xa9: {  	[tilespmem:$0x6320] =	vst v0  }
0xaa: {  	[tilespmem:$0x6D20] =	vst v0  }
0xab: {  	[tilespmem:$0x7720] =	vst v0  }
0xac: {  	[tilespmem:$0x6330] =	vst v0  }
0xad: {  	[tilespmem:$0x6D30] =	vst v0  }
0xae: {  	[tilespmem:$0x7730] =	vst v0  }
0xaf: {  	[tilespmem:$0x6340] =	vst v0  }
0xb0: {  	[tilespmem:$0x6D40] =	vst v0  }
0xb1: {  	[tilespmem:$0x7740] =	vst v0  }
0xb2: {  	[tilespmem:$0x6350] =	vst v0  }
0xb3: {  	[tilespmem:$0x6D50] =	vst v0  }
0xb4: {  	[tilespmem:$0x7750] =	vst v0  }
0xb5: {  	[tilespmem:$0x6360] =	vst v0  }
0xb6: {  	[tilespmem:$0x6D60] =	vst v0  }
0xb7: {  	[tilespmem:$0x7760] =	vst v0  }
0xb8: {  	[tilespmem:$0x6370] =	vst v0  }
0xb9: {  	[tilespmem:$0x6D70] =	vst v0  }
0xba: {  	[tilespmem:$0x7770] =	vst v0  }
0xbb: {  	[tilespmem:$0x6380] =	vst v0  }
0xbc: {  	[tilespmem:$0x6D80] =	vst v0  }
0xbd: {  	[tilespmem:$0x7780] =	vst v0  }
0xbe: {  	[tilespmem:$0x6390] =	vst v0  }
0xbf: {  	[tilespmem:$0x6D90] =	vst v0  }
0xc0: {  	[tilespmem:$0x7790] =	vst v0  }
0xc1: {  	[tilespmem:$0x63A0] =	vst v0  }
0xc2: {  	[tilespmem:$0x6DA0] =	vst v0  }
0xc3: {  	[tilespmem:$0x77A0] =	vst v0  }
0xc4: {  	[tilespmem:$0x63B0] =	vst v0  }
0xc5: {  	[tilespmem:$0x6DB0] =	vst v0  }
0xc6: {  	[tilespmem:$0x77B0] =	vst v0  }
0xc7: {  	[tilespmem:$0x63C0] =	vst v0  }
0xc8: {  	[tilespmem:$0x6DC0] =	vst v0  }
0xc9: {  	[tilespmem:$0x77C0] =	vst v0  }
0xca: {  	[tilespmem:$0x63D0] =	vst v0  }
0xcb: {  	[tilespmem:$0x6DD0] =	vst v0  }
0xcc: {  	[tilespmem:$0x77D0] =	vst v0  }
0xcd: {  	[tilespmem:$0x63E0] =	vst v0  }
0xce: {  	[tilespmem:$0x6DE0] =	vst v0  }
0xcf: {  	[tilespmem:$0x77E0] =	vst v0  }
0xd0: {  	[tilespmem:$0x63F0] =	vst v0  }
0xd1: {  	[tilespmem:$0x6DF0] =	vst v0  }
0xd2: {  	[tilespmem:$0x77F0] =	vst v0  }
0xd3: {  	[tilespmem:$0x6400] =	vst v0  }
0xd4: {  	[tilespmem:$0x6E00] =	vst v0  }
0xd5: {  	[tilespmem:$0x7800] =	vst v0  }
0xd6: {  	[tilespmem:$0x6410] =	vst v0  }
0xd7: {  	[tilespmem:$0x6E10] =	vst v0  }
0xd8: {  	[tilespmem:$0x7810] =	vst v0  }
0xd9: {  	[tilespmem:$0x6420] =	vst v0  }
0xda: {  	[tilespmem:$0x6E20] =	vst v0  }
0xdb: {  	[tilespmem:$0x7820] =	vst v0  }
0xdc: {  	[tilespmem:$0x6430] =	vst v0  }
0xdd: {  	[tilespmem:$0x6E30] =	vst v0  }
0xde: {  	[tilespmem:$0x7830] =	vst v0  }
0xdf: {  	[tilespmem:$0x6440] =	vst v0  }
0xe0: {  	[tilespmem:$0x6E40] =	vst v0  }
0xe1: {  	[tilespmem:$0x7840] =	vst v0  }
0xe2: {  	[tilespmem:$0x6450] =	vst v0  }
0xe3: {  	[tilespmem:$0x6E50] =	vst v0  }
0xe4: {  	[tilespmem:$0x7850] =	vst v0  }
0xe5: {  	[tilespmem:$0x6460] =	vst v0  }
0xe6: {  	[tilespmem:$0x6E60] =	vst v0  }
0xe7: {  	[tilespmem:$0x7860] =	vst v0  }
0xe8: {  	[tilespmem:$0x6470] =	vst v0  }
0xe9: {  	[tilespmem:$0x6E70] =	vst v0  }
0xea: {  	[tilespmem:$0x7870] =	vst v0  }
0xeb: {  	[tilespmem:$0x6480] =	vst v0  }
0xec: {  	[tilespmem:$0x6E80] =	vst v0  }
0xed: {  	[tilespmem:$0x7880] =	vst v0  }
0xee: {  	[tilespmem:$0x6490] =	vst v0  }
0xef: {  	[tilespmem:$0x6E90] =	vst v0  }
0xf0: {  	[tilespmem:$0x7890] =	vst v0  }
0xf1: {  	[tilespmem:$0x64A0] =	vst v0  }
0xf2: {  	[tilespmem:$0x6EA0] =	vst v0  }
0xf3: {  	[tilespmem:$0x78A0] =	vst v0  }
0xf4: {  	[tilespmem:$0x64B0] =	vst v0  }
0xf5: {  	[tilespmem:$0x6EB0] =	vst v0  }
0xf6: {  	[tilespmem:$0x78B0] =	vst v0  }
0xf7: {  	[tilespmem:$0x64C0] =	vst v0  }
0xf8: {  	[tilespmem:$0x6EC0] =	vst v0  }
0xf9: {  	[tilespmem:$0x78C0] =	vst v0  }
0xfa: {  	[tilespmem:$0x64D0] =	vst v0  }
0xfb: {  	[tilespmem:$0x6ED0] =	vst v0  }
0xfc: {  	[tilespmem:$0x78D0] =	vst v0  }
0xfd: {  	[tilespmem:$0x64E0] =	vst v0  }
0xfe: {  	[tilespmem:$0x6EE0] =	vst v0  }
0xff: {  	[tilespmem:$0x78E0] =	vst v0  }
0x100: {  	[tilespmem:$0x64F0] =	vst v0  }
0x101: {  	[tilespmem:$0x6EF0] =	vst v0  }
0x102: {  	[tilespmem:$0x78F0] =	vst v0  }
0x103: {  	[tilespmem:$0x6500] =	vst v0  }
0x104: {  	[tilespmem:$0x6F00] =	vst v0  }
0x105: {  	[tilespmem:$0x7900] =	vst v0  }
0x106: {  	[tilespmem:$0x6510] =	vst v0  }
0x107: {  	[tilespmem:$0x6F10] =	vst v0  }
0x108: {  	[tilespmem:$0x7910] =	vst v0  }
0x109: {  	[tilespmem:$0x6520] =	vst v0  }
0x10a: {  	[tilespmem:$0x6F20] =	vst v0  }
0x10b: {  	[tilespmem:$0x7920] =	vst v0  }
0x10c: {  	[tilespmem:$0x6530] =	vst v0  }
0x10d: {  	[tilespmem:$0x6F30] =	vst v0  }
0x10e: {  	[tilespmem:$0x7930] =	vst v0  }
0x10f: {  	[tilespmem:$0x6540] =	vst v0  }
0x110: {  	[tilespmem:$0x6F40] =	vst v0  }
0x111: {  	[tilespmem:$0x7940] =	vst v0  }
0x112: {  	[tilespmem:$0x6550] =	vst v0  }
0x113: {  	[tilespmem:$0x6F50] =	vst v0  }
0x114: {  	[tilespmem:$0x7950] =	vst v0  }
0x115: {  	[tilespmem:$0x6560] =	vst v0  }
0x116: {  	[tilespmem:$0x6F60] =	vst v0  }
0x117: {  	[tilespmem:$0x7960] =	vst v0  }
0x118: {  	[tilespmem:$0x6570] =	vst v0  }
0x119: {  	[tilespmem:$0x6F70] =	vst v0  }
0x11a: {  	[tilespmem:$0x7970] =	vst v0  }
0x11b: {  	[tilespmem:$0x6580] =	vst v0  }
0x11c: {  	[tilespmem:$0x6F80] =	vst v0  }
0x11d: {  	[tilespmem:$0x7980] =	vst v0  }
0x11e: {  	[tilespmem:$0x6590] =	vst v0  }
0x11f: {  	[tilespmem:$0x6F90] =	vst v0  }
0x120: {  	[tilespmem:$0x7990] =	vst v0  }
0x121: {  	[tilespmem:$0x65A0] =	vst v0  }
0x122: {  	[tilespmem:$0x6FA0] =	vst v0  }
0x123: {  	[tilespmem:$0x79A0] =	vst v0  }
0x124: {  	[tilespmem:$0x65B0] =	vst v0  }
0x125: {  	[tilespmem:$0x6FB0] =	vst v0  }
0x126: {  	[tilespmem:$0x79B0] =	vst v0  }
0x127: {  	[tilespmem:$0x65C0] =	vst v0  }
0x128: {  	[tilespmem:$0x6FC0] =	vst v0  }
0x129: {  	[tilespmem:$0x79C0] =	vst v0  }
0x12a: {  	[tilespmem:$0x65D0] =	vst v0  }
0x12b: {  	[tilespmem:$0x6FD0] =	vst v0  }
0x12c: {  	[tilespmem:$0x79D0] =	vst v0  }
0x12d: {  	[tilespmem:$0x65E0] =	vst v0  }
0x12e: {  	[tilespmem:$0x6FE0] =	vst v0  }
0x12f: {  	[tilespmem:$0x79E0] =	vst v0  }
0x130: {  	[tilespmem:$0x65F0] =	vst v0  }
0x131: {  	[tilespmem:$0x6FF0] =	vst v0  }
0x132: {  	[tilespmem:$0x79F0] =	vst v0  }
0x133: {  	[tilespmem:$0x6600] =	vst v0  }
0x134: {  	[tilespmem:$0x7000] =	vst v0  }
0x135: {  	[tilespmem:$0x7A00] =	vst v0  }
0x136: {  	[tilespmem:$0x6610] =	vst v0  }
0x137: {  	[tilespmem:$0x7010] =	vst v0  }
0x138: {  	[tilespmem:$0x7A10] =	vst v0  }
0x139: {  	[tilespmem:$0x6620] =	vst v0  }
0x13a: {  	[tilespmem:$0x7020] =	vst v0  }
0x13b: {  	[tilespmem:$0x7A20] =	vst v0  }
0x13c: {  	[tilespmem:$0x6630] =	vst v0  }
0x13d: {  	[tilespmem:$0x7030] =	vst v0  }
0x13e: {  	[tilespmem:$0x7A30] =	vst v0  }
0x13f: {  	[tilespmem:$0x6640] =	vst v0  }
0x140: {  	[tilespmem:$0x7040] =	vst v0  }
0x141: {  	[tilespmem:$0x7A40] =	vst v0  }
0x142: {  	[tilespmem:$0x6650] =	vst v0  }
0x143: {  	[tilespmem:$0x7050] =	vst v0  }
0x144: {  	[tilespmem:$0x7A50] =	vst v0  }
0x145: {  	[tilespmem:$0x6660] =	vst v0  }
0x146: {  	[tilespmem:$0x7060] =	vst v0  }
0x147: {  	[tilespmem:$0x7A60] =	vst v0  }
0x148: {  	[tilespmem:$0x6670] =	vst v0  }
0x149: {  	[tilespmem:$0x7070] =	vst v0  }
0x14a: {  	[tilespmem:$0x7A70] =	vst v0  }
0x14b: {  	[tilespmem:$0x6680] =	vst v0  }
0x14c: {  	[tilespmem:$0x7080] =	vst v0  }
0x14d: {  	[tilespmem:$0x7A80] =	vst v0  }
0x14e: {  	[tilespmem:$0x6690] =	vst v0  }
0x14f: {  	[tilespmem:$0x7090] =	vst v0  }
0x150: {  	[tilespmem:$0x7A90] =	vst v0  }
0x151: {  	[tilespmem:$0x66A0] =	vst v0  }
0x152: {  	[tilespmem:$0x70A0] =	vst v0  }
0x153: {  	[tilespmem:$0x7AA0] =	vst v0  }
0x154: {  	[tilespmem:$0x66B0] =	vst v0  }
0x155: {  	[tilespmem:$0x70B0] =	vst v0  }
0x156: {  	[tilespmem:$0x7AB0] =	vst v0  }
0x157: {  	[tilespmem:$0x66C0] =	vst v0  }
0x158: {  	[tilespmem:$0x70C0] =	vst v0  }
0x159: {  	[tilespmem:$0x7AC0] =	vst v0  }
0x15a: {  	[tilespmem:$0x66D0] =	vst v0  }
0x15b: {  	[tilespmem:$0x70D0] =	vst v0  }
0x15c: {  	[tilespmem:$0x7AD0] =	vst v0  }
0x15d: {  	[tilespmem:$0x66E0] =	vst v0  }
0x15e: {  	[tilespmem:$0x70E0] =	vst v0  }
0x15f: {  	[tilespmem:$0x7AE0] =	vst v0  }
0x160: {  	[tilespmem:$0x66F0] =	vst v0  }
0x161: {  	[tilespmem:$0x70F0] =	vst v0  }
0x162: {  	[tilespmem:$0x7AF0] =	vst v0  }
0x163: {  	[tilespmem:$0x6700] =	vst v0  }
0x164: {  	[tilespmem:$0x7100] =	vst v0  }
0x165: {  	[tilespmem:$0x7B00] =	vst v0  }
0x166: {  	[tilespmem:$0x6710] =	vst v0  }
0x167: {  	[tilespmem:$0x7110] =	vst v0  }
0x168: {  	[tilespmem:$0x7B10] =	vst v0  }
0x169: {  	[tilespmem:$0x6720] =	vst v0  }
0x16a: {  	[tilespmem:$0x7120] =	vst v0  }
0x16b: {  	[tilespmem:$0x7B20] =	vst v0  }
0x16c: {  	[tilespmem:$0x6730] =	vst v0  }
0x16d: {  	[tilespmem:$0x7130] =	vst v0  }
0x16e: {  	[tilespmem:$0x7B30] =	vst v0  }
0x16f: {  	[tilespmem:$0x6740] =	vst v0  }
0x170: {  	[tilespmem:$0x7140] =	vst v0  }
0x171: {  	[tilespmem:$0x7B40] =	vst v0  }
0x172: {  	[tilespmem:$0x6750] =	vst v0  }
0x173: {  	[tilespmem:$0x7150] =	vst v0  }
0x174: {  	[tilespmem:$0x7B50] =	vst v0  }
0x175: {  	[tilespmem:$0x6760] =	vst v0  }
0x176: {  	[tilespmem:$0x7160] =	vst v0  }
0x177: {  	[tilespmem:$0x7B60] =	vst v0  }
0x178: {  	[tilespmem:$0x6770] =	vst v0  }
0x179: {  	[tilespmem:$0x7170] =	vst v0  }
0x17a: {  	[tilespmem:$0x7B70] =	vst v0  }
0x17b: {  	[tilespmem:$0x6780] =	vst v0  }
0x17c: {  	[tilespmem:$0x7180] =	vst v0  }
0x17d: {  	[tilespmem:$0x7B80] =	vst v0  }
0x17e: {  	[tilespmem:$0x6790] =	vst v0  }
0x17f: {  	[tilespmem:$0x7190] =	vst v0  }
0x180: {  	[tilespmem:$0x7B90] =	vst v0  }
0x181: {  	[tilespmem:$0x67A0] =	vst v0  }
0x182: {  	[tilespmem:$0x71A0] =	vst v0  }
0x183: {  	[tilespmem:$0x7BA0] =	vst v0  }
0x184: {  	[tilespmem:$0x67B0] =	vst v0  }
0x185: {  	[tilespmem:$0x71B0] =	vst v0  }
0x186: {  	[tilespmem:$0x7BB0] =	vst v0  }
0x187: {  	[tilespmem:$0x67C0] =	vst v0  }
0x188: {  	[tilespmem:$0x71C0] =	vst v0  }
0x189: {  	[tilespmem:$0x7BC0] =	vst v0  }
0x18a: {  	[tilespmem:$0x67D0] =	vst v0  }
0x18b: {  	[tilespmem:$0x71D0] =	vst v0  }
0x18c: {  	[tilespmem:$0x7BD0] =	vst v0  }
0x18d: {  	[tilespmem:$0x67E0] =	vst v0  }
0x18e: {  	[tilespmem:$0x71E0] =	vst v0  }
0x18f: {  	[tilespmem:$0x7BE0] =	vst v0  }
0x190: {  	[tilespmem:$0x67F0] =	vst v0  }
0x191: {  	[tilespmem:$0x71F0] =	vst v0  }
0x192: {  	[tilespmem:$0x7BF0] =	vst v0  }
0x193: {  	[tilespmem:$0x6800] =	vst v0  }
0x194: {  	[tilespmem:$0x7200] =	vst v0  }
0x195: {  	[tilespmem:$0x7C00] =	vst v0  }
0x196: {  	[tilespmem:$0x6810] =	vst v0  }
0x197: {  	[tilespmem:$0x7210] =	vst v0  }
0x198: {  	[tilespmem:$0x7C10] =	vst v0  }
0x199: {  	[tilespmem:$0x6820] =	vst v0  }
0x19a: {  	[tilespmem:$0x7220] =	vst v0  }
0x19b: {  	[tilespmem:$0x7C20] =	vst v0  }
0x19c: {  	[tilespmem:$0x6830] =	vst v0  }
0x19d: {  	[tilespmem:$0x7230] =	vst v0  }
0x19e: {  	[tilespmem:$0x7C30] =	vst v0  }
0x19f: {  	[tilespmem:$0x6840] =	vst v0  }
0x1a0: {  	[tilespmem:$0x7240] =	vst v0  }
0x1a1: {  	[tilespmem:$0x7C40] =	vst v0  }
0x1a2: {  	[tilespmem:$0x6850] =	vst v0  }
0x1a3: {  	[tilespmem:$0x7250] =	vst v0  }
0x1a4: {  	[tilespmem:$0x7C50] =	vst v0  }
0x1a5: {  	[tilespmem:$0x6860] =	vst v0  }
0x1a6: {  	[tilespmem:$0x7260] =	vst v0  }
0x1a7: {  	[tilespmem:$0x7C60] =	vst v0  }
0x1a8: {  	[tilespmem:$0x6870] =	vst v0  }
0x1a9: {  	[tilespmem:$0x7270] =	vst v0  }
0x1aa: {  	[tilespmem:$0x7C70] =	vst v0  }
0x1ab: {  	[tilespmem:$0x6880] =	vst v0  }
0x1ac: {  	[tilespmem:$0x7280] =	vst v0  }
0x1ad: {  	[tilespmem:$0x7C80] =	vst v0  }
0x1ae: {  	[tilespmem:$0x6890] =	vst v0  }
0x1af: {  	[tilespmem:$0x7290] =	vst v0  }
0x1b0: {  	[tilespmem:$0x7C90] =	vst v0  }
0x1b1: {  	[tilespmem:$0x68A0] =	vst v0  }
0x1b2: {  	[tilespmem:$0x72A0] =	vst v0  }
0x1b3: {  	[tilespmem:$0x7CA0] =	vst v0  }
0x1b4: {  	[tilespmem:$0x68B0] =	vst v0  }
0x1b5: {  	[tilespmem:$0x72B0] =	vst v0  }
0x1b6: {  	[tilespmem:$0x7CB0] =	vst v0  }
0x1b7: {  	[tilespmem:$0x68C0] =	vst v0  }
0x1b8: {  	[tilespmem:$0x72C0] =	vst v0  }
0x1b9: {  	[tilespmem:$0x7CC0] =	vst v0  }
0x1ba: {  	[tilespmem:$0x68D0] =	vst v0  }
0x1bb: {  	[tilespmem:$0x72D0] =	vst v0  }
0x1bc: {  	[tilespmem:$0x7CD0] =	vst v0  }
0x1bd: {  	[tilespmem:$0x68E0] =	vst v0  }
0x1be: {  	[tilespmem:$0x72E0] =	vst v0  }
0x1bf: {  	[tilespmem:$0x7CE0] =	vst v0  }
0x1c0: {  	[tilespmem:$0x68F0] =	vst v0  }
0x1c1: {  	[tilespmem:$0x72F0] =	vst v0  }
0x1c2: {  	[tilespmem:$0x7CF0] =	vst v0  }
0x1c3: {  	[tilespmem:$0x6900] =	vst v0  }
0x1c4: {  	[tilespmem:$0x7300] =	vst v0  }
0x1c5: {  	[tilespmem:$0x7D00] =	vst v0  }
0x1c6: {  	[tilespmem:$0x6910] =	vst v0  }
0x1c7: {  	[tilespmem:$0x7310] =	vst v0  }
0x1c8: {  	[tilespmem:$0x7D10] =	vst v0  }
0x1c9: {  	[tilespmem:$0x6920] =	vst v0  }
0x1ca: {  	[tilespmem:$0x7320] =	vst v0  }
0x1cb: {  	[tilespmem:$0x7D20] =	vst v0  }
0x1cc: {  	[tilespmem:$0x6930] =	vst v0  }
0x1cd: {  	[tilespmem:$0x7330] =	vst v0  }
0x1ce: {  	[tilespmem:$0x7D30] =	vst v0  }
0x1cf: {  	[tilespmem:$0x6940] =	vst v0  }
0x1d0: {  	[tilespmem:$0x7340] =	vst v0  }
0x1d1: {  	[tilespmem:$0x7D40] =	vst v0  }
0x1d2: {  	[tilespmem:$0x6950] =	vst v0  }
0x1d3: {  	[tilespmem:$0x7350] =	vst v0  }
0x1d4: {  	[tilespmem:$0x7D50] =	vst v0  }
0x1d5: {  	[tilespmem:$0x6960] =	vst v0  }
0x1d6: {  	[tilespmem:$0x7360] =	vst v0  }
0x1d7: {  	[tilespmem:$0x7D60] =	vst v0  }
0x1d8: {  	[tilespmem:$0x6970] =	vst v0  }
0x1d9: {  	[tilespmem:$0x7370] =	vst v0  }
0x1da: {  	[tilespmem:$0x7D70] =	vst v0  }
0x1db: {  	[tilespmem:$0x6980] =	vst v0  }
0x1dc: {  	[tilespmem:$0x7380] =	vst v0  }
0x1dd: {  	[tilespmem:$0x7D80] =	vst v0  }
0x1de: {  	[tilespmem:$0x6990] =	vst v0  }
0x1df: {  	[tilespmem:$0x7390] =	vst v0  }
0x1e0: {  	[tilespmem:$0x7D90] =	vst v0  }
0x1e1: {  	[tilespmem:$0x69A0] =	vst v0  }
0x1e2: {  	[tilespmem:$0x73A0] =	vst v0  }
0x1e3: {  	[tilespmem:$0x7DA0] =	vst v0  }
0x1e4: {  	[tilespmem:$0x69B0] =	vst v0  }
0x1e5: {  	[tilespmem:$0x73B0] =	vst v0  }
0x1e6: {  	[tilespmem:$0x7DB0] =	vst v0  }
0x1e7: {  	[tilespmem:$0x69C0] =	vst v0  }
0x1e8: {  	[tilespmem:$0x73C0] =	vst v0  }
0x1e9: {  	[tilespmem:$0x7DC0] =	vst v0  }
0x1ea: {  	[tilespmem:$0x69D0] =	vst v0  }
0x1eb: {  	[tilespmem:$0x73D0] =	vst v0  }
0x1ec: {  	[tilespmem:$0x7DD0] =	vst v0  }
0x1ed: {  	[tilespmem:$0x69E0] =	vst v0  }
0x1ee: {  	[tilespmem:$0x73E0] =	vst v0  }
0x1ef: {  	[tilespmem:$0x7DE0] =	vst v0  }
0x1f0: {  	[tilespmem:$0x69F0] =	vst v0  }
0x1f1: {  	[tilespmem:$0x73F0] =	vst v0  }
0x1f2: {  	[tilespmem:$0x7DF0] =	vst v0  }
0x1f3: {  	_ =	swait.ge [sflag:s12], $0x2000  }
0x1f4: {  	[sflag:s12] =	ssyncset.done $0x0  }
0x1f5: {  	[sflag:s12] =	ssyncadd.s32 $0xFFFFE000  }
0x1f6: {  	_ =	swait.ge [sflag:s12], $0x2000  }
0x1f7: {  	[sflag:s12] =	ssyncset.done $0x0  }
0x1f8: {  	[sflag:s12] =	ssyncadd.s32 $0xFFFFE000  }
0x1f9: {  	_ =	swait.ge [sflag:s12], $0x2000  }
0x1fa: {  	[sflag:s12] =	ssyncset.done $0x0  }
0x1fb: {  	s17 =	simm.s32 $0x0;
	[sflag:s12] =	ssyncadd.s32 $0xFFFFE000  }
0x1fc: {  	v1 =	vld [tilespmem:s17+$0x0]  }
0x1fd: {  	v2 =	vld [tilespmem:s17+$0x10];
	_ =	sdelay $0x1  }
0x1fe: {  	v3 =	vld [tilespmem:s17+$0x20];
	_ =	sdelay $0x1  }
0x1ff: {  	v4 =	vld [tilespmem:s17+$0x30]  }
0x200: {  	vm0 =	vlt.s32 v1, v2  }
0x201: {  	v5 =	vsel vm0, v1, v2  }
0x202: {  	vm0 =	vlt.s32 v5, v3  }
0x203: {  	v5 =	vsel vm0, v5, v3  }
0x204: {  	vm0 =	vlt.s32 v5, v4  }
0x205: {  	v5 =	vsel vm0, v5, v4  }
0x206: {  	vm0 =	vlt.s32 v5, $0x9C  }
0x207: {  	v5 =	vsel vm0, $0x3F800000, v0  }
0x208: {  	(xrf0) =	vmax.scan.msk.f32 $0xffff, v5;
	_ =	sdelay $0x5  }
0x209: {  	v5, _, _ =	vpop (xrf0)  }
0x20a: {  	(v2sf) =	vpush v5, $0xF;
	_ =	sdelay $0xe  }
0x20b: {  	s31 =	spop (v2sf)  }
0x20c: {  	p1 =	sgt.f32 s31, $0.0e+00;
	_ =	sdelay $0x1  }
0x20d: {  	v5 =	vlaneseq.u32 @p1  }
0x20e: {  	v5 =	vmul.u32 @p1 $0xA0, v5  }
0x20f: {  	s20 =	simm.s32 @p1 $0x0  }
0x210: {  	v6 =	vld @p1 [tilespmem:s20+$0x2000];
	v7 =	vadd.s32 @p1 v5, v1;
	_ =	sdelay $0x3  }
0x211: {  	s17 =	simm.s32 @p1 $0x6000  }
0x212: {  	[tilespmem:v7+s17+$0x0] =	vst.idx.add.f32.msk @p1 $0xffff, v6  }
0x213: {  	v6 =	vld @p1 [tilespmem:s20+$0x4000];
	_ =	sdelay $0x3  }
0x214: {  	s19 =	simm.s32 @p1 $0x6A00  }
0x215: {  	s18 =	simm.s32 @p1 $0x7400;
	v1 =	vimm.f32 @p1 $1.000000000e+00;
	[tilespmem:v7+s19+$0x0] =	vst.idx.add.f32.msk @p1 $0xffff, v6  }
0x216: {  	[tilespmem:v7+s18+$0x0] =	vst.idx.add.f32.msk @p1 $0xffff, v1  }
0x217: {  	v2 =	vadd.s32 @p1 v5, v2;
	v6 =	vld @p1 [tilespmem:s20+$0x2010];
	_ =	sdelay $0x4  }
0x218: {  	[tilespmem:v2+s17+$0x0] =	vst.idx.add.f32.msk @p1 $0xffff, v6  }
0x219: {  	v6 =	vld @p1 [tilespmem:s20+$0x4010];
	_ =	sdelay $0x4  }
0x21a: {  	[tilespmem:v2+s19+$0x0] =	vst.idx.add.f32.msk @p1 $0xffff, v6  }
0x21b: {  	[tilespmem:v2+s18+$0x0] =	vst.idx.add.f32.msk @p1 $0xffff, v1  }
0x21c: {  	v2 =	vadd.s32 @p1 v5, v3;
	v3 =	vld @p1 [tilespmem:s20+$0x2020];
	_ =	sdelay $0x4  }
0x21d: {  	[tilespmem:v2+s17+$0x0] =	vst.idx.add.f32.msk @p1 $0xffff, v3  }
0x21e: {  	v3 =	vld @p1 [tilespmem:s20+$0x4020];
	_ =	sdelay $0x4  }
0x21f: {  	[tilespmem:v2+s19+$0x0] =	vst.idx.add.f32.msk @p1 $0xffff, v3  }
0x220: {  	[tilespmem:v2+s18+$0x0] =	vst.idx.add.f32.msk @p1 $0xffff, v1  }
0x221: {  	v2 =	vadd.s32 @p1 v5, v4;
	v3 =	vld @p1 [tilespmem:s20+$0x2030];
	_ =	sdelay $0x4  }
0x222: {  	[tilespmem:v2+s17+$0x0] =	vst.idx.add.f32.msk @p1 $0xffff, v3  }
0x223: {  	s17 =	simm.s32 $0x100;
	v3 =	vld @p1 [tilespmem:s20+$0x4030]  }
.LBB2_2:
0x224: {  	_ =	sdelay $0x3  }
0x225: {  	[tilespmem:v2+s19+$0x0] =	vst.idx.add.f32.msk @p1 $0xffff, v3;
	s19 =	smov.u32 s17;
	s17 =	sadd.s32 $0x100, s17  }
0x226: {  	s20 =	sshra.s32 s19, $0x2;
	p0 =	sne.s32 s17, $0x8000;
	[tilespmem:v2+s18+$0x0] =	vst.idx.add.f32.msk @p1 $0xffff, v1  }
0x227: {  	v1 =	vld [tilespmem:s20+$0x0]  }
0x228: {  	v2 =	vld [tilespmem:s20+$0x10]  }
0x229: {  	v3 =	vld [tilespmem:s20+$0x20];
	_ =	sdelay $0x1  }
0x22a: {  	v4 =	vld [tilespmem:s20+$0x30];
	_ =	sdelay $0x1  }
0x22b: {  	vm0 =	vlt.s32 v1, v2  }
0x22c: {  	v5 =	vsel vm0, v1, v2  }
0x22d: {  	vm0 =	vlt.s32 v5, v3  }
0x22e: {  	v5 =	vsel vm0, v5, v3  }
0x22f: {  	vm0 =	vlt.s32 v5, v4  }
0x230: {  	v5 =	vsel vm0, v5, v4  }
0x231: {  	vm0 =	vlt.s32 v5, $0x9C  }
0x232: {  	v5 =	vsel vm0, $0x3F800000, v0  }
0x233: {  	(xrf0) =	vmax.scan.msk.f32 $0xffff, v5;
	_ =	sdelay $0x5  }
0x234: {  	v5, _, _ =	vpop (xrf0)  }
0x235: {  	(v2sf) =	vpush v5, $0xF;
	_ =	sdelay $0xe  }
0x236: {  	s18 =	spop (v2sf)  }
0x237: {  	p1 =	sgt.f32 s18, $0.0e+00;
	_ =	sdelay $0x1  }
0x238: {  	v5 =	vlaneseq.u32 @p1  }
0x239: {  	s20 =	sshra.s32 @p1 s19, $0x2;
	v5 =	vmul.u32 @p1 $0xA0, v5  }
0x23a: {  	v6 =	vld @p1 [tilespmem:s20+$0x2000]  }
0x23b: {  	v7 =	vadd.s32 @p1 v5, v1;
	_ =	sdelay $0x2  }
0x23c: {  	s21 =	simm.s32 @p1 $0x6000;
	_ =	sdelay $0x1  }
0x23d: {  	[tilespmem:v7+s21+$0x0] =	vst.idx.add.f32.msk @p1 $0xffff, v6  }
0x23e: {  	v6 =	vld @p1 [tilespmem:s20+$0x4000];
	_ =	sdelay $0x2  }
0x23f: {  	s19 =	simm.s32 @p1 $0x6A00  }
0x240: {  	s18 =	simm.s32 @p1 $0x7400;
	v1 =	vimm.f32 @p1 $1.000000000e+00  }
0x241: {  	[tilespmem:v7+s19+$0x0] =	vst.idx.add.f32.msk @p1 $0xffff, v6  }
0x242: {  	v2 =	vadd.s32 @p1 v5, v2;
	[tilespmem:v7+s18+$0x0] =	vst.idx.add.f32.msk @p1 $0xffff, v1  }
0x243: {  	v6 =	vld @p1 [tilespmem:s20+$0x2010];
	_ =	sdelay $0x4  }
0x244: {  	[tilespmem:v2+s21+$0x0] =	vst.idx.add.f32.msk @p1 $0xffff, v6  }
0x245: {  	v6 =	vld @p1 [tilespmem:s20+$0x4010];
	_ =	sdelay $0x4  }
0x246: {  	[tilespmem:v2+s19+$0x0] =	vst.idx.add.f32.msk @p1 $0xffff, v6  }
0x247: {  	[tilespmem:v2+s18+$0x0] =	vst.idx.add.f32.msk @p1 $0xffff, v1;
	v2 =	vadd.s32 @p1 v5, v3  }
0x248: {  	v3 =	vld @p1 [tilespmem:s20+$0x2020];
	_ =	sdelay $0x4  }
0x249: {  	[tilespmem:v2+s21+$0x0] =	vst.idx.add.f32.msk @p1 $0xffff, v3  }
0x24a: {  	v3 =	vld @p1 [tilespmem:s20+$0x4020];
	_ =	sdelay $0x4  }
0x24b: {  	[tilespmem:v2+s19+$0x0] =	vst.idx.add.f32.msk @p1 $0xffff, v3  }
0x24c: {  	[tilespmem:v2+s18+$0x0] =	vst.idx.add.f32.msk @p1 $0xffff, v1;
	v2 =	vadd.s32 @p1 v5, v4  }
0x24d: {  	v3 =	vld @p1 [tilespmem:s20+$0x2030];
	_ =	sdelay $0x1  }
.Ltmp0:
0x24e: {  	(pc) =	sbr.rel @p0 .LBB2_2-.Ltmp0, $3  }
0x24f: {  	_ =	sdelay $0x1  }
0x250: {  	[tilespmem:v2+s21+$0x0] =	vst.idx.add.f32.msk @p1 $0xffff, v3  }
0x251: {  	v3 =	vld @p1 [tilespmem:s20+$0x4030]  }
0x252: {  	_ =	sdelay $0x3  }
0x253: {  	[tilespmem:v2+s19+$0x0] =	vst.idx.add.f32.msk @p1 $0xffff, v3  }
0x254: {  	[tilespmem:v2+s18+$0x0] =	vst.idx.add.f32.msk @p1 $0xffff, v1  }
0x255: {  	v1 =	vld [tilespmem:$0x6000]  }
0x256: {  	v3 =	vld [tilespmem:$0x6A00]  }
0x257: {  	v2 =	vld [tilespmem:$0x7400]  }
0x258: {  	v4 =	vld [tilespmem:$0x60A0]  }
0x259: {  	v5 =	vld [tilespmem:$0x6AA0]  }
0x25a: {  	v6 =	vld [tilespmem:$0x74A0]  }
0x25b: {  	v7 =	vld [tilespmem:$0x6140]  }
0x25c: {  	v9 =	vld [tilespmem:$0x6B40]  }
0x25d: {  	v8 =	vld [tilespmem:$0x7540]  }
0x25e: {  	v10 =	vld [tilespmem:$0x61E0]  }
0x25f: {  	v11 =	vld [tilespmem:$0x6BE0]  }
0x260: {  	v12 =	vld [tilespmem:$0x75E0]  }
0x261: {  	v13 =	vld [tilespmem:$0x6280]  }
0x262: {  	v15 =	vld [tilespmem:$0x6C80]  }
0x263: {  	v14 =	vld [tilespmem:$0x7680]  }
0x264: {  	v16 =	vld [tilespmem:$0x6320]  }
0x265: {  	v17 =	vld [tilespmem:$0x6D20]  }
0x266: {  	v18 =	vld [tilespmem:$0x7720]  }
0x267: {  	v19 =	vld [tilespmem:$0x63C0]  }
0x268: {  	v22 =	vld [tilespmem:$0x6DC0]  }
0x269: {  	v20 =	vld [tilespmem:$0x77C0]  }
0x26a: {  	v25 =	vld [tilespmem:$0x6460]  }
0x26b: {  	v27 =	vld [tilespmem:$0x6E60]  }
0x26c: {  	v26 =	vld [tilespmem:$0x7860]  }
0x26d: {  	v29 =	vld [tilespmem:$0x6500]  }
0x26e: {  	v33 =	vld [tilespmem:$0x6F00]  }
0x26f: {  	v30 =	vld [tilespmem:$0x7900]  }
0x270: {  	v34 =	vld [tilespmem:$0x65A0]  }
0x271: {  	v37 =	vld [tilespmem:$0x6FA0]  }
0x272: {  	v35 =	vld [tilespmem:$0x79A0]  }
0x273: {  	v40 =	vld [tilespmem:$0x6640]  }
0x274: {  	v41 =	vld [tilespmem:$0x7040]  }
0x275: {  	v42 =	vld [tilespmem:$0x7A40]  }
0x276: {  	v43 =	vld [tilespmem:$0x66E0]  }
0x277: {  	v45 =	vld [tilespmem:$0x70E0]  }
0x278: {  	v46 =	vld [tilespmem:$0x7AE0]  }
0x279: {  	v49 =	vld [tilespmem:$0x6780]  }
0x27a: {  	v55 =	vld [tilespmem:$0x7180]  }
0x27b: {  	v61 =	vld [tilespmem:$0x7B80]  }
0x27c: {  	v21 =	vld [tilespmem:$0x6820]  }
0x27d: {  	v54 =	vld [tilespmem:$0x7220]  }
0x27e: {  	v56 =	vld [tilespmem:$0x7C20]  }
0x27f: {  	v57 =	vld [tilespmem:$0x68C0]  }
0x280: {  	v58 =	vld [tilespmem:$0x72C0]  }
0x281: {  	v59 =	vld [tilespmem:$0x7CC0]  }
0x282: {  	v60 =	vld [tilespmem:$0x6960]  }
0x283: {  	v62 =	vld [tilespmem:$0x7360]  }
0x284: {  	v63 =	vld [tilespmem:$0x7D60]  }
0x285: {  	v23 =	vld [tilespmem:$0x6A10]  }
0x286: {  	v24 =	vld [tilespmem:$0x7410]  }
0x287: {  	v28 =	vld [tilespmem:$0x60B0]  }
0x288: {  	v31 =	vld [tilespmem:$0x6AB0]  }
0x289: {  	v32 =	vld [tilespmem:$0x74B0]  }
0x28a: {  	v36 =	vld [tilespmem:$0x6150]  }
0x28b: {  	v38 =	vld [tilespmem:$0x6B50]  }
0x28c: {  	v39 =	vld [tilespmem:$0x7550]  }
0x28d: {  	v44 =	vld [tilespmem:$0x61F0]  }
0x28e: {  	v47 =	vld [tilespmem:$0x6BF0]  }
0x28f: {  	v48 =	vld [tilespmem:$0x75F0]  }
0x290: {  	v50 =	vld [tilespmem:$0x6290];
	[tilespmem:$0x1EE60] =	vst v21  }
0x291: {  	v51 =	vld [tilespmem:$0x6C90];
	[tilespmem:$0x1EE70] =	vst v54  }
0x292: {  	v52 =	vld [tilespmem:$0x7690];
	[tilespmem:$0x1EE80] =	vst v56  }
0x293: {  	v53 =	vld [tilespmem:$0x6330];
	[tilespmem:$0x1EE90] =	vst v57  }
0x294: {  	[tilespmem:$0x1EEA0] =	vst v58;
	v21 =	vld [tilespmem:$0x6010]  }
0x295: {  	[tilespmem:$0x1EEC0] =	vst v59;
	v56 =	vld [tilespmem:$0x6D30]  }
0x296: {  	[tilespmem:$0x1EF00] =	vst v60;
	v54 =	vld [tilespmem:$0x7730]  }
0x297: {  	[tilespmem:$0x1EF40] =	vst v62;
	v57 =	vld [tilespmem:$0x63D0]  }
0x298: {  	[tilespmem:$0x1EF80] =	vst v63;
	v59 =	vld [tilespmem:$0x6DD0]  }
0x299: {  	v58 =	vld [tilespmem:$0x77D0]  }
0x29a: {  	v62 =	vld [tilespmem:$0x7870];
	_ =	sdelay $0x4  }
0x29b: {  	[tilespmem:$0x1EEB0] =	vst v62;
	v62 =	vld [tilespmem:$0x6510];
	_ =	sdelay $0x4  }
0x29c: {  	[tilespmem:$0x1EED0] =	vst v62;
	v62 =	vld [tilespmem:$0x6F10];
	_ =	sdelay $0x4  }
0x29d: {  	[tilespmem:$0x1EEE0] =	vst v62;
	v62 =	vld [tilespmem:$0x7910];
	_ =	sdelay $0x4  }
0x29e: {  	[tilespmem:$0x1EEF0] =	vst v62;
	v62 =	vld [tilespmem:$0x65B0];
	_ =	sdelay $0x4  }
0x29f: {  	[tilespmem:$0x1EF10] =	vst v62;
	v62 =	vld [tilespmem:$0x6FB0];
	_ =	sdelay $0x4  }
0x2a0: {  	[tilespmem:$0x1EF20] =	vst v62;
	v62 =	vld [tilespmem:$0x79B0];
	_ =	sdelay $0x4  }
0x2a1: {  	[tilespmem:$0x1EF30] =	vst v62;
	v62 =	vld [tilespmem:$0x6650];
	_ =	sdelay $0x4  }
0x2a2: {  	[tilespmem:$0x1EF50] =	vst v62;
	v62 =	vld [tilespmem:$0x7050];
	_ =	sdelay $0x4  }
0x2a3: {  	[tilespmem:$0x1EF60] =	vst v62;
	v62 =	vld [tilespmem:$0x7A50];
	_ =	sdelay $0x4  }
0x2a4: {  	[tilespmem:$0x1EF70] =	vst v62;
	v62 =	vld [tilespmem:$0x66F0];
	_ =	sdelay $0x4  }
0x2a5: {  	[tilespmem:$0x1EF90] =	vst v62;
	v62 =	vld [tilespmem:$0x70F0];
	_ =	sdelay $0x4  }
0x2a6: {  	[tilespmem:$0x1EFA0] =	vst v62;
	v62 =	vld [tilespmem:$0x7AF0];
	_ =	sdelay $0x4  }
0x2a7: {  	[tilespmem:$0x1EFB0] =	vst v62;
	v62 =	vld [tilespmem:$0x6790];
	_ =	sdelay $0x4  }
0x2a8: {  	[tilespmem:$0x1EFC0] =	vst v62;
	v62 =	vld [tilespmem:$0x7190];
	_ =	sdelay $0x4  }
0x2a9: {  	[tilespmem:$0x1F000] =	vst v62;
	v62 =	vld [tilespmem:$0x7B90];
	_ =	sdelay $0x4  }
0x2aa: {  	[tilespmem:$0x1F040] =	vst v62;
	v62 =	vld [tilespmem:$0x6830];
	_ =	sdelay $0x4  }
0x2ab: {  	[tilespmem:$0x1F080] =	vst v62;
	v62 =	vld [tilespmem:$0x7230];
	_ =	sdelay $0x4  }
0x2ac: {  	[tilespmem:$0x1F0C0] =	vst v62;
	v62 =	vld [tilespmem:$0x7C30];
	_ =	sdelay $0x4  }
0x2ad: {  	[tilespmem:$0x1F100] =	vst v62;
	v62 =	vld [tilespmem:$0x68D0];
	_ =	sdelay $0x4  }
0x2ae: {  	[tilespmem:$0x1F140] =	vst v62;
	v62 =	vld [tilespmem:$0x72D0];
	_ =	sdelay $0x4  }
0x2af: {  	[tilespmem:$0x1F180] =	vst v62;
	v62 =	vld [tilespmem:$0x7CD0];
	_ =	sdelay $0x4  }
0x2b0: {  	[tilespmem:$0x1F1C0] =	vst v62;
	v62 =	vld [tilespmem:$0x6970];
	_ =	sdelay $0x4  }
0x2b1: {  	[tilespmem:$0x1F200] =	vst v62;
	v62 =	vld [tilespmem:$0x7370];
	_ =	sdelay $0x4  }
0x2b2: {  	[tilespmem:$0x1F240] =	vst v62;
	v62 =	vld [tilespmem:$0x7D70];
	_ =	sdelay $0x4  }
0x2b3: {  	[tilespmem:$0x1F280] =	vst v62;
	v62 =	vld [tilespmem:$0x6020];
	_ =	sdelay $0x4  }
0x2b4: {  	[tilespmem:$0x1EFD0] =	vst v62;
	v62 =	vld [tilespmem:$0x6A20];
	_ =	sdelay $0x4  }
0x2b5: {  	[tilespmem:$0x1EFE0] =	vst v62;
	v62 =	vld [tilespmem:$0x7420];
	_ =	sdelay $0x4  }
0x2b6: {  	[tilespmem:$0x1EFF0] =	vst v62;
	v62 =	vld [tilespmem:$0x60C0];
	_ =	sdelay $0x4  }
0x2b7: {  	[tilespmem:$0x1F010] =	vst v62;
	v62 =	vld [tilespmem:$0x6AC0];
	_ =	sdelay $0x4  }
0x2b8: {  	[tilespmem:$0x1F020] =	vst v62;
	v62 =	vld [tilespmem:$0x74C0];
	_ =	sdelay $0x4  }
0x2b9: {  	[tilespmem:$0x1F030] =	vst v62;
	v62 =	vld [tilespmem:$0x6160];
	_ =	sdelay $0x4  }
0x2ba: {  	[tilespmem:$0x1F050] =	vst v62;
	v62 =	vld [tilespmem:$0x6B60];
	_ =	sdelay $0x4  }
0x2bb: {  	[tilespmem:$0x1F060] =	vst v62;
	v62 =	vld [tilespmem:$0x7560];
	_ =	sdelay $0x4  }
0x2bc: {  	[tilespmem:$0x1F070] =	vst v62;
	v62 =	vld [tilespmem:$0x6200];
	_ =	sdelay $0x4  }
0x2bd: {  	[tilespmem:$0x1F090] =	vst v62;
	v62 =	vld [tilespmem:$0x6C00];
	_ =	sdelay $0x4  }
0x2be: {  	[tilespmem:$0x1F0A0] =	vst v62;
	v62 =	vld [tilespmem:$0x7600];
	_ =	sdelay $0x4  }
0x2bf: {  	[tilespmem:$0x1F0B0] =	vst v62;
	v62 =	vld [tilespmem:$0x62A0];
	_ =	sdelay $0x4  }
0x2c0: {  	[tilespmem:$0x1F0D0] =	vst v62;
	v62 =	vld [tilespmem:$0x6CA0];
	_ =	sdelay $0x4  }
0x2c1: {  	[tilespmem:$0x1F0E0] =	vst v62;
	v62 =	vld [tilespmem:$0x76A0];
	_ =	sdelay $0x4  }
0x2c2: {  	[tilespmem:$0x1F0F0] =	vst v62;
	v62 =	vld [tilespmem:$0x6340];
	_ =	sdelay $0x4  }
0x2c3: {  	[tilespmem:$0x1F110] =	vst v62;
	v62 =	vld [tilespmem:$0x6D40];
	_ =	sdelay $0x4  }
0x2c4: {  	[tilespmem:$0x1F120] =	vst v62;
	v62 =	vld [tilespmem:$0x7740];
	_ =	sdelay $0x4  }
0x2c5: {  	[tilespmem:$0x1F130] =	vst v62;
	v62 =	vld [tilespmem:$0x63E0];
	_ =	sdelay $0x4  }
0x2c6: {  	[tilespmem:$0x1F150] =	vst v62;
	v62 =	vld [tilespmem:$0x6DE0];
	_ =	sdelay $0x4  }
0x2c7: {  	[tilespmem:$0x1F160] =	vst v62;
	v62 =	vld [tilespmem:$0x77E0];
	_ =	sdelay $0x4  }
0x2c8: {  	[tilespmem:$0x1F170] =	vst v62;
	v62 =	vld [tilespmem:$0x6480];
	_ =	sdelay $0x4  }
0x2c9: {  	[tilespmem:$0x1F190] =	vst v62;
	v62 =	vld [tilespmem:$0x6E80];
	_ =	sdelay $0x4  }
0x2ca: {  	[tilespmem:$0x1F1A0] =	vst v62;
	v62 =	vld [tilespmem:$0x7880];
	_ =	sdelay $0x4  }
0x2cb: {  	[tilespmem:$0x1F1B0] =	vst v62;
	v62 =	vld [tilespmem:$0x6520];
	_ =	sdelay $0x4  }
0x2cc: {  	[tilespmem:$0x1F1D0] =	vst v62;
	v62 =	vld [tilespmem:$0x6F20];
	_ =	sdelay $0x4  }
0x2cd: {  	[tilespmem:$0x1F1E0] =	vst v62;
	v62 =	vld [tilespmem:$0x7920];
	_ =	sdelay $0x4  }
0x2ce: {  	[tilespmem:$0x1F1F0] =	vst v62;
	v62 =	vld [tilespmem:$0x65C0];
	_ =	sdelay $0x4  }
0x2cf: {  	[tilespmem:$0x1F210] =	vst v62;
	v62 =	vld [tilespmem:$0x6FC0];
	_ =	sdelay $0x4  }
0x2d0: {  	[tilespmem:$0x1F220] =	vst v62;
	v62 =	vld [tilespmem:$0x79C0];
	_ =	sdelay $0x4  }
0x2d1: {  	[tilespmem:$0x1F230] =	vst v62;
	v62 =	vld [tilespmem:$0x6660];
	_ =	sdelay $0x4  }
0x2d2: {  	[tilespmem:$0x1F250] =	vst v62;
	v62 =	vld [tilespmem:$0x7060];
	_ =	sdelay $0x4  }
0x2d3: {  	[tilespmem:$0x1F260] =	vst v62;
	v62 =	vld [tilespmem:$0x7A60];
	_ =	sdelay $0x4  }
0x2d4: {  	[tilespmem:$0x1F270] =	vst v62;
	v62 =	vld [tilespmem:$0x6700];
	_ =	sdelay $0x4  }
0x2d5: {  	[tilespmem:$0x1F290] =	vst v62;
	v62 =	vld [tilespmem:$0x7100];
	_ =	sdelay $0x4  }
0x2d6: {  	[tilespmem:$0x1F2A0] =	vst v62;
	v62 =	vld [tilespmem:$0x7B00];
	_ =	sdelay $0x4  }
0x2d7: {  	[tilespmem:$0x1F2B0] =	vst v62;
	v62 =	vld [tilespmem:$0x67A0];
	_ =	sdelay $0x4  }
0x2d8: {  	[tilespmem:$0x1F2C0] =	vst v62;
	v62 =	vld [tilespmem:$0x71A0];
	_ =	sdelay $0x4  }
0x2d9: {  	[tilespmem:$0x1F300] =	vst v62;
	v62 =	vld [tilespmem:$0x7BA0];
	_ =	sdelay $0x4  }
0x2da: {  	[tilespmem:$0x1F340] =	vst v62;
	v62 =	vld [tilespmem:$0x6840];
	_ =	sdelay $0x4  }
0x2db: {  	[tilespmem:$0x1F380] =	vst v62;
	v62 =	vld [tilespmem:$0x7240];
	_ =	sdelay $0x4  }
0x2dc: {  	[tilespmem:$0x1F3C0] =	vst v62;
	v62 =	vld [tilespmem:$0x7C40];
	_ =	sdelay $0x4  }
0x2dd: {  	[tilespmem:$0x1F400] =	vst v62;
	v62 =	vld [tilespmem:$0x68E0];
	_ =	sdelay $0x4  }
0x2de: {  	[tilespmem:$0x1F440] =	vst v62;
	v62 =	vld [tilespmem:$0x72E0];
	_ =	sdelay $0x4  }
0x2df: {  	[tilespmem:$0x1F480] =	vst v62;
	v62 =	vld [tilespmem:$0x7CE0];
	_ =	sdelay $0x4  }
0x2e0: {  	[tilespmem:$0x1F4C0] =	vst v62;
	v62 =	vld [tilespmem:$0x6980];
	_ =	sdelay $0x4  }
0x2e1: {  	[tilespmem:$0x1F500] =	vst v62;
	v62 =	vld [tilespmem:$0x7380];
	_ =	sdelay $0x4  }
0x2e2: {  	[tilespmem:$0x1F540] =	vst v62;
	v62 =	vld [tilespmem:$0x7D80];
	_ =	sdelay $0x4  }
0x2e3: {  	[tilespmem:$0x1F580] =	vst v62;
	v62 =	vld [tilespmem:$0x6030];
	_ =	sdelay $0x4  }
0x2e4: {  	[tilespmem:$0x1F2D0] =	vst v62;
	v62 =	vld [tilespmem:$0x6A30];
	_ =	sdelay $0x4  }
0x2e5: {  	[tilespmem:$0x1F2E0] =	vst v62;
	v62 =	vld [tilespmem:$0x7430];
	_ =	sdelay $0x4  }
0x2e6: {  	[tilespmem:$0x1F2F0] =	vst v62;
	v62 =	vld [tilespmem:$0x60D0];
	_ =	sdelay $0x4  }
0x2e7: {  	[tilespmem:$0x1F310] =	vst v62;
	v62 =	vld [tilespmem:$0x6AD0];
	_ =	sdelay $0x4  }
0x2e8: {  	[tilespmem:$0x1F320] =	vst v62;
	v62 =	vld [tilespmem:$0x74D0];
	_ =	sdelay $0x4  }
0x2e9: {  	[tilespmem:$0x1F330] =	vst v62;
	v62 =	vld [tilespmem:$0x6170];
	_ =	sdelay $0x4  }
0x2ea: {  	[tilespmem:$0x1F350] =	vst v62;
	v62 =	vld [tilespmem:$0x6B70];
	_ =	sdelay $0x4  }
0x2eb: {  	[tilespmem:$0x1F360] =	vst v62;
	v62 =	vld [tilespmem:$0x7570];
	_ =	sdelay $0x4  }
0x2ec: {  	[tilespmem:$0x1F370] =	vst v62;
	v62 =	vld [tilespmem:$0x6210];
	_ =	sdelay $0x4  }
0x2ed: {  	[tilespmem:$0x1F390] =	vst v62;
	v62 =	vld [tilespmem:$0x6C10];
	_ =	sdelay $0x4  }
0x2ee: {  	[tilespmem:$0x1F3A0] =	vst v62;
	v62 =	vld [tilespmem:$0x7610];
	_ =	sdelay $0x4  }
0x2ef: {  	[tilespmem:$0x1F3B0] =	vst v62;
	v62 =	vld [tilespmem:$0x62B0];
	_ =	sdelay $0x4  }
0x2f0: {  	[tilespmem:$0x1F3D0] =	vst v62;
	v62 =	vld [tilespmem:$0x6CB0];
	_ =	sdelay $0x4  }
0x2f1: {  	[tilespmem:$0x1F3E0] =	vst v62;
	v62 =	vld [tilespmem:$0x76B0];
	_ =	sdelay $0x4  }
0x2f2: {  	[tilespmem:$0x1F3F0] =	vst v62;
	v62 =	vld [tilespmem:$0x6350];
	_ =	sdelay $0x4  }
0x2f3: {  	[tilespmem:$0x1F410] =	vst v62;
	v62 =	vld [tilespmem:$0x6D50];
	_ =	sdelay $0x4  }
0x2f4: {  	[tilespmem:$0x1F420] =	vst v62;
	v62 =	vld [tilespmem:$0x7750];
	_ =	sdelay $0x4  }
0x2f5: {  	[tilespmem:$0x1F430] =	vst v62;
	v62 =	vld [tilespmem:$0x63F0];
	_ =	sdelay $0x4  }
0x2f6: {  	[tilespmem:$0x1F450] =	vst v62;
	v62 =	vld [tilespmem:$0x6DF0];
	_ =	sdelay $0x4  }
0x2f7: {  	[tilespmem:$0x1F460] =	vst v62;
	v62 =	vld [tilespmem:$0x77F0];
	_ =	sdelay $0x4  }
0x2f8: {  	[tilespmem:$0x1F470] =	vst v62;
	v62 =	vld [tilespmem:$0x6490];
	_ =	sdelay $0x4  }
0x2f9: {  	[tilespmem:$0x1F490] =	vst v62;
	v62 =	vld [tilespmem:$0x6E90];
	_ =	sdelay $0x4  }
0x2fa: {  	[tilespmem:$0x1F4A0] =	vst v62;
	v62 =	vld [tilespmem:$0x7890];
	_ =	sdelay $0x4  }
0x2fb: {  	[tilespmem:$0x1F4B0] =	vst v62;
	v62 =	vld [tilespmem:$0x6530];
	_ =	sdelay $0x4  }
0x2fc: {  	[tilespmem:$0x1F4D0] =	vst v62;
	v62 =	vld [tilespmem:$0x6F30];
	_ =	sdelay $0x4  }
0x2fd: {  	[tilespmem:$0x1F4E0] =	vst v62;
	v62 =	vld [tilespmem:$0x7930];
	_ =	sdelay $0x4  }
0x2fe: {  	[tilespmem:$0x1F4F0] =	vst v62;
	v62 =	vld [tilespmem:$0x65D0];
	_ =	sdelay $0x4  }
0x2ff: {  	[tilespmem:$0x1F510] =	vst v62;
	v62 =	vld [tilespmem:$0x6FD0];
	_ =	sdelay $0x4  }
0x300: {  	[tilespmem:$0x1F520] =	vst v62;
	v62 =	vld [tilespmem:$0x79D0];
	_ =	sdelay $0x4  }
0x301: {  	[tilespmem:$0x1F530] =	vst v62;
	v62 =	vld [tilespmem:$0x6670];
	_ =	sdelay $0x4  }
0x302: {  	[tilespmem:$0x1F550] =	vst v62;
	v62 =	vld [tilespmem:$0x7070];
	_ =	sdelay $0x4  }
0x303: {  	[tilespmem:$0x1F560] =	vst v62;
	v62 =	vld [tilespmem:$0x7A70];
	_ =	sdelay $0x4  }
0x304: {  	[tilespmem:$0x1F570] =	vst v62;
	v62 =	vld [tilespmem:$0x6710];
	_ =	sdelay $0x4  }
0x305: {  	[tilespmem:$0x1F590] =	vst v62;
	v62 =	vld [tilespmem:$0x7110];
	_ =	sdelay $0x4  }
0x306: {  	[tilespmem:$0x1F5A0] =	vst v62;
	v62 =	vld [tilespmem:$0x7B10];
	_ =	sdelay $0x4  }
0x307: {  	[tilespmem:$0x1F5B0] =	vst v62;
	v62 =	vld [tilespmem:$0x67B0];
	_ =	sdelay $0x4  }
0x308: {  	[tilespmem:$0x1F5C0] =	vst v62;
	v62 =	vld [tilespmem:$0x71B0];
	_ =	sdelay $0x4  }
0x309: {  	[tilespmem:$0x1F600] =	vst v62;
	v62 =	vld [tilespmem:$0x7BB0];
	_ =	sdelay $0x4  }
0x30a: {  	[tilespmem:$0x1F640] =	vst v62;
	v62 =	vld [tilespmem:$0x6850];
	_ =	sdelay $0x4  }
0x30b: {  	[tilespmem:$0x1F680] =	vst v62;
	v62 =	vld [tilespmem:$0x7250];
	_ =	sdelay $0x4  }
0x30c: {  	[tilespmem:$0x1F6C0] =	vst v62;
	v62 =	vld [tilespmem:$0x7C50];
	_ =	sdelay $0x4  }
0x30d: {  	[tilespmem:$0x1F700] =	vst v62;
	v62 =	vld [tilespmem:$0x68F0];
	_ =	sdelay $0x4  }
0x30e: {  	[tilespmem:$0x1F740] =	vst v62;
	v62 =	vld [tilespmem:$0x72F0];
	_ =	sdelay $0x4  }
0x30f: {  	[tilespmem:$0x1F780] =	vst v62;
	v62 =	vld [tilespmem:$0x7CF0];
	_ =	sdelay $0x4  }
0x310: {  	[tilespmem:$0x1F7C0] =	vst v62;
	v62 =	vld [tilespmem:$0x6990];
	_ =	sdelay $0x4  }
0x311: {  	[tilespmem:$0x1F800] =	vst v62;
	v62 =	vld [tilespmem:$0x7390];
	_ =	sdelay $0x4  }
0x312: {  	[tilespmem:$0x1F840] =	vst v62;
	v62 =	vld [tilespmem:$0x7D90];
	_ =	sdelay $0x4  }
0x313: {  	[tilespmem:$0x1F880] =	vst v62;
	v62 =	vld [tilespmem:$0x6040];
	_ =	sdelay $0x4  }
0x314: {  	[tilespmem:$0x1F5D0] =	vst v62;
	v62 =	vld [tilespmem:$0x6A40];
	_ =	sdelay $0x4  }
0x315: {  	[tilespmem:$0x1F5E0] =	vst v62;
	v62 =	vld [tilespmem:$0x7440];
	_ =	sdelay $0x4  }
0x316: {  	[tilespmem:$0x1F5F0] =	vst v62;
	v62 =	vld [tilespmem:$0x60E0];
	_ =	sdelay $0x4  }
0x317: {  	[tilespmem:$0x1F610] =	vst v62;
	v62 =	vld [tilespmem:$0x6AE0];
	_ =	sdelay $0x4  }
0x318: {  	[tilespmem:$0x1F620] =	vst v62;
	v62 =	vld [tilespmem:$0x74E0];
	_ =	sdelay $0x4  }
0x319: {  	[tilespmem:$0x1F630] =	vst v62;
	v62 =	vld [tilespmem:$0x6180];
	_ =	sdelay $0x4  }
0x31a: {  	[tilespmem:$0x1F650] =	vst v62;
	v62 =	vld [tilespmem:$0x6B80];
	_ =	sdelay $0x4  }
0x31b: {  	[tilespmem:$0x1F660] =	vst v62;
	v62 =	vld [tilespmem:$0x7580];
	_ =	sdelay $0x4  }
0x31c: {  	[tilespmem:$0x1F670] =	vst v62;
	v62 =	vld [tilespmem:$0x6220];
	_ =	sdelay $0x4  }
0x31d: {  	[tilespmem:$0x1F690] =	vst v62;
	v62 =	vld [tilespmem:$0x6C20];
	_ =	sdelay $0x4  }
0x31e: {  	[tilespmem:$0x1F6A0] =	vst v62;
	v62 =	vld [tilespmem:$0x7620];
	_ =	sdelay $0x4  }
0x31f: {  	[tilespmem:$0x1F6B0] =	vst v62;
	v62 =	vld [tilespmem:$0x62C0];
	_ =	sdelay $0x4  }
0x320: {  	[tilespmem:$0x1F6D0] =	vst v62;
	v62 =	vld [tilespmem:$0x6CC0];
	_ =	sdelay $0x4  }
0x321: {  	[tilespmem:$0x1F6E0] =	vst v62;
	v62 =	vld [tilespmem:$0x76C0];
	_ =	sdelay $0x4  }
0x322: {  	[tilespmem:$0x1F6F0] =	vst v62;
	v62 =	vld [tilespmem:$0x6360];
	_ =	sdelay $0x4  }
0x323: {  	v1 =	vadd.f32 $0.0e+00, v1;
	v3 =	vadd.f32 $0.0e+00, v3;
	[tilespmem:$0x1F710] =	vst v62;
	v62 =	vld [tilespmem:$0x6D60]  }
0x324: {  	v2 =	vadd.f32 $0.0e+00, v2;
	v60 =	vld [tilespmem:$0x6470]  }
0x325: {  	v63 =	vld [tilespmem:$0x6E70];
	v1 =	vadd.f32 v4, v1;
	v3 =	vadd.f32 v5, v3  }
0x326: {  	v2 =	vadd.f32 v6, v2;
	v4 =	vld [tilespmem:$0x6A50]  }
0x327: {  	v1 =	vadd.f32 v7, v1;
	v3 =	vadd.f32 v9, v3;
	v9 =	vld [tilespmem:$0x60F0]  }
0x328: {  	v2 =	vadd.f32 v8, v2;
	[tilespmem:$0x1F720] =	vst v62;
	v62 =	vld [tilespmem:$0x7760]  }
0x329: {  	v1 =	vadd.f32 v10, v1;
	v10 =	vld [tilespmem:$0x6AF0]  }
0x32a: {  	v2 =	vadd.f32 v12, v2;
	v12 =	vld [tilespmem:$0x74F0]  }
0x32b: {  	v3 =	vadd.f32 v11, v3;
	v11 =	vld [tilespmem:$0x1EE80]  }
0x32c: {  	[tilespmem:$0x1F8D0] =	vst v4;
	v4 =	vld [tilespmem:$0x7450]  }
0x32d: {  	[tilespmem:$0x1F730] =	vst v62;
	v62 =	vld [tilespmem:$0x6400]  }
0x32e: {  	v2 =	vadd.f32 v14, v2;
	v14 =	vld [tilespmem:$0x6B90]  }
0x32f: {  	v3 =	vadd.f32 v15, v3;
	v15 =	vld [tilespmem:$0x7590]  }
0x330: {  	v1 =	vadd.f32 v13, v1;
	v13 =	vld [tilespmem:$0x7A90]  }
0x331: {  	[tilespmem:$0x1F900] =	vst v9;
	v9 =	vld [tilespmem:$0x6690]  }
0x332: {  	[tilespmem:$0x1F750] =	vst v62;
	v62 =	vld [tilespmem:$0x6E00]  }
0x333: {  	v1 =	vadd.f32 v16, v1;
	v16 =	vld [tilespmem:$0x6230]  }
0x334: {  	v3 =	vadd.f32 v17, v3;
	v17 =	vld [tilespmem:$0x6C30]  }
0x335: {  	v2 =	vadd.f32 v18, v2;
	v18 =	vld [tilespmem:$0x62D0]  }
0x336: {  	[tilespmem:$0x1F920] =	vst v12;
	v12 =	vld [tilespmem:$0x6190]  }
0x337: {  	[tilespmem:$0x1F760] =	vst v62;
	v62 =	vld [tilespmem:$0x7800]  }
0x338: {  	[tilespmem:$0x1F910] =	vst v10;
	v10 =	vld [tilespmem:$0x7090]  }
0x339: {  	v2 =	vadd.f32 v20, v2;
	v20 =	vld [tilespmem:$0x7630]  }
0x33a: {  	v3 =	vadd.f32 v22, v3;
	v22 =	vld [tilespmem:$0x6CD0]  }
0x33b: {  	v1 =	vadd.f32 v19, v1;
	v19 =	vld [tilespmem:$0x6730]  }
0x33c: {  	[tilespmem:$0x1F770] =	vst v62;
	v62 =	vld [tilespmem:$0x64A0]  }
0x33d: {  	[tilespmem:$0x1F9E0] =	vst v13;
	v13 =	vld [tilespmem:$0x7D10]  }
0x33e: {  	v1 =	vadd.f32 v25, v1;
	v25 =	vld [tilespmem:$0x76D0]  }
0x33f: {  	v2 =	vadd.f32 v26, v2;
	v26 =	vld [tilespmem:$0x6370]  }
0x340: {  	v3 =	vadd.f32 v27, v3;
	v27 =	vld [tilespmem:$0x6D70]  }
0x341: {  	[tilespmem:$0x1F790] =	vst v62;
	v62 =	vld [tilespmem:$0x6EA0]  }
0x342: {  	[tilespmem:$0x1F9C0] =	vst v9;
	v9 =	vld [tilespmem:$0x7DB0]  }
0x343: {  	v2 =	vadd.f32 v30, v2;
	v30 =	vld [tilespmem:$0x7770]  }
0x344: {  	v1 =	vadd.f32 v29, v1;
	v29 =	vld [tilespmem:$0x6410]  }
0x345: {  	v3 =	vadd.f32 v33, v3;
	v33 =	vld [tilespmem:$0x6E10]  }
0x346: {  	[tilespmem:$0x1F7A0] =	vst v62;
	v62 =	vld [tilespmem:$0x78A0]  }
0x347: {  	[tilespmem:$0x1F9D0] =	vst v10;
	v10 =	vld [tilespmem:$0x73B0]  }
0x348: {  	[tilespmem:$0x1FA00] =	vst v19;
	v19 =	vld [tilespmem:$0x7310]  }
0x349: {  	v1 =	vadd.f32 v34, v1;
	v34 =	vld [tilespmem:$0x7810]  }
0x34a: {  	v2 =	vadd.f32 v35, v2;
	v35 =	vld [tilespmem:$0x64B0]  }
0x34b: {  	[tilespmem:$0x1F7B0] =	vst v62;
	v62 =	vld [tilespmem:$0x6540]  }
0x34c: {  	v3 =	vadd.f32 v37, v3;
	v37 =	vld [tilespmem:$0x6EB0]  }
0x34d: {  	v1 =	vadd.f32 v40, v1;
	v40 =	vld [tilespmem:$0x1EEA0]  }
0x34e: {  	v3 =	vadd.f32 v41, v3;
	v41 =	vld [tilespmem:$0x67D0]  }
0x34f: {  	v2 =	vadd.f32 v42, v2;
	v42 =	vld [tilespmem:$0x1EEB0]  }
0x350: {  	[tilespmem:$0x1F7D0] =	vst v62;
	v62 =	vld [tilespmem:$0x6F40]  }
0x351: {  	v2 =	vadd.f32 v46, v2;
	v46 =	vadd.f32 $0.0e+00, v24;
	v24 =	vld [tilespmem:$0x78B0]  }
0x352: {  	v1 =	vadd.f32 v43, v1;
	v43 =	vadd.f32 $0.0e+00, v21;
	v21 =	vld [tilespmem:$0x1EE90]  }
0x353: {  	v3 =	vadd.f32 v45, v3;
	v45 =	vadd.f32 $0.0e+00, v23;
	v23 =	vld [tilespmem:$0x7130]  }
0x354: {  	[tilespmem:$0x1F8E0] =	vst v4;
	v4 =	vadd.f32 v28, v43;
	v28 =	vld [tilespmem:$0x6550]  }
0x355: {  	[tilespmem:$0x1F7E0] =	vst v62;
	v62 =	vld [tilespmem:$0x7940]  }
0x356: {  	v5 =	vadd.f32 v31, v45;
	v31 =	vld [tilespmem:$0x6F50]  }
0x357: {  	v1 =	vadd.f32 v49, v1;
	v49 =	vld [tilespmem:$0x1EE60]  }
0x358: {  	v2 =	vadd.f32 v61, v2;
	v61 =	vld [tilespmem:$0x79F0]  }
0x359: {  	v3 =	vadd.f32 v55, v3;
	v55 =	vld [tilespmem:$0x1EE70]  }
0x35a: {  	[tilespmem:$0x1F7F0] =	vst v62;
	v62 =	vld [tilespmem:$0x65E0]  }
0x35b: {  	v6 =	vadd.f32 v32, v46;
	v32 =	vld [tilespmem:$0x7B30]  }
0x35c: {  	v43 =	vld [tilespmem:$0x1EEC0]  }
0x35d: {  	v45 =	vld [tilespmem:$0x1EEE0]  }
0x35e: {  	v46 =	vld [tilespmem:$0x1EEF0]  }
0x35f: {  	[tilespmem:$0x1F810] =	vst v62;
	v62 =	vld [tilespmem:$0x6FE0]  }
0x360: {  	[tilespmem:$0x1FA30] =	vst v41;
	v41 =	vld [tilespmem:$0x6A60]  }
0x361: {  	v4 =	vadd.f32 v36, v4;
	v36 =	vld [tilespmem:$0x7950]  }
0x362: {  	v5 =	vadd.f32 v38, v5;
	v38 =	vld [tilespmem:$0x65F0]  }
0x363: {  	v6 =	vadd.f32 v39, v6;
	v39 =	vld [tilespmem:$0x6FF0]  }
0x364: {  	[tilespmem:$0x1F820] =	vst v62;
	v62 =	vld [tilespmem:$0x79E0]  }
0x365: {  	v2 =	vadd.f32 v11, v2;
	v11 =	vld [tilespmem:$0x69B0]  }
0x366: {  	[tilespmem:$0x1FA10] =	vst v23;
	v23 =	vld [tilespmem:$0x7C70]  }
0x367: {  	v4 =	vadd.f32 v44, v4;
	v44 =	vld [tilespmem:$0x1EED0]  }
0x368: {  	v5 =	vadd.f32 v47, v5;
	v47 =	vld [tilespmem:$0x1EF00]  }
0x369: {  	[tilespmem:$0x1F830] =	vst v62;
	v62 =	vld [tilespmem:$0x6680]  }
0x36a: {  	v6 =	vadd.f32 v48, v6;
	v1 =	vadd.f32 v49, v1;
	[tilespmem:$0x1FA20] =	vst v32;
	v32 =	vld [tilespmem:$0x7270]  }
0x36b: {  	v3 =	vadd.f32 v55, v3;
	v4 =	vadd.f32 v50, v4;
	v50 =	vld [tilespmem:$0x1EF40]  }
0x36c: {  	v6 =	vadd.f32 v52, v6;
	v52 =	vld [tilespmem:$0x1EF80];
	v1 =	vadd.f32 v21, v1  }
0x36d: {  	v21 =	vld [tilespmem:$0x6910];
	v4 =	vadd.f32 v53, v4  }
0x36e: {  	v3 =	vadd.f32 v40, v3;
	v1 =	vadd.f32 v47, v1;
	[tilespmem:$0x1F850] =	vst v62;
	v62 =	vld [tilespmem:$0x7080]  }
0x36f: {  	v2 =	vadd.f32 v43, v2;
	v53 =	vld [tilespmem:$0x6870];
	v4 =	vadd.f32 v57, v4  }
0x370: {  	v5 =	vadd.f32 v51, v5;
	[tilespmem:$0x1FEE0] =	vst v1;
	v1 =	vld [tilespmem:$0x1EF10];
	v3 =	vadd.f32 v50, v3  }
0x371: {  	v48 =	vld [tilespmem:$0x1EF20];
	v4 =	vadd.f32 v60, v4  }
0x372: {  	v5 =	vadd.f32 v56, v5;
	v2 =	vadd.f32 v52, v2;
	[tilespmem:$0x1FEF0] =	vst v3;
	v3 =	vld [tilespmem:$0x1EF50]  }
0x373: {  	v4 =	vadd.f32 v44, v4;
	[tilespmem:$0x1F860] =	vst v62;
	v62 =	vld [tilespmem:$0x7A80]  }
0x374: {  	v5 =	vadd.f32 v59, v5;
	[tilespmem:$0x1FF00] =	vst v2;
	v2 =	vld [tilespmem:$0x1EF90]  }
0x375: {  	v47 =	vld [tilespmem:$0x6100];
	v1 =	vadd.f32 v1, v4  }
0x376: {  	v59 =	vld [tilespmem:$0x7BD0];
	v5 =	vadd.f32 v63, v5  }
0x377: {  	v1 =	vadd.f32 v3, v1;
	v3 =	vld [tilespmem:$0x1EF60]  }
0x378: {  	v6 =	vadd.f32 v54, v6;
	v5 =	vadd.f32 v45, v5;
	[tilespmem:$0x1F870] =	vst v62;
	v62 =	vld [tilespmem:$0x6720]  }
0x379: {  	v1 =	vadd.f32 v2, v1;
	v2 =	vld [tilespmem:$0x1EFA0]  }
0x37a: {  	v6 =	vadd.f32 v58, v6;
	v50 =	vld [tilespmem:$0x6B00];
	v4 =	vadd.f32 v48, v5  }
0x37b: {  	v49 =	vld [tilespmem:$0x1EF30]  }
0x37c: {  	v6 =	vadd.f32 v42, v6;
	v3 =	vadd.f32 v3, v4;
	v51 =	vld [tilespmem:$0x1EF70]  }
0x37d: {  	[tilespmem:$0x1F890] =	vst v62;
	v62 =	vld [tilespmem:$0x7120]  }
0x37e: {  	v6 =	vadd.f32 v46, v6;
	v2 =	vadd.f32 v2, v3;
	v3 =	vld [tilespmem:$0x1EFB0]  }
0x37f: {  	v54 =	vld [tilespmem:$0x1EFC0]  }
0x380: {  	v60 =	vld [tilespmem:$0x71D0];
	v5 =	vadd.f32 v49, v6  }
0x381: {  	v57 =	vld [tilespmem:$0x1F000]  }
0x382: {  	v4 =	vadd.f32 v51, v5;
	[tilespmem:$0x1F8A0] =	vst v62;
	v62 =	vld [tilespmem:$0x7B20]  }
0x383: {  	v44 =	vld [tilespmem:$0x7460]  }
0x384: {  	v3 =	vadd.f32 v3, v4;
	v4 =	vadd.f32 v54, v1;
	v54 =	vld [tilespmem:$0x7500]  }
0x385: {  	v42 =	vld [tilespmem:$0x1F040]  }
0x386: {  	v2 =	vadd.f32 v57, v2;
	v57 =	vld [tilespmem:$0x61A0]  }
0x387: {  	[tilespmem:$0x1F8B0] =	vst v62;
	v62 =	vld [tilespmem:$0x67C0]  }
0x388: {  	v48 =	vld [tilespmem:$0x1F080]  }
0x389: {  	[tilespmem:$0x1FA40] =	vst v41;
	v41 =	vld [tilespmem:$0x1F100]  }
0x38a: {  	[tilespmem:$0x1FA60] =	vst v47;
	v47 =	vld [tilespmem:$0x1F140]  }
0x38b: {  	[tilespmem:$0x1FA80] =	vst v54;
	v54 =	vld [tilespmem:$0x1F180]  }
0x38c: {  	[tilespmem:$0x1F8C0] =	vst v62;
	v62 =	vld [tilespmem:$0x71C0]  }
0x38d: {  	v4 =	vadd.f32 v48, v4;
	v1 =	vld [tilespmem:$0x1EFD0]  }
0x38e: {  	v55 =	vld [tilespmem:$0x1EFE0]  }
0x38f: {  	v4 =	vadd.f32 v47, v4;
	v47 =	vld [tilespmem:$0x6D80]  }
0x390: {  	v58 =	vld [tilespmem:$0x1F010]  }
0x391: {  	[tilespmem:$0x1F8F0] =	vst v62;
	v62 =	vld [tilespmem:$0x7BC0]  }
0x392: {  	v56 =	vld [tilespmem:$0x1EFF0]  }
0x393: {  	v1 =	vadd.f32 $0.0e+00, v1;
	v5 =	vadd.f32 $0.0e+00, v55;
	v55 =	vld [tilespmem:$0x1F0C0]  }
0x394: {  	v40 =	vld [tilespmem:$0x1F030]  }
0x395: {  	v7 =	vadd.f32 v58, v1;
	v1 =	vld [tilespmem:$0x6060]  }
0x396: {  	[tilespmem:$0x1F930] =	vst v62;
	v62 =	vld [tilespmem:$0x6860]  }
0x397: {  	v6 =	vadd.f32 $0.0e+00, v56;
	v63 =	vld [tilespmem:$0x1F020]  }
0x398: {  	v43 =	vld [tilespmem:$0x1F050]  }
0x399: {  	v6 =	vadd.f32 v40, v6;
	v40 =	vld [tilespmem:$0x6BA0]  }
0x39a: {  	v45 =	vld [tilespmem:$0x1F060]  }
0x39b: {  	[tilespmem:$0x1F940] =	vst v62;
	v62 =	vld [tilespmem:$0x7260]  }
0x39c: {  	v46 =	vld [tilespmem:$0x1F070]  }
0x39d: {  	v7 =	vadd.f32 v43, v7;
	v43 =	vld [tilespmem:$0x75A0]  }
0x39e: {  	[tilespmem:$0x1FAA0] =	vst v40;
	v40 =	vld [tilespmem:$0x1F1C0]  }
0x39f: {  	v49 =	vld [tilespmem:$0x1F090]  }
0x3a0: {  	[tilespmem:$0x1F950] =	vst v62;
	v62 =	vld [tilespmem:$0x7C60]  }
0x3a1: {  	v6 =	vadd.f32 v46, v6;
	v46 =	vld [tilespmem:$0x6240]  }
0x3a2: {  	v51 =	vld [tilespmem:$0x1F0A0]  }
0x3a3: {  	v52 =	vld [tilespmem:$0x1F0B0]  }
0x3a4: {  	v7 =	vadd.f32 v49, v7;
	v49 =	vld [tilespmem:$0x6C40]  }
0x3a5: {  	[tilespmem:$0x1F960] =	vst v62;
	v62 =	vld [tilespmem:$0x6900]  }
0x3a6: {  	v5 =	vadd.f32 v63, v5;
	v63 =	vld [tilespmem:$0x1F0F0]  }
0x3a7: {  	v56 =	vld [tilespmem:$0x1F0D0]  }
0x3a8: {  	v6 =	vadd.f32 v52, v6;
	v52 =	vld [tilespmem:$0x7640]  }
0x3a9: {  	v58 =	vld [tilespmem:$0x1F0E0]  }
0x3aa: {  	[tilespmem:$0x1F970] =	vst v62;
	v62 =	vld [tilespmem:$0x7300]  }
0x3ab: {  	v6 =	vadd.f32 v63, v6;
	v63 =	vld [tilespmem:$0x6CE0]  }
0x3ac: {  	v5 =	vadd.f32 v45, v5;
	v7 =	vadd.f32 v56, v7;
	v56 =	vld [tilespmem:$0x62E0]  }
0x3ad: {  	[tilespmem:$0x1FA50] =	vst v44;
	v44 =	vld [tilespmem:$0x1F120]  }
0x3ae: {  	v3 =	vadd.f32 v42, v3;
	v5 =	vadd.f32 v51, v5;
	v42 =	vld [tilespmem:$0x1F110]  }
0x3af: {  	[tilespmem:$0x1F980] =	vst v62;
	v62 =	vld [tilespmem:$0x7D00]  }
0x3b0: {  	v5 =	vadd.f32 v58, v5;
	[tilespmem:$0x1FB00] =	vst v63;
	v63 =	vld [tilespmem:$0x76E0]  }
0x3b1: {  	v45 =	vld [tilespmem:$0x1F130]  }
0x3b2: {  	v5 =	vadd.f32 v44, v5;
	v44 =	vld [tilespmem:$0x6380]  }
0x3b3: {  	[tilespmem:$0x1FA70] =	vst v50;
	v50 =	vld [tilespmem:$0x1F160]  }
0x3b4: {  	[tilespmem:$0x1F990] =	vst v62;
	v62 =	vld [tilespmem:$0x69A0]  }
0x3b5: {  	v48 =	vld [tilespmem:$0x1F150]  }
0x3b6: {  	v6 =	vadd.f32 v45, v6;
	v45 =	vld [tilespmem:$0x1F200]  }
0x3b7: {  	v51 =	vld [tilespmem:$0x1F170]  }
0x3b8: {  	[tilespmem:$0x1FA90] =	vst v57;
	v5 =	vadd.f32 v50, v5;
	v50 =	vld [tilespmem:$0x7780]  }
0x3b9: {  	[tilespmem:$0x1F9A0] =	vst v62;
	v62 =	vld [tilespmem:$0x73A0]  }
0x3ba: {  	[tilespmem:$0x1FB20] =	vst v47;
	v2 =	vadd.f32 v55, v2;
	v55 =	vld [tilespmem:$0x1F190]  }
0x3bb: {  	[tilespmem:$0x1FAB0] =	vst v43;
	v57 =	vld [tilespmem:$0x1F1A0]  }
0x3bc: {  	[tilespmem:$0x1FAC0] =	vst v46;
	v58 =	vld [tilespmem:$0x1F1B0]  }
0x3bd: {  	v3 =	vadd.f32 v41, v3;
	[tilespmem:$0x1FAD0] =	vst v49;
	v7 =	vadd.f32 v42, v7;
	v41 =	vld [tilespmem:$0x1F1D0]  }
0x3be: {  	[tilespmem:$0x1F9B0] =	vst v62;
	v62 =	vld [tilespmem:$0x7DA0]  }
0x3bf: {  	[tilespmem:$0x1FAE0] =	vst v52;
	v7 =	vadd.f32 v48, v7;
	v42 =	vld [tilespmem:$0x1F1E0]  }
0x3c0: {  	[tilespmem:$0x1FAF0] =	vst v56;
	v4 =	vadd.f32 v45, v4;
	v46 =	vld [tilespmem:$0x1F210]  }
0x3c1: {  	[tilespmem:$0x1FB10] =	vst v44;
	v7 =	vadd.f32 v55, v7;
	v43 =	vld [tilespmem:$0x1F1F0]  }
0x3c2: {  	[tilespmem:$0x1FF10] =	vst v4;
	v48 =	vld [tilespmem:$0x1F220]  }
0x3c3: {  	v7 =	vadd.f32 v41, v7;
	v49 =	vld [tilespmem:$0x1F230];
	[tilespmem:$0x1F9F0] =	vst v62  }
0x3c4: {  	v62 =	vld [tilespmem:$0x6050];
	[tilespmem:$0x1FB30] =	vst v50  }
0x3c5: {  	v4 =	vadd.f32 v46, v7;
	v7 =	vld [tilespmem:$0x1F240]  }
0x3c6: {  	v6 =	vadd.f32 v51, v6;
	v51 =	vld [tilespmem:$0x6420]  }
0x3c7: {  	v52 =	vld [tilespmem:$0x1F260]  }
0x3c8: {  	v2 =	vadd.f32 v54, v2;
	v54 =	vld [tilespmem:$0x1F270]  }
0x3c9: {  	v55 =	vld [tilespmem:$0x6E20]  }
0x3ca: {  	v56 =	vld [tilespmem:$0x1F280]  }
0x3cb: {  	v5 =	vadd.f32 v57, v5;
	v57 =	vld [tilespmem:$0x1F2B0]  }
0x3cc: {  	v6 =	vadd.f32 v58, v6;
	v58 =	vld [tilespmem:$0x64C0]  }
0x3cd: {  	v8 =	vld [tilespmem:$0x1F2C0]  }
0x3ce: {  	v3 =	vadd.f32 v40, v3;
	v40 =	vld [tilespmem:$0x1F2D0]  }
0x3cf: {  	v41 =	vld [tilespmem:$0x6EC0]  }
0x3d0: {  	v5 =	vadd.f32 v42, v5;
	v42 =	vld [tilespmem:$0x1F2E0]  }
0x3d1: {  	v6 =	vadd.f32 v43, v6;
	v43 =	vld [tilespmem:$0x1F2F0]  }
0x3d2: {  	v44 =	vld [tilespmem:$0x78C0]  }
0x3d3: {  	v45 =	vld [tilespmem:$0x1F300]  }
0x3d4: {  	v46 =	vld [tilespmem:$0x1F310]  }
0x3d5: {  	v47 =	vld [tilespmem:$0x6560]  }
0x3d6: {  	v5 =	vadd.f32 v48, v5;
	v48 =	vld [tilespmem:$0x1F320]  }
0x3d7: {  	v6 =	vadd.f32 v49, v6;
	v49 =	vld [tilespmem:$0x1F330]  }
0x3d8: {  	v50 =	vld [tilespmem:$0x6F60]  }
0x3d9: {  	[tilespmem:$0x1FB40] =	vst v51;
	v51 =	vld [tilespmem:$0x1F340]  }
0x3da: {  	[tilespmem:$0x1FB50] =	vst v55;
	v55 =	vld [tilespmem:$0x1F360]  }
0x3db: {  	v3 =	vadd.f32 v56, v3;
	v56 =	vld [tilespmem:$0x1F370]  }
0x3dc: {  	[tilespmem:$0x1FB70] =	vst v58;
	v58 =	vld [tilespmem:$0x1F380]  }
0x3dd: {  	[tilespmem:$0x1FB80] =	vst v41;
	v41 =	vld [tilespmem:$0x7000]  }
0x3de: {  	v2 =	vadd.f32 v7, v2;
	v7 =	vadd.f32 $0.0e+00, v43;
	v43 =	vld [tilespmem:$0x1F3B0]  }
0x3df: {  	[tilespmem:$0x1FB90] =	vst v44;
	v44 =	vld [tilespmem:$0x7A00]  }
0x3e0: {  	[tilespmem:$0x1FBA0] =	vst v47;
	v47 =	vld [tilespmem:$0x66A0]  }
0x3e1: {  	[tilespmem:$0x1FBB0] =	vst v50;
	v50 =	vld [tilespmem:$0x70A0]  }
0x3e2: {  	[tilespmem:$0x1FF20] =	vst v2;
	v2 =	vld [tilespmem:$0x1F250]  }
0x3e3: {  	[tilespmem:$0x1FF30] =	vst v3;
	v3 =	vld [tilespmem:$0x1F290];
	v7 =	vadd.f32 v49, v7  }
0x3e4: {  	v49 =	vld [tilespmem:$0x1F3F0]  }
0x3e5: {  	v7 =	vadd.f32 v56, v7;
	v56 =	vld [tilespmem:$0x1F430]  }
0x3e6: {  	[tilespmem:$0x1FBE0] =	vst v41;
	v41 =	vld [tilespmem:$0x7140]  }
0x3e7: {  	[tilespmem:$0x1FBF0] =	vst v44;
	v44 =	vld [tilespmem:$0x7B40]  }
0x3e8: {  	[tilespmem:$0x1FC00] =	vst v47;
	v47 =	vld [tilespmem:$0x67E0]  }
0x3e9: {  	[tilespmem:$0x1FC10] =	vst v50;
	v50 =	vld [tilespmem:$0x71E0]  }
0x3ea: {  	v2 =	vadd.f32 v2, v4;
	v4 =	vadd.f32 v52, v5;
	v52 =	vld [tilespmem:$0x1F350]  }
0x3eb: {  	v5 =	vadd.f32 v54, v6;
	v54 =	vld [tilespmem:$0x7960]  }
0x3ec: {  	v6 =	vadd.f32 $0.0e+00, v42;
	v42 =	vld [tilespmem:$0x1F3A0]  }
0x3ed: {  	v7 =	vadd.f32 v43, v7;
	v43 =	vld [tilespmem:$0x1F470]  }
0x3ee: {  	v2 =	vadd.f32 v3, v2;
	v3 =	vld [tilespmem:$0x7820]  }
0x3ef: {  	v6 =	vadd.f32 v48, v6;
	v48 =	vld [tilespmem:$0x1F3E0]  }
0x3f0: {  	v7 =	vadd.f32 v49, v7;
	v49 =	vld [tilespmem:$0x1F4B0]  }
0x3f1: {  	[tilespmem:$0x1FC40] =	vst v41;
	v41 =	vld [tilespmem:$0x1F530]  }
0x3f2: {  	[tilespmem:$0x1FC50] =	vst v44;
	v44 =	vld [tilespmem:$0x1F570]  }
0x3f3: {  	[tilespmem:$0x1FC80] =	vst v47;
	v47 =	vld [tilespmem:$0x1F590]  }
0x3f4: {  	[tilespmem:$0x1FCC0] =	vst v50;
	v50 =	vld [tilespmem:$0x1F5B0]  }
0x3f5: {  	v6 =	vadd.f32 v55, v6;
	v55 =	vld [tilespmem:$0x1F420]  }
0x3f6: {  	v7 =	vadd.f32 v56, v7;
	v56 =	vld [tilespmem:$0x1F4F0]  }
0x3f7: {  	v2 =	vadd.f32 v8, v2;
	v8 =	vld [tilespmem:$0x7280]  }
0x3f8: {  	[tilespmem:$0x1FBC0] =	vst v54;
	v54 =	vld [tilespmem:$0x7AA0]  }
0x3f9: {  	v2 =	vadd.f32 v58, v2;
	v58 =	vld [tilespmem:$0x1F440]  }
0x3fa: {  	v6 =	vadd.f32 v42, v6;
	v42 =	vld [tilespmem:$0x1F460]  }
0x3fb: {  	v7 =	vadd.f32 v43, v7;
	v43 =	vld [tilespmem:$0x1F540]  }
0x3fc: {  	[tilespmem:$0x1FB60] =	vst v3;
	v3 =	vld [tilespmem:$0x1F2A0]  }
0x3fd: {  	v6 =	vadd.f32 v48, v6;
	v48 =	vld [tilespmem:$0x1F4A0]  }
0x3fe: {  	v7 =	vadd.f32 v49, v7;
	v49 =	vld [tilespmem:$0x1F5A0]  }
0x3ff: {  	[tilespmem:$0x1FD80] =	vst v8;
	v8 =	vld [tilespmem:$0x1F870]  }
0x400: {  	[tilespmem:$0x1FC20] =	vst v54;
	v54 =	vld [tilespmem:$0x7BE0]  }
0x401: {  	v6 =	vadd.f32 v55, v6;
	v55 =	vld [tilespmem:$0x1F4E0]  }
0x402: {  	v7 =	vadd.f32 v56, v7;
	v56 =	vld [tilespmem:$0x1F5E0]  }
0x403: {  	v2 =	vadd.f32 v58, v2;
	v58 =	vld [tilespmem:$0x1F500]  }
0x404: {  	v3 =	vadd.f32 v3, v4;
	v4 =	vadd.f32 v57, v5;
	v57 =	vld [tilespmem:$0x6600]  }
0x405: {  	v5 =	vadd.f32 $0.0e+00, v40;
	v40 =	vld [tilespmem:$0x1F390]  }
0x406: {  	v6 =	vadd.f32 v42, v6;
	v42 =	vld [tilespmem:$0x7C80]  }
0x407: {  	v3 =	vadd.f32 v45, v3;
	v45 =	vld [tilespmem:$0x1F3C0]  }
0x408: {  	v5 =	vadd.f32 v46, v5;
	v46 =	vld [tilespmem:$0x1F3D0]  }
0x409: {  	v4 =	vadd.f32 v51, v4;
	v51 =	vld [tilespmem:$0x1F400]  }
0x40a: {  	v6 =	vadd.f32 v48, v6;
	v48 =	vld [tilespmem:$0x7D20]  }
0x40b: {  	[tilespmem:$0x1FD00] =	vst v54;
	v54 =	vld [tilespmem:$0x1F5D0]  }
0x40c: {  	v5 =	vadd.f32 v52, v5;
	v52 =	vld [tilespmem:$0x1F410]  }
0x40d: {  	v6 =	vadd.f32 v55, v6;
	v55 =	vld [tilespmem:$0x73C0]  }
0x40e: {  	v2 =	vadd.f32 v58, v2;
	v58 =	vld [tilespmem:$0x7DC0]  }
0x40f: {  	[tilespmem:$0x1FBD0] =	vst v57;
	v57 =	vld [tilespmem:$0x6740]  }
0x410: {  	[tilespmem:$0x1FDC0] =	vst v42;
	v42 =	vld [tilespmem:$0x6070]  }
0x411: {  	v5 =	vadd.f32 v40, v5;
	v40 =	vld [tilespmem:$0x1F450]  }
0x412: {  	[tilespmem:$0x1FF40] =	vst v2;
	v2 =	vld [tilespmem:$0x1F510]  }
0x413: {  	v3 =	vadd.f32 v45, v3;
	v45 =	vld [tilespmem:$0x1F480]  }
0x414: {  	v4 =	vadd.f32 v51, v4;
	v51 =	vld [tilespmem:$0x1F4C0]  }
0x415: {  	[tilespmem:$0x1FE50] =	vst v48;
	v48 =	vld [tilespmem:$0x7470]  }
0x416: {  	v5 =	vadd.f32 v46, v5;
	v46 =	vld [tilespmem:$0x1F490]  }
0x417: {  	[tilespmem:$0x1FE70] =	vst v55;
	v55 =	vld [tilespmem:$0x6B10]  }
0x418: {  	[tilespmem:$0x1FE80] =	vst v58;
	v58 =	vld [tilespmem:$0x7510]  }
0x419: {  	v5 =	vadd.f32 v52, v5;
	v52 =	vld [tilespmem:$0x1F4D0]  }
0x41a: {  	[tilespmem:$0x1FC30] =	vst v57;
	v57 =	vld [tilespmem:$0x6880]  }
0x41b: {  	[tilespmem:$0x1FC60] =	vst v42;
	v42 =	vld [tilespmem:$0x61B0]  }
0x41c: {  	v5 =	vadd.f32 v40, v5;
	v40 =	vld [tilespmem:$0x1F520]  }
0x41d: {  	v3 =	vadd.f32 v45, v3;
	v45 =	vld [tilespmem:$0x7320]  }
0x41e: {  	v4 =	vadd.f32 v51, v4;
	v51 =	vld [tilespmem:$0x69C0]  }
0x41f: {  	[tilespmem:$0x1FC90] =	vst v48;
	v48 =	vld [tilespmem:$0x75B0]  }
0x420: {  	v5 =	vadd.f32 v46, v5;
	v46 =	vld [tilespmem:$0x1F580]  }
0x421: {  	v3 =	vadd.f32 v43, v3;
	v43 =	vld [tilespmem:$0x1F620]  }
0x422: {  	[tilespmem:$0x1FCB0] =	vst v55;
	v55 =	vld [tilespmem:$0x6C50]  }
0x423: {  	[tilespmem:$0x1FCD0] =	vst v58;
	v58 =	vld [tilespmem:$0x7650]  }
0x424: {  	[tilespmem:$0x1FD40] =	vst v57;
	v57 =	vld [tilespmem:$0x1F5F0]  }
0x425: {  	[tilespmem:$0x1FCE0] =	vst v42;
	v42 =	vld [tilespmem:$0x62F0]  }
0x426: {  	[tilespmem:$0x1FF50] =	vst v3;
	v3 =	vld [tilespmem:$0x1F550]  }
0x427: {  	v5 =	vadd.f32 v52, v5;
	v52 =	vld [tilespmem:$0x1F5C0]  }
0x428: {  	[tilespmem:$0x1FE30] =	vst v45;
	v45 =	vld [tilespmem:$0x6A70]  }
0x429: {  	[tilespmem:$0x1FE60] =	vst v51;
	v51 =	vld [tilespmem:$0x6110]  }
0x42a: {  	[tilespmem:$0x1FD10] =	vst v48;
	v48 =	vld [tilespmem:$0x76F0]  }
0x42b: {  	v2 =	vadd.f32 v2, v5;
	v5 =	vadd.f32 v40, v6;
	v40 =	vld [tilespmem:$0x1F600]  }
0x42c: {  	v6 =	vadd.f32 v41, v7;
	v41 =	vld [tilespmem:$0x1F610]  }
0x42d: {  	v4 =	vadd.f32 v46, v4;
	v46 =	vld [tilespmem:$0x1F640]  }
0x42e: {  	[tilespmem:$0x1FD30] =	vst v55;
	v55 =	vld [tilespmem:$0x1F820]  }
0x42f: {  	[tilespmem:$0x1FD50] =	vst v58;
	v58 =	vld [tilespmem:$0x1F840]  }
0x430: {  	v7 =	vadd.f32 $0.0e+00, v57;
	v57 =	vld [tilespmem:$0x1F6B0]  }
0x431: {  	[tilespmem:$0x1FD60] =	vst v42;
	v42 =	vld [tilespmem:$0x1F890]  }
0x432: {  	v2 =	vadd.f32 v3, v2;
	v3 =	vld [tilespmem:$0x6920]  }
0x433: {  	[tilespmem:$0x1FC70] =	vst v45;
	v45 =	vld [tilespmem:$0x6BB0]  }
0x434: {  	[tilespmem:$0x1FCA0] =	vst v51;
	v51 =	vld [tilespmem:$0x6250];
	v2 =	vadd.f32 v47, v2  }
0x435: {  	[tilespmem:$0x1FD90] =	vst v48;
	v48 =	vadd.f32 $0.0e+00, v62;
	v62 =	vld [tilespmem:$0x6ED0]  }
0x436: {  	v2 =	vadd.f32 v52, v2;
	v52 =	vld [tilespmem:$0x1F680]  }
0x437: {  	[tilespmem:$0x1FE00] =	vst v3;
	v3 =	vld [tilespmem:$0x1F560]  }
0x438: {  	v47 =	vld [tilespmem:$0x1F650]  }
0x439: {  	[tilespmem:$0x1FCF0] =	vst v45;
	v45 =	vld [tilespmem:$0x6CF0]  }
0x43a: {  	[tilespmem:$0x1FD20] =	vst v51;
	v51 =	vld [tilespmem:$0x6390]  }
0x43b: {  	v2 =	vadd.f32 v52, v2;
	v52 =	vld [tilespmem:$0x1F740]  }
0x43c: {  	v3 =	vadd.f32 v3, v5;
	v5 =	vadd.f32 v44, v6;
	v44 =	vld [tilespmem:$0x1F630]  }
0x43d: {  	v6 =	vadd.f32 $0.0e+00, v56;
	v56 =	vld [tilespmem:$0x1F6A0]  }
0x43e: {  	[tilespmem:$0x1FD70] =	vst v45;
	v45 =	vld [tilespmem:$0x1F8B0]  }
0x43f: {  	[tilespmem:$0x1FDA0] =	vst v51;
	v51 =	vld [tilespmem:$0x78D0]  }
0x440: {  	v3 =	vadd.f32 v49, v3;
	v49 =	vld [tilespmem:$0x1F660]  }
0x441: {  	[tilespmem:$0x1FF60] =	vst v4;
	v4 =	vadd.f32 v50, v5;
	v50 =	vld [tilespmem:$0x1F670]  }
0x442: {  	v5 =	vadd.f32 $0.0e+00, v54;
	v54 =	vld [tilespmem:$0x1F690]  }
0x443: {  	v6 =	vadd.f32 v43, v6;
	v43 =	vld [tilespmem:$0x1F6E0]  }
0x444: {  	v3 =	vadd.f32 v40, v3;
	v40 =	vld [tilespmem:$0x1F6C0]  }
0x445: {  	v5 =	vadd.f32 v41, v5;
	v41 =	vld [tilespmem:$0x1F6D0]  }
0x446: {  	v4 =	vadd.f32 v46, v4;
	v46 =	vld [tilespmem:$0x1F700]  }
0x447: {  	v2 =	vadd.f32 v52, v2;
	v52 =	vld [tilespmem:$0x1F800]  }
0x448: {  	v7 =	vadd.f32 v44, v7;
	v44 =	vld [tilespmem:$0x1F6F0]  }
0x449: {  	v5 =	vadd.f32 v47, v5;
	v47 =	vld [tilespmem:$0x1F710]  }
0x44a: {  	[tilespmem:$0x1FE40] =	vst v51;
	v51 =	vld [tilespmem:$0x7AB0]  }
0x44b: {  	v6 =	vadd.f32 v49, v6;
	v49 =	vld [tilespmem:$0x1F720]  }
0x44c: {  	v7 =	vadd.f32 v50, v7;
	v50 =	vld [tilespmem:$0x1F730]  }
0x44d: {  	v5 =	vadd.f32 v54, v5;
	v54 =	vld [tilespmem:$0x1F750]  }
0x44e: {  	v6 =	vadd.f32 v56, v6;
	v56 =	vld [tilespmem:$0x1F760]  }
0x44f: {  	v7 =	vadd.f32 v57, v7;
	v57 =	vld [tilespmem:$0x1F770]  }
0x450: {  	v3 =	vadd.f32 v40, v3;
	v40 =	vld [tilespmem:$0x1F780]  }
0x451: {  	v4 =	vadd.f32 v46, v4;
	v46 =	vld [tilespmem:$0x1F7C0]  }
0x452: {  	v2 =	vadd.f32 v52, v2;
	v52 =	vld [tilespmem:$0x1F8F0]  }
0x453: {  	v5 =	vadd.f32 v41, v5;
	v41 =	vld [tilespmem:$0x1F790]  }
0x454: {  	v6 =	vadd.f32 v43, v6;
	v43 =	vld [tilespmem:$0x1F7A0]  }
0x455: {  	v7 =	vadd.f32 v44, v7;
	v44 =	vld [tilespmem:$0x1F7B0]  }
0x456: {  	[tilespmem:$0x1FF70] =	vst v2;
	v2 =	vld [tilespmem:$0x1F810]  }
0x457: {  	v5 =	vadd.f32 v47, v5;
	v47 =	vld [tilespmem:$0x1F7D0]  }
0x458: {  	v6 =	vadd.f32 v49, v6;
	v49 =	vld [tilespmem:$0x1F7E0]  }
0x459: {  	v7 =	vadd.f32 v50, v7;
	v50 =	vld [tilespmem:$0x1F7F0]  }
0x45a: {  	v5 =	vadd.f32 v54, v5;
	v54 =	vld [tilespmem:$0x6D90]  }
0x45b: {  	v3 =	vadd.f32 v40, v3;
	v40 =	vld [tilespmem:$0x6E30]  }
0x45c: {  	v4 =	vadd.f32 v46, v4;
	v46 =	vld [tilespmem:$0x64D0]  }
0x45d: {  	v6 =	vadd.f32 v56, v6;
	v56 =	vld [tilespmem:$0x1F830]  }
0x45e: {  	v7 =	vadd.f32 v57, v7;
	v57 =	vld [tilespmem:$0x7790]  }
0x45f: {  	v5 =	vadd.f32 v41, v5;
	v41 =	vld [tilespmem:$0x1F880]  }
0x460: {  	v3 =	vadd.f32 v58, v3;
	v58 =	vld [tilespmem:$0x6570]  }
0x461: {  	v6 =	vadd.f32 v43, v6;
	v43 =	vld [tilespmem:$0x7830]  }
0x462: {  	v7 =	vadd.f32 v44, v7;
	v44 =	vld [tilespmem:$0x1F8A0]  }
0x463: {  	[tilespmem:$0x1FF80] =	vst v3;
	v3 =	vld [tilespmem:$0x1F850]  }
0x464: {  	v5 =	vadd.f32 v47, v5;
	v47 =	vld [tilespmem:$0x1F8C0]  }
0x465: {  	v6 =	vadd.f32 v49, v6;
	v49 =	vld [tilespmem:$0x1F8D0]  }
0x466: {  	v7 =	vadd.f32 v50, v7;
	v50 =	vld [tilespmem:$0x1F8E0]  }
0x467: {  	[tilespmem:$0x1FDB0] =	vst v54;
	v54 =	vld [tilespmem:$0x1F900]  }
0x468: {  	[tilespmem:$0x1FE20] =	vst v46;
	v46 =	vld [tilespmem:$0x7B50]  }
0x469: {  	[tilespmem:$0x1FDF0] =	vst v40;
	v40 =	vld [tilespmem:$0x71F0]  }
0x46a: {  	[tilespmem:$0x1FDD0] =	vst v57;
	v57 =	vld [tilespmem:$0x1F930]  }
0x46b: {  	v2 =	vadd.f32 v2, v5;
	v5 =	vadd.f32 v55, v6;
	v55 =	vld [tilespmem:$0x1F910]  }
0x46c: {  	v6 =	vadd.f32 v56, v7;
	v56 =	vld [tilespmem:$0x1F920]  }
0x46d: {  	v2 =	vadd.f32 v3, v2;
	v3 =	vld [tilespmem:$0x6430]  }
0x46e: {  	v4 =	vadd.f32 v41, v4;
	v41 =	vld [tilespmem:$0x67F0]  }
0x46f: {  	[tilespmem:$0x1FE10] =	vst v43;
	v43 =	vld [tilespmem:$0x7BF0];
	v7 =	vadd.f32 $0.0e+00, v50  }
0x470: {  	v50 =	vld [tilespmem:$0x6750]  }
0x471: {  	v2 =	vadd.f32 v42, v2;
	v42 =	vld [tilespmem:$0x7150];
	v7 =	vadd.f32 v56, v7  }
0x472: {  	[tilespmem:$0x1FDE0] =	vst v3;
	v3 =	vld [tilespmem:$0x1F860]  }
0x473: {  	v56 =	vld [tilespmem:$0x7C90];
	v7 =	vadd.f32 v15, v7  }
0x474: {  	v2 =	vadd.f32 v47, v2;
	v47 =	vld [tilespmem:$0x6890]  }
0x475: {  	v15 =	vld [tilespmem:$0x1F960];
	v7 =	vadd.f32 v20, v7  }
0x476: {  	v20 =	vld [tilespmem:$0x1F9A0]  }
0x477: {  	v7 =	vadd.f32 v25, v7;
	v25 =	vld [tilespmem:$0x1F9B0];
	v3 =	vadd.f32 v3, v5  }
0x478: {  	v5 =	vadd.f32 v8, v6;
	v6 =	vadd.f32 $0.0e+00, v49;
	v49 =	vld [tilespmem:$0x7A10]  }
0x479: {  	v8 =	vld [tilespmem:$0x6760]  }
0x47a: {  	v7 =	vadd.f32 v30, v7;
	v30 =	vld [tilespmem:$0x7D30]  }
0x47b: {  	v3 =	vadd.f32 v44, v3;
	v44 =	vld [tilespmem:$0x6F70]  }
0x47c: {  	v6 =	vadd.f32 v55, v6;
	v55 =	vld [tilespmem:$0x6610]  }
0x47d: {  	[tilespmem:$0x1FF90] =	vst v4;
	v4 =	vadd.f32 v45, v5;
	v45 =	vld [tilespmem:$0x7010]  }
0x47e: {  	v5 =	vadd.f32 v54, v48;
	v48 =	vld [tilespmem:$0x70B0]  }
0x47f: {  	v54 =	vld [tilespmem:$0x7290]  }
0x480: {  	v7 =	vadd.f32 v34, v7;
	v34 =	vld [tilespmem:$0x69D0]  }
0x481: {  	v4 =	vadd.f32 v57, v4;
	v57 =	vld [tilespmem:$0x7970]  }
0x482: {  	v5 =	vadd.f32 v12, v5;
	v12 =	vld [tilespmem:$0x1F940]  }
0x483: {  	v6 =	vadd.f32 v14, v6;
	v14 =	vld [tilespmem:$0x1F950]  }
0x484: {  	v3 =	vadd.f32 v52, v3;
	v52 =	vld [tilespmem:$0x66B0]  }
0x485: {  	v5 =	vadd.f32 v16, v5;
	v16 =	vld [tilespmem:$0x1F970]  }
0x486: {  	v6 =	vadd.f32 v17, v6;
	v17 =	vld [tilespmem:$0x1F980]  }
0x487: {  	v7 =	vadd.f32 v24, v7;
	v4 =	vadd.f32 v15, v4;
	v15 =	vld [tilespmem:$0x1FA80]  }
0x488: {  	[tilespmem:$0x1FEA0] =	vst v30;
	v30 =	vld [tilespmem:$0x6300]  }
0x489: {  	v7 =	vadd.f32 v36, v7;
	v36 =	vld [tilespmem:$0x73D0]  }
0x48a: {  	v5 =	vadd.f32 v18, v5;
	v18 =	vld [tilespmem:$0x1F990]  }
0x48b: {  	[tilespmem:$0x1FEB0] =	vst v34;
	v34 =	vld [tilespmem:$0x61C0]  }
0x48c: {  	v24 =	vadd.f32 v61, v7;
	v61 =	vld [tilespmem:$0x6930]  }
0x48d: {  	v2 =	vadd.f32 v12, v2;
	v12 =	vld [tilespmem:$0x1FA60]  }
0x48e: {  	v3 =	vadd.f32 v14, v3;
	v14 =	vld [tilespmem:$0x1FA70]  }
0x48f: {  	v6 =	vadd.f32 v22, v6;
	v7 =	vld [tilespmem:$0x7AC0]  }
0x490: {  	v5 =	vadd.f32 v26, v5;
	v26 =	vld [tilespmem:$0x1F9E0]  }
0x491: {  	v6 =	vadd.f32 v27, v6;
	v27 =	vld [tilespmem:$0x7330]  }
0x492: {  	v2 =	vadd.f32 v16, v2;
	v16 =	vld [tilespmem:$0x1FA90]  }
0x493: {  	v3 =	vadd.f32 v17, v3;
	v17 =	vld [tilespmem:$0x1FAA0]  }
0x494: {  	v5 =	vadd.f32 v29, v5;
	v29 =	vld [tilespmem:$0x1FA00]  }
0x495: {  	v6 =	vadd.f32 v33, v6;
	v33 =	vld [tilespmem:$0x1FA20]  }
0x496: {  	[tilespmem:$0x1FEC0] =	vst v36;
	v36 =	vld [tilespmem:$0x6120]  }
0x497: {  	v4 =	vadd.f32 v18, v4;
	v18 =	vld [tilespmem:$0x1FAB0]  }
0x498: {  	v1 =	vadd.f32 $0.0e+00, v1;
	v5 =	vadd.f32 v35, v5;
	v35 =	vld [tilespmem:$0x1FA30]  }
0x499: {  	v3 =	vadd.f32 v25, v3;
	v6 =	vadd.f32 v37, v6;
	v37 =	vld [tilespmem:$0x1FA40]  }
0x49a: {  	v1 =	vadd.f32 v12, v1;
	v12 =	vld [tilespmem:$0x1FB20]  }
0x49b: {  	[tilespmem:$0x1FFB0] =	vst v3;
	v3 =	vld [tilespmem:$0x1F9C0]  }
0x49c: {  	[tilespmem:$0x1FE90] =	vst v27;
	v27 =	vld [tilespmem:$0x63A0]  }
0x49d: {  	v5 =	vadd.f32 v28, v5;
	v28 =	vld [tilespmem:$0x1F9F0]  }
0x49e: {  	v2 =	vadd.f32 v20, v2;
	v6 =	vadd.f32 v31, v6;
	v31 =	vld [tilespmem:$0x1FA10]  }
0x49f: {  	v1 =	vadd.f32 v16, v1;
	v16 =	vld [tilespmem:$0x1FB50]  }
0x4a0: {  	[tilespmem:$0x1FFA0] =	vst v2;
	v2 =	vadd.f32 v38, v5;
	v22 =	vadd.f32 v39, v6;
	v39 =	vld [tilespmem:$0x7DD0]  }
0x4a1: {  	v38 =	vld [tilespmem:$0x1FA50]  }
0x4a2: {  	v2 =	vadd.f32 v3, v2;
	v3 =	vld [tilespmem:$0x1F9D0]  }
0x4a3: {  	v4 =	vadd.f32 v28, v4;
	v28 =	vld [tilespmem:$0x7700]  }
0x4a4: {  	v2 =	vadd.f32 v29, v2;
	v29 =	vld [tilespmem:$0x6D00]  }
0x4a5: {  	v5 =	vadd.f32 v26, v24;
	[tilespmem:$0x1FED0] =	vst v39;
	v39 =	vld [tilespmem:$0x6080]  }
0x4a6: {  	v6 =	vadd.f32 $0.0e+00, v38;
	v38 =	vld [tilespmem:$0x6A80]  }
0x4a7: {  	[tilespmem:$0x1FFC0] =	vst v4;
	v4 =	vadd.f32 v33, v5;
	v5 =	vadd.f32 $0.0e+00, v37;
	v37 =	vld [tilespmem:$0x7480]  }
0x4a8: {  	v33 =	vld [tilespmem:$0x6260]  }
0x4a9: {  	v2 =	vadd.f32 v35, v2;
	v35 =	vld [tilespmem:$0x7520]  }
0x4aa: {  	v3 =	vadd.f32 v3, v22;
	v22 =	vld [tilespmem:$0x1FAE0]  }
0x4ab: {  	v5 =	vadd.f32 v14, v5;
	v14 =	vld [tilespmem:$0x1FB30]  }
0x4ac: {  	v6 =	vadd.f32 v15, v6;
	v15 =	vld [tilespmem:$0x1FB40]  }
0x4ad: {  	v59 =	vadd.f32 v59, v4;
	v20 =	vadd.f32 v53, v2;
	v2 =	vld [tilespmem:$0x1FAC0]  }
0x4ae: {  	v53 =	vld [tilespmem:$0x6B20]  }
0x4af: {  	v26 =	vadd.f32 v23, v59;
	v59 =	vld [tilespmem:$0x75C0]  }
0x4b0: {  	v3 =	vadd.f32 v31, v3;
	v31 =	vld [tilespmem:$0x6C60]  }
0x4b1: {  	v4 =	vadd.f32 v17, v5;
	v17 =	vld [tilespmem:$0x1FB60]  }
0x4b2: {  	v5 =	vadd.f32 v18, v6;
	v18 =	vld [tilespmem:$0x1FB70]  }
0x4b3: {  	v23 =	vld [tilespmem:$0x1FBC0]  }
0x4b4: {  	v6 =	vadd.f32 v21, v20;
	v20 =	vld [tilespmem:$0x1FB90]  }
0x4b5: {  	v21 =	vld [tilespmem:$0x1FBA0]  }
0x4b6: {  	v3 =	vadd.f32 v60, v3;
	v60 =	vld [tilespmem:$0x6BC0]  }
0x4b7: {  	v24 =	vadd.f32 v22, v5;
	v22 =	vld [tilespmem:$0x1FBB0]  }
0x4b8: {  	v25 =	vadd.f32 v32, v3;
	v3 =	vld [tilespmem:$0x1FAF0]  }
0x4b9: {  	v5 =	vadd.f32 v13, v26;
	v26 =	vld [tilespmem:$0x6DA0]  }
0x4ba: {  	v39 =	vadd.f32 $0.0e+00, v39;
	v6 =	vadd.f32 v11, v6;
	v11 =	vld [tilespmem:$0x1FC10]  }
0x4bb: {  	v1 =	vadd.f32 v2, v1;
	v2 =	vld [tilespmem:$0x1FAD0]  }
0x4bc: {  	v37 =	vadd.f32 $0.0e+00, v37;
	v36 =	vadd.f32 v36, v39;
	v39 =	vld [tilespmem:$0x6A90]  }
0x4bd: {  	v1 =	vadd.f32 v3, v1;
	v3 =	vld [tilespmem:$0x1FB00]  }
0x4be: {  	v38 =	vadd.f32 $0.0e+00, v38;
	v35 =	vadd.f32 v35, v37;
	v37 =	vld [tilespmem:$0x7490]  }
0x4bf: {  	v32 =	vld [tilespmem:$0x7660]  }
0x4c0: {  	v38 =	vadd.f32 v53, v38;
	v53 =	vld [tilespmem:$0x6310];
	v2 =	vadd.f32 v2, v4  }
0x4c1: {  	v13 =	vadd.f32 v9, v5;
	v9 =	vld [tilespmem:$0x1FCC0]  }
0x4c2: {  	v2 =	vadd.f32 v3, v2;
	v3 =	vadd.f32 v63, v24;
	v63 =	vld [tilespmem:$0x1FB10]  }
0x4c3: {  	v34 =	vadd.f32 v34, v36;
	v36 =	vld [tilespmem:$0x6EF0]  }
0x4c4: {  	[tilespmem:$0x1FFF0] =	vst v13;
	v13 =	vld [tilespmem:$0x1FD00]  }
0x4c5: {  	v33 =	vadd.f32 v33, v34;
	v34 =	vld [tilespmem:$0x7530]  }
0x4c6: {  	v35 =	vadd.f32 v59, v35;
	v4 =	vadd.f32 v19, v25;
	v19 =	vld [tilespmem:$0x1FB80]  }
0x4c7: {  	v25 =	vld [tilespmem:$0x1FBE0];
	v1 =	vadd.f32 v63, v1  }
0x4c8: {  	v32 =	vadd.f32 v32, v35;
	v35 =	vld [tilespmem:$0x61D0]  }
0x4c9: {  	v4 =	vadd.f32 v10, v4;
	v10 =	vld [tilespmem:$0x1FC00];
	v1 =	vadd.f32 v15, v1  }
0x4ca: {  	v24 =	vld [tilespmem:$0x1FBD0]  }
0x4cb: {  	v28 =	vadd.f32 v28, v32;
	v32 =	vld [tilespmem:$0x75D0];
	v1 =	vadd.f32 v18, v1  }
0x4cc: {  	v2 =	vadd.f32 v12, v2;
	v12 =	vld [tilespmem:$0x1FC20]  }
0x4cd: {  	v3 =	vadd.f32 v14, v3;
	v14 =	vld [tilespmem:$0x1FC30];
	v1 =	vadd.f32 v21, v1  }
0x4ce: {  	v2 =	vadd.f32 v16, v2;
	v16 =	vld [tilespmem:$0x7980]  }
0x4cf: {  	v3 =	vadd.f32 v17, v3;
	v17 =	vld [tilespmem:$0x1FD20];
	v1 =	vadd.f32 v24, v1  }
0x4d0: {  	v63 =	vld [tilespmem:$0x1FBF0];
	v2 =	vadd.f32 v19, v2  }
0x4d1: {  	v19 =	vld [tilespmem:$0x6EE0];
	v1 =	vadd.f32 v10, v1  }
0x4d2: {  	v3 =	vadd.f32 v20, v3;
	v20 =	vld [tilespmem:$0x78E0];
	v2 =	vadd.f32 v22, v2  }
0x4d3: {  	[tilespmem:$0x1FFE0] =	vst v4;
	v4 =	vadd.f32 v14, v1;
	v1 =	vld [tilespmem:$0x1FC40]  }
0x4d4: {  	v22 =	vld [tilespmem:$0x6E40];
	v2 =	vadd.f32 v25, v2  }
0x4d5: {  	v3 =	vadd.f32 v23, v3;
	v23 =	vld [tilespmem:$0x7840]  }
0x4d6: {  	v18 =	vld [tilespmem:$0x1FCA0];
	v2 =	vadd.f32 v11, v2  }
0x4d7: {  	v25 =	vld [tilespmem:$0x77A0]  }
0x4d8: {  	v15 =	vadd.f32 v1, v2;
	v1 =	vld [tilespmem:$0x1FC50]  }
0x4d9: {  	v2 =	vld [tilespmem:$0x1FC70]  }
0x4da: {  	v3 =	vadd.f32 v63, v3;
	v63 =	vld [tilespmem:$0x1FCB0]  }
0x4db: {  	v21 =	vld [tilespmem:$0x64E0]  }
0x4dc: {  	v3 =	vadd.f32 v12, v3;
	v11 =	vld [tilespmem:$0x1FCE0]  }
0x4dd: {  	v12 =	vld [tilespmem:$0x1FCF0]  }
0x4de: {  	[tilespmem:$0x1FFD0] =	vst v6;
	v6 =	vadd.f32 v1, v3;
	v1 =	vld [tilespmem:$0x1FC60];
	v2 =	vadd.f32 $0.0e+00, v2  }
0x4df: {  	v3 =	vld [tilespmem:$0x1FC80]  }
0x4e0: {  	v25 =	vadd.f32 v25, v28;
	v2 =	vadd.f32 v63, v2;
	v63 =	vld [tilespmem:$0x1FD30]  }
0x4e1: {  	v24 =	vld [tilespmem:$0x6440]  }
0x4e2: {  	v10 =	vld [tilespmem:$0x1FCD0];
	v23 =	vadd.f32 v23, v25  }
0x4e3: {  	v14 =	vld [tilespmem:$0x1FD10];
	v2 =	vadd.f32 v12, v2;
	v1 =	vadd.f32 $0.0e+00, v1  }
0x4e4: {  	v20 =	vadd.f32 v20, v23;
	v4 =	vadd.f32 v3, v4;
	v3 =	vld [tilespmem:$0x1FC90]  }
0x4e5: {  	v1 =	vadd.f32 v18, v1;
	v2 =	vadd.f32 v63, v2;
	v63 =	vld [tilespmem:$0x1FD80]  }
0x4e6: {  	v23 =	vld [tilespmem:$0x7710]  }
0x4e7: {  	v16 =	vadd.f32 v16, v20;
	v20 =	vld [tilespmem:$0x6DB0];
	v1 =	vadd.f32 v11, v1  }
0x4e8: {  	v5 =	vadd.f32 v9, v15;
	v11 =	vld [tilespmem:$0x1FD60]  }
0x4e9: {  	v1 =	vadd.f32 v17, v1;
	v17 =	vld [tilespmem:$0x1FD70]  }
0x4ea: {  	v3 =	vadd.f32 $0.0e+00, v3;
	v5 =	vadd.f32 v63, v5;
	v63 =	vld [tilespmem:$0x1FDC0]  }
0x4eb: {  	v9 =	vld [tilespmem:$0x1FD40]  }
0x4ec: {  	v3 =	vadd.f32 v10, v3;
	v10 =	vld [tilespmem:$0x1FD50]  }
0x4ed: {  	v6 =	vadd.f32 v13, v6;
	v1 =	vadd.f32 v11, v1;
	v11 =	vld [tilespmem:$0x1FDA0]  }
0x4ee: {  	v2 =	vadd.f32 v17, v2;
	v17 =	vld [tilespmem:$0x1FDB0]  }
0x4ef: {  	v6 =	vadd.f32 v63, v6;
	v63 =	vld [tilespmem:$0x1FDE0]  }
0x4f0: {  	v15 =	vld [tilespmem:$0x6F80]  }
0x4f1: {  	v4 =	vadd.f32 v9, v4;
	v9 =	vld [tilespmem:$0x1FD90]  }
0x4f2: {  	v13 =	vld [tilespmem:$0x7020];
	v3 =	vadd.f32 v14, v3;
	v1 =	vadd.f32 v11, v1  }
0x4f3: {  	v30 =	vadd.f32 v30, v33;
	v2 =	vadd.f32 v17, v2;
	v17 =	vld [tilespmem:$0x1FDD0]  }
0x4f4: {  	v3 =	vadd.f32 v10, v3;
	v1 =	vadd.f32 v63, v1;
	v63 =	vld [tilespmem:$0x1FE00]  }
0x4f5: {  	v27 =	vadd.f32 v27, v30;
	v12 =	vld [tilespmem:$0x7A20]  }
0x4f6: {  	v18 =	vld [tilespmem:$0x6580];
	v3 =	vadd.f32 v9, v3  }
0x4f7: {  	v24 =	vadd.f32 v24, v27;
	v14 =	vld [tilespmem:$0x6620]  }
0x4f8: {  	v3 =	vadd.f32 v17, v3;
	v17 =	vld [tilespmem:$0x1FDF0]  }
0x4f9: {  	v21 =	vadd.f32 v21, v24;
	v4 =	vadd.f32 v63, v4;
	v63 =	vld [tilespmem:$0x1FE10]  }
0x4fa: {  	v10 =	vld [tilespmem:$0x66C0]  }
0x4fb: {  	v12 =	vadd.f32 v12, v16;
	v16 =	vld [tilespmem:$0x6450];
	v18 =	vadd.f32 v18, v21  }
0x4fc: {  	v9 =	vld [tilespmem:$0x70C0]  }
0x4fd: {  	v11 =	vld [tilespmem:$0x7160];
	v14 =	vadd.f32 v14, v18  }
0x4fe: {  	v2 =	vadd.f32 v17, v2;
	v3 =	vadd.f32 v63, v3;
	v63 =	vld [tilespmem:$0x1FE20]  }
0x4ff: {  	v10 =	vadd.f32 v10, v14;
	v14 =	vld [tilespmem:$0x7850]  }
0x500: {  	v17 =	vld [tilespmem:$0x7B60];
	v2 =	vadd.f32 v62, v2  }
0x501: {  	v62 =	vld [tilespmem:$0x6800]  }
0x502: {  	v2 =	vadd.f32 v44, v2;
	v44 =	vld [tilespmem:$0x1FE50]  }
0x503: {  	v1 =	vadd.f32 v63, v1;
	v63 =	vld [tilespmem:$0x1FE30]  }
0x504: {  	v8 =	vadd.f32 v8, v10;
	v2 =	vadd.f32 v45, v2;
	v45 =	vld [tilespmem:$0x72A0]  }
0x505: {  	v1 =	vadd.f32 v58, v1;
	v58 =	vld [tilespmem:$0x7C00]  }
0x506: {  	v7 =	vadd.f32 v7, v12;
	v8 =	vadd.f32 v62, v8;
	v62 =	vld [tilespmem:$0x1FF60]  }
0x507: {  	v6 =	vadd.f32 v44, v6;
	v44 =	vld [tilespmem:$0x68A0];
	v1 =	vadd.f32 v55, v1  }
0x508: {  	v7 =	vadd.f32 v17, v7;
	v5 =	vadd.f32 v63, v5;
	v63 =	vld [tilespmem:$0x1FE40]  }
0x509: {  	v1 =	vadd.f32 v52, v1;
	v52 =	vld [tilespmem:$0x1FEA0]  }
0x50a: {  	v7 =	vadd.f32 v58, v7;
	v58 =	vld [tilespmem:$0x69F0]  }
0x50b: {  	v50 =	vadd.f32 v50, v1;
	v1 =	vld [tilespmem:$0x1FE80]  }
0x50c: {  	v8 =	vadd.f32 v44, v8;
	v44 =	vld [tilespmem:$0x68B0]  }
0x50d: {  	v3 =	vadd.f32 v63, v3;
	v63 =	vld [tilespmem:$0x7200]  }
0x50e: {  	v41 =	vadd.f32 v41, v50;
	v50 =	vld [tilespmem:$0x6090]  }
0x50f: {  	v57 =	vadd.f32 v57, v3;
	v3 =	vld [tilespmem:$0x1FE60]  }
0x510: {  	v41 =	vadd.f32 v47, v41;
	v47 =	vld [tilespmem:$0x6B30]  }
0x511: {  	v1 =	vadd.f32 v1, v6;
	v6 =	vld [tilespmem:$0x73E0]  }
0x512: {  	v55 =	vadd.f32 v49, v57;
	v49 =	vld [tilespmem:$0x7CA0]  }
0x513: {  	v57 =	vadd.f32 v48, v2;
	v48 =	vld [tilespmem:$0x6940]  }
0x514: {  	v2 =	vld [tilespmem:$0x1FE70]  }
0x515: {  	v41 =	vadd.f32 v61, v41;
	v61 =	vadd.f32 $0.0e+00, v37;
	v37 =	vld [tilespmem:$0x78F0]  }
0x516: {  	v59 =	vadd.f32 $0.0e+00, v50;
	v50 =	vld [tilespmem:$0x6630];
	v55 =	vadd.f32 v51, v55  }
0x517: {  	v51 =	vadd.f32 v42, v57;
	v42 =	vld [tilespmem:$0x7D40]  }
0x518: {  	v57 =	vadd.f32 v46, v55;
	v46 =	vld [tilespmem:$0x69E0]  }
0x519: {  	v40 =	vadd.f32 v40, v51;
	v51 =	vld [tilespmem:$0x6C70]  }
0x51a: {  	v55 =	vld [tilespmem:$0x1FEB0]  }
0x51b: {  	v3 =	vadd.f32 v3, v4;
	v4 =	vadd.f32 v2, v5;
	v2 =	vld [tilespmem:$0x7340]  }
0x51c: {  	v5 =	vld [tilespmem:$0x7DE0]  }
0x51d: {  	v8 =	vadd.f32 v48, v8;
	v48 =	vld [tilespmem:$0x1FFE0]  }
0x51e: {  	v43 =	vadd.f32 v43, v57;
	v57 =	vadd.f32 v60, v38;
	v38 =	vld [tilespmem:$0x6130]  }
0x51f: {  	v40 =	vadd.f32 v54, v40;
	v54 =	vld [tilespmem:$0x6D10]  }
0x520: {  	v60 =	vadd.f32 v56, v43;
	v43 =	vld [tilespmem:$0x1FE90]  }
0x521: {  	v56 =	vld [tilespmem:$0x1FEC0]  }
0x522: {  	v31 =	vadd.f32 v31, v57;
	v57 =	vld [tilespmem:$0x1FED0]  }
0x523: {  	v24 =	vadd.f32 v55, v41;
	v41 =	vld [tilespmem:$0x1FEF0]  }
0x524: {  	v55 =	vld [tilespmem:$0x1FF30]  }
0x525: {  	v29 =	vadd.f32 v29, v31;
	v31 =	vld [tilespmem:$0x6BD0]  }
0x526: {  	v27 =	vadd.f32 v52, v60;
	v60 =	vadd.f32 $0.0e+00, v39;
	v39 =	vld [tilespmem:$0x1FEE0]  }
0x527: {  	v52 =	vld [tilespmem:$0x7030]  }
0x528: {  	v12 =	vadd.f32 v38, v59;
	v38 =	vld [tilespmem:$0x6590]  }
0x529: {  	v59 =	vld [tilespmem:$0x70D0]  }
0x52a: {  	v26 =	vadd.f32 v26, v29;
	v29 =	vld [tilespmem:$0x6270]  }
0x52b: {  	v10 =	vadd.f32 v47, v60;
	v47 =	vld [tilespmem:$0x1FF00]  }
0x52c: {  	v60 =	vld [tilespmem:$0x1FF50]  }
0x52d: {  	v18 =	vadd.f32 v57, v27;
	v27 =	vld [tilespmem:$0x64F0]  }
0x52e: {  	v30 =	vadd.f32 v43, v40;
	v40 =	vld [tilespmem:$0x6F90]  }
0x52f: {  	v43 =	vld [tilespmem:$0x7990]  }
0x530: {  	v57 =	vld [tilespmem:$0x1FF40]  }
0x531: {  	v12 =	vadd.f32 v35, v12;
	v35 =	vld [tilespmem:$0x7B70]  }
0x532: {  	v22 =	vadd.f32 v22, v26;
	v26 =	vld [tilespmem:$0x7670]  }
0x533: {  	[tilespmem:$0x7EA0] =	vst v41;
	v41 =	vld [tilespmem:$0x7C10]  }
0x534: {  	v21 =	vadd.f32 v56, v30;
	v56 =	vld [tilespmem:$0x66D0]  }
0x535: {  	v30 =	vadd.f32 v34, v61;
	v61 =	vld [tilespmem:$0x7AD0];
	v19 =	vadd.f32 v19, v22  }
0x536: {  	v10 =	vadd.f32 v31, v10;
	v31 =	vld [tilespmem:$0x7170]  }
0x537: {  	v7 =	vadd.f32 v49, v7;
	[tilespmem:$0x7E00] =	vst v39;
	v39 =	vld [tilespmem:$0x7210];
	v15 =	vadd.f32 v15, v19  }
0x538: {  	v30 =	vadd.f32 v32, v30;
	v12 =	vadd.f32 v29, v12;
	v19 =	vld [tilespmem:$0x63B0]  }
0x539: {  	v10 =	vadd.f32 v51, v10;
	v51 =	vld [tilespmem:$0x1FF10];
	v13 =	vadd.f32 v13, v15  }
0x53a: {  	[tilespmem:$0x7E60] =	vst v3;
	v3 =	vadd.f32 v42, v7;
	v26 =	vadd.f32 v26, v30;
	v15 =	vld [tilespmem:$0x77B0]  }
0x53b: {  	[tilespmem:$0x7F60] =	vst v62;
	v12 =	vadd.f32 v53, v12;
	v9 =	vadd.f32 v9, v13;
	v13 =	vld [tilespmem:$0x6E50]  }
0x53c: {  	[tilespmem:$0x7FA0] =	vst v1;
	v1 =	vadd.f32 v46, v8;
	v32 =	vld [tilespmem:$0x1FF80];
	v10 =	vadd.f32 v54, v10  }
0x53d: {  	[tilespmem:$0x7F40] =	vst v47;
	v47 =	vld [tilespmem:$0x72B0];
	v23 =	vadd.f32 v23, v26;
	v12 =	vadd.f32 v19, v12  }
0x53e: {  	v3 =	vadd.f32 v5, v3;
	[tilespmem:$0x7E20] =	vst v57;
	v57 =	vld [tilespmem:$0x7D50];
	v10 =	vadd.f32 v20, v10  }
0x53f: {  	[tilespmem:$0x7F00] =	vst v4;
	v53 =	vld [tilespmem:$0x1FF20];
	v15 =	vadd.f32 v15, v23;
	v12 =	vadd.f32 v16, v12  }
0x540: {  	[tilespmem:$0x7EF0] =	vst v48;
	v54 =	vld [tilespmem:$0x7A30];
	v9 =	vadd.f32 v11, v9;
	v10 =	vadd.f32 v13, v10  }
0x541: {  	[tilespmem:$0x7E70] =	vst v24;
	v30 =	vld [tilespmem:$0x1FF70];
	v14 =	vadd.f32 v14, v15;
	v12 =	vadd.f32 v27, v12  }
0x542: {  	[tilespmem:$0x7E10] =	vst v51;
	v51 =	vld [tilespmem:$0x1FFF0];
	v9 =	vadd.f32 v63, v9;
	v10 =	vadd.f32 v36, v10  }
0x543: {  	[tilespmem:$0x7E80] =	vst v1;
	v63 =	vld [tilespmem:$0x6770];
	v11 =	vadd.f32 v37, v14;
	v12 =	vadd.f32 v38, v12  }
0x544: {  	[tilespmem:$0x7FC0] =	vst v3;
	v9 =	vadd.f32 v45, v9;
	v45 =	vld [tilespmem:$0x1FFD0];
	v10 =	vadd.f32 v40, v10  }
0x545: {  	[tilespmem:$0x7F50] =	vst v55;
	v36 =	vld [tilespmem:$0x1FF90];
	v11 =	vadd.f32 v43, v11;
	v12 =	vadd.f32 v50, v12  }
0x546: {  	[tilespmem:$0x7FB0] =	vst v18;
	v37 =	vld [tilespmem:$0x6810];
	v10 =	vadd.f32 v52, v10  }
0x547: {  	[tilespmem:$0x7EC0] =	vst v60;
	v38 =	vld [tilespmem:$0x1FFA0];
	v11 =	vadd.f32 v54, v11;
	v12 =	vadd.f32 v56, v12  }
0x548: {  	[tilespmem:$0x7F10] =	vst v21;
	v40 =	vld [tilespmem:$0x1FFB0];
	v49 =	vadd.f32 v59, v10  }
0x549: {  	[tilespmem:$0x7ED0] =	vst v32;
	v50 =	vld [tilespmem:$0x7CB0];
	v11 =	vadd.f32 v61, v11;
	v12 =	vadd.f32 v63, v12  }
0x54a: {  	[tilespmem:$0x7EB0] =	vst v53;
	v52 =	vld [tilespmem:$0x6950];
	v53 =	vadd.f32 v31, v49  }
0x54b: {  	[tilespmem:$0x7E30] =	vst v30;
	v54 =	vld [tilespmem:$0x7350];
	v55 =	vadd.f32 v35, v11;
	v56 =	vadd.f32 v37, v12  }
0x54c: {  	[tilespmem:$0x7F90] =	vst v51;
	v2 =	vadd.f32 v2, v9;
	v43 =	vld [tilespmem:$0x1FFC0];
	v7 =	vadd.f32 v39, v53  }
0x54d: {  	[tilespmem:$0x7E50] =	vst v45;
	v59 =	vld [tilespmem:$0x73F0];
	v4 =	vadd.f32 v41, v55;
	v11 =	vadd.f32 v44, v56  }
0x54e: {  	v2 =	vadd.f32 v6, v2;
	[tilespmem:$0x7F70] =	vst v36;
	v61 =	vld [tilespmem:$0x7DF0];
	v60 =	vadd.f32 v47, v7  }
0x54f: {  	[tilespmem:$0x7E40] =	vst v38;
	v4 =	vadd.f32 v50, v4;
	v62 =	vadd.f32 v52, v11  }
0x550: {  	[tilespmem:$0x7F20] =	vst v2;
	v1 =	vadd.f32 v54, v60  }
0x551: {  	[tilespmem:$0x7EE0] =	vst v40;
	v2 =	vadd.f32 v57, v4;
	v63 =	vadd.f32 v58, v62  }
0x552: {  	[tilespmem:$0x7F80] =	vst v43;
	v1 =	vadd.f32 v59, v1  }
0x553: {  	s16 =	sadd.s32 $0x1, s16;
	v2 =	vadd.f32 v61, v2;
	[tilespmem:$0x7E90] =	vst v63  }
0x554: {  	p0 =	sne.s32 s16, s7;
	[tilespmem:$0x7F30] =	vst v1  }
.Ltmp1:
0x555: {  	[tilespmem:$0x7FD0] =	vst v2;
	(pc) =	sbr.rel @p0 .LBB2_1-.Ltmp1, $4  }
0x556: {  	[hbm4b:s6+s8] =	stream.strided.scatter [tilespmem:s14], [sflag:$0x2], $0x200, s13, s8, $0x38;
	[tilespmem:$0x8000] =	vst v63  }
0x557: {  	_ =	swait.ge [sflag:s15], $0x200  }
0x558: {  	[sflag:s15] =	ssyncset.done $0x0  }
0x559: {  	[sflag:s15] =	ssyncadd.s32 $0xFFFFFE00  }
0x55a: {  	_ =	sfence.sel $0x180000  }
0x55b: {  	[bflag:$0x0] =	sbarrier.arrive $0xFFFF  }
0x55c: {  	p0 =	sne.s32 s0, $0x0;
	_ =	strace $0x90000047  }
0x55d: {  	s0 =	sadd.s32 @!p0 $0x100000, s1;
	[bflag:$0x2] =	sbarrier.arrive $0xFFFF  }
0x55e: {  	[sflag:s0] =	ssyncadd.tile.s32 @!p0 $0x1;
	_ =	shalt  }
.Lfunc_end2:
_tile_overlayer_lowered:
.L_overlay_start_2:
0x55f: {  	(tag) =	ssettag $0x2  }
0x560: {  	s0 =	rddreg [dreg:$0x0];
	s2 =	stileid.u32  }
0x561: {  	s1 =	rddreg [dreg:$0x1];
	p0 =	sne.s32 s2, $0x0  }
0x562: {  	s3 =	rddreg [dreg:$0x2];
	[bflag:$0x3] =	sbarrier.arrive $0xFFFF;
	s2 =	simm.s32 @!p0 $0x1C02  }
0x563: {  	[timem:s3], [sflag:s2] =	dma.local @!p0 [hbm:s0], s1  }
0x564: {  	s0 =	simm.s32 @!p0 $0x2  }
0x565: {  	_ =	swait.ge @!p0 [sflag:s0], s1  }
0x566: {  	s1 =	ssub.s32 @!p0 $0x0, s1;
	[sflag:s0] =	ssyncset.done @!p0 $0x0  }
0x567: {  	[sflag:s0] =	ssyncadd.s32 @!p0 s1  }
0x568: {  	[bflag:$0x3] =	sbarrier.arrive $0xFFFF  }
0x569: {  	_ =	shalt  }

</sc_bundles>
